<compile_context>
chip_gen: v7x
topology: tpu7x:2x2x1
jax: 0.10.2.dev20260603
libtpu: 0.0.44.dev20260713+nightly
codegen_flags: <defaults>
</compile_context>

<pallas_src>
import functools

import jax
import jax.numpy as jnp
from jax import lax
from jax.experimental import pallas as pl
from jax.experimental.pallas import tpu as pltpu
from jax.experimental.pallas import tpu_sc as plsc

_LARGE_NEG = -100000.0
_BSZ, _NP, _NL = 128, 200, 48
_MAXP = 16
_NG = 4
_NEG = -3.0e38
_LN2 = 0.6931471805599453


@functools.partial(
    pl.kernel,
    out_type=[
        jax.ShapeDtypeStruct((_BSZ,), jnp.int32),
        jax.ShapeDtypeStruct((_BSZ,), jnp.float32),
    ],
    mesh=plsc.VectorSubcoreMesh(core_axis_name="c", subcore_axis_name="s"),
    compiler_params=pltpu.CompilerParams(needs_layout_passes=False),
    scratch_types=[
        pltpu.VMEM((_MAXP, _NL, _BSZ), jnp.float32),
        pltpu.VMEM((_MAXP, _BSZ), jnp.int32),
        pltpu.VMEM((_MAXP, _BSZ), jnp.float32),
        pltpu.VMEM((_MAXP, _BSZ), jnp.float32),
        pltpu.VMEM((_MAXP * _NG * 16,), jnp.float32),
        pltpu.VMEM((_NG * 4 * 16,), jnp.float32),
        pltpu.VMEM((_NG * 16,), jnp.int32),
        pltpu.VMEM((16 * _NG * 4 * 16,), jnp.float32),
        pltpu.VMEM((16 * _NG * 16,), jnp.int32),
        pltpu.VMEM((16,), jnp.int32),
        pltpu.VMEM((16,), jnp.float32),
        pltpu.VMEM_SHARED((16 * _NG * 4 * 16,), jnp.float32),
        pltpu.VMEM_SHARED((16 * _NG * 16,), jnp.int32),
        pltpu.SemaphoreType.DMA,
        pltpu.SemaphoreType.DMA,
    ],
)
def _sched(lt_hbm, li_hbm, mk_hbm, gm_hbm, act_hbm, lp_hbm,
           log_v, li_v, mk_v, gm_v, prio_v, pf_v, pi_v, tf_v, ti_v,
           oa_v, ol_v, shf, shi, sem, sem2):
    core = lax.axis_index("c")
    sub = lax.axis_index("s")
    start = 8 * ((25 * sub) // 16)
    bound = 8 * ((25 * (sub + 1)) // 16)
    lane = lax.iota(jnp.int32, 16)

    size = bound - start

    @pl.when(size == _MAXP)
    def _dma_full():
        pltpu.async_copy(
            lt_hbm.at[pl.ds(start, _MAXP), pl.ds(0, _NL), pl.ds(0, _BSZ)],
            log_v, sem)
        pltpu.async_copy(
            li_hbm.at[pl.ds(start, _MAXP), pl.ds(0, _BSZ)], li_v, sem2)
        pltpu.async_copy(
            mk_hbm.at[pl.ds(start, _MAXP), pl.ds(0, _BSZ)], mk_v, sem2)
        pltpu.async_copy(
            gm_hbm.at[pl.ds(start, _MAXP), pl.ds(0, _BSZ)], gm_v, sem2)

    @pl.when(size != _MAXP)
    def _dma_half():
        h = _MAXP // 2
        pltpu.async_copy(
            lt_hbm.at[pl.ds(start, h), pl.ds(0, _NL), pl.ds(0, _BSZ)],
            log_v.at[pl.ds(0, h)], sem)
        pltpu.async_copy(
            li_hbm.at[pl.ds(start, h), pl.ds(0, _BSZ)],
            li_v.at[pl.ds(0, h)], sem2)
        pltpu.async_copy(
            mk_hbm.at[pl.ds(start, h), pl.ds(0, _BSZ)],
            mk_v.at[pl.ds(0, h)], sem2)
        pltpu.async_copy(
            gm_hbm.at[pl.ds(start, h), pl.ds(0, _BSZ)],
            gm_v.at[pl.ds(0, h)], sem2)

    def _drain_half():
        pltpu.make_async_copy(
            lt_hbm.at[pl.ds(0, _MAXP // 2), pl.ds(0, _NL), pl.ds(0, _BSZ)],
            log_v.at[pl.ds(0, _MAXP // 2)], sem).wait()
        for _ in range(3):
            pltpu.make_async_copy(
                li_hbm.at[pl.ds(0, _MAXP // 2), pl.ds(0, _BSZ)],
                li_v.at[pl.ds(0, _MAXP // 2)], sem2).wait()

    _drain_half()

    @pl.when(size == _MAXP)
    def _drain_rest():
        _drain_half()

    bz = [jnp.full((16,), _NEG, jnp.float32) for _ in range(_NG)]
    bp = [jnp.zeros((16,), jnp.int32) for _ in range(_NG)]
    bpa = [jnp.full((16,), _NEG, jnp.float32) for _ in range(_NG)]
    pmax = [jnp.full((16,), _NEG, jnp.float32) for _ in range(_NG)]
    for g in range(_NG):
        b_idx = core * 64 + g * 16 + lane
        for i in range(_MAXP):
            isplat = jnp.full((16,), i, jnp.int32)
            liv = plsc.load_gather(li_v, [isplat, b_idx])
            if i >= _MAXP // 2:
                liv = jnp.where(start + i < bound, liv, 0)
            mv = plsc.load_gather(mk_v, [isplat, b_idx])
            gb = plsc.load_gather(gm_v, [isplat, b_idx])
            gv = plsc.load_gather(log_v, [isplat, liv, b_idx])
            prio = gv + (1.0 - mv) * _LARGE_NEG
            prio = jnp.where(start + i < bound, prio, _NEG)
            prio_v[pl.ds((i * _NG + g) * 16, 16)] = prio
            z = prio + gb
            upd = z > bz[g]
            bz[g] = jnp.where(upd, z, bz[g])
            bp[g] = jnp.where(upd, start + i, bp[g])
            bpa[g] = jnp.where(upd, prio, bpa[g])
            pmax[g] = jnp.maximum(pmax[g], prio)

    for g in range(_NG):
        sv = jnp.zeros((16,), jnp.float32)
        for i in range(_MAXP):
            sv = sv + jnp.exp(prio_v[pl.ds((i * _NG + g) * 16, 16)] - pmax[g])
        pf_v[pl.ds((g * 4 + 0) * 16, 16)] = bz[g]
        pf_v[pl.ds((g * 4 + 1) * 16, 16)] = bpa[g]
        pf_v[pl.ds((g * 4 + 2) * 16, 16)] = pmax[g]
        pf_v[pl.ds((g * 4 + 3) * 16, 16)] = sv
        pi_v[pl.ds(g * 16, 16)] = bp[g]
    pltpu.sync_copy(pf_v, shf.at[pl.ds(sub * (_NG * 4 * 16), _NG * 4 * 16)])
    pltpu.sync_copy(pi_v, shi.at[pl.ds(sub * (_NG * 16), _NG * 16)])
    plsc.subcore_barrier()

    @pl.when(sub < _NG)
    def _combine():
        pltpu.sync_copy(shf, tf_v)
        pltpu.sync_copy(shi, ti_v)
        bz_g = jnp.full((16,), _NEG, jnp.float32)
        bp_g = jnp.zeros((16,), jnp.int32)
        bpa_g = jnp.full((16,), _NEG, jnp.float32)
        pmax_g = jnp.full((16,), _NEG, jnp.float32)
        parts = []
        for j in range(16):
            fbase = j * (_NG * 4 * 16) + sub * (4 * 16) + lane
            zj = plsc.load_gather(tf_v, [fbase])
            paj = plsc.load_gather(tf_v, [fbase + 16])
            pmj = plsc.load_gather(tf_v, [fbase + 32])
            svj = plsc.load_gather(tf_v, [fbase + 48])
            pj = plsc.load_gather(ti_v, [j * (_NG * 16) + sub * 16 + lane])
            upd = zj > bz_g
            bz_g = jnp.where(upd, zj, bz_g)
            bp_g = jnp.where(upd, pj, bp_g)
            bpa_g = jnp.where(upd, paj, bpa_g)
            pmax_g = jnp.maximum(pmax_g, pmj)
            parts.append((pmj, svj))
        s_g = jnp.zeros((16,), jnp.float32)
        for pmj, svj in parts:
            s_g = s_g + svj * jnp.exp(pmj - pmax_g)
        ebits = lax.shift_right_arithmetic(
            lax.bitcast_convert_type(s_g, jnp.int32), 23) - 127
        y = ebits.astype(jnp.float32) * _LN2 + 0.375
        for _ in range(4):
            y = y + s_g * jnp.exp(-y) - 1.0
        oa_v[...] = bp_g
        ol_v[...] = bpa_g - pmax_g - y
        out16 = (core * _NG + sub) * 16
        pltpu.sync_copy(oa_v, act_hbm.at[pl.ds(out16, 16)])
        pltpu.sync_copy(ol_v, lp_hbm.at[pl.ds(out16, 16)])


def kernel(all_has_answer_logits, layer_indices, masks, init_priorities):
    del init_priorities
    bsz, npass, _ = all_has_answer_logits.shape
    gum = jax.random.gumbel(jax.random.key(42), (bsz, npass), jnp.float32)
    act, lp = _sched(jnp.transpose(all_has_answer_logits, (1, 2, 0)),
                     layer_indices.T, masks.T, gum.T)
    return (act, lp)

# --- scband reference (transcript-rebuilt; emitter-appended) ---
"""Pipeline reference for scband-base-scheduler-84756884619802 (READ-ONLY COPY).

The authoritative reference and input builder live on the scoring server;
editing this copy changes nothing except your own understanding.
"""

import jax, jax.numpy as jnp
import numpy as np

LARGE_NEG = -100000.0


def setup_inputs(seed: int = 0) -> dict:
    key = jax.random.key(seed)
    bsz, n_passages, num_layers = 128, 200, 48
    n_context = 200  # config.scheduler_n_context
    k1, k2 = jax.random.split(key, 2)
    all_has_answer_logits = jax.random.normal(k1, (bsz, n_passages, num_layers), dtype=jnp.float32)
    layer_indices = jax.random.randint(k2, (bsz, n_passages), 0, num_layers).astype(jnp.int32)
    masks = jnp.ones((bsz, n_passages), dtype=jnp.float32)
    # learned parameter init_priorities = probs_to_logits(0.5/(i+1), is_binary=True)
    init_probs = 0.5 / (jnp.arange(n_context, dtype=jnp.float32) + 1.0)
    init_priorities = jnp.log(init_probs) - jnp.log1p(-init_probs)
    return {
        "all_has_answer_logits": all_has_answer_logits,
        "layer_indices": layer_indices,
        "masks": masks,
        "init_priorities": init_priorities,
    }


def reference(all_has_answer_logits, layer_indices, masks, init_priorities):
    bsz, n_passages, num_layers = all_has_answer_logits.shape
    # prepend init priorities as layer 0
    init_priors = jnp.broadcast_to(init_priorities[:n_passages][None, :], (bsz, n_passages))
    all_with_init = jnp.concatenate((init_priors[..., None], all_has_answer_logits), axis=-1)
    layer_tensor = layer_indices + 1
    # gather the logit at the current layer per (batch, passage)
    has_answer_logits = jnp.take_along_axis(all_with_init, layer_tensor[..., None], axis=2)[..., 0]
    # BaseScheduler.forward is abstract; minimal faithful base behavior: identity priorities
    priorities = has_answer_logits
    priorities = priorities + (1.0 - masks) * LARGE_NEG
    # non-greedy path: Categorical(logits=priorities).sample() and log_prob
    skey = jax.random.key(42)
    action = jax.random.categorical(skey, priorities, axis=-1)
    logp = jax.nn.log_softmax(priorities, axis=-1)
    log_prob = jnp.take_along_axis(logp, action[:, None], axis=1)[:, 0]
    return (action, log_prob)

if __name__ == "__main__":
    import jax
    _d = setup_inputs()
    print(jax.jit(kernel)(*tuple(_d.values())))

</pallas_src>

<mosaic_0001>
#map = affine_map<(d0, d1) -> (0, 0, 0)>
#map1 = affine_map<(d0, d1) -> (0, 0)>
#map2 = affine_map<(d0, d1) -> (0)>
module attributes {stable_mosaic.version = 14 : i64} {
  func.func @_sched(%arg0: i32, %arg1: i32, %arg2: memref<200x48x128xf32, #tpu.memory_space<hbm>>, %arg3: memref<200x128xi32, #tpu.memory_space<hbm>>, %arg4: memref<200x128xf32, #tpu.memory_space<hbm>>, %arg5: memref<200x128xf32, #tpu.memory_space<hbm>>, %arg6: memref<128xi32, #tpu.memory_space<hbm>>, %arg7: memref<128xf32, #tpu.memory_space<hbm>>, %arg8: memref<16x48x128xf32, #tpu.memory_space<vmem>>, %arg9: memref<16x128xi32, #tpu.memory_space<vmem>>, %arg10: memref<16x128xf32, #tpu.memory_space<vmem>>, %arg11: memref<16x128xf32, #tpu.memory_space<vmem>>, %arg12: memref<1024xf32, #tpu.memory_space<vmem>>, %arg13: memref<256xf32, #tpu.memory_space<vmem>>, %arg14: memref<64xi32, #tpu.memory_space<vmem>>, %arg15: memref<4096xf32, #tpu.memory_space<vmem>>, %arg16: memref<1024xi32, #tpu.memory_space<vmem>>, %arg17: memref<16xi32, #tpu.memory_space<vmem>>, %arg18: memref<16xf32, #tpu.memory_space<vmem>>, %arg19: memref<4096xf32, #tpu.memory_space<vmem_shared>>, %arg20: memref<1024xi32, #tpu.memory_space<vmem_shared>>, %arg21: memref<!tpu.dma_semaphore, #tpu.memory_space<semaphore_mem>>, %arg22: memref<!tpu.dma_semaphore, #tpu.memory_space<semaphore_mem>>) attributes {dimension_semantics = [#tpu.dimension_semantics<core_parallel>, #tpu.dimension_semantics<subcore_parallel>], iteration_bounds = array<i64: 2, 16>, scalar_prefetch = 0 : i64, scratch_operands = 15 : i64, tpu.core_type = #tpu.core_type<sc_vector_subcore>, window_params = [{transform_indices = #map}, {transform_indices = #map1}, {transform_indices = #map1}, {transform_indices = #map1}, {transform_indices = #map2}, {transform_indices = #map2}]} {
    %mul3A = arith.constant 25 : i32
    %mul3A_0 = arith.muli %mul3A, %arg1 : i32
    %jit3A = arith.constant 16 : i32
    %div3A = arith.divsi %mul3A_0, %jit3A : i32
    %sign3A = arith.constant 0 : i32
    %sign3A_1 = arith.cmpi sgt, %mul3A_0, %sign3A : i32
    %sign3A_2 = arith.extui %sign3A_1 : i1 to i32
    %sign3A_3 = arith.constant 0 : i32
    %sign3A_4 = arith.cmpi slt, %mul3A_0, %sign3A_3 : i32
    %sign3A_5 = arith.extui %sign3A_4 : i1 to i32
    %sign3A_6 = arith.subi %sign3A_2, %sign3A_5 : i32
    %sign3A_7 = arith.constant 0 : i32
    %sign3A_8 = arith.cmpi sgt, %jit3A, %sign3A_7 : i32
    %sign3A_9 = arith.extui %sign3A_8 : i1 to i32
    %sign3A_10 = arith.constant 0 : i32
    %sign3A_11 = arith.cmpi slt, %jit3A, %sign3A_10 : i32
    %sign3A_12 = arith.extui %sign3A_11 : i1 to i32
    %sign3A_13 = arith.subi %sign3A_9, %sign3A_12 : i32
    %ne3A = arith.cmpi ne, %sign3A_6, %sign3A_13 : i32
    %rem3A = arith.remsi %mul3A_0, %jit3A : i32
    %ne3A_14 = arith.constant 0 : i32
    %ne3A_15 = arith.cmpi ne, %rem3A, %ne3A_14 : i32
    %and3A = arith.andi %ne3A, %ne3A_15 : i1
    %sub3A = arith.constant 1 : i32
    %sub3A_16 = arith.subi %div3A, %sub3A : i32
    %select_n3A = arith.select %and3A, %sub3A_16, %div3A : i32
    %mul3A_17 = arith.constant 8 : i32
    %mul3A_18 = arith.muli %mul3A_17, %select_n3A : i32
    %add3A = arith.constant 1 : i32
    %add3A_19 = arith.addi %arg1, %add3A : i32
    %mul3A_20 = arith.constant 25 : i32
    %mul3A_21 = arith.muli %mul3A_20, %add3A_19 : i32
    %jit3A_22 = arith.constant 16 : i32
    %div3A_23 = arith.divsi %mul3A_21, %jit3A_22 : i32
    %sign3A_24 = arith.constant 0 : i32
    %sign3A_25 = arith.cmpi sgt, %mul3A_21, %sign3A_24 : i32
    %sign3A_26 = arith.extui %sign3A_25 : i1 to i32
    %sign3A_27 = arith.constant 0 : i32
    %sign3A_28 = arith.cmpi slt, %mul3A_21, %sign3A_27 : i32
    %sign3A_29 = arith.extui %sign3A_28 : i1 to i32
    %sign3A_30 = arith.subi %sign3A_26, %sign3A_29 : i32
    %sign3A_31 = arith.constant 0 : i32
    %sign3A_32 = arith.cmpi sgt, %jit3A_22, %sign3A_31 : i32
    %sign3A_33 = arith.extui %sign3A_32 : i1 to i32
    %sign3A_34 = arith.constant 0 : i32
    %sign3A_35 = arith.cmpi slt, %jit3A_22, %sign3A_34 : i32
    %sign3A_36 = arith.extui %sign3A_35 : i1 to i32
    %sign3A_37 = arith.subi %sign3A_33, %sign3A_36 : i32
    %ne3A_38 = arith.cmpi ne, %sign3A_30, %sign3A_37 : i32
    %rem3A_39 = arith.remsi %mul3A_21, %jit3A_22 : i32
    %ne3A_40 = arith.constant 0 : i32
    %ne3A_41 = arith.cmpi ne, %rem3A_39, %ne3A_40 : i32
    %and3A_42 = arith.andi %ne3A_38, %ne3A_41 : i1
    %sub3A_43 = arith.constant 1 : i32
    %sub3A_44 = arith.subi %div3A_23, %sub3A_43 : i32
    %select_n3A_45 = arith.select %and3A_42, %sub3A_44, %div3A_23 : i32
    %mul3A_46 = arith.constant 8 : i32
    %mul3A_47 = arith.muli %mul3A_46, %select_n3A_45 : i32
    %iota3A = tpu.iota {dimensions = array<i32: 0>} : vector<16xi32>
    %sub3A_48 = arith.subi %mul3A_47, %mul3A_18 : i32
    %eq3A = arith.constant 16 : i32
    %eq3A_49 = arith.cmpi eq, %sub3A_48, %eq3A : i32
    %convert_element_type3A = arith.extui %eq3A_49 : i1 to i32
    %cond3A = arith.constant 0 : i32
    %cond3A_50 = arith.cmpi ne, %convert_element_type3A, %cond3A : i32
    scf.if %cond3A_50 {
      %dma_start3A = arith.constant 0 : i32
      %dma_start3A_2649 = arith.constant 0 : i32
      %dma_start3A_2650 = tpu.memref_slice %arg2[%mul3A_18, %dma_start3A, %dma_start3A_2649] : memref<200x48x128xf32, #tpu.memory_space<hbm>> -> memref<16x48x128xf32, #tpu.memory_space<hbm>>
      %dma_start3A_2651 = arith.constant 0 : i32
      %dma_start3A_2652 = arith.constant 0 : i32
      %dma_start3A_2653 = tpu.memref_slice %arg2[%mul3A_18, %dma_start3A_2651, %dma_start3A_2652] : memref<200x48x128xf32, #tpu.memory_space<hbm>> -> memref<16x48x128xf32, #tpu.memory_space<hbm>>
      tpu.enqueue_dma source(%dma_start3A_2653 : memref<16x48x128xf32, #tpu.memory_space<hbm>>) target(%arg8 : memref<16x48x128xf32, #tpu.memory_space<vmem>>) target_semaphore(%arg21 : memref<!tpu.dma_semaphore, #tpu.memory_space<semaphore_mem>>)
      %dma_start3A_2654 = arith.constant 0 : i32
      %dma_start3A_2655 = tpu.memref_slice %arg3[%mul3A_18, %dma_start3A_2654] : memref<200x128xi32, #tpu.memory_space<hbm>> -> memref<16x128xi32, #tpu.memory_space<hbm>>
      %dma_start3A_2656 = arith.constant 0 : i32
      %dma_start3A_2657 = tpu.memref_slice %arg3[%mul3A_18, %dma_start3A_2656] : memref<200x128xi32, #tpu.memory_space<hbm>> -> memref<16x128xi32, #tpu.memory_space<hbm>>
      tpu.enqueue_dma source(%dma_start3A_2657 : memref<16x128xi32, #tpu.memory_space<hbm>>) target(%arg9 : memref<16x128xi32, #tpu.memory_space<vmem>>) target_semaphore(%arg22 : memref<!tpu.dma_semaphore, #tpu.memory_space<semaphore_mem>>)
      %dma_start3A_2658 = arith.constant 0 : i32
      %dma_start3A_2659 = tpu.memref_slice %arg4[%mul3A_18, %dma_start3A_2658] : memref<200x128xf32, #tpu.memory_space<hbm>> -> memref<16x128xf32, #tpu.memory_space<hbm>>
      %dma_start3A_2660 = arith.constant 0 : i32
      %dma_start3A_2661 = tpu.memref_slice %arg4[%mul3A_18, %dma_start3A_2660] : memref<200x128xf32, #tpu.memory_space<hbm>> -> memref<16x128xf32, #tpu.memory_space<hbm>>
      tpu.enqueue_dma source(%dma_start3A_2661 : memref<16x128xf32, #tpu.memory_space<hbm>>) target(%arg10 : memref<16x128xf32, #tpu.memory_space<vmem>>) target_semaphore(%arg22 : memref<!tpu.dma_semaphore, #tpu.memory_space<semaphore_mem>>)
      %dma_start3A_2662 = arith.constant 0 : i32
      %dma_start3A_2663 = tpu.memref_slice %arg5[%mul3A_18, %dma_start3A_2662] : memref<200x128xf32, #tpu.memory_space<hbm>> -> memref<16x128xf32, #tpu.memory_space<hbm>>
      %dma_start3A_2664 = arith.constant 0 : i32
      %dma_start3A_2665 = tpu.memref_slice %arg5[%mul3A_18, %dma_start3A_2664] : memref<200x128xf32, #tpu.memory_space<hbm>> -> memref<16x128xf32, #tpu.memory_space<hbm>>
      tpu.enqueue_dma source(%dma_start3A_2665 : memref<16x128xf32, #tpu.memory_space<hbm>>) target(%arg11 : memref<16x128xf32, #tpu.memory_space<vmem>>) target_semaphore(%arg22 : memref<!tpu.dma_semaphore, #tpu.memory_space<semaphore_mem>>)
    } else {
    }
    %ne3A_51 = arith.constant 16 : i32
    %ne3A_52 = arith.cmpi ne, %sub3A_48, %ne3A_51 : i32
    %convert_element_type3A_53 = arith.extui %ne3A_52 : i1 to i32
    %cond3A_54 = arith.constant 0 : i32
    %cond3A_55 = arith.cmpi ne, %convert_element_type3A_53, %cond3A_54 : i32
    scf.if %cond3A_55 {
      %dma_start3A = arith.constant 0 : i32
      %dma_start3A_2649 = arith.constant 0 : i32
      %dma_start3A_2650 = arith.constant 0 : i32
      %dma_start3A_2651 = tpu.memref_slice %arg8[%dma_start3A, %dma_start3A_2649, %dma_start3A_2650] : memref<16x48x128xf32, #tpu.memory_space<vmem>> -> memref<8x48x128xf32, #tpu.memory_space<vmem>>
      %dma_start3A_2652 = arith.constant 0 : i32
      %dma_start3A_2653 = arith.constant 0 : i32
      %dma_start3A_2654 = tpu.memref_slice %arg2[%mul3A_18, %dma_start3A_2652, %dma_start3A_2653] : memref<200x48x128xf32, #tpu.memory_space<hbm>> -> memref<8x48x128xf32, #tpu.memory_space<hbm>>
      %dma_start3A_2655 = arith.constant 0 : i32
      %dma_start3A_2656 = arith.constant 0 : i32
      %dma_start3A_2657 = arith.constant 0 : i32
      %dma_start3A_2658 = tpu.memref_slice %arg8[%dma_start3A_2655, %dma_start3A_2656, %dma_start3A_2657] : memref<16x48x128xf32, #tpu.memory_space<vmem>> -> memref<8x48x128xf32, #tpu.memory_space<vmem>>
      %dma_start3A_2659 = arith.constant 0 : i32
      %dma_start3A_2660 = arith.constant 0 : i32
      %dma_start3A_2661 = tpu.memref_slice %arg2[%mul3A_18, %dma_start3A_2659, %dma_start3A_2660] : memref<200x48x128xf32, #tpu.memory_space<hbm>> -> memref<8x48x128xf32, #tpu.memory_space<hbm>>
      tpu.enqueue_dma source(%dma_start3A_2661 : memref<8x48x128xf32, #tpu.memory_space<hbm>>) target(%dma_start3A_2658 : memref<8x48x128xf32, #tpu.memory_space<vmem>>) target_semaphore(%arg21 : memref<!tpu.dma_semaphore, #tpu.memory_space<semaphore_mem>>)
      %dma_start3A_2662 = arith.constant 0 : i32
      %dma_start3A_2663 = arith.constant 0 : i32
      %dma_start3A_2664 = tpu.memref_slice %arg9[%dma_start3A_2662, %dma_start3A_2663] : memref<16x128xi32, #tpu.memory_space<vmem>> -> memref<8x128xi32, #tpu.memory_space<vmem>>
      %dma_start3A_2665 = arith.constant 0 : i32
      %dma_start3A_2666 = tpu.memref_slice %arg3[%mul3A_18, %dma_start3A_2665] : memref<200x128xi32, #tpu.memory_space<hbm>> -> memref<8x128xi32, #tpu.memory_space<hbm>>
      %dma_start3A_2667 = arith.constant 0 : i32
      %dma_start3A_2668 = arith.constant 0 : i32
      %dma_start3A_2669 = tpu.memref_slice %arg9[%dma_start3A_2667, %dma_start3A_2668] : memref<16x128xi32, #tpu.memory_space<vmem>> -> memref<8x128xi32, #tpu.memory_space<vmem>>
      %dma_start3A_2670 = arith.constant 0 : i32
      %dma_start3A_2671 = tpu.memref_slice %arg3[%mul3A_18, %dma_start3A_2670] : memref<200x128xi32, #tpu.memory_space<hbm>> -> memref<8x128xi32, #tpu.memory_space<hbm>>
      tpu.enqueue_dma source(%dma_start3A_2671 : memref<8x128xi32, #tpu.memory_space<hbm>>) target(%dma_start3A_2669 : memref<8x128xi32, #tpu.memory_space<vmem>>) target_semaphore(%arg22 : memref<!tpu.dma_semaphore, #tpu.memory_space<semaphore_mem>>)
      %dma_start3A_2672 = arith.constant 0 : i32
      %dma_start3A_2673 = arith.constant 0 : i32
      %dma_start3A_2674 = tpu.memref_slice %arg10[%dma_start3A_2672, %dma_start3A_2673] : memref<16x128xf32, #tpu.memory_space<vmem>> -> memref<8x128xf32, #tpu.memory_space<vmem>>
      %dma_start3A_2675 = arith.constant 0 : i32
      %dma_start3A_2676 = tpu.memref_slice %arg4[%mul3A_18, %dma_start3A_2675] : memref<200x128xf32, #tpu.memory_space<hbm>> -> memref<8x128xf32, #tpu.memory_space<hbm>>
      %dma_start3A_2677 = arith.constant 0 : i32
      %dma_start3A_2678 = arith.constant 0 : i32
      %dma_start3A_2679 = tpu.memref_slice %arg10[%dma_start3A_2677, %dma_start3A_2678] : memref<16x128xf32, #tpu.memory_space<vmem>> -> memref<8x128xf32, #tpu.memory_space<vmem>>
      %dma_start3A_2680 = arith.constant 0 : i32
      %dma_start3A_2681 = tpu.memref_slice %arg4[%mul3A_18, %dma_start3A_2680] : memref<200x128xf32, #tpu.memory_space<hbm>> -> memref<8x128xf32, #tpu.memory_space<hbm>>
      tpu.enqueue_dma source(%dma_start3A_2681 : memref<8x128xf32, #tpu.memory_space<hbm>>) target(%dma_start3A_2679 : memref<8x128xf32, #tpu.memory_space<vmem>>) target_semaphore(%arg22 : memref<!tpu.dma_semaphore, #tpu.memory_space<semaphore_mem>>)
      %dma_start3A_2682 = arith.constant 0 : i32
      %dma_start3A_2683 = arith.constant 0 : i32
      %dma_start3A_2684 = tpu.memref_slice %arg11[%dma_start3A_2682, %dma_start3A_2683] : memref<16x128xf32, #tpu.memory_space<vmem>> -> memref<8x128xf32, #tpu.memory_space<vmem>>
      %dma_start3A_2685 = arith.constant 0 : i32
      %dma_start3A_2686 = tpu.memref_slice %arg5[%mul3A_18, %dma_start3A_2685] : memref<200x128xf32, #tpu.memory_space<hbm>> -> memref<8x128xf32, #tpu.memory_space<hbm>>
      %dma_start3A_2687 = arith.constant 0 : i32
      %dma_start3A_2688 = arith.constant 0 : i32
      %dma_start3A_2689 = tpu.memref_slice %arg11[%dma_start3A_2687, %dma_start3A_2688] : memref<16x128xf32, #tpu.memory_space<vmem>> -> memref<8x128xf32, #tpu.memory_space<vmem>>
      %dma_start3A_2690 = arith.constant 0 : i32
      %dma_start3A_2691 = tpu.memref_slice %arg5[%mul3A_18, %dma_start3A_2690] : memref<200x128xf32, #tpu.memory_space<hbm>> -> memref<8x128xf32, #tpu.memory_space<hbm>>
      tpu.enqueue_dma source(%dma_start3A_2691 : memref<8x128xf32, #tpu.memory_space<hbm>>) target(%dma_start3A_2689 : memref<8x128xf32, #tpu.memory_space<vmem>>) target_semaphore(%arg22 : memref<!tpu.dma_semaphore, #tpu.memory_space<semaphore_mem>>)
    } else {
    }
    %dma_wait3A = arith.constant 0 : i32
    %dma_wait3A_56 = arith.constant 0 : i32
    %dma_wait3A_57 = arith.constant 0 : i32
    %dma_wait3A_58 = tpu.memref_slice %arg8[%dma_wait3A, %dma_wait3A_56, %dma_wait3A_57] : memref<16x48x128xf32, #tpu.memory_space<vmem>> -> memref<8x48x128xf32, #tpu.memory_space<vmem>>
    %dma_wait3A_59 = arith.constant 0 : i32
    %dma_wait3A_60 = arith.constant 0 : i32
    %dma_wait3A_61 = arith.constant 0 : i32
    %dma_wait3A_62 = tpu.memref_slice %arg2[%dma_wait3A_59, %dma_wait3A_60, %dma_wait3A_61] : memref<200x48x128xf32, #tpu.memory_space<hbm>> -> memref<8x48x128xf32, #tpu.memory_space<hbm>>
    %dma_wait3A_63 = arith.constant 0 : i32
    %dma_wait3A_64 = arith.constant 0 : i32
    %dma_wait3A_65 = arith.constant 0 : i32
    %dma_wait3A_66 = tpu.memref_slice %arg8[%dma_wait3A_63, %dma_wait3A_64, %dma_wait3A_65] : memref<16x48x128xf32, #tpu.memory_space<vmem>> -> memref<8x48x128xf32, #tpu.memory_space<vmem>>
    %dma_wait3A_67 = arith.constant 0 : i32
    %dma_wait3A_68 = arith.constant 0 : i32
    %dma_wait3A_69 = arith.constant 0 : i32
    %dma_wait3A_70 = tpu.memref_slice %arg2[%dma_wait3A_67, %dma_wait3A_68, %dma_wait3A_69] : memref<200x48x128xf32, #tpu.memory_space<hbm>> -> memref<8x48x128xf32, #tpu.memory_space<hbm>>
    tpu.wait_dma2 semaphore(%arg21 : memref<!tpu.dma_semaphore, #tpu.memory_space<semaphore_mem>>) src(%dma_wait3A_70 : memref<8x48x128xf32, #tpu.memory_space<hbm>>) dst(%dma_wait3A_66 : memref<8x48x128xf32, #tpu.memory_space<vmem>>)
    %dma_wait3A_71 = arith.constant 0 : i32
    %dma_wait3A_72 = arith.constant 0 : i32
    %dma_wait3A_73 = tpu.memref_slice %arg9[%dma_wait3A_71, %dma_wait3A_72] : memref<16x128xi32, #tpu.memory_space<vmem>> -> memref<8x128xi32, #tpu.memory_space<vmem>>
    %dma_wait3A_74 = arith.constant 0 : i32
    %dma_wait3A_75 = arith.constant 0 : i32
    %dma_wait3A_76 = tpu.memref_slice %arg3[%dma_wait3A_74, %dma_wait3A_75] : memref<200x128xi32, #tpu.memory_space<hbm>> -> memref<8x128xi32, #tpu.memory_space<hbm>>
    %dma_wait3A_77 = arith.constant 0 : i32
    %dma_wait3A_78 = arith.constant 0 : i32
    %dma_wait3A_79 = tpu.memref_slice %arg9[%dma_wait3A_77, %dma_wait3A_78] : memref<16x128xi32, #tpu.memory_space<vmem>> -> memref<8x128xi32, #tpu.memory_space<vmem>>
    %dma_wait3A_80 = arith.constant 0 : i32
    %dma_wait3A_81 = arith.constant 0 : i32
    %dma_wait3A_82 = tpu.memref_slice %arg3[%dma_wait3A_80, %dma_wait3A_81] : memref<200x128xi32, #tpu.memory_space<hbm>> -> memref<8x128xi32, #tpu.memory_space<hbm>>
    tpu.wait_dma2 semaphore(%arg22 : memref<!tpu.dma_semaphore, #tpu.memory_space<semaphore_mem>>) src(%dma_wait3A_82 : memref<8x128xi32, #tpu.memory_space<hbm>>) dst(%dma_wait3A_79 : memref<8x128xi32, #tpu.memory_space<vmem>>)
    %dma_wait3A_83 = arith.constant 0 : i32
    %dma_wait3A_84 = arith.constant 0 : i32
    %dma_wait3A_85 = tpu.memref_slice %arg9[%dma_wait3A_83, %dma_wait3A_84] : memref<16x128xi32, #tpu.memory_space<vmem>> -> memref<8x128xi32, #tpu.memory_space<vmem>>
    %dma_wait3A_86 = arith.constant 0 : i32
    %dma_wait3A_87 = arith.constant 0 : i32
    %dma_wait3A_88 = tpu.memref_slice %arg3[%dma_wait3A_86, %dma_wait3A_87] : memref<200x128xi32, #tpu.memory_space<hbm>> -> memref<8x128xi32, #tpu.memory_space<hbm>>
    %dma_wait3A_89 = arith.constant 0 : i32
    %dma_wait3A_90 = arith.constant 0 : i32
    %dma_wait3A_91 = tpu.memref_slice %arg9[%dma_wait3A_89, %dma_wait3A_90] : memref<16x128xi32, #tpu.memory_space<vmem>> -> memref<8x128xi32, #tpu.memory_space<vmem>>
    %dma_wait3A_92 = arith.constant 0 : i32
    %dma_wait3A_93 = arith.constant 0 : i32
    %dma_wait3A_94 = tpu.memref_slice %arg3[%dma_wait3A_92, %dma_wait3A_93] : memref<200x128xi32, #tpu.memory_space<hbm>> -> memref<8x128xi32, #tpu.memory_space<hbm>>
    tpu.wait_dma2 semaphore(%arg22 : memref<!tpu.dma_semaphore, #tpu.memory_space<semaphore_mem>>) src(%dma_wait3A_94 : memref<8x128xi32, #tpu.memory_space<hbm>>) dst(%dma_wait3A_91 : memref<8x128xi32, #tpu.memory_space<vmem>>)
    %dma_wait3A_95 = arith.constant 0 : i32
    %dma_wait3A_96 = arith.constant 0 : i32
    %dma_wait3A_97 = tpu.memref_slice %arg9[%dma_wait3A_95, %dma_wait3A_96] : memref<16x128xi32, #tpu.memory_space<vmem>> -> memref<8x128xi32, #tpu.memory_space<vmem>>
    %dma_wait3A_98 = arith.constant 0 : i32
    %dma_wait3A_99 = arith.constant 0 : i32
    %dma_wait3A_100 = tpu.memref_slice %arg3[%dma_wait3A_98, %dma_wait3A_99] : memref<200x128xi32, #tpu.memory_space<hbm>> -> memref<8x128xi32, #tpu.memory_space<hbm>>
    %dma_wait3A_101 = arith.constant 0 : i32
    %dma_wait3A_102 = arith.constant 0 : i32
    %dma_wait3A_103 = tpu.memref_slice %arg9[%dma_wait3A_101, %dma_wait3A_102] : memref<16x128xi32, #tpu.memory_space<vmem>> -> memref<8x128xi32, #tpu.memory_space<vmem>>
    %dma_wait3A_104 = arith.constant 0 : i32
    %dma_wait3A_105 = arith.constant 0 : i32
    %dma_wait3A_106 = tpu.memref_slice %arg3[%dma_wait3A_104, %dma_wait3A_105] : memref<200x128xi32, #tpu.memory_space<hbm>> -> memref<8x128xi32, #tpu.memory_space<hbm>>
    tpu.wait_dma2 semaphore(%arg22 : memref<!tpu.dma_semaphore, #tpu.memory_space<semaphore_mem>>) src(%dma_wait3A_106 : memref<8x128xi32, #tpu.memory_space<hbm>>) dst(%dma_wait3A_103 : memref<8x128xi32, #tpu.memory_space<vmem>>)
    %eq3A_107 = arith.constant 16 : i32
    %eq3A_108 = arith.cmpi eq, %sub3A_48, %eq3A_107 : i32
    %convert_element_type3A_109 = arith.extui %eq3A_108 : i1 to i32
    %cond3A_110 = arith.constant 0 : i32
    %cond3A_111 = arith.cmpi ne, %convert_element_type3A_109, %cond3A_110 : i32
    scf.if %cond3A_111 {
      %dma_wait3A_2649 = arith.constant 0 : i32
      %dma_wait3A_2650 = arith.constant 0 : i32
      %dma_wait3A_2651 = arith.constant 0 : i32
      %dma_wait3A_2652 = tpu.memref_slice %arg8[%dma_wait3A_2649, %dma_wait3A_2650, %dma_wait3A_2651] : memref<16x48x128xf32, #tpu.memory_space<vmem>> -> memref<8x48x128xf32, #tpu.memory_space<vmem>>
      %dma_wait3A_2653 = arith.constant 0 : i32
      %dma_wait3A_2654 = arith.constant 0 : i32
      %dma_wait3A_2655 = arith.constant 0 : i32
      %dma_wait3A_2656 = tpu.memref_slice %arg2[%dma_wait3A_2653, %dma_wait3A_2654, %dma_wait3A_2655] : memref<200x48x128xf32, #tpu.memory_space<hbm>> -> memref<8x48x128xf32, #tpu.memory_space<hbm>>
      %dma_wait3A_2657 = arith.constant 0 : i32
      %dma_wait3A_2658 = arith.constant 0 : i32
      %dma_wait3A_2659 = arith.constant 0 : i32
      %dma_wait3A_2660 = tpu.memref_slice %arg8[%dma_wait3A_2657, %dma_wait3A_2658, %dma_wait3A_2659] : memref<16x48x128xf32, #tpu.memory_space<vmem>> -> memref<8x48x128xf32, #tpu.memory_space<vmem>>
      %dma_wait3A_2661 = arith.constant 0 : i32
      %dma_wait3A_2662 = arith.constant 0 : i32
      %dma_wait3A_2663 = arith.constant 0 : i32
      %dma_wait3A_2664 = tpu.memref_slice %arg2[%dma_wait3A_2661, %dma_wait3A_2662, %dma_wait3A_2663] : memref<200x48x128xf32, #tpu.memory_space<hbm>> -> memref<8x48x128xf32, #tpu.memory_space<hbm>>
      tpu.wait_dma2 semaphore(%arg21 : memref<!tpu.dma_semaphore, #tpu.memory_space<semaphore_mem>>) src(%dma_wait3A_2664 : memref<8x48x128xf32, #tpu.memory_space<hbm>>) dst(%dma_wait3A_2660 : memref<8x48x128xf32, #tpu.memory_space<vmem>>)
      %dma_wait3A_2665 = arith.constant 0 : i32
      %dma_wait3A_2666 = arith.constant 0 : i32
      %dma_wait3A_2667 = tpu.memref_slice %arg9[%dma_wait3A_2665, %dma_wait3A_2666] : memref<16x128xi32, #tpu.memory_space<vmem>> -> memref<8x128xi32, #tpu.memory_space<vmem>>
      %dma_wait3A_2668 = arith.constant 0 : i32
      %dma_wait3A_2669 = arith.constant 0 : i32
      %dma_wait3A_2670 = tpu.memref_slice %arg3[%dma_wait3A_2668, %dma_wait3A_2669] : memref<200x128xi32, #tpu.memory_space<hbm>> -> memref<8x128xi32, #tpu.memory_space<hbm>>
      %dma_wait3A_2671 = arith.constant 0 : i32
      %dma_wait3A_2672 = arith.constant 0 : i32
      %dma_wait3A_2673 = tpu.memref_slice %arg9[%dma_wait3A_2671, %dma_wait3A_2672] : memref<16x128xi32, #tpu.memory_space<vmem>> -> memref<8x128xi32, #tpu.memory_space<vmem>>
      %dma_wait3A_2674 = arith.constant 0 : i32
      %dma_wait3A_2675 = arith.constant 0 : i32
      %dma_wait3A_2676 = tpu.memref_slice %arg3[%dma_wait3A_2674, %dma_wait3A_2675] : memref<200x128xi32, #tpu.memory_space<hbm>> -> memref<8x128xi32, #tpu.memory_space<hbm>>
      tpu.wait_dma2 semaphore(%arg22 : memref<!tpu.dma_semaphore, #tpu.memory_space<semaphore_mem>>) src(%dma_wait3A_2676 : memref<8x128xi32, #tpu.memory_space<hbm>>) dst(%dma_wait3A_2673 : memref<8x128xi32, #tpu.memory_space<vmem>>)
      %dma_wait3A_2677 = arith.constant 0 : i32
      %dma_wait3A_2678 = arith.constant 0 : i32
      %dma_wait3A_2679 = tpu.memref_slice %arg9[%dma_wait3A_2677, %dma_wait3A_2678] : memref<16x128xi32, #tpu.memory_space<vmem>> -> memref<8x128xi32, #tpu.memory_space<vmem>>
      %dma_wait3A_2680 = arith.constant 0 : i32
      %dma_wait3A_2681 = arith.constant 0 : i32
      %dma_wait3A_2682 = tpu.memref_slice %arg3[%dma_wait3A_2680, %dma_wait3A_2681] : memref<200x128xi32, #tpu.memory_space<hbm>> -> memref<8x128xi32, #tpu.memory_space<hbm>>
      %dma_wait3A_2683 = arith.constant 0 : i32
      %dma_wait3A_2684 = arith.constant 0 : i32
      %dma_wait3A_2685 = tpu.memref_slice %arg9[%dma_wait3A_2683, %dma_wait3A_2684] : memref<16x128xi32, #tpu.memory_space<vmem>> -> memref<8x128xi32, #tpu.memory_space<vmem>>
      %dma_wait3A_2686 = arith.constant 0 : i32
      %dma_wait3A_2687 = arith.constant 0 : i32
      %dma_wait3A_2688 = tpu.memref_slice %arg3[%dma_wait3A_2686, %dma_wait3A_2687] : memref<200x128xi32, #tpu.memory_space<hbm>> -> memref<8x128xi32, #tpu.memory_space<hbm>>
      tpu.wait_dma2 semaphore(%arg22 : memref<!tpu.dma_semaphore, #tpu.memory_space<semaphore_mem>>) src(%dma_wait3A_2688 : memref<8x128xi32, #tpu.memory_space<hbm>>) dst(%dma_wait3A_2685 : memref<8x128xi32, #tpu.memory_space<vmem>>)
      %dma_wait3A_2689 = arith.constant 0 : i32
      %dma_wait3A_2690 = arith.constant 0 : i32
      %dma_wait3A_2691 = tpu.memref_slice %arg9[%dma_wait3A_2689, %dma_wait3A_2690] : memref<16x128xi32, #tpu.memory_space<vmem>> -> memref<8x128xi32, #tpu.memory_space<vmem>>
      %dma_wait3A_2692 = arith.constant 0 : i32
      %dma_wait3A_2693 = arith.constant 0 : i32
      %dma_wait3A_2694 = tpu.memref_slice %arg3[%dma_wait3A_2692, %dma_wait3A_2693] : memref<200x128xi32, #tpu.memory_space<hbm>> -> memref<8x128xi32, #tpu.memory_space<hbm>>
      %dma_wait3A_2695 = arith.constant 0 : i32
      %dma_wait3A_2696 = arith.constant 0 : i32
      %dma_wait3A_2697 = tpu.memref_slice %arg9[%dma_wait3A_2695, %dma_wait3A_2696] : memref<16x128xi32, #tpu.memory_space<vmem>> -> memref<8x128xi32, #tpu.memory_space<vmem>>
      %dma_wait3A_2698 = arith.constant 0 : i32
      %dma_wait3A_2699 = arith.constant 0 : i32
      %dma_wait3A_2700 = tpu.memref_slice %arg3[%dma_wait3A_2698, %dma_wait3A_2699] : memref<200x128xi32, #tpu.memory_space<hbm>> -> memref<8x128xi32, #tpu.memory_space<hbm>>
      tpu.wait_dma2 semaphore(%arg22 : memref<!tpu.dma_semaphore, #tpu.memory_space<semaphore_mem>>) src(%dma_wait3A_2700 : memref<8x128xi32, #tpu.memory_space<hbm>>) dst(%dma_wait3A_2697 : memref<8x128xi32, #tpu.memory_space<vmem>>)
    } else {
    }
    %broadcast_in_dim3A = arith.constant -3.000000e+38 : f32
    %broadcast_in_dim3A_112 = vector.broadcast %broadcast_in_dim3A : f32 to vector<16xf32>
    %broadcast_in_dim3A_113 = arith.constant -3.000000e+38 : f32
    %broadcast_in_dim3A_114 = vector.broadcast %broadcast_in_dim3A_113 : f32 to vector<16xf32>
    %broadcast_in_dim3A_115 = arith.constant -3.000000e+38 : f32
    %broadcast_in_dim3A_116 = vector.broadcast %broadcast_in_dim3A_115 : f32 to vector<16xf32>
    %broadcast_in_dim3A_117 = arith.constant -3.000000e+38 : f32
    %broadcast_in_dim3A_118 = vector.broadcast %broadcast_in_dim3A_117 : f32 to vector<16xf32>
    %broadcast_in_dim3A_119 = arith.constant 0 : i32
    %broadcast_in_dim3A_120 = vector.broadcast %broadcast_in_dim3A_119 : i32 to vector<16xi32>
    %broadcast_in_dim3A_121 = arith.constant 0 : i32
    %broadcast_in_dim3A_122 = vector.broadcast %broadcast_in_dim3A_121 : i32 to vector<16xi32>
    %broadcast_in_dim3A_123 = arith.constant 0 : i32
    %broadcast_in_dim3A_124 = vector.broadcast %broadcast_in_dim3A_123 : i32 to vector<16xi32>
    %broadcast_in_dim3A_125 = arith.constant 0 : i32
    %broadcast_in_dim3A_126 = vector.broadcast %broadcast_in_dim3A_125 : i32 to vector<16xi32>
    %broadcast_in_dim3A_127 = arith.constant -3.000000e+38 : f32
    %broadcast_in_dim3A_128 = vector.broadcast %broadcast_in_dim3A_127 : f32 to vector<16xf32>
    %broadcast_in_dim3A_129 = arith.constant -3.000000e+38 : f32
    %broadcast_in_dim3A_130 = vector.broadcast %broadcast_in_dim3A_129 : f32 to vector<16xf32>
    %broadcast_in_dim3A_131 = arith.constant -3.000000e+38 : f32
    %broadcast_in_dim3A_132 = vector.broadcast %broadcast_in_dim3A_131 : f32 to vector<16xf32>
    %broadcast_in_dim3A_133 = arith.constant -3.000000e+38 : f32
    %broadcast_in_dim3A_134 = vector.broadcast %broadcast_in_dim3A_133 : f32 to vector<16xf32>
    %broadcast_in_dim3A_135 = arith.constant -3.000000e+38 : f32
    %broadcast_in_dim3A_136 = vector.broadcast %broadcast_in_dim3A_135 : f32 to vector<16xf32>
    %broadcast_in_dim3A_137 = arith.constant -3.000000e+38 : f32
    %broadcast_in_dim3A_138 = vector.broadcast %broadcast_in_dim3A_137 : f32 to vector<16xf32>
    %broadcast_in_dim3A_139 = arith.constant -3.000000e+38 : f32
    %broadcast_in_dim3A_140 = vector.broadcast %broadcast_in_dim3A_139 : f32 to vector<16xf32>
    %broadcast_in_dim3A_141 = arith.constant -3.000000e+38 : f32
    %broadcast_in_dim3A_142 = vector.broadcast %broadcast_in_dim3A_141 : f32 to vector<16xf32>
    %mul3A_143 = arith.constant 64 : i32
    %mul3A_144 = arith.muli %arg0, %mul3A_143 : i32
    %add3A_145 = arith.constant 0 : i32
    %add3A_146 = arith.addi %mul3A_144, %add3A_145 : i32
    %add3A_147 = vector.broadcast %add3A_146 : i32 to vector<16xi32>
    %add3A_148 = arith.addi %add3A_147, %iota3A : vector<16xi32>
    %broadcast_in_dim3A_149 = arith.constant 0 : i32
    %broadcast_in_dim3A_150 = vector.broadcast %broadcast_in_dim3A_149 : i32 to vector<16xi32>
    %gather3A = tpu.vector_load_idx %arg9[%broadcast_in_dim3A_150, %add3A_148] : memref<16x128xi32, #tpu.memory_space<vmem>>[vector<16xi32>, vector<16xi32>], vector<16xi32>,
    %gather3A_151 = tpu.vector_load_idx %arg10[%broadcast_in_dim3A_150, %add3A_148] : memref<16x128xf32, #tpu.memory_space<vmem>>[vector<16xi32>, vector<16xi32>], vector<16xf32>,
    %gather3A_152 = tpu.vector_load_idx %arg11[%broadcast_in_dim3A_150, %add3A_148] : memref<16x128xf32, #tpu.memory_space<vmem>>[vector<16xi32>, vector<16xi32>], vector<16xf32>,
    %gather3A_153 = tpu.vector_load_idx %arg8[%broadcast_in_dim3A_150, %gather3A, %add3A_148] : memref<16x48x128xf32, #tpu.memory_space<vmem>>[vector<16xi32>, vector<16xi32>, vector<16xi32>], vector<16xf32>,
    %sub3A_154 = arith.constant 1.000000e+00 : f32
    %sub3A_155 = vector.broadcast %sub3A_154 : f32 to vector<16xf32>
    %sub3A_156 = arith.subf %sub3A_155, %gather3A_151 : vector<16xf32>
    %mul3A_157 = arith.constant -1.000000e+05 : f32
    %mul3A_158 = vector.broadcast %mul3A_157 : f32 to vector<16xf32>
    %mul3A_159 = arith.mulf %sub3A_156, %mul3A_158 : vector<16xf32>
    %add3A_160 = arith.addf %gather3A_153, %mul3A_159 : vector<16xf32>
    %add3A_161 = arith.constant 0 : i32
    %add3A_162 = arith.addi %mul3A_18, %add3A_161 : i32
    %lt3A = arith.cmpi slt, %add3A_162, %mul3A_47 : i32
    %jit3A_163 = arith.constant -3.000000e+38 : f32
    %broadcast_in_dim3A_164 = vector.broadcast %jit3A_163 : f32 to vector<16xf32>
    %select_n3A_165 = arith.select %lt3A, %add3A_160, %broadcast_in_dim3A_164 : vector<16xf32>
    %swap3A = arith.constant 0 : index
    %swap3A_166 = tpu.vector_load %arg12[%swap3A] {strides = array<i32>} : memref<1024xf32, #tpu.memory_space<vmem>>, vector<16xf32>,
    tpu.vector_store %arg12[%swap3A], %select_n3A_165 {strides = array<i32>} : memref<1024xf32, #tpu.memory_space<vmem>>, vector<16xf32>,
    %add3A_167 = arith.addf %select_n3A_165, %gather3A_152 : vector<16xf32>
    %gt3A = arith.cmpf ogt, %add3A_167, %broadcast_in_dim3A_112 : vector<16xf32>
    %select_n3A_168 = arith.select %gt3A, %add3A_167, %broadcast_in_dim3A_112 : vector<16xi1>, vector<16xf32>
    %add3A_169 = arith.constant 0 : i32
    %add3A_170 = arith.addi %mul3A_18, %add3A_169 : i32
    %broadcast_in_dim3A_171 = vector.broadcast %add3A_170 : i32 to vector<16xi32>
    %select_n3A_172 = arith.select %gt3A, %broadcast_in_dim3A_171, %broadcast_in_dim3A_120 : vector<16xi1>, vector<16xi32>
    %select_n3A_173 = arith.select %gt3A, %select_n3A_165, %broadcast_in_dim3A_128 : vector<16xi1>, vector<16xf32>
    %max3A = arith.maximumf %broadcast_in_dim3A_136, %select_n3A_165 : vector<16xf32>
    %broadcast_in_dim3A_174 = arith.constant 1 : i32
    %broadcast_in_dim3A_175 = vector.broadcast %broadcast_in_dim3A_174 : i32 to vector<16xi32>
    %gather3A_176 = tpu.vector_load_idx %arg9[%broadcast_in_dim3A_175, %add3A_148] : memref<16x128xi32, #tpu.memory_space<vmem>>[vector<16xi32>, vector<16xi32>], vector<16xi32>,
    %gather3A_177 = tpu.vector_load_idx %arg10[%broadcast_in_dim3A_175, %add3A_148] : memref<16x128xf32, #tpu.memory_space<vmem>>[vector<16xi32>, vector<16xi32>], vector<16xf32>,
    %gather3A_178 = tpu.vector_load_idx %arg11[%broadcast_in_dim3A_175, %add3A_148] : memref<16x128xf32, #tpu.memory_space<vmem>>[vector<16xi32>, vector<16xi32>], vector<16xf32>,
    %gather3A_179 = tpu.vector_load_idx %arg8[%broadcast_in_dim3A_175, %gather3A_176, %add3A_148] : memref<16x48x128xf32, #tpu.memory_space<vmem>>[vector<16xi32>, vector<16xi32>, vector<16xi32>], vector<16xf32>,
    %sub3A_180 = arith.constant 1.000000e+00 : f32
    %sub3A_181 = vector.broadcast %sub3A_180 : f32 to vector<16xf32>
    %sub3A_182 = arith.subf %sub3A_181, %gather3A_177 : vector<16xf32>
    %mul3A_183 = arith.constant -1.000000e+05 : f32
    %mul3A_184 = vector.broadcast %mul3A_183 : f32 to vector<16xf32>
    %mul3A_185 = arith.mulf %sub3A_182, %mul3A_184 : vector<16xf32>
    %add3A_186 = arith.addf %gather3A_179, %mul3A_185 : vector<16xf32>
    %add3A_187 = arith.constant 1 : i32
    %add3A_188 = arith.addi %mul3A_18, %add3A_187 : i32
    %lt3A_189 = arith.cmpi slt, %add3A_188, %mul3A_47 : i32
    %jit3A_190 = arith.constant -3.000000e+38 : f32
    %broadcast_in_dim3A_191 = vector.broadcast %jit3A_190 : f32 to vector<16xf32>
    %select_n3A_192 = arith.select %lt3A_189, %add3A_186, %broadcast_in_dim3A_191 : vector<16xf32>
    %swap3A_193 = arith.constant 64 : index
    %swap3A_194 = tpu.vector_load %arg12[%swap3A_193] {strides = array<i32>} : memref<1024xf32, #tpu.memory_space<vmem>>, vector<16xf32>,
    tpu.vector_store %arg12[%swap3A_193], %select_n3A_192 {strides = array<i32>} : memref<1024xf32, #tpu.memory_space<vmem>>, vector<16xf32>,
    %add3A_195 = arith.addf %select_n3A_192, %gather3A_178 : vector<16xf32>
    %gt3A_196 = arith.cmpf ogt, %add3A_195, %select_n3A_168 : vector<16xf32>
    %select_n3A_197 = arith.select %gt3A_196, %add3A_195, %select_n3A_168 : vector<16xi1>, vector<16xf32>
    %add3A_198 = arith.constant 1 : i32
    %add3A_199 = arith.addi %mul3A_18, %add3A_198 : i32
    %broadcast_in_dim3A_200 = vector.broadcast %add3A_199 : i32 to vector<16xi32>
    %select_n3A_201 = arith.select %gt3A_196, %broadcast_in_dim3A_200, %select_n3A_172 : vector<16xi1>, vector<16xi32>
    %select_n3A_202 = arith.select %gt3A_196, %select_n3A_192, %select_n3A_173 : vector<16xi1>, vector<16xf32>
    %max3A_203 = arith.maximumf %max3A, %select_n3A_192 : vector<16xf32>
    %broadcast_in_dim3A_204 = arith.constant 2 : i32
    %broadcast_in_dim3A_205 = vector.broadcast %broadcast_in_dim3A_204 : i32 to vector<16xi32>
    %gather3A_206 = tpu.vector_load_idx %arg9[%broadcast_in_dim3A_205, %add3A_148] : memref<16x128xi32, #tpu.memory_space<vmem>>[vector<16xi32>, vector<16xi32>], vector<16xi32>,
    %gather3A_207 = tpu.vector_load_idx %arg10[%broadcast_in_dim3A_205, %add3A_148] : memref<16x128xf32, #tpu.memory_space<vmem>>[vector<16xi32>, vector<16xi32>], vector<16xf32>,
    %gather3A_208 = tpu.vector_load_idx %arg11[%broadcast_in_dim3A_205, %add3A_148] : memref<16x128xf32, #tpu.memory_space<vmem>>[vector<16xi32>, vector<16xi32>], vector<16xf32>,
    %gather3A_209 = tpu.vector_load_idx %arg8[%broadcast_in_dim3A_205, %gather3A_206, %add3A_148] : memref<16x48x128xf32, #tpu.memory_space<vmem>>[vector<16xi32>, vector<16xi32>, vector<16xi32>], vector<16xf32>,
    %sub3A_210 = arith.constant 1.000000e+00 : f32
    %sub3A_211 = vector.broadcast %sub3A_210 : f32 to vector<16xf32>
    %sub3A_212 = arith.subf %sub3A_211, %gather3A_207 : vector<16xf32>
    %mul3A_213 = arith.constant -1.000000e+05 : f32
    %mul3A_214 = vector.broadcast %mul3A_213 : f32 to vector<16xf32>
    %mul3A_215 = arith.mulf %sub3A_212, %mul3A_214 : vector<16xf32>
    %add3A_216 = arith.addf %gather3A_209, %mul3A_215 : vector<16xf32>
    %add3A_217 = arith.constant 2 : i32
    %add3A_218 = arith.addi %mul3A_18, %add3A_217 : i32
    %lt3A_219 = arith.cmpi slt, %add3A_218, %mul3A_47 : i32
    %jit3A_220 = arith.constant -3.000000e+38 : f32
    %broadcast_in_dim3A_221 = vector.broadcast %jit3A_220 : f32 to vector<16xf32>
    %select_n3A_222 = arith.select %lt3A_219, %add3A_216, %broadcast_in_dim3A_221 : vector<16xf32>
    %swap3A_223 = arith.constant 128 : index
    %swap3A_224 = tpu.vector_load %arg12[%swap3A_223] {strides = array<i32>} : memref<1024xf32, #tpu.memory_space<vmem>>, vector<16xf32>,
    tpu.vector_store %arg12[%swap3A_223], %select_n3A_222 {strides = array<i32>} : memref<1024xf32, #tpu.memory_space<vmem>>, vector<16xf32>,
    %add3A_225 = arith.addf %select_n3A_222, %gather3A_208 : vector<16xf32>
    %gt3A_226 = arith.cmpf ogt, %add3A_225, %select_n3A_197 : vector<16xf32>
    %select_n3A_227 = arith.select %gt3A_226, %add3A_225, %select_n3A_197 : vector<16xi1>, vector<16xf32>
    %add3A_228 = arith.constant 2 : i32
    %add3A_229 = arith.addi %mul3A_18, %add3A_228 : i32
    %broadcast_in_dim3A_230 = vector.broadcast %add3A_229 : i32 to vector<16xi32>
    %select_n3A_231 = arith.select %gt3A_226, %broadcast_in_dim3A_230, %select_n3A_201 : vector<16xi1>, vector<16xi32>
    %select_n3A_232 = arith.select %gt3A_226, %select_n3A_222, %select_n3A_202 : vector<16xi1>, vector<16xf32>
    %max3A_233 = arith.maximumf %max3A_203, %select_n3A_222 : vector<16xf32>
    %broadcast_in_dim3A_234 = arith.constant 3 : i32
    %broadcast_in_dim3A_235 = vector.broadcast %broadcast_in_dim3A_234 : i32 to vector<16xi32>
    %gather3A_236 = tpu.vector_load_idx %arg9[%broadcast_in_dim3A_235, %add3A_148] : memref<16x128xi32, #tpu.memory_space<vmem>>[vector<16xi32>, vector<16xi32>], vector<16xi32>,
    %gather3A_237 = tpu.vector_load_idx %arg10[%broadcast_in_dim3A_235, %add3A_148] : memref<16x128xf32, #tpu.memory_space<vmem>>[vector<16xi32>, vector<16xi32>], vector<16xf32>,
    %gather3A_238 = tpu.vector_load_idx %arg11[%broadcast_in_dim3A_235, %add3A_148] : memref<16x128xf32, #tpu.memory_space<vmem>>[vector<16xi32>, vector<16xi32>], vector<16xf32>,
    %gather3A_239 = tpu.vector_load_idx %arg8[%broadcast_in_dim3A_235, %gather3A_236, %add3A_148] : memref<16x48x128xf32, #tpu.memory_space<vmem>>[vector<16xi32>, vector<16xi32>, vector<16xi32>], vector<16xf32>,
    %sub3A_240 = arith.constant 1.000000e+00 : f32
    %sub3A_241 = vector.broadcast %sub3A_240 : f32 to vector<16xf32>
    %sub3A_242 = arith.subf %sub3A_241, %gather3A_237 : vector<16xf32>
    %mul3A_243 = arith.constant -1.000000e+05 : f32
    %mul3A_244 = vector.broadcast %mul3A_243 : f32 to vector<16xf32>
    %mul3A_245 = arith.mulf %sub3A_242, %mul3A_244 : vector<16xf32>
    %add3A_246 = arith.addf %gather3A_239, %mul3A_245 : vector<16xf32>
    %add3A_247 = arith.constant 3 : i32
    %add3A_248 = arith.addi %mul3A_18, %add3A_247 : i32
    %lt3A_249 = arith.cmpi slt, %add3A_248, %mul3A_47 : i32
    %jit3A_250 = arith.constant -3.000000e+38 : f32
    %broadcast_in_dim3A_251 = vector.broadcast %jit3A_250 : f32 to vector<16xf32>
    %select_n3A_252 = arith.select %lt3A_249, %add3A_246, %broadcast_in_dim3A_251 : vector<16xf32>
    %swap3A_253 = arith.constant 192 : index
    %swap3A_254 = tpu.vector_load %arg12[%swap3A_253] {strides = array<i32>} : memref<1024xf32, #tpu.memory_space<vmem>>, vector<16xf32>,
    tpu.vector_store %arg12[%swap3A_253], %select_n3A_252 {strides = array<i32>} : memref<1024xf32, #tpu.memory_space<vmem>>, vector<16xf32>,
    %add3A_255 = arith.addf %select_n3A_252, %gather3A_238 : vector<16xf32>
    %gt3A_256 = arith.cmpf ogt, %add3A_255, %select_n3A_227 : vector<16xf32>
    %select_n3A_257 = arith.select %gt3A_256, %add3A_255, %select_n3A_227 : vector<16xi1>, vector<16xf32>
    %add3A_258 = arith.constant 3 : i32
    %add3A_259 = arith.addi %mul3A_18, %add3A_258 : i32
    %broadcast_in_dim3A_260 = vector.broadcast %add3A_259 : i32 to vector<16xi32>
    %select_n3A_261 = arith.select %gt3A_256, %broadcast_in_dim3A_260, %select_n3A_231 : vector<16xi1>, vector<16xi32>
    %select_n3A_262 = arith.select %gt3A_256, %select_n3A_252, %select_n3A_232 : vector<16xi1>, vector<16xf32>
    %max3A_263 = arith.maximumf %max3A_233, %select_n3A_252 : vector<16xf32>
    %broadcast_in_dim3A_264 = arith.constant 4 : i32
    %broadcast_in_dim3A_265 = vector.broadcast %broadcast_in_dim3A_264 : i32 to vector<16xi32>
    %gather3A_266 = tpu.vector_load_idx %arg9[%broadcast_in_dim3A_265, %add3A_148] : memref<16x128xi32, #tpu.memory_space<vmem>>[vector<16xi32>, vector<16xi32>], vector<16xi32>,
    %gather3A_267 = tpu.vector_load_idx %arg10[%broadcast_in_dim3A_265, %add3A_148] : memref<16x128xf32, #tpu.memory_space<vmem>>[vector<16xi32>, vector<16xi32>], vector<16xf32>,
    %gather3A_268 = tpu.vector_load_idx %arg11[%broadcast_in_dim3A_265, %add3A_148] : memref<16x128xf32, #tpu.memory_space<vmem>>[vector<16xi32>, vector<16xi32>], vector<16xf32>,
    %gather3A_269 = tpu.vector_load_idx %arg8[%broadcast_in_dim3A_265, %gather3A_266, %add3A_148] : memref<16x48x128xf32, #tpu.memory_space<vmem>>[vector<16xi32>, vector<16xi32>, vector<16xi32>], vector<16xf32>,
    %sub3A_270 = arith.constant 1.000000e+00 : f32
    %sub3A_271 = vector.broadcast %sub3A_270 : f32 to vector<16xf32>
    %sub3A_272 = arith.subf %sub3A_271, %gather3A_267 : vector<16xf32>
    %mul3A_273 = arith.constant -1.000000e+05 : f32
    %mul3A_274 = vector.broadcast %mul3A_273 : f32 to vector<16xf32>
    %mul3A_275 = arith.mulf %sub3A_272, %mul3A_274 : vector<16xf32>
    %add3A_276 = arith.addf %gather3A_269, %mul3A_275 : vector<16xf32>
    %add3A_277 = arith.constant 4 : i32
    %add3A_278 = arith.addi %mul3A_18, %add3A_277 : i32
    %lt3A_279 = arith.cmpi slt, %add3A_278, %mul3A_47 : i32
    %jit3A_280 = arith.constant -3.000000e+38 : f32
    %broadcast_in_dim3A_281 = vector.broadcast %jit3A_280 : f32 to vector<16xf32>
    %select_n3A_282 = arith.select %lt3A_279, %add3A_276, %broadcast_in_dim3A_281 : vector<16xf32>
    %swap3A_283 = arith.constant 256 : index
    %swap3A_284 = tpu.vector_load %arg12[%swap3A_283] {strides = array<i32>} : memref<1024xf32, #tpu.memory_space<vmem>>, vector<16xf32>,
    tpu.vector_store %arg12[%swap3A_283], %select_n3A_282 {strides = array<i32>} : memref<1024xf32, #tpu.memory_space<vmem>>, vector<16xf32>,
    %add3A_285 = arith.addf %select_n3A_282, %gather3A_268 : vector<16xf32>
    %gt3A_286 = arith.cmpf ogt, %add3A_285, %select_n3A_257 : vector<16xf32>
    %select_n3A_287 = arith.select %gt3A_286, %add3A_285, %select_n3A_257 : vector<16xi1>, vector<16xf32>
    %add3A_288 = arith.constant 4 : i32
    %add3A_289 = arith.addi %mul3A_18, %add3A_288 : i32
    %broadcast_in_dim3A_290 = vector.broadcast %add3A_289 : i32 to vector<16xi32>
    %select_n3A_291 = arith.select %gt3A_286, %broadcast_in_dim3A_290, %select_n3A_261 : vector<16xi1>, vector<16xi32>
    %select_n3A_292 = arith.select %gt3A_286, %select_n3A_282, %select_n3A_262 : vector<16xi1>, vector<16xf32>
    %max3A_293 = arith.maximumf %max3A_263, %select_n3A_282 : vector<16xf32>
    %broadcast_in_dim3A_294 = arith.constant 5 : i32
    %broadcast_in_dim3A_295 = vector.broadcast %broadcast_in_dim3A_294 : i32 to vector<16xi32>
    %gather3A_296 = tpu.vector_load_idx %arg9[%broadcast_in_dim3A_295, %add3A_148] : memref<16x128xi32, #tpu.memory_space<vmem>>[vector<16xi32>, vector<16xi32>], vector<16xi32>,
    %gather3A_297 = tpu.vector_load_idx %arg10[%broadcast_in_dim3A_295, %add3A_148] : memref<16x128xf32, #tpu.memory_space<vmem>>[vector<16xi32>, vector<16xi32>], vector<16xf32>,
    %gather3A_298 = tpu.vector_load_idx %arg11[%broadcast_in_dim3A_295, %add3A_148] : memref<16x128xf32, #tpu.memory_space<vmem>>[vector<16xi32>, vector<16xi32>], vector<16xf32>,
    %gather3A_299 = tpu.vector_load_idx %arg8[%broadcast_in_dim3A_295, %gather3A_296, %add3A_148] : memref<16x48x128xf32, #tpu.memory_space<vmem>>[vector<16xi32>, vector<16xi32>, vector<16xi32>], vector<16xf32>,
    %sub3A_300 = arith.constant 1.000000e+00 : f32
    %sub3A_301 = vector.broadcast %sub3A_300 : f32 to vector<16xf32>
    %sub3A_302 = arith.subf %sub3A_301, %gather3A_297 : vector<16xf32>
    %mul3A_303 = arith.constant -1.000000e+05 : f32
    %mul3A_304 = vector.broadcast %mul3A_303 : f32 to vector<16xf32>
    %mul3A_305 = arith.mulf %sub3A_302, %mul3A_304 : vector<16xf32>
    %add3A_306 = arith.addf %gather3A_299, %mul3A_305 : vector<16xf32>
    %add3A_307 = arith.constant 5 : i32
    %add3A_308 = arith.addi %mul3A_18, %add3A_307 : i32
    %lt3A_309 = arith.cmpi slt, %add3A_308, %mul3A_47 : i32
    %jit3A_310 = arith.constant -3.000000e+38 : f32
    %broadcast_in_dim3A_311 = vector.broadcast %jit3A_310 : f32 to vector<16xf32>
    %select_n3A_312 = arith.select %lt3A_309, %add3A_306, %broadcast_in_dim3A_311 : vector<16xf32>
    %swap3A_313 = arith.constant 320 : index
    %swap3A_314 = tpu.vector_load %arg12[%swap3A_313] {strides = array<i32>} : memref<1024xf32, #tpu.memory_space<vmem>>, vector<16xf32>,
    tpu.vector_store %arg12[%swap3A_313], %select_n3A_312 {strides = array<i32>} : memref<1024xf32, #tpu.memory_space<vmem>>, vector<16xf32>,
    %add3A_315 = arith.addf %select_n3A_312, %gather3A_298 : vector<16xf32>
    %gt3A_316 = arith.cmpf ogt, %add3A_315, %select_n3A_287 : vector<16xf32>
    %select_n3A_317 = arith.select %gt3A_316, %add3A_315, %select_n3A_287 : vector<16xi1>, vector<16xf32>
    %add3A_318 = arith.constant 5 : i32
    %add3A_319 = arith.addi %mul3A_18, %add3A_318 : i32
    %broadcast_in_dim3A_320 = vector.broadcast %add3A_319 : i32 to vector<16xi32>
    %select_n3A_321 = arith.select %gt3A_316, %broadcast_in_dim3A_320, %select_n3A_291 : vector<16xi1>, vector<16xi32>
    %select_n3A_322 = arith.select %gt3A_316, %select_n3A_312, %select_n3A_292 : vector<16xi1>, vector<16xf32>
    %max3A_323 = arith.maximumf %max3A_293, %select_n3A_312 : vector<16xf32>
    %broadcast_in_dim3A_324 = arith.constant 6 : i32
    %broadcast_in_dim3A_325 = vector.broadcast %broadcast_in_dim3A_324 : i32 to vector<16xi32>
    %gather3A_326 = tpu.vector_load_idx %arg9[%broadcast_in_dim3A_325, %add3A_148] : memref<16x128xi32, #tpu.memory_space<vmem>>[vector<16xi32>, vector<16xi32>], vector<16xi32>,
    %gather3A_327 = tpu.vector_load_idx %arg10[%broadcast_in_dim3A_325, %add3A_148] : memref<16x128xf32, #tpu.memory_space<vmem>>[vector<16xi32>, vector<16xi32>], vector<16xf32>,
    %gather3A_328 = tpu.vector_load_idx %arg11[%broadcast_in_dim3A_325, %add3A_148] : memref<16x128xf32, #tpu.memory_space<vmem>>[vector<16xi32>, vector<16xi32>], vector<16xf32>,
    %gather3A_329 = tpu.vector_load_idx %arg8[%broadcast_in_dim3A_325, %gather3A_326, %add3A_148] : memref<16x48x128xf32, #tpu.memory_space<vmem>>[vector<16xi32>, vector<16xi32>, vector<16xi32>], vector<16xf32>,
    %sub3A_330 = arith.constant 1.000000e+00 : f32
    %sub3A_331 = vector.broadcast %sub3A_330 : f32 to vector<16xf32>
    %sub3A_332 = arith.subf %sub3A_331, %gather3A_327 : vector<16xf32>
    %mul3A_333 = arith.constant -1.000000e+05 : f32
    %mul3A_334 = vector.broadcast %mul3A_333 : f32 to vector<16xf32>
    %mul3A_335 = arith.mulf %sub3A_332, %mul3A_334 : vector<16xf32>
    %add3A_336 = arith.addf %gather3A_329, %mul3A_335 : vector<16xf32>
    %add3A_337 = arith.constant 6 : i32
    %add3A_338 = arith.addi %mul3A_18, %add3A_337 : i32
    %lt3A_339 = arith.cmpi slt, %add3A_338, %mul3A_47 : i32
    %jit3A_340 = arith.constant -3.000000e+38 : f32
    %broadcast_in_dim3A_341 = vector.broadcast %jit3A_340 : f32 to vector<16xf32>
    %select_n3A_342 = arith.select %lt3A_339, %add3A_336, %broadcast_in_dim3A_341 : vector<16xf32>
    %swap3A_343 = arith.constant 384 : index
    %swap3A_344 = tpu.vector_load %arg12[%swap3A_343] {strides = array<i32>} : memref<1024xf32, #tpu.memory_space<vmem>>, vector<16xf32>,
    tpu.vector_store %arg12[%swap3A_343], %select_n3A_342 {strides = array<i32>} : memref<1024xf32, #tpu.memory_space<vmem>>, vector<16xf32>,
    %add3A_345 = arith.addf %select_n3A_342, %gather3A_328 : vector<16xf32>
    %gt3A_346 = arith.cmpf ogt, %add3A_345, %select_n3A_317 : vector<16xf32>
    %select_n3A_347 = arith.select %gt3A_346, %add3A_345, %select_n3A_317 : vector<16xi1>, vector<16xf32>
    %add3A_348 = arith.constant 6 : i32
    %add3A_349 = arith.addi %mul3A_18, %add3A_348 : i32
    %broadcast_in_dim3A_350 = vector.broadcast %add3A_349 : i32 to vector<16xi32>
    %select_n3A_351 = arith.select %gt3A_346, %broadcast_in_dim3A_350, %select_n3A_321 : vector<16xi1>, vector<16xi32>
    %select_n3A_352 = arith.select %gt3A_346, %select_n3A_342, %select_n3A_322 : vector<16xi1>, vector<16xf32>
    %max3A_353 = arith.maximumf %max3A_323, %select_n3A_342 : vector<16xf32>
    %broadcast_in_dim3A_354 = arith.constant 7 : i32
    %broadcast_in_dim3A_355 = vector.broadcast %broadcast_in_dim3A_354 : i32 to vector<16xi32>
    %gather3A_356 = tpu.vector_load_idx %arg9[%broadcast_in_dim3A_355, %add3A_148] : memref<16x128xi32, #tpu.memory_space<vmem>>[vector<16xi32>, vector<16xi32>], vector<16xi32>,
    %gather3A_357 = tpu.vector_load_idx %arg10[%broadcast_in_dim3A_355, %add3A_148] : memref<16x128xf32, #tpu.memory_space<vmem>>[vector<16xi32>, vector<16xi32>], vector<16xf32>,
    %gather3A_358 = tpu.vector_load_idx %arg11[%broadcast_in_dim3A_355, %add3A_148] : memref<16x128xf32, #tpu.memory_space<vmem>>[vector<16xi32>, vector<16xi32>], vector<16xf32>,
    %gather3A_359 = tpu.vector_load_idx %arg8[%broadcast_in_dim3A_355, %gather3A_356, %add3A_148] : memref<16x48x128xf32, #tpu.memory_space<vmem>>[vector<16xi32>, vector<16xi32>, vector<16xi32>], vector<16xf32>,
    %sub3A_360 = arith.constant 1.000000e+00 : f32
    %sub3A_361 = vector.broadcast %sub3A_360 : f32 to vector<16xf32>
    %sub3A_362 = arith.subf %sub3A_361, %gather3A_357 : vector<16xf32>
    %mul3A_363 = arith.constant -1.000000e+05 : f32
    %mul3A_364 = vector.broadcast %mul3A_363 : f32 to vector<16xf32>
    %mul3A_365 = arith.mulf %sub3A_362, %mul3A_364 : vector<16xf32>
    %add3A_366 = arith.addf %gather3A_359, %mul3A_365 : vector<16xf32>
    %add3A_367 = arith.constant 7 : i32
    %add3A_368 = arith.addi %mul3A_18, %add3A_367 : i32
    %lt3A_369 = arith.cmpi slt, %add3A_368, %mul3A_47 : i32
    %jit3A_370 = arith.constant -3.000000e+38 : f32
    %broadcast_in_dim3A_371 = vector.broadcast %jit3A_370 : f32 to vector<16xf32>
    %select_n3A_372 = arith.select %lt3A_369, %add3A_366, %broadcast_in_dim3A_371 : vector<16xf32>
    %swap3A_373 = arith.constant 448 : index
    %swap3A_374 = tpu.vector_load %arg12[%swap3A_373] {strides = array<i32>} : memref<1024xf32, #tpu.memory_space<vmem>>, vector<16xf32>,
    tpu.vector_store %arg12[%swap3A_373], %select_n3A_372 {strides = array<i32>} : memref<1024xf32, #tpu.memory_space<vmem>>, vector<16xf32>,
    %add3A_375 = arith.addf %select_n3A_372, %gather3A_358 : vector<16xf32>
    %gt3A_376 = arith.cmpf ogt, %add3A_375, %select_n3A_347 : vector<16xf32>
    %select_n3A_377 = arith.select %gt3A_376, %add3A_375, %select_n3A_347 : vector<16xi1>, vector<16xf32>
    %add3A_378 = arith.constant 7 : i32
    %add3A_379 = arith.addi %mul3A_18, %add3A_378 : i32
    %broadcast_in_dim3A_380 = vector.broadcast %add3A_379 : i32 to vector<16xi32>
    %select_n3A_381 = arith.select %gt3A_376, %broadcast_in_dim3A_380, %select_n3A_351 : vector<16xi1>, vector<16xi32>
    %select_n3A_382 = arith.select %gt3A_376, %select_n3A_372, %select_n3A_352 : vector<16xi1>, vector<16xf32>
    %max3A_383 = arith.maximumf %max3A_353, %select_n3A_372 : vector<16xf32>
    %broadcast_in_dim3A_384 = arith.constant 8 : i32
    %broadcast_in_dim3A_385 = vector.broadcast %broadcast_in_dim3A_384 : i32 to vector<16xi32>
    %gather3A_386 = tpu.vector_load_idx %arg9[%broadcast_in_dim3A_385, %add3A_148] : memref<16x128xi32, #tpu.memory_space<vmem>>[vector<16xi32>, vector<16xi32>], vector<16xi32>,
    %add3A_387 = arith.constant 8 : i32
    %add3A_388 = arith.addi %mul3A_18, %add3A_387 : i32
    %lt3A_389 = arith.cmpi slt, %add3A_388, %mul3A_47 : i32
    %jit3A_390 = arith.constant 0 : i32
    %broadcast_in_dim3A_391 = vector.broadcast %jit3A_390 : i32 to vector<16xi32>
    %select_n3A_392 = arith.select %lt3A_389, %gather3A_386, %broadcast_in_dim3A_391 : vector<16xi32>
    %gather3A_393 = tpu.vector_load_idx %arg10[%broadcast_in_dim3A_385, %add3A_148] : memref<16x128xf32, #tpu.memory_space<vmem>>[vector<16xi32>, vector<16xi32>], vector<16xf32>,
    %gather3A_394 = tpu.vector_load_idx %arg11[%broadcast_in_dim3A_385, %add3A_148] : memref<16x128xf32, #tpu.memory_space<vmem>>[vector<16xi32>, vector<16xi32>], vector<16xf32>,
    %gather3A_395 = tpu.vector_load_idx %arg8[%broadcast_in_dim3A_385, %select_n3A_392, %add3A_148] : memref<16x48x128xf32, #tpu.memory_space<vmem>>[vector<16xi32>, vector<16xi32>, vector<16xi32>], vector<16xf32>,
    %sub3A_396 = arith.constant 1.000000e+00 : f32
    %sub3A_397 = vector.broadcast %sub3A_396 : f32 to vector<16xf32>
    %sub3A_398 = arith.subf %sub3A_397, %gather3A_393 : vector<16xf32>
    %mul3A_399 = arith.constant -1.000000e+05 : f32
    %mul3A_400 = vector.broadcast %mul3A_399 : f32 to vector<16xf32>
    %mul3A_401 = arith.mulf %sub3A_398, %mul3A_400 : vector<16xf32>
    %add3A_402 = arith.addf %gather3A_395, %mul3A_401 : vector<16xf32>
    %add3A_403 = arith.constant 8 : i32
    %add3A_404 = arith.addi %mul3A_18, %add3A_403 : i32
    %lt3A_405 = arith.cmpi slt, %add3A_404, %mul3A_47 : i32
    %jit3A_406 = arith.constant -3.000000e+38 : f32
    %broadcast_in_dim3A_407 = vector.broadcast %jit3A_406 : f32 to vector<16xf32>
    %select_n3A_408 = arith.select %lt3A_405, %add3A_402, %broadcast_in_dim3A_407 : vector<16xf32>
    %swap3A_409 = arith.constant 512 : index
    %swap3A_410 = tpu.vector_load %arg12[%swap3A_409] {strides = array<i32>} : memref<1024xf32, #tpu.memory_space<vmem>>, vector<16xf32>,
    tpu.vector_store %arg12[%swap3A_409], %select_n3A_408 {strides = array<i32>} : memref<1024xf32, #tpu.memory_space<vmem>>, vector<16xf32>,
    %add3A_411 = arith.addf %select_n3A_408, %gather3A_394 : vector<16xf32>
    %gt3A_412 = arith.cmpf ogt, %add3A_411, %select_n3A_377 : vector<16xf32>
    %select_n3A_413 = arith.select %gt3A_412, %add3A_411, %select_n3A_377 : vector<16xi1>, vector<16xf32>
    %add3A_414 = arith.constant 8 : i32
    %add3A_415 = arith.addi %mul3A_18, %add3A_414 : i32
    %broadcast_in_dim3A_416 = vector.broadcast %add3A_415 : i32 to vector<16xi32>
    %select_n3A_417 = arith.select %gt3A_412, %broadcast_in_dim3A_416, %select_n3A_381 : vector<16xi1>, vector<16xi32>
    %select_n3A_418 = arith.select %gt3A_412, %select_n3A_408, %select_n3A_382 : vector<16xi1>, vector<16xf32>
    %max3A_419 = arith.maximumf %max3A_383, %select_n3A_408 : vector<16xf32>
    %broadcast_in_dim3A_420 = arith.constant 9 : i32
    %broadcast_in_dim3A_421 = vector.broadcast %broadcast_in_dim3A_420 : i32 to vector<16xi32>
    %gather3A_422 = tpu.vector_load_idx %arg9[%broadcast_in_dim3A_421, %add3A_148] : memref<16x128xi32, #tpu.memory_space<vmem>>[vector<16xi32>, vector<16xi32>], vector<16xi32>,
    %add3A_423 = arith.constant 9 : i32
    %add3A_424 = arith.addi %mul3A_18, %add3A_423 : i32
    %lt3A_425 = arith.cmpi slt, %add3A_424, %mul3A_47 : i32
    %jit3A_426 = arith.constant 0 : i32
    %broadcast_in_dim3A_427 = vector.broadcast %jit3A_426 : i32 to vector<16xi32>
    %select_n3A_428 = arith.select %lt3A_425, %gather3A_422, %broadcast_in_dim3A_427 : vector<16xi32>
    %gather3A_429 = tpu.vector_load_idx %arg10[%broadcast_in_dim3A_421, %add3A_148] : memref<16x128xf32, #tpu.memory_space<vmem>>[vector<16xi32>, vector<16xi32>], vector<16xf32>,
    %gather3A_430 = tpu.vector_load_idx %arg11[%broadcast_in_dim3A_421, %add3A_148] : memref<16x128xf32, #tpu.memory_space<vmem>>[vector<16xi32>, vector<16xi32>], vector<16xf32>,
    %gather3A_431 = tpu.vector_load_idx %arg8[%broadcast_in_dim3A_421, %select_n3A_428, %add3A_148] : memref<16x48x128xf32, #tpu.memory_space<vmem>>[vector<16xi32>, vector<16xi32>, vector<16xi32>], vector<16xf32>,
    %sub3A_432 = arith.constant 1.000000e+00 : f32
    %sub3A_433 = vector.broadcast %sub3A_432 : f32 to vector<16xf32>
    %sub3A_434 = arith.subf %sub3A_433, %gather3A_429 : vector<16xf32>
    %mul3A_435 = arith.constant -1.000000e+05 : f32
    %mul3A_436 = vector.broadcast %mul3A_435 : f32 to vector<16xf32>
    %mul3A_437 = arith.mulf %sub3A_434, %mul3A_436 : vector<16xf32>
    %add3A_438 = arith.addf %gather3A_431, %mul3A_437 : vector<16xf32>
    %add3A_439 = arith.constant 9 : i32
    %add3A_440 = arith.addi %mul3A_18, %add3A_439 : i32
    %lt3A_441 = arith.cmpi slt, %add3A_440, %mul3A_47 : i32
    %jit3A_442 = arith.constant -3.000000e+38 : f32
    %broadcast_in_dim3A_443 = vector.broadcast %jit3A_442 : f32 to vector<16xf32>
    %select_n3A_444 = arith.select %lt3A_441, %add3A_438, %broadcast_in_dim3A_443 : vector<16xf32>
    %swap3A_445 = arith.constant 576 : index
    %swap3A_446 = tpu.vector_load %arg12[%swap3A_445] {strides = array<i32>} : memref<1024xf32, #tpu.memory_space<vmem>>, vector<16xf32>,
    tpu.vector_store %arg12[%swap3A_445], %select_n3A_444 {strides = array<i32>} : memref<1024xf32, #tpu.memory_space<vmem>>, vector<16xf32>,
    %add3A_447 = arith.addf %select_n3A_444, %gather3A_430 : vector<16xf32>
    %gt3A_448 = arith.cmpf ogt, %add3A_447, %select_n3A_413 : vector<16xf32>
    %select_n3A_449 = arith.select %gt3A_448, %add3A_447, %select_n3A_413 : vector<16xi1>, vector<16xf32>
    %add3A_450 = arith.constant 9 : i32
    %add3A_451 = arith.addi %mul3A_18, %add3A_450 : i32
    %broadcast_in_dim3A_452 = vector.broadcast %add3A_451 : i32 to vector<16xi32>
    %select_n3A_453 = arith.select %gt3A_448, %broadcast_in_dim3A_452, %select_n3A_417 : vector<16xi1>, vector<16xi32>
    %select_n3A_454 = arith.select %gt3A_448, %select_n3A_444, %select_n3A_418 : vector<16xi1>, vector<16xf32>
    %max3A_455 = arith.maximumf %max3A_419, %select_n3A_444 : vector<16xf32>
    %broadcast_in_dim3A_456 = arith.constant 10 : i32
    %broadcast_in_dim3A_457 = vector.broadcast %broadcast_in_dim3A_456 : i32 to vector<16xi32>
    %gather3A_458 = tpu.vector_load_idx %arg9[%broadcast_in_dim3A_457, %add3A_148] : memref<16x128xi32, #tpu.memory_space<vmem>>[vector<16xi32>, vector<16xi32>], vector<16xi32>,
    %add3A_459 = arith.constant 10 : i32
    %add3A_460 = arith.addi %mul3A_18, %add3A_459 : i32
    %lt3A_461 = arith.cmpi slt, %add3A_460, %mul3A_47 : i32
    %jit3A_462 = arith.constant 0 : i32
    %broadcast_in_dim3A_463 = vector.broadcast %jit3A_462 : i32 to vector<16xi32>
    %select_n3A_464 = arith.select %lt3A_461, %gather3A_458, %broadcast_in_dim3A_463 : vector<16xi32>
    %gather3A_465 = tpu.vector_load_idx %arg10[%broadcast_in_dim3A_457, %add3A_148] : memref<16x128xf32, #tpu.memory_space<vmem>>[vector<16xi32>, vector<16xi32>], vector<16xf32>,
    %gather3A_466 = tpu.vector_load_idx %arg11[%broadcast_in_dim3A_457, %add3A_148] : memref<16x128xf32, #tpu.memory_space<vmem>>[vector<16xi32>, vector<16xi32>], vector<16xf32>,
    %gather3A_467 = tpu.vector_load_idx %arg8[%broadcast_in_dim3A_457, %select_n3A_464, %add3A_148] : memref<16x48x128xf32, #tpu.memory_space<vmem>>[vector<16xi32>, vector<16xi32>, vector<16xi32>], vector<16xf32>,
    %sub3A_468 = arith.constant 1.000000e+00 : f32
    %sub3A_469 = vector.broadcast %sub3A_468 : f32 to vector<16xf32>
    %sub3A_470 = arith.subf %sub3A_469, %gather3A_465 : vector<16xf32>
    %mul3A_471 = arith.constant -1.000000e+05 : f32
    %mul3A_472 = vector.broadcast %mul3A_471 : f32 to vector<16xf32>
    %mul3A_473 = arith.mulf %sub3A_470, %mul3A_472 : vector<16xf32>
    %add3A_474 = arith.addf %gather3A_467, %mul3A_473 : vector<16xf32>
    %add3A_475 = arith.constant 10 : i32
    %add3A_476 = arith.addi %mul3A_18, %add3A_475 : i32
    %lt3A_477 = arith.cmpi slt, %add3A_476, %mul3A_47 : i32
    %jit3A_478 = arith.constant -3.000000e+38 : f32
    %broadcast_in_dim3A_479 = vector.broadcast %jit3A_478 : f32 to vector<16xf32>
    %select_n3A_480 = arith.select %lt3A_477, %add3A_474, %broadcast_in_dim3A_479 : vector<16xf32>
    %swap3A_481 = arith.constant 640 : index
    %swap3A_482 = tpu.vector_load %arg12[%swap3A_481] {strides = array<i32>} : memref<1024xf32, #tpu.memory_space<vmem>>, vector<16xf32>,
    tpu.vector_store %arg12[%swap3A_481], %select_n3A_480 {strides = array<i32>} : memref<1024xf32, #tpu.memory_space<vmem>>, vector<16xf32>,
    %add3A_483 = arith.addf %select_n3A_480, %gather3A_466 : vector<16xf32>
    %gt3A_484 = arith.cmpf ogt, %add3A_483, %select_n3A_449 : vector<16xf32>
    %select_n3A_485 = arith.select %gt3A_484, %add3A_483, %select_n3A_449 : vector<16xi1>, vector<16xf32>
    %add3A_486 = arith.constant 10 : i32
    %add3A_487 = arith.addi %mul3A_18, %add3A_486 : i32
    %broadcast_in_dim3A_488 = vector.broadcast %add3A_487 : i32 to vector<16xi32>
    %select_n3A_489 = arith.select %gt3A_484, %broadcast_in_dim3A_488, %select_n3A_453 : vector<16xi1>, vector<16xi32>
    %select_n3A_490 = arith.select %gt3A_484, %select_n3A_480, %select_n3A_454 : vector<16xi1>, vector<16xf32>
    %max3A_491 = arith.maximumf %max3A_455, %select_n3A_480 : vector<16xf32>
    %broadcast_in_dim3A_492 = arith.constant 11 : i32
    %broadcast_in_dim3A_493 = vector.broadcast %broadcast_in_dim3A_492 : i32 to vector<16xi32>
    %gather3A_494 = tpu.vector_load_idx %arg9[%broadcast_in_dim3A_493, %add3A_148] : memref<16x128xi32, #tpu.memory_space<vmem>>[vector<16xi32>, vector<16xi32>], vector<16xi32>,
    %add3A_495 = arith.constant 11 : i32
    %add3A_496 = arith.addi %mul3A_18, %add3A_495 : i32
    %lt3A_497 = arith.cmpi slt, %add3A_496, %mul3A_47 : i32
    %jit3A_498 = arith.constant 0 : i32
    %broadcast_in_dim3A_499 = vector.broadcast %jit3A_498 : i32 to vector<16xi32>
    %select_n3A_500 = arith.select %lt3A_497, %gather3A_494, %broadcast_in_dim3A_499 : vector<16xi32>
    %gather3A_501 = tpu.vector_load_idx %arg10[%broadcast_in_dim3A_493, %add3A_148] : memref<16x128xf32, #tpu.memory_space<vmem>>[vector<16xi32>, vector<16xi32>], vector<16xf32>,
    %gather3A_502 = tpu.vector_load_idx %arg11[%broadcast_in_dim3A_493, %add3A_148] : memref<16x128xf32, #tpu.memory_space<vmem>>[vector<16xi32>, vector<16xi32>], vector<16xf32>,
    %gather3A_503 = tpu.vector_load_idx %arg8[%broadcast_in_dim3A_493, %select_n3A_500, %add3A_148] : memref<16x48x128xf32, #tpu.memory_space<vmem>>[vector<16xi32>, vector<16xi32>, vector<16xi32>], vector<16xf32>,
    %sub3A_504 = arith.constant 1.000000e+00 : f32
    %sub3A_505 = vector.broadcast %sub3A_504 : f32 to vector<16xf32>
    %sub3A_506 = arith.subf %sub3A_505, %gather3A_501 : vector<16xf32>
    %mul3A_507 = arith.constant -1.000000e+05 : f32
    %mul3A_508 = vector.broadcast %mul3A_507 : f32 to vector<16xf32>
    %mul3A_509 = arith.mulf %sub3A_506, %mul3A_508 : vector<16xf32>
    %add3A_510 = arith.addf %gather3A_503, %mul3A_509 : vector<16xf32>
    %add3A_511 = arith.constant 11 : i32
    %add3A_512 = arith.addi %mul3A_18, %add3A_511 : i32
    %lt3A_513 = arith.cmpi slt, %add3A_512, %mul3A_47 : i32
    %jit3A_514 = arith.constant -3.000000e+38 : f32
    %broadcast_in_dim3A_515 = vector.broadcast %jit3A_514 : f32 to vector<16xf32>
    %select_n3A_516 = arith.select %lt3A_513, %add3A_510, %broadcast_in_dim3A_515 : vector<16xf32>
    %swap3A_517 = arith.constant 704 : index
    %swap3A_518 = tpu.vector_load %arg12[%swap3A_517] {strides = array<i32>} : memref<1024xf32, #tpu.memory_space<vmem>>, vector<16xf32>,
    tpu.vector_store %arg12[%swap3A_517], %select_n3A_516 {strides = array<i32>} : memref<1024xf32, #tpu.memory_space<vmem>>, vector<16xf32>,
    %add3A_519 = arith.addf %select_n3A_516, %gather3A_502 : vector<16xf32>
    %gt3A_520 = arith.cmpf ogt, %add3A_519, %select_n3A_485 : vector<16xf32>
    %select_n3A_521 = arith.select %gt3A_520, %add3A_519, %select_n3A_485 : vector<16xi1>, vector<16xf32>
    %add3A_522 = arith.constant 11 : i32
    %add3A_523 = arith.addi %mul3A_18, %add3A_522 : i32
    %broadcast_in_dim3A_524 = vector.broadcast %add3A_523 : i32 to vector<16xi32>
    %select_n3A_525 = arith.select %gt3A_520, %broadcast_in_dim3A_524, %select_n3A_489 : vector<16xi1>, vector<16xi32>
    %select_n3A_526 = arith.select %gt3A_520, %select_n3A_516, %select_n3A_490 : vector<16xi1>, vector<16xf32>
    %max3A_527 = arith.maximumf %max3A_491, %select_n3A_516 : vector<16xf32>
    %broadcast_in_dim3A_528 = arith.constant 12 : i32
    %broadcast_in_dim3A_529 = vector.broadcast %broadcast_in_dim3A_528 : i32 to vector<16xi32>
    %gather3A_530 = tpu.vector_load_idx %arg9[%broadcast_in_dim3A_529, %add3A_148] : memref<16x128xi32, #tpu.memory_space<vmem>>[vector<16xi32>, vector<16xi32>], vector<16xi32>,
    %add3A_531 = arith.constant 12 : i32
    %add3A_532 = arith.addi %mul3A_18, %add3A_531 : i32
    %lt3A_533 = arith.cmpi slt, %add3A_532, %mul3A_47 : i32
    %jit3A_534 = arith.constant 0 : i32
    %broadcast_in_dim3A_535 = vector.broadcast %jit3A_534 : i32 to vector<16xi32>
    %select_n3A_536 = arith.select %lt3A_533, %gather3A_530, %broadcast_in_dim3A_535 : vector<16xi32>
    %gather3A_537 = tpu.vector_load_idx %arg10[%broadcast_in_dim3A_529, %add3A_148] : memref<16x128xf32, #tpu.memory_space<vmem>>[vector<16xi32>, vector<16xi32>], vector<16xf32>,
    %gather3A_538 = tpu.vector_load_idx %arg11[%broadcast_in_dim3A_529, %add3A_148] : memref<16x128xf32, #tpu.memory_space<vmem>>[vector<16xi32>, vector<16xi32>], vector<16xf32>,
    %gather3A_539 = tpu.vector_load_idx %arg8[%broadcast_in_dim3A_529, %select_n3A_536, %add3A_148] : memref<16x48x128xf32, #tpu.memory_space<vmem>>[vector<16xi32>, vector<16xi32>, vector<16xi32>], vector<16xf32>,
    %sub3A_540 = arith.constant 1.000000e+00 : f32
    %sub3A_541 = vector.broadcast %sub3A_540 : f32 to vector<16xf32>
    %sub3A_542 = arith.subf %sub3A_541, %gather3A_537 : vector<16xf32>
    %mul3A_543 = arith.constant -1.000000e+05 : f32
    %mul3A_544 = vector.broadcast %mul3A_543 : f32 to vector<16xf32>
    %mul3A_545 = arith.mulf %sub3A_542, %mul3A_544 : vector<16xf32>
    %add3A_546 = arith.addf %gather3A_539, %mul3A_545 : vector<16xf32>
    %add3A_547 = arith.constant 12 : i32
    %add3A_548 = arith.addi %mul3A_18, %add3A_547 : i32
    %lt3A_549 = arith.cmpi slt, %add3A_548, %mul3A_47 : i32
    %jit3A_550 = arith.constant -3.000000e+38 : f32
    %broadcast_in_dim3A_551 = vector.broadcast %jit3A_550 : f32 to vector<16xf32>
    %select_n3A_552 = arith.select %lt3A_549, %add3A_546, %broadcast_in_dim3A_551 : vector<16xf32>
    %swap3A_553 = arith.constant 768 : index
    %swap3A_554 = tpu.vector_load %arg12[%swap3A_553] {strides = array<i32>} : memref<1024xf32, #tpu.memory_space<vmem>>, vector<16xf32>,
    tpu.vector_store %arg12[%swap3A_553], %select_n3A_552 {strides = array<i32>} : memref<1024xf32, #tpu.memory_space<vmem>>, vector<16xf32>,
    %add3A_555 = arith.addf %select_n3A_552, %gather3A_538 : vector<16xf32>
    %gt3A_556 = arith.cmpf ogt, %add3A_555, %select_n3A_521 : vector<16xf32>
    %select_n3A_557 = arith.select %gt3A_556, %add3A_555, %select_n3A_521 : vector<16xi1>, vector<16xf32>
    %add3A_558 = arith.constant 12 : i32
    %add3A_559 = arith.addi %mul3A_18, %add3A_558 : i32
    %broadcast_in_dim3A_560 = vector.broadcast %add3A_559 : i32 to vector<16xi32>
    %select_n3A_561 = arith.select %gt3A_556, %broadcast_in_dim3A_560, %select_n3A_525 : vector<16xi1>, vector<16xi32>
    %select_n3A_562 = arith.select %gt3A_556, %select_n3A_552, %select_n3A_526 : vector<16xi1>, vector<16xf32>
    %max3A_563 = arith.maximumf %max3A_527, %select_n3A_552 : vector<16xf32>
    %broadcast_in_dim3A_564 = arith.constant 13 : i32
    %broadcast_in_dim3A_565 = vector.broadcast %broadcast_in_dim3A_564 : i32 to vector<16xi32>
    %gather3A_566 = tpu.vector_load_idx %arg9[%broadcast_in_dim3A_565, %add3A_148] : memref<16x128xi32, #tpu.memory_space<vmem>>[vector<16xi32>, vector<16xi32>], vector<16xi32>,
    %add3A_567 = arith.constant 13 : i32
    %add3A_568 = arith.addi %mul3A_18, %add3A_567 : i32
    %lt3A_569 = arith.cmpi slt, %add3A_568, %mul3A_47 : i32
    %jit3A_570 = arith.constant 0 : i32
    %broadcast_in_dim3A_571 = vector.broadcast %jit3A_570 : i32 to vector<16xi32>
    %select_n3A_572 = arith.select %lt3A_569, %gather3A_566, %broadcast_in_dim3A_571 : vector<16xi32>
    %gather3A_573 = tpu.vector_load_idx %arg10[%broadcast_in_dim3A_565, %add3A_148] : memref<16x128xf32, #tpu.memory_space<vmem>>[vector<16xi32>, vector<16xi32>], vector<16xf32>,
    %gather3A_574 = tpu.vector_load_idx %arg11[%broadcast_in_dim3A_565, %add3A_148] : memref<16x128xf32, #tpu.memory_space<vmem>>[vector<16xi32>, vector<16xi32>], vector<16xf32>,
    %gather3A_575 = tpu.vector_load_idx %arg8[%broadcast_in_dim3A_565, %select_n3A_572, %add3A_148] : memref<16x48x128xf32, #tpu.memory_space<vmem>>[vector<16xi32>, vector<16xi32>, vector<16xi32>], vector<16xf32>,
    %sub3A_576 = arith.constant 1.000000e+00 : f32
    %sub3A_577 = vector.broadcast %sub3A_576 : f32 to vector<16xf32>
    %sub3A_578 = arith.subf %sub3A_577, %gather3A_573 : vector<16xf32>
    %mul3A_579 = arith.constant -1.000000e+05 : f32
    %mul3A_580 = vector.broadcast %mul3A_579 : f32 to vector<16xf32>
    %mul3A_581 = arith.mulf %sub3A_578, %mul3A_580 : vector<16xf32>
    %add3A_582 = arith.addf %gather3A_575, %mul3A_581 : vector<16xf32>
    %add3A_583 = arith.constant 13 : i32
    %add3A_584 = arith.addi %mul3A_18, %add3A_583 : i32
    %lt3A_585 = arith.cmpi slt, %add3A_584, %mul3A_47 : i32
    %jit3A_586 = arith.constant -3.000000e+38 : f32
    %broadcast_in_dim3A_587 = vector.broadcast %jit3A_586 : f32 to vector<16xf32>
    %select_n3A_588 = arith.select %lt3A_585, %add3A_582, %broadcast_in_dim3A_587 : vector<16xf32>
    %swap3A_589 = arith.constant 832 : index
    %swap3A_590 = tpu.vector_load %arg12[%swap3A_589] {strides = array<i32>} : memref<1024xf32, #tpu.memory_space<vmem>>, vector<16xf32>,
    tpu.vector_store %arg12[%swap3A_589], %select_n3A_588 {strides = array<i32>} : memref<1024xf32, #tpu.memory_space<vmem>>, vector<16xf32>,
    %add3A_591 = arith.addf %select_n3A_588, %gather3A_574 : vector<16xf32>
    %gt3A_592 = arith.cmpf ogt, %add3A_591, %select_n3A_557 : vector<16xf32>
    %select_n3A_593 = arith.select %gt3A_592, %add3A_591, %select_n3A_557 : vector<16xi1>, vector<16xf32>
    %add3A_594 = arith.constant 13 : i32
    %add3A_595 = arith.addi %mul3A_18, %add3A_594 : i32
    %broadcast_in_dim3A_596 = vector.broadcast %add3A_595 : i32 to vector<16xi32>
    %select_n3A_597 = arith.select %gt3A_592, %broadcast_in_dim3A_596, %select_n3A_561 : vector<16xi1>, vector<16xi32>
    %select_n3A_598 = arith.select %gt3A_592, %select_n3A_588, %select_n3A_562 : vector<16xi1>, vector<16xf32>
    %max3A_599 = arith.maximumf %max3A_563, %select_n3A_588 : vector<16xf32>
    %broadcast_in_dim3A_600 = arith.constant 14 : i32
    %broadcast_in_dim3A_601 = vector.broadcast %broadcast_in_dim3A_600 : i32 to vector<16xi32>
    %gather3A_602 = tpu.vector_load_idx %arg9[%broadcast_in_dim3A_601, %add3A_148] : memref<16x128xi32, #tpu.memory_space<vmem>>[vector<16xi32>, vector<16xi32>], vector<16xi32>,
    %add3A_603 = arith.constant 14 : i32
    %add3A_604 = arith.addi %mul3A_18, %add3A_603 : i32
    %lt3A_605 = arith.cmpi slt, %add3A_604, %mul3A_47 : i32
    %jit3A_606 = arith.constant 0 : i32
    %broadcast_in_dim3A_607 = vector.broadcast %jit3A_606 : i32 to vector<16xi32>
    %select_n3A_608 = arith.select %lt3A_605, %gather3A_602, %broadcast_in_dim3A_607 : vector<16xi32>
    %gather3A_609 = tpu.vector_load_idx %arg10[%broadcast_in_dim3A_601, %add3A_148] : memref<16x128xf32, #tpu.memory_space<vmem>>[vector<16xi32>, vector<16xi32>], vector<16xf32>,
    %gather3A_610 = tpu.vector_load_idx %arg11[%broadcast_in_dim3A_601, %add3A_148] : memref<16x128xf32, #tpu.memory_space<vmem>>[vector<16xi32>, vector<16xi32>], vector<16xf32>,
    %gather3A_611 = tpu.vector_load_idx %arg8[%broadcast_in_dim3A_601, %select_n3A_608, %add3A_148] : memref<16x48x128xf32, #tpu.memory_space<vmem>>[vector<16xi32>, vector<16xi32>, vector<16xi32>], vector<16xf32>,
    %sub3A_612 = arith.constant 1.000000e+00 : f32
    %sub3A_613 = vector.broadcast %sub3A_612 : f32 to vector<16xf32>
    %sub3A_614 = arith.subf %sub3A_613, %gather3A_609 : vector<16xf32>
    %mul3A_615 = arith.constant -1.000000e+05 : f32
    %mul3A_616 = vector.broadcast %mul3A_615 : f32 to vector<16xf32>
    %mul3A_617 = arith.mulf %sub3A_614, %mul3A_616 : vector<16xf32>
    %add3A_618 = arith.addf %gather3A_611, %mul3A_617 : vector<16xf32>
    %add3A_619 = arith.constant 14 : i32
    %add3A_620 = arith.addi %mul3A_18, %add3A_619 : i32
    %lt3A_621 = arith.cmpi slt, %add3A_620, %mul3A_47 : i32
    %jit3A_622 = arith.constant -3.000000e+38 : f32
    %broadcast_in_dim3A_623 = vector.broadcast %jit3A_622 : f32 to vector<16xf32>
    %select_n3A_624 = arith.select %lt3A_621, %add3A_618, %broadcast_in_dim3A_623 : vector<16xf32>
    %swap3A_625 = arith.constant 896 : index
    %swap3A_626 = tpu.vector_load %arg12[%swap3A_625] {strides = array<i32>} : memref<1024xf32, #tpu.memory_space<vmem>>, vector<16xf32>,
    tpu.vector_store %arg12[%swap3A_625], %select_n3A_624 {strides = array<i32>} : memref<1024xf32, #tpu.memory_space<vmem>>, vector<16xf32>,
    %add3A_627 = arith.addf %select_n3A_624, %gather3A_610 : vector<16xf32>
    %gt3A_628 = arith.cmpf ogt, %add3A_627, %select_n3A_593 : vector<16xf32>
    %select_n3A_629 = arith.select %gt3A_628, %add3A_627, %select_n3A_593 : vector<16xi1>, vector<16xf32>
    %add3A_630 = arith.constant 14 : i32
    %add3A_631 = arith.addi %mul3A_18, %add3A_630 : i32
    %broadcast_in_dim3A_632 = vector.broadcast %add3A_631 : i32 to vector<16xi32>
    %select_n3A_633 = arith.select %gt3A_628, %broadcast_in_dim3A_632, %select_n3A_597 : vector<16xi1>, vector<16xi32>
    %select_n3A_634 = arith.select %gt3A_628, %select_n3A_624, %select_n3A_598 : vector<16xi1>, vector<16xf32>
    %max3A_635 = arith.maximumf %max3A_599, %select_n3A_624 : vector<16xf32>
    %broadcast_in_dim3A_636 = arith.constant 15 : i32
    %broadcast_in_dim3A_637 = vector.broadcast %broadcast_in_dim3A_636 : i32 to vector<16xi32>
    %gather3A_638 = tpu.vector_load_idx %arg9[%broadcast_in_dim3A_637, %add3A_148] : memref<16x128xi32, #tpu.memory_space<vmem>>[vector<16xi32>, vector<16xi32>], vector<16xi32>,
    %add3A_639 = arith.constant 15 : i32
    %add3A_640 = arith.addi %mul3A_18, %add3A_639 : i32
    %lt3A_641 = arith.cmpi slt, %add3A_640, %mul3A_47 : i32
    %jit3A_642 = arith.constant 0 : i32
    %broadcast_in_dim3A_643 = vector.broadcast %jit3A_642 : i32 to vector<16xi32>
    %select_n3A_644 = arith.select %lt3A_641, %gather3A_638, %broadcast_in_dim3A_643 : vector<16xi32>
    %gather3A_645 = tpu.vector_load_idx %arg10[%broadcast_in_dim3A_637, %add3A_148] : memref<16x128xf32, #tpu.memory_space<vmem>>[vector<16xi32>, vector<16xi32>], vector<16xf32>,
    %gather3A_646 = tpu.vector_load_idx %arg11[%broadcast_in_dim3A_637, %add3A_148] : memref<16x128xf32, #tpu.memory_space<vmem>>[vector<16xi32>, vector<16xi32>], vector<16xf32>,
    %gather3A_647 = tpu.vector_load_idx %arg8[%broadcast_in_dim3A_637, %select_n3A_644, %add3A_148] : memref<16x48x128xf32, #tpu.memory_space<vmem>>[vector<16xi32>, vector<16xi32>, vector<16xi32>], vector<16xf32>,
    %sub3A_648 = arith.constant 1.000000e+00 : f32
    %sub3A_649 = vector.broadcast %sub3A_648 : f32 to vector<16xf32>
    %sub3A_650 = arith.subf %sub3A_649, %gather3A_645 : vector<16xf32>
    %mul3A_651 = arith.constant -1.000000e+05 : f32
    %mul3A_652 = vector.broadcast %mul3A_651 : f32 to vector<16xf32>
    %mul3A_653 = arith.mulf %sub3A_650, %mul3A_652 : vector<16xf32>
    %add3A_654 = arith.addf %gather3A_647, %mul3A_653 : vector<16xf32>
    %add3A_655 = arith.constant 15 : i32
    %add3A_656 = arith.addi %mul3A_18, %add3A_655 : i32
    %lt3A_657 = arith.cmpi slt, %add3A_656, %mul3A_47 : i32
    %jit3A_658 = arith.constant -3.000000e+38 : f32
    %broadcast_in_dim3A_659 = vector.broadcast %jit3A_658 : f32 to vector<16xf32>
    %select_n3A_660 = arith.select %lt3A_657, %add3A_654, %broadcast_in_dim3A_659 : vector<16xf32>
    %swap3A_661 = arith.constant 960 : index
    %swap3A_662 = tpu.vector_load %arg12[%swap3A_661] {strides = array<i32>} : memref<1024xf32, #tpu.memory_space<vmem>>, vector<16xf32>,
    tpu.vector_store %arg12[%swap3A_661], %select_n3A_660 {strides = array<i32>} : memref<1024xf32, #tpu.memory_space<vmem>>, vector<16xf32>,
    %add3A_663 = arith.addf %select_n3A_660, %gather3A_646 : vector<16xf32>
    %gt3A_664 = arith.cmpf ogt, %add3A_663, %select_n3A_629 : vector<16xf32>
    %select_n3A_665 = arith.select %gt3A_664, %add3A_663, %select_n3A_629 : vector<16xi1>, vector<16xf32>
    %add3A_666 = arith.constant 15 : i32
    %add3A_667 = arith.addi %mul3A_18, %add3A_666 : i32
    %broadcast_in_dim3A_668 = vector.broadcast %add3A_667 : i32 to vector<16xi32>
    %select_n3A_669 = arith.select %gt3A_664, %broadcast_in_dim3A_668, %select_n3A_633 : vector<16xi1>, vector<16xi32>
    %select_n3A_670 = arith.select %gt3A_664, %select_n3A_660, %select_n3A_634 : vector<16xi1>, vector<16xf32>
    %max3A_671 = arith.maximumf %max3A_635, %select_n3A_660 : vector<16xf32>
    %mul3A_672 = arith.constant 64 : i32
    %mul3A_673 = arith.muli %arg0, %mul3A_672 : i32
    %add3A_674 = arith.constant 16 : i32
    %add3A_675 = arith.addi %mul3A_673, %add3A_674 : i32
    %add3A_676 = vector.broadcast %add3A_675 : i32 to vector<16xi32>
    %add3A_677 = arith.addi %add3A_676, %iota3A : vector<16xi32>
    %broadcast_in_dim3A_678 = arith.constant 0 : i32
    %broadcast_in_dim3A_679 = vector.broadcast %broadcast_in_dim3A_678 : i32 to vector<16xi32>
    %gather3A_680 = tpu.vector_load_idx %arg9[%broadcast_in_dim3A_679, %add3A_677] : memref<16x128xi32, #tpu.memory_space<vmem>>[vector<16xi32>, vector<16xi32>], vector<16xi32>,
    %gather3A_681 = tpu.vector_load_idx %arg10[%broadcast_in_dim3A_679, %add3A_677] : memref<16x128xf32, #tpu.memory_space<vmem>>[vector<16xi32>, vector<16xi32>], vector<16xf32>,
    %gather3A_682 = tpu.vector_load_idx %arg11[%broadcast_in_dim3A_679, %add3A_677] : memref<16x128xf32, #tpu.memory_space<vmem>>[vector<16xi32>, vector<16xi32>], vector<16xf32>,
    %gather3A_683 = tpu.vector_load_idx %arg8[%broadcast_in_dim3A_679, %gather3A_680, %add3A_677] : memref<16x48x128xf32, #tpu.memory_space<vmem>>[vector<16xi32>, vector<16xi32>, vector<16xi32>], vector<16xf32>,
    %sub3A_684 = arith.constant 1.000000e+00 : f32
    %sub3A_685 = vector.broadcast %sub3A_684 : f32 to vector<16xf32>
    %sub3A_686 = arith.subf %sub3A_685, %gather3A_681 : vector<16xf32>
    %mul3A_687 = arith.constant -1.000000e+05 : f32
    %mul3A_688 = vector.broadcast %mul3A_687 : f32 to vector<16xf32>
    %mul3A_689 = arith.mulf %sub3A_686, %mul3A_688 : vector<16xf32>
    %add3A_690 = arith.addf %gather3A_683, %mul3A_689 : vector<16xf32>
    %add3A_691 = arith.constant 0 : i32
    %add3A_692 = arith.addi %mul3A_18, %add3A_691 : i32
    %lt3A_693 = arith.cmpi slt, %add3A_692, %mul3A_47 : i32
    %jit3A_694 = arith.constant -3.000000e+38 : f32
    %broadcast_in_dim3A_695 = vector.broadcast %jit3A_694 : f32 to vector<16xf32>
    %select_n3A_696 = arith.select %lt3A_693, %add3A_690, %broadcast_in_dim3A_695 : vector<16xf32>
    %swap3A_697 = arith.constant 16 : index
    %swap3A_698 = tpu.vector_load %arg12[%swap3A_697] {strides = array<i32>} : memref<1024xf32, #tpu.memory_space<vmem>>, vector<16xf32>,
    tpu.vector_store %arg12[%swap3A_697], %select_n3A_696 {strides = array<i32>} : memref<1024xf32, #tpu.memory_space<vmem>>, vector<16xf32>,
    %add3A_699 = arith.addf %select_n3A_696, %gather3A_682 : vector<16xf32>
    %gt3A_700 = arith.cmpf ogt, %add3A_699, %broadcast_in_dim3A_114 : vector<16xf32>
    %select_n3A_701 = arith.select %gt3A_700, %add3A_699, %broadcast_in_dim3A_114 : vector<16xi1>, vector<16xf32>
    %add3A_702 = arith.constant 0 : i32
    %add3A_703 = arith.addi %mul3A_18, %add3A_702 : i32
    %broadcast_in_dim3A_704 = vector.broadcast %add3A_703 : i32 to vector<16xi32>
    %select_n3A_705 = arith.select %gt3A_700, %broadcast_in_dim3A_704, %broadcast_in_dim3A_122 : vector<16xi1>, vector<16xi32>
    %select_n3A_706 = arith.select %gt3A_700, %select_n3A_696, %broadcast_in_dim3A_130 : vector<16xi1>, vector<16xf32>
    %max3A_707 = arith.maximumf %broadcast_in_dim3A_138, %select_n3A_696 : vector<16xf32>
    %broadcast_in_dim3A_708 = arith.constant 1 : i32
    %broadcast_in_dim3A_709 = vector.broadcast %broadcast_in_dim3A_708 : i32 to vector<16xi32>
    %gather3A_710 = tpu.vector_load_idx %arg9[%broadcast_in_dim3A_709, %add3A_677] : memref<16x128xi32, #tpu.memory_space<vmem>>[vector<16xi32>, vector<16xi32>], vector<16xi32>,
    %gather3A_711 = tpu.vector_load_idx %arg10[%broadcast_in_dim3A_709, %add3A_677] : memref<16x128xf32, #tpu.memory_space<vmem>>[vector<16xi32>, vector<16xi32>], vector<16xf32>,
    %gather3A_712 = tpu.vector_load_idx %arg11[%broadcast_in_dim3A_709, %add3A_677] : memref<16x128xf32, #tpu.memory_space<vmem>>[vector<16xi32>, vector<16xi32>], vector<16xf32>,
    %gather3A_713 = tpu.vector_load_idx %arg8[%broadcast_in_dim3A_709, %gather3A_710, %add3A_677] : memref<16x48x128xf32, #tpu.memory_space<vmem>>[vector<16xi32>, vector<16xi32>, vector<16xi32>], vector<16xf32>,
    %sub3A_714 = arith.constant 1.000000e+00 : f32
    %sub3A_715 = vector.broadcast %sub3A_714 : f32 to vector<16xf32>
    %sub3A_716 = arith.subf %sub3A_715, %gather3A_711 : vector<16xf32>
    %mul3A_717 = arith.constant -1.000000e+05 : f32
    %mul3A_718 = vector.broadcast %mul3A_717 : f32 to vector<16xf32>
    %mul3A_719 = arith.mulf %sub3A_716, %mul3A_718 : vector<16xf32>
    %add3A_720 = arith.addf %gather3A_713, %mul3A_719 : vector<16xf32>
    %add3A_721 = arith.constant 1 : i32
    %add3A_722 = arith.addi %mul3A_18, %add3A_721 : i32
    %lt3A_723 = arith.cmpi slt, %add3A_722, %mul3A_47 : i32
    %jit3A_724 = arith.constant -3.000000e+38 : f32
    %broadcast_in_dim3A_725 = vector.broadcast %jit3A_724 : f32 to vector<16xf32>
    %select_n3A_726 = arith.select %lt3A_723, %add3A_720, %broadcast_in_dim3A_725 : vector<16xf32>
    %swap3A_727 = arith.constant 80 : index
    %swap3A_728 = tpu.vector_load %arg12[%swap3A_727] {strides = array<i32>} : memref<1024xf32, #tpu.memory_space<vmem>>, vector<16xf32>,
    tpu.vector_store %arg12[%swap3A_727], %select_n3A_726 {strides = array<i32>} : memref<1024xf32, #tpu.memory_space<vmem>>, vector<16xf32>,
    %add3A_729 = arith.addf %select_n3A_726, %gather3A_712 : vector<16xf32>
    %gt3A_730 = arith.cmpf ogt, %add3A_729, %select_n3A_701 : vector<16xf32>
    %select_n3A_731 = arith.select %gt3A_730, %add3A_729, %select_n3A_701 : vector<16xi1>, vector<16xf32>
    %add3A_732 = arith.constant 1 : i32
    %add3A_733 = arith.addi %mul3A_18, %add3A_732 : i32
    %broadcast_in_dim3A_734 = vector.broadcast %add3A_733 : i32 to vector<16xi32>
    %select_n3A_735 = arith.select %gt3A_730, %broadcast_in_dim3A_734, %select_n3A_705 : vector<16xi1>, vector<16xi32>
    %select_n3A_736 = arith.select %gt3A_730, %select_n3A_726, %select_n3A_706 : vector<16xi1>, vector<16xf32>
    %max3A_737 = arith.maximumf %max3A_707, %select_n3A_726 : vector<16xf32>
    %broadcast_in_dim3A_738 = arith.constant 2 : i32
    %broadcast_in_dim3A_739 = vector.broadcast %broadcast_in_dim3A_738 : i32 to vector<16xi32>
    %gather3A_740 = tpu.vector_load_idx %arg9[%broadcast_in_dim3A_739, %add3A_677] : memref<16x128xi32, #tpu.memory_space<vmem>>[vector<16xi32>, vector<16xi32>], vector<16xi32>,
    %gather3A_741 = tpu.vector_load_idx %arg10[%broadcast_in_dim3A_739, %add3A_677] : memref<16x128xf32, #tpu.memory_space<vmem>>[vector<16xi32>, vector<16xi32>], vector<16xf32>,
    %gather3A_742 = tpu.vector_load_idx %arg11[%broadcast_in_dim3A_739, %add3A_677] : memref<16x128xf32, #tpu.memory_space<vmem>>[vector<16xi32>, vector<16xi32>], vector<16xf32>,
    %gather3A_743 = tpu.vector_load_idx %arg8[%broadcast_in_dim3A_739, %gather3A_740, %add3A_677] : memref<16x48x128xf32, #tpu.memory_space<vmem>>[vector<16xi32>, vector<16xi32>, vector<16xi32>], vector<16xf32>,
    %sub3A_744 = arith.constant 1.000000e+00 : f32
    %sub3A_745 = vector.broadcast %sub3A_744 : f32 to vector<16xf32>
    %sub3A_746 = arith.subf %sub3A_745, %gather3A_741 : vector<16xf32>
    %mul3A_747 = arith.constant -1.000000e+05 : f32
    %mul3A_748 = vector.broadcast %mul3A_747 : f32 to vector<16xf32>
    %mul3A_749 = arith.mulf %sub3A_746, %mul3A_748 : vector<16xf32>
    %add3A_750 = arith.addf %gather3A_743, %mul3A_749 : vector<16xf32>
    %add3A_751 = arith.constant 2 : i32
    %add3A_752 = arith.addi %mul3A_18, %add3A_751 : i32
    %lt3A_753 = arith.cmpi slt, %add3A_752, %mul3A_47 : i32
    %jit3A_754 = arith.constant -3.000000e+38 : f32
    %broadcast_in_dim3A_755 = vector.broadcast %jit3A_754 : f32 to vector<16xf32>
    %select_n3A_756 = arith.select %lt3A_753, %add3A_750, %broadcast_in_dim3A_755 : vector<16xf32>
    %swap3A_757 = arith.constant 144 : index
    %swap3A_758 = tpu.vector_load %arg12[%swap3A_757] {strides = array<i32>} : memref<1024xf32, #tpu.memory_space<vmem>>, vector<16xf32>,
    tpu.vector_store %arg12[%swap3A_757], %select_n3A_756 {strides = array<i32>} : memref<1024xf32, #tpu.memory_space<vmem>>, vector<16xf32>,
    %add3A_759 = arith.addf %select_n3A_756, %gather3A_742 : vector<16xf32>
    %gt3A_760 = arith.cmpf ogt, %add3A_759, %select_n3A_731 : vector<16xf32>
    %select_n3A_761 = arith.select %gt3A_760, %add3A_759, %select_n3A_731 : vector<16xi1>, vector<16xf32>
    %add3A_762 = arith.constant 2 : i32
    %add3A_763 = arith.addi %mul3A_18, %add3A_762 : i32
    %broadcast_in_dim3A_764 = vector.broadcast %add3A_763 : i32 to vector<16xi32>
    %select_n3A_765 = arith.select %gt3A_760, %broadcast_in_dim3A_764, %select_n3A_735 : vector<16xi1>, vector<16xi32>
    %select_n3A_766 = arith.select %gt3A_760, %select_n3A_756, %select_n3A_736 : vector<16xi1>, vector<16xf32>
    %max3A_767 = arith.maximumf %max3A_737, %select_n3A_756 : vector<16xf32>
    %broadcast_in_dim3A_768 = arith.constant 3 : i32
    %broadcast_in_dim3A_769 = vector.broadcast %broadcast_in_dim3A_768 : i32 to vector<16xi32>
    %gather3A_770 = tpu.vector_load_idx %arg9[%broadcast_in_dim3A_769, %add3A_677] : memref<16x128xi32, #tpu.memory_space<vmem>>[vector<16xi32>, vector<16xi32>], vector<16xi32>,
    %gather3A_771 = tpu.vector_load_idx %arg10[%broadcast_in_dim3A_769, %add3A_677] : memref<16x128xf32, #tpu.memory_space<vmem>>[vector<16xi32>, vector<16xi32>], vector<16xf32>,
    %gather3A_772 = tpu.vector_load_idx %arg11[%broadcast_in_dim3A_769, %add3A_677] : memref<16x128xf32, #tpu.memory_space<vmem>>[vector<16xi32>, vector<16xi32>], vector<16xf32>,
    %gather3A_773 = tpu.vector_load_idx %arg8[%broadcast_in_dim3A_769, %gather3A_770, %add3A_677] : memref<16x48x128xf32, #tpu.memory_space<vmem>>[vector<16xi32>, vector<16xi32>, vector<16xi32>], vector<16xf32>,
    %sub3A_774 = arith.constant 1.000000e+00 : f32
    %sub3A_775 = vector.broadcast %sub3A_774 : f32 to vector<16xf32>
    %sub3A_776 = arith.subf %sub3A_775, %gather3A_771 : vector<16xf32>
    %mul3A_777 = arith.constant -1.000000e+05 : f32
    %mul3A_778 = vector.broadcast %mul3A_777 : f32 to vector<16xf32>
    %mul3A_779 = arith.mulf %sub3A_776, %mul3A_778 : vector<16xf32>
    %add3A_780 = arith.addf %gather3A_773, %mul3A_779 : vector<16xf32>
    %add3A_781 = arith.constant 3 : i32
    %add3A_782 = arith.addi %mul3A_18, %add3A_781 : i32
    %lt3A_783 = arith.cmpi slt, %add3A_782, %mul3A_47 : i32
    %jit3A_784 = arith.constant -3.000000e+38 : f32
    %broadcast_in_dim3A_785 = vector.broadcast %jit3A_784 : f32 to vector<16xf32>
    %select_n3A_786 = arith.select %lt3A_783, %add3A_780, %broadcast_in_dim3A_785 : vector<16xf32>
    %swap3A_787 = arith.constant 208 : index
    %swap3A_788 = tpu.vector_load %arg12[%swap3A_787] {strides = array<i32>} : memref<1024xf32, #tpu.memory_space<vmem>>, vector<16xf32>,
    tpu.vector_store %arg12[%swap3A_787], %select_n3A_786 {strides = array<i32>} : memref<1024xf32, #tpu.memory_space<vmem>>, vector<16xf32>,
    %add3A_789 = arith.addf %select_n3A_786, %gather3A_772 : vector<16xf32>
    %gt3A_790 = arith.cmpf ogt, %add3A_789, %select_n3A_761 : vector<16xf32>
    %select_n3A_791 = arith.select %gt3A_790, %add3A_789, %select_n3A_761 : vector<16xi1>, vector<16xf32>
    %add3A_792 = arith.constant 3 : i32
    %add3A_793 = arith.addi %mul3A_18, %add3A_792 : i32
    %broadcast_in_dim3A_794 = vector.broadcast %add3A_793 : i32 to vector<16xi32>
    %select_n3A_795 = arith.select %gt3A_790, %broadcast_in_dim3A_794, %select_n3A_765 : vector<16xi1>, vector<16xi32>
    %select_n3A_796 = arith.select %gt3A_790, %select_n3A_786, %select_n3A_766 : vector<16xi1>, vector<16xf32>
    %max3A_797 = arith.maximumf %max3A_767, %select_n3A_786 : vector<16xf32>
    %broadcast_in_dim3A_798 = arith.constant 4 : i32
    %broadcast_in_dim3A_799 = vector.broadcast %broadcast_in_dim3A_798 : i32 to vector<16xi32>
    %gather3A_800 = tpu.vector_load_idx %arg9[%broadcast_in_dim3A_799, %add3A_677] : memref<16x128xi32, #tpu.memory_space<vmem>>[vector<16xi32>, vector<16xi32>], vector<16xi32>,
    %gather3A_801 = tpu.vector_load_idx %arg10[%broadcast_in_dim3A_799, %add3A_677] : memref<16x128xf32, #tpu.memory_space<vmem>>[vector<16xi32>, vector<16xi32>], vector<16xf32>,
    %gather3A_802 = tpu.vector_load_idx %arg11[%broadcast_in_dim3A_799, %add3A_677] : memref<16x128xf32, #tpu.memory_space<vmem>>[vector<16xi32>, vector<16xi32>], vector<16xf32>,
    %gather3A_803 = tpu.vector_load_idx %arg8[%broadcast_in_dim3A_799, %gather3A_800, %add3A_677] : memref<16x48x128xf32, #tpu.memory_space<vmem>>[vector<16xi32>, vector<16xi32>, vector<16xi32>], vector<16xf32>,
    %sub3A_804 = arith.constant 1.000000e+00 : f32
    %sub3A_805 = vector.broadcast %sub3A_804 : f32 to vector<16xf32>
    %sub3A_806 = arith.subf %sub3A_805, %gather3A_801 : vector<16xf32>
    %mul3A_807 = arith.constant -1.000000e+05 : f32
    %mul3A_808 = vector.broadcast %mul3A_807 : f32 to vector<16xf32>
    %mul3A_809 = arith.mulf %sub3A_806, %mul3A_808 : vector<16xf32>
    %add3A_810 = arith.addf %gather3A_803, %mul3A_809 : vector<16xf32>
    %add3A_811 = arith.constant 4 : i32
    %add3A_812 = arith.addi %mul3A_18, %add3A_811 : i32
    %lt3A_813 = arith.cmpi slt, %add3A_812, %mul3A_47 : i32
    %jit3A_814 = arith.constant -3.000000e+38 : f32
    %broadcast_in_dim3A_815 = vector.broadcast %jit3A_814 : f32 to vector<16xf32>
    %select_n3A_816 = arith.select %lt3A_813, %add3A_810, %broadcast_in_dim3A_815 : vector<16xf32>
    %swap3A_817 = arith.constant 272 : index
    %swap3A_818 = tpu.vector_load %arg12[%swap3A_817] {strides = array<i32>} : memref<1024xf32, #tpu.memory_space<vmem>>, vector<16xf32>,
    tpu.vector_store %arg12[%swap3A_817], %select_n3A_816 {strides = array<i32>} : memref<1024xf32, #tpu.memory_space<vmem>>, vector<16xf32>,
    %add3A_819 = arith.addf %select_n3A_816, %gather3A_802 : vector<16xf32>
    %gt3A_820 = arith.cmpf ogt, %add3A_819, %select_n3A_791 : vector<16xf32>
    %select_n3A_821 = arith.select %gt3A_820, %add3A_819, %select_n3A_791 : vector<16xi1>, vector<16xf32>
    %add3A_822 = arith.constant 4 : i32
    %add3A_823 = arith.addi %mul3A_18, %add3A_822 : i32
    %broadcast_in_dim3A_824 = vector.broadcast %add3A_823 : i32 to vector<16xi32>
    %select_n3A_825 = arith.select %gt3A_820, %broadcast_in_dim3A_824, %select_n3A_795 : vector<16xi1>, vector<16xi32>
    %select_n3A_826 = arith.select %gt3A_820, %select_n3A_816, %select_n3A_796 : vector<16xi1>, vector<16xf32>
    %max3A_827 = arith.maximumf %max3A_797, %select_n3A_816 : vector<16xf32>
    %broadcast_in_dim3A_828 = arith.constant 5 : i32
    %broadcast_in_dim3A_829 = vector.broadcast %broadcast_in_dim3A_828 : i32 to vector<16xi32>
    %gather3A_830 = tpu.vector_load_idx %arg9[%broadcast_in_dim3A_829, %add3A_677] : memref<16x128xi32, #tpu.memory_space<vmem>>[vector<16xi32>, vector<16xi32>], vector<16xi32>,
    %gather3A_831 = tpu.vector_load_idx %arg10[%broadcast_in_dim3A_829, %add3A_677] : memref<16x128xf32, #tpu.memory_space<vmem>>[vector<16xi32>, vector<16xi32>], vector<16xf32>,
    %gather3A_832 = tpu.vector_load_idx %arg11[%broadcast_in_dim3A_829, %add3A_677] : memref<16x128xf32, #tpu.memory_space<vmem>>[vector<16xi32>, vector<16xi32>], vector<16xf32>,
    %gather3A_833 = tpu.vector_load_idx %arg8[%broadcast_in_dim3A_829, %gather3A_830, %add3A_677] : memref<16x48x128xf32, #tpu.memory_space<vmem>>[vector<16xi32>, vector<16xi32>, vector<16xi32>], vector<16xf32>,
    %sub3A_834 = arith.constant 1.000000e+00 : f32
    %sub3A_835 = vector.broadcast %sub3A_834 : f32 to vector<16xf32>
    %sub3A_836 = arith.subf %sub3A_835, %gather3A_831 : vector<16xf32>
    %mul3A_837 = arith.constant -1.000000e+05 : f32
    %mul3A_838 = vector.broadcast %mul3A_837 : f32 to vector<16xf32>
    %mul3A_839 = arith.mulf %sub3A_836, %mul3A_838 : vector<16xf32>
    %add3A_840 = arith.addf %gather3A_833, %mul3A_839 : vector<16xf32>
    %add3A_841 = arith.constant 5 : i32
    %add3A_842 = arith.addi %mul3A_18, %add3A_841 : i32
    %lt3A_843 = arith.cmpi slt, %add3A_842, %mul3A_47 : i32
    %jit3A_844 = arith.constant -3.000000e+38 : f32
    %broadcast_in_dim3A_845 = vector.broadcast %jit3A_844 : f32 to vector<16xf32>
    %select_n3A_846 = arith.select %lt3A_843, %add3A_840, %broadcast_in_dim3A_845 : vector<16xf32>
    %swap3A_847 = arith.constant 336 : index
    %swap3A_848 = tpu.vector_load %arg12[%swap3A_847] {strides = array<i32>} : memref<1024xf32, #tpu.memory_space<vmem>>, vector<16xf32>,
    tpu.vector_store %arg12[%swap3A_847], %select_n3A_846 {strides = array<i32>} : memref<1024xf32, #tpu.memory_space<vmem>>, vector<16xf32>,
    %add3A_849 = arith.addf %select_n3A_846, %gather3A_832 : vector<16xf32>
    %gt3A_850 = arith.cmpf ogt, %add3A_849, %select_n3A_821 : vector<16xf32>
    %select_n3A_851 = arith.select %gt3A_850, %add3A_849, %select_n3A_821 : vector<16xi1>, vector<16xf32>
    %add3A_852 = arith.constant 5 : i32
    %add3A_853 = arith.addi %mul3A_18, %add3A_852 : i32
    %broadcast_in_dim3A_854 = vector.broadcast %add3A_853 : i32 to vector<16xi32>
    %select_n3A_855 = arith.select %gt3A_850, %broadcast_in_dim3A_854, %select_n3A_825 : vector<16xi1>, vector<16xi32>
    %select_n3A_856 = arith.select %gt3A_850, %select_n3A_846, %select_n3A_826 : vector<16xi1>, vector<16xf32>
    %max3A_857 = arith.maximumf %max3A_827, %select_n3A_846 : vector<16xf32>
    %broadcast_in_dim3A_858 = arith.constant 6 : i32
    %broadcast_in_dim3A_859 = vector.broadcast %broadcast_in_dim3A_858 : i32 to vector<16xi32>
    %gather3A_860 = tpu.vector_load_idx %arg9[%broadcast_in_dim3A_859, %add3A_677] : memref<16x128xi32, #tpu.memory_space<vmem>>[vector<16xi32>, vector<16xi32>], vector<16xi32>,
    %gather3A_861 = tpu.vector_load_idx %arg10[%broadcast_in_dim3A_859, %add3A_677] : memref<16x128xf32, #tpu.memory_space<vmem>>[vector<16xi32>, vector<16xi32>], vector<16xf32>,
    %gather3A_862 = tpu.vector_load_idx %arg11[%broadcast_in_dim3A_859, %add3A_677] : memref<16x128xf32, #tpu.memory_space<vmem>>[vector<16xi32>, vector<16xi32>], vector<16xf32>,
    %gather3A_863 = tpu.vector_load_idx %arg8[%broadcast_in_dim3A_859, %gather3A_860, %add3A_677] : memref<16x48x128xf32, #tpu.memory_space<vmem>>[vector<16xi32>, vector<16xi32>, vector<16xi32>], vector<16xf32>,
    %sub3A_864 = arith.constant 1.000000e+00 : f32
    %sub3A_865 = vector.broadcast %sub3A_864 : f32 to vector<16xf32>
    %sub3A_866 = arith.subf %sub3A_865, %gather3A_861 : vector<16xf32>
    %mul3A_867 = arith.constant -1.000000e+05 : f32
    %mul3A_868 = vector.broadcast %mul3A_867 : f32 to vector<16xf32>
    %mul3A_869 = arith.mulf %sub3A_866, %mul3A_868 : vector<16xf32>
    %add3A_870 = arith.addf %gather3A_863, %mul3A_869 : vector<16xf32>
    %add3A_871 = arith.constant 6 : i32
    %add3A_872 = arith.addi %mul3A_18, %add3A_871 : i32
    %lt3A_873 = arith.cmpi slt, %add3A_872, %mul3A_47 : i32
    %jit3A_874 = arith.constant -3.000000e+38 : f32
    %broadcast_in_dim3A_875 = vector.broadcast %jit3A_874 : f32 to vector<16xf32>
    %select_n3A_876 = arith.select %lt3A_873, %add3A_870, %broadcast_in_dim3A_875 : vector<16xf32>
    %swap3A_877 = arith.constant 400 : index
    %swap3A_878 = tpu.vector_load %arg12[%swap3A_877] {strides = array<i32>} : memref<1024xf32, #tpu.memory_space<vmem>>, vector<16xf32>,
    tpu.vector_store %arg12[%swap3A_877], %select_n3A_876 {strides = array<i32>} : memref<1024xf32, #tpu.memory_space<vmem>>, vector<16xf32>,
    %add3A_879 = arith.addf %select_n3A_876, %gather3A_862 : vector<16xf32>
    %gt3A_880 = arith.cmpf ogt, %add3A_879, %select_n3A_851 : vector<16xf32>
    %select_n3A_881 = arith.select %gt3A_880, %add3A_879, %select_n3A_851 : vector<16xi1>, vector<16xf32>
    %add3A_882 = arith.constant 6 : i32
    %add3A_883 = arith.addi %mul3A_18, %add3A_882 : i32
    %broadcast_in_dim3A_884 = vector.broadcast %add3A_883 : i32 to vector<16xi32>
    %select_n3A_885 = arith.select %gt3A_880, %broadcast_in_dim3A_884, %select_n3A_855 : vector<16xi1>, vector<16xi32>
    %select_n3A_886 = arith.select %gt3A_880, %select_n3A_876, %select_n3A_856 : vector<16xi1>, vector<16xf32>
    %max3A_887 = arith.maximumf %max3A_857, %select_n3A_876 : vector<16xf32>
    %broadcast_in_dim3A_888 = arith.constant 7 : i32
    %broadcast_in_dim3A_889 = vector.broadcast %broadcast_in_dim3A_888 : i32 to vector<16xi32>
    %gather3A_890 = tpu.vector_load_idx %arg9[%broadcast_in_dim3A_889, %add3A_677] : memref<16x128xi32, #tpu.memory_space<vmem>>[vector<16xi32>, vector<16xi32>], vector<16xi32>,
    %gather3A_891 = tpu.vector_load_idx %arg10[%broadcast_in_dim3A_889, %add3A_677] : memref<16x128xf32, #tpu.memory_space<vmem>>[vector<16xi32>, vector<16xi32>], vector<16xf32>,
    %gather3A_892 = tpu.vector_load_idx %arg11[%broadcast_in_dim3A_889, %add3A_677] : memref<16x128xf32, #tpu.memory_space<vmem>>[vector<16xi32>, vector<16xi32>], vector<16xf32>,
    %gather3A_893 = tpu.vector_load_idx %arg8[%broadcast_in_dim3A_889, %gather3A_890, %add3A_677] : memref<16x48x128xf32, #tpu.memory_space<vmem>>[vector<16xi32>, vector<16xi32>, vector<16xi32>], vector<16xf32>,
    %sub3A_894 = arith.constant 1.000000e+00 : f32
    %sub3A_895 = vector.broadcast %sub3A_894 : f32 to vector<16xf32>
    %sub3A_896 = arith.subf %sub3A_895, %gather3A_891 : vector<16xf32>
    %mul3A_897 = arith.constant -1.000000e+05 : f32
    %mul3A_898 = vector.broadcast %mul3A_897 : f32 to vector<16xf32>
    %mul3A_899 = arith.mulf %sub3A_896, %mul3A_898 : vector<16xf32>
    %add3A_900 = arith.addf %gather3A_893, %mul3A_899 : vector<16xf32>
    %add3A_901 = arith.constant 7 : i32
    %add3A_902 = arith.addi %mul3A_18, %add3A_901 : i32
    %lt3A_903 = arith.cmpi slt, %add3A_902, %mul3A_47 : i32
    %jit3A_904 = arith.constant -3.000000e+38 : f32
    %broadcast_in_dim3A_905 = vector.broadcast %jit3A_904 : f32 to vector<16xf32>
    %select_n3A_906 = arith.select %lt3A_903, %add3A_900, %broadcast_in_dim3A_905 : vector<16xf32>
    %swap3A_907 = arith.constant 464 : index
    %swap3A_908 = tpu.vector_load %arg12[%swap3A_907] {strides = array<i32>} : memref<1024xf32, #tpu.memory_space<vmem>>, vector<16xf32>,
    tpu.vector_store %arg12[%swap3A_907], %select_n3A_906 {strides = array<i32>} : memref<1024xf32, #tpu.memory_space<vmem>>, vector<16xf32>,
    %add3A_909 = arith.addf %select_n3A_906, %gather3A_892 : vector<16xf32>
    %gt3A_910 = arith.cmpf ogt, %add3A_909, %select_n3A_881 : vector<16xf32>
    %select_n3A_911 = arith.select %gt3A_910, %add3A_909, %select_n3A_881 : vector<16xi1>, vector<16xf32>
    %add3A_912 = arith.constant 7 : i32
    %add3A_913 = arith.addi %mul3A_18, %add3A_912 : i32
    %broadcast_in_dim3A_914 = vector.broadcast %add3A_913 : i32 to vector<16xi32>
    %select_n3A_915 = arith.select %gt3A_910, %broadcast_in_dim3A_914, %select_n3A_885 : vector<16xi1>, vector<16xi32>
    %select_n3A_916 = arith.select %gt3A_910, %select_n3A_906, %select_n3A_886 : vector<16xi1>, vector<16xf32>
    %max3A_917 = arith.maximumf %max3A_887, %select_n3A_906 : vector<16xf32>
    %broadcast_in_dim3A_918 = arith.constant 8 : i32
    %broadcast_in_dim3A_919 = vector.broadcast %broadcast_in_dim3A_918 : i32 to vector<16xi32>
    %gather3A_920 = tpu.vector_load_idx %arg9[%broadcast_in_dim3A_919, %add3A_677] : memref<16x128xi32, #tpu.memory_space<vmem>>[vector<16xi32>, vector<16xi32>], vector<16xi32>,
    %add3A_921 = arith.constant 8 : i32
    %add3A_922 = arith.addi %mul3A_18, %add3A_921 : i32
    %lt3A_923 = arith.cmpi slt, %add3A_922, %mul3A_47 : i32
    %jit3A_924 = arith.constant 0 : i32
    %broadcast_in_dim3A_925 = vector.broadcast %jit3A_924 : i32 to vector<16xi32>
    %select_n3A_926 = arith.select %lt3A_923, %gather3A_920, %broadcast_in_dim3A_925 : vector<16xi32>
    %gather3A_927 = tpu.vector_load_idx %arg10[%broadcast_in_dim3A_919, %add3A_677] : memref<16x128xf32, #tpu.memory_space<vmem>>[vector<16xi32>, vector<16xi32>], vector<16xf32>,
    %gather3A_928 = tpu.vector_load_idx %arg11[%broadcast_in_dim3A_919, %add3A_677] : memref<16x128xf32, #tpu.memory_space<vmem>>[vector<16xi32>, vector<16xi32>], vector<16xf32>,
    %gather3A_929 = tpu.vector_load_idx %arg8[%broadcast_in_dim3A_919, %select_n3A_926, %add3A_677] : memref<16x48x128xf32, #tpu.memory_space<vmem>>[vector<16xi32>, vector<16xi32>, vector<16xi32>], vector<16xf32>,
    %sub3A_930 = arith.constant 1.000000e+00 : f32
    %sub3A_931 = vector.broadcast %sub3A_930 : f32 to vector<16xf32>
    %sub3A_932 = arith.subf %sub3A_931, %gather3A_927 : vector<16xf32>
    %mul3A_933 = arith.constant -1.000000e+05 : f32
    %mul3A_934 = vector.broadcast %mul3A_933 : f32 to vector<16xf32>
    %mul3A_935 = arith.mulf %sub3A_932, %mul3A_934 : vector<16xf32>
    %add3A_936 = arith.addf %gather3A_929, %mul3A_935 : vector<16xf32>
    %add3A_937 = arith.constant 8 : i32
    %add3A_938 = arith.addi %mul3A_18, %add3A_937 : i32
    %lt3A_939 = arith.cmpi slt, %add3A_938, %mul3A_47 : i32
    %jit3A_940 = arith.constant -3.000000e+38 : f32
    %broadcast_in_dim3A_941 = vector.broadcast %jit3A_940 : f32 to vector<16xf32>
    %select_n3A_942 = arith.select %lt3A_939, %add3A_936, %broadcast_in_dim3A_941 : vector<16xf32>
    %swap3A_943 = arith.constant 528 : index
    %swap3A_944 = tpu.vector_load %arg12[%swap3A_943] {strides = array<i32>} : memref<1024xf32, #tpu.memory_space<vmem>>, vector<16xf32>,
    tpu.vector_store %arg12[%swap3A_943], %select_n3A_942 {strides = array<i32>} : memref<1024xf32, #tpu.memory_space<vmem>>, vector<16xf32>,
    %add3A_945 = arith.addf %select_n3A_942, %gather3A_928 : vector<16xf32>
    %gt3A_946 = arith.cmpf ogt, %add3A_945, %select_n3A_911 : vector<16xf32>
    %select_n3A_947 = arith.select %gt3A_946, %add3A_945, %select_n3A_911 : vector<16xi1>, vector<16xf32>
    %add3A_948 = arith.constant 8 : i32
    %add3A_949 = arith.addi %mul3A_18, %add3A_948 : i32
    %broadcast_in_dim3A_950 = vector.broadcast %add3A_949 : i32 to vector<16xi32>
    %select_n3A_951 = arith.select %gt3A_946, %broadcast_in_dim3A_950, %select_n3A_915 : vector<16xi1>, vector<16xi32>
    %select_n3A_952 = arith.select %gt3A_946, %select_n3A_942, %select_n3A_916 : vector<16xi1>, vector<16xf32>
    %max3A_953 = arith.maximumf %max3A_917, %select_n3A_942 : vector<16xf32>
    %broadcast_in_dim3A_954 = arith.constant 9 : i32
    %broadcast_in_dim3A_955 = vector.broadcast %broadcast_in_dim3A_954 : i32 to vector<16xi32>
    %gather3A_956 = tpu.vector_load_idx %arg9[%broadcast_in_dim3A_955, %add3A_677] : memref<16x128xi32, #tpu.memory_space<vmem>>[vector<16xi32>, vector<16xi32>], vector<16xi32>,
    %add3A_957 = arith.constant 9 : i32
    %add3A_958 = arith.addi %mul3A_18, %add3A_957 : i32
    %lt3A_959 = arith.cmpi slt, %add3A_958, %mul3A_47 : i32
    %jit3A_960 = arith.constant 0 : i32
    %broadcast_in_dim3A_961 = vector.broadcast %jit3A_960 : i32 to vector<16xi32>
    %select_n3A_962 = arith.select %lt3A_959, %gather3A_956, %broadcast_in_dim3A_961 : vector<16xi32>
    %gather3A_963 = tpu.vector_load_idx %arg10[%broadcast_in_dim3A_955, %add3A_677] : memref<16x128xf32, #tpu.memory_space<vmem>>[vector<16xi32>, vector<16xi32>], vector<16xf32>,
    %gather3A_964 = tpu.vector_load_idx %arg11[%broadcast_in_dim3A_955, %add3A_677] : memref<16x128xf32, #tpu.memory_space<vmem>>[vector<16xi32>, vector<16xi32>], vector<16xf32>,
    %gather3A_965 = tpu.vector_load_idx %arg8[%broadcast_in_dim3A_955, %select_n3A_962, %add3A_677] : memref<16x48x128xf32, #tpu.memory_space<vmem>>[vector<16xi32>, vector<16xi32>, vector<16xi32>], vector<16xf32>,
    %sub3A_966 = arith.constant 1.000000e+00 : f32
    %sub3A_967 = vector.broadcast %sub3A_966 : f32 to vector<16xf32>
    %sub3A_968 = arith.subf %sub3A_967, %gather3A_963 : vector<16xf32>
    %mul3A_969 = arith.constant -1.000000e+05 : f32
    %mul3A_970 = vector.broadcast %mul3A_969 : f32 to vector<16xf32>
    %mul3A_971 = arith.mulf %sub3A_968, %mul3A_970 : vector<16xf32>
    %add3A_972 = arith.addf %gather3A_965, %mul3A_971 : vector<16xf32>
    %add3A_973 = arith.constant 9 : i32
    %add3A_974 = arith.addi %mul3A_18, %add3A_973 : i32
    %lt3A_975 = arith.cmpi slt, %add3A_974, %mul3A_47 : i32
    %jit3A_976 = arith.constant -3.000000e+38 : f32
    %broadcast_in_dim3A_977 = vector.broadcast %jit3A_976 : f32 to vector<16xf32>
    %select_n3A_978 = arith.select %lt3A_975, %add3A_972, %broadcast_in_dim3A_977 : vector<16xf32>
    %swap3A_979 = arith.constant 592 : index
    %swap3A_980 = tpu.vector_load %arg12[%swap3A_979] {strides = array<i32>} : memref<1024xf32, #tpu.memory_space<vmem>>, vector<16xf32>,
    tpu.vector_store %arg12[%swap3A_979], %select_n3A_978 {strides = array<i32>} : memref<1024xf32, #tpu.memory_space<vmem>>, vector<16xf32>,
    %add3A_981 = arith.addf %select_n3A_978, %gather3A_964 : vector<16xf32>
    %gt3A_982 = arith.cmpf ogt, %add3A_981, %select_n3A_947 : vector<16xf32>
    %select_n3A_983 = arith.select %gt3A_982, %add3A_981, %select_n3A_947 : vector<16xi1>, vector<16xf32>
    %add3A_984 = arith.constant 9 : i32
    %add3A_985 = arith.addi %mul3A_18, %add3A_984 : i32
    %broadcast_in_dim3A_986 = vector.broadcast %add3A_985 : i32 to vector<16xi32>
    %select_n3A_987 = arith.select %gt3A_982, %broadcast_in_dim3A_986, %select_n3A_951 : vector<16xi1>, vector<16xi32>
    %select_n3A_988 = arith.select %gt3A_982, %select_n3A_978, %select_n3A_952 : vector<16xi1>, vector<16xf32>
    %max3A_989 = arith.maximumf %max3A_953, %select_n3A_978 : vector<16xf32>
    %broadcast_in_dim3A_990 = arith.constant 10 : i32
    %broadcast_in_dim3A_991 = vector.broadcast %broadcast_in_dim3A_990 : i32 to vector<16xi32>
    %gather3A_992 = tpu.vector_load_idx %arg9[%broadcast_in_dim3A_991, %add3A_677] : memref<16x128xi32, #tpu.memory_space<vmem>>[vector<16xi32>, vector<16xi32>], vector<16xi32>,
    %add3A_993 = arith.constant 10 : i32
    %add3A_994 = arith.addi %mul3A_18, %add3A_993 : i32
    %lt3A_995 = arith.cmpi slt, %add3A_994, %mul3A_47 : i32
    %jit3A_996 = arith.constant 0 : i32
    %broadcast_in_dim3A_997 = vector.broadcast %jit3A_996 : i32 to vector<16xi32>
    %select_n3A_998 = arith.select %lt3A_995, %gather3A_992, %broadcast_in_dim3A_997 : vector<16xi32>
    %gather3A_999 = tpu.vector_load_idx %arg10[%broadcast_in_dim3A_991, %add3A_677] : memref<16x128xf32, #tpu.memory_space<vmem>>[vector<16xi32>, vector<16xi32>], vector<16xf32>,
    %gather3A_1000 = tpu.vector_load_idx %arg11[%broadcast_in_dim3A_991, %add3A_677] : memref<16x128xf32, #tpu.memory_space<vmem>>[vector<16xi32>, vector<16xi32>], vector<16xf32>,
    %gather3A_1001 = tpu.vector_load_idx %arg8[%broadcast_in_dim3A_991, %select_n3A_998, %add3A_677] : memref<16x48x128xf32, #tpu.memory_space<vmem>>[vector<16xi32>, vector<16xi32>, vector<16xi32>], vector<16xf32>,
    %sub3A_1002 = arith.constant 1.000000e+00 : f32
    %sub3A_1003 = vector.broadcast %sub3A_1002 : f32 to vector<16xf32>
    %sub3A_1004 = arith.subf %sub3A_1003, %gather3A_999 : vector<16xf32>
    %mul3A_1005 = arith.constant -1.000000e+05 : f32
    %mul3A_1006 = vector.broadcast %mul3A_1005 : f32 to vector<16xf32>
    %mul3A_1007 = arith.mulf %sub3A_1004, %mul3A_1006 : vector<16xf32>
    %add3A_1008 = arith.addf %gather3A_1001, %mul3A_1007 : vector<16xf32>
    %add3A_1009 = arith.constant 10 : i32
    %add3A_1010 = arith.addi %mul3A_18, %add3A_1009 : i32
    %lt3A_1011 = arith.cmpi slt, %add3A_1010, %mul3A_47 : i32
    %jit3A_1012 = arith.constant -3.000000e+38 : f32
    %broadcast_in_dim3A_1013 = vector.broadcast %jit3A_1012 : f32 to vector<16xf32>
    %select_n3A_1014 = arith.select %lt3A_1011, %add3A_1008, %broadcast_in_dim3A_1013 : vector<16xf32>
    %swap3A_1015 = arith.constant 656 : index
    %swap3A_1016 = tpu.vector_load %arg12[%swap3A_1015] {strides = array<i32>} : memref<1024xf32, #tpu.memory_space<vmem>>, vector<16xf32>,
    tpu.vector_store %arg12[%swap3A_1015], %select_n3A_1014 {strides = array<i32>} : memref<1024xf32, #tpu.memory_space<vmem>>, vector<16xf32>,
    %add3A_1017 = arith.addf %select_n3A_1014, %gather3A_1000 : vector<16xf32>
    %gt3A_1018 = arith.cmpf ogt, %add3A_1017, %select_n3A_983 : vector<16xf32>
    %select_n3A_1019 = arith.select %gt3A_1018, %add3A_1017, %select_n3A_983 : vector<16xi1>, vector<16xf32>
    %add3A_1020 = arith.constant 10 : i32
    %add3A_1021 = arith.addi %mul3A_18, %add3A_1020 : i32
    %broadcast_in_dim3A_1022 = vector.broadcast %add3A_1021 : i32 to vector<16xi32>
    %select_n3A_1023 = arith.select %gt3A_1018, %broadcast_in_dim3A_1022, %select_n3A_987 : vector<16xi1>, vector<16xi32>
    %select_n3A_1024 = arith.select %gt3A_1018, %select_n3A_1014, %select_n3A_988 : vector<16xi1>, vector<16xf32>
    %max3A_1025 = arith.maximumf %max3A_989, %select_n3A_1014 : vector<16xf32>
    %broadcast_in_dim3A_1026 = arith.constant 11 : i32
    %broadcast_in_dim3A_1027 = vector.broadcast %broadcast_in_dim3A_1026 : i32 to vector<16xi32>
    %gather3A_1028 = tpu.vector_load_idx %arg9[%broadcast_in_dim3A_1027, %add3A_677] : memref<16x128xi32, #tpu.memory_space<vmem>>[vector<16xi32>, vector<16xi32>], vector<16xi32>,
    %add3A_1029 = arith.constant 11 : i32
    %add3A_1030 = arith.addi %mul3A_18, %add3A_1029 : i32
    %lt3A_1031 = arith.cmpi slt, %add3A_1030, %mul3A_47 : i32
    %jit3A_1032 = arith.constant 0 : i32
    %broadcast_in_dim3A_1033 = vector.broadcast %jit3A_1032 : i32 to vector<16xi32>
    %select_n3A_1034 = arith.select %lt3A_1031, %gather3A_1028, %broadcast_in_dim3A_1033 : vector<16xi32>
    %gather3A_1035 = tpu.vector_load_idx %arg10[%broadcast_in_dim3A_1027, %add3A_677] : memref<16x128xf32, #tpu.memory_space<vmem>>[vector<16xi32>, vector<16xi32>], vector<16xf32>,
    %gather3A_1036 = tpu.vector_load_idx %arg11[%broadcast_in_dim3A_1027, %add3A_677] : memref<16x128xf32, #tpu.memory_space<vmem>>[vector<16xi32>, vector<16xi32>], vector<16xf32>,
    %gather3A_1037 = tpu.vector_load_idx %arg8[%broadcast_in_dim3A_1027, %select_n3A_1034, %add3A_677] : memref<16x48x128xf32, #tpu.memory_space<vmem>>[vector<16xi32>, vector<16xi32>, vector<16xi32>], vector<16xf32>,
    %sub3A_1038 = arith.constant 1.000000e+00 : f32
    %sub3A_1039 = vector.broadcast %sub3A_1038 : f32 to vector<16xf32>
    %sub3A_1040 = arith.subf %sub3A_1039, %gather3A_1035 : vector<16xf32>
    %mul3A_1041 = arith.constant -1.000000e+05 : f32
    %mul3A_1042 = vector.broadcast %mul3A_1041 : f32 to vector<16xf32>
    %mul3A_1043 = arith.mulf %sub3A_1040, %mul3A_1042 : vector<16xf32>
    %add3A_1044 = arith.addf %gather3A_1037, %mul3A_1043 : vector<16xf32>
    %add3A_1045 = arith.constant 11 : i32
    %add3A_1046 = arith.addi %mul3A_18, %add3A_1045 : i32
    %lt3A_1047 = arith.cmpi slt, %add3A_1046, %mul3A_47 : i32
    %jit3A_1048 = arith.constant -3.000000e+38 : f32
    %broadcast_in_dim3A_1049 = vector.broadcast %jit3A_1048 : f32 to vector<16xf32>
    %select_n3A_1050 = arith.select %lt3A_1047, %add3A_1044, %broadcast_in_dim3A_1049 : vector<16xf32>
    %swap3A_1051 = arith.constant 720 : index
    %swap3A_1052 = tpu.vector_load %arg12[%swap3A_1051] {strides = array<i32>} : memref<1024xf32, #tpu.memory_space<vmem>>, vector<16xf32>,
    tpu.vector_store %arg12[%swap3A_1051], %select_n3A_1050 {strides = array<i32>} : memref<1024xf32, #tpu.memory_space<vmem>>, vector<16xf32>,
    %add3A_1053 = arith.addf %select_n3A_1050, %gather3A_1036 : vector<16xf32>
    %gt3A_1054 = arith.cmpf ogt, %add3A_1053, %select_n3A_1019 : vector<16xf32>
    %select_n3A_1055 = arith.select %gt3A_1054, %add3A_1053, %select_n3A_1019 : vector<16xi1>, vector<16xf32>
    %add3A_1056 = arith.constant 11 : i32
    %add3A_1057 = arith.addi %mul3A_18, %add3A_1056 : i32
    %broadcast_in_dim3A_1058 = vector.broadcast %add3A_1057 : i32 to vector<16xi32>
    %select_n3A_1059 = arith.select %gt3A_1054, %broadcast_in_dim3A_1058, %select_n3A_1023 : vector<16xi1>, vector<16xi32>
    %select_n3A_1060 = arith.select %gt3A_1054, %select_n3A_1050, %select_n3A_1024 : vector<16xi1>, vector<16xf32>
    %max3A_1061 = arith.maximumf %max3A_1025, %select_n3A_1050 : vector<16xf32>
    %broadcast_in_dim3A_1062 = arith.constant 12 : i32
    %broadcast_in_dim3A_1063 = vector.broadcast %broadcast_in_dim3A_1062 : i32 to vector<16xi32>
    %gather3A_1064 = tpu.vector_load_idx %arg9[%broadcast_in_dim3A_1063, %add3A_677] : memref<16x128xi32, #tpu.memory_space<vmem>>[vector<16xi32>, vector<16xi32>], vector<16xi32>,
    %add3A_1065 = arith.constant 12 : i32
    %add3A_1066 = arith.addi %mul3A_18, %add3A_1065 : i32
    %lt3A_1067 = arith.cmpi slt, %add3A_1066, %mul3A_47 : i32
    %jit3A_1068 = arith.constant 0 : i32
    %broadcast_in_dim3A_1069 = vector.broadcast %jit3A_1068 : i32 to vector<16xi32>
    %select_n3A_1070 = arith.select %lt3A_1067, %gather3A_1064, %broadcast_in_dim3A_1069 : vector<16xi32>
    %gather3A_1071 = tpu.vector_load_idx %arg10[%broadcast_in_dim3A_1063, %add3A_677] : memref<16x128xf32, #tpu.memory_space<vmem>>[vector<16xi32>, vector<16xi32>], vector<16xf32>,
    %gather3A_1072 = tpu.vector_load_idx %arg11[%broadcast_in_dim3A_1063, %add3A_677] : memref<16x128xf32, #tpu.memory_space<vmem>>[vector<16xi32>, vector<16xi32>], vector<16xf32>,
    %gather3A_1073 = tpu.vector_load_idx %arg8[%broadcast_in_dim3A_1063, %select_n3A_1070, %add3A_677] : memref<16x48x128xf32, #tpu.memory_space<vmem>>[vector<16xi32>, vector<16xi32>, vector<16xi32>], vector<16xf32>,
    %sub3A_1074 = arith.constant 1.000000e+00 : f32
    %sub3A_1075 = vector.broadcast %sub3A_1074 : f32 to vector<16xf32>
    %sub3A_1076 = arith.subf %sub3A_1075, %gather3A_1071 : vector<16xf32>
    %mul3A_1077 = arith.constant -1.000000e+05 : f32
    %mul3A_1078 = vector.broadcast %mul3A_1077 : f32 to vector<16xf32>
    %mul3A_1079 = arith.mulf %sub3A_1076, %mul3A_1078 : vector<16xf32>
    %add3A_1080 = arith.addf %gather3A_1073, %mul3A_1079 : vector<16xf32>
    %add3A_1081 = arith.constant 12 : i32
    %add3A_1082 = arith.addi %mul3A_18, %add3A_1081 : i32
    %lt3A_1083 = arith.cmpi slt, %add3A_1082, %mul3A_47 : i32
    %jit3A_1084 = arith.constant -3.000000e+38 : f32
    %broadcast_in_dim3A_1085 = vector.broadcast %jit3A_1084 : f32 to vector<16xf32>
    %select_n3A_1086 = arith.select %lt3A_1083, %add3A_1080, %broadcast_in_dim3A_1085 : vector<16xf32>
    %swap3A_1087 = arith.constant 784 : index
    %swap3A_1088 = tpu.vector_load %arg12[%swap3A_1087] {strides = array<i32>} : memref<1024xf32, #tpu.memory_space<vmem>>, vector<16xf32>,
    tpu.vector_store %arg12[%swap3A_1087], %select_n3A_1086 {strides = array<i32>} : memref<1024xf32, #tpu.memory_space<vmem>>, vector<16xf32>,
    %add3A_1089 = arith.addf %select_n3A_1086, %gather3A_1072 : vector<16xf32>
    %gt3A_1090 = arith.cmpf ogt, %add3A_1089, %select_n3A_1055 : vector<16xf32>
    %select_n3A_1091 = arith.select %gt3A_1090, %add3A_1089, %select_n3A_1055 : vector<16xi1>, vector<16xf32>
    %add3A_1092 = arith.constant 12 : i32
    %add3A_1093 = arith.addi %mul3A_18, %add3A_1092 : i32
    %broadcast_in_dim3A_1094 = vector.broadcast %add3A_1093 : i32 to vector<16xi32>
    %select_n3A_1095 = arith.select %gt3A_1090, %broadcast_in_dim3A_1094, %select_n3A_1059 : vector<16xi1>, vector<16xi32>
    %select_n3A_1096 = arith.select %gt3A_1090, %select_n3A_1086, %select_n3A_1060 : vector<16xi1>, vector<16xf32>
    %max3A_1097 = arith.maximumf %max3A_1061, %select_n3A_1086 : vector<16xf32>
    %broadcast_in_dim3A_1098 = arith.constant 13 : i32
    %broadcast_in_dim3A_1099 = vector.broadcast %broadcast_in_dim3A_1098 : i32 to vector<16xi32>
    %gather3A_1100 = tpu.vector_load_idx %arg9[%broadcast_in_dim3A_1099, %add3A_677] : memref<16x128xi32, #tpu.memory_space<vmem>>[vector<16xi32>, vector<16xi32>], vector<16xi32>,
    %add3A_1101 = arith.constant 13 : i32
    %add3A_1102 = arith.addi %mul3A_18, %add3A_1101 : i32
    %lt3A_1103 = arith.cmpi slt, %add3A_1102, %mul3A_47 : i32
    %jit3A_1104 = arith.constant 0 : i32
    %broadcast_in_dim3A_1105 = vector.broadcast %jit3A_1104 : i32 to vector<16xi32>
    %select_n3A_1106 = arith.select %lt3A_1103, %gather3A_1100, %broadcast_in_dim3A_1105 : vector<16xi32>
    %gather3A_1107 = tpu.vector_load_idx %arg10[%broadcast_in_dim3A_1099, %add3A_677] : memref<16x128xf32, #tpu.memory_space<vmem>>[vector<16xi32>, vector<16xi32>], vector<16xf32>,
    %gather3A_1108 = tpu.vector_load_idx %arg11[%broadcast_in_dim3A_1099, %add3A_677] : memref<16x128xf32, #tpu.memory_space<vmem>>[vector<16xi32>, vector<16xi32>], vector<16xf32>,
    %gather3A_1109 = tpu.vector_load_idx %arg8[%broadcast_in_dim3A_1099, %select_n3A_1106, %add3A_677] : memref<16x48x128xf32, #tpu.memory_space<vmem>>[vector<16xi32>, vector<16xi32>, vector<16xi32>], vector<16xf32>,
    %sub3A_1110 = arith.constant 1.000000e+00 : f32
    %sub3A_1111 = vector.broadcast %sub3A_1110 : f32 to vector<16xf32>
    %sub3A_1112 = arith.subf %sub3A_1111, %gather3A_1107 : vector<16xf32>
    %mul3A_1113 = arith.constant -1.000000e+05 : f32
    %mul3A_1114 = vector.broadcast %mul3A_1113 : f32 to vector<16xf32>
    %mul3A_1115 = arith.mulf %sub3A_1112, %mul3A_1114 : vector<16xf32>
    %add3A_1116 = arith.addf %gather3A_1109, %mul3A_1115 : vector<16xf32>
    %add3A_1117 = arith.constant 13 : i32
    %add3A_1118 = arith.addi %mul3A_18, %add3A_1117 : i32
    %lt3A_1119 = arith.cmpi slt, %add3A_1118, %mul3A_47 : i32
    %jit3A_1120 = arith.constant -3.000000e+38 : f32
    %broadcast_in_dim3A_1121 = vector.broadcast %jit3A_1120 : f32 to vector<16xf32>
    %select_n3A_1122 = arith.select %lt3A_1119, %add3A_1116, %broadcast_in_dim3A_1121 : vector<16xf32>
    %swap3A_1123 = arith.constant 848 : index
    %swap3A_1124 = tpu.vector_load %arg12[%swap3A_1123] {strides = array<i32>} : memref<1024xf32, #tpu.memory_space<vmem>>, vector<16xf32>,
    tpu.vector_store %arg12[%swap3A_1123], %select_n3A_1122 {strides = array<i32>} : memref<1024xf32, #tpu.memory_space<vmem>>, vector<16xf32>,
    %add3A_1125 = arith.addf %select_n3A_1122, %gather3A_1108 : vector<16xf32>
    %gt3A_1126 = arith.cmpf ogt, %add3A_1125, %select_n3A_1091 : vector<16xf32>
    %select_n3A_1127 = arith.select %gt3A_1126, %add3A_1125, %select_n3A_1091 : vector<16xi1>, vector<16xf32>
    %add3A_1128 = arith.constant 13 : i32
    %add3A_1129 = arith.addi %mul3A_18, %add3A_1128 : i32
    %broadcast_in_dim3A_1130 = vector.broadcast %add3A_1129 : i32 to vector<16xi32>
    %select_n3A_1131 = arith.select %gt3A_1126, %broadcast_in_dim3A_1130, %select_n3A_1095 : vector<16xi1>, vector<16xi32>
    %select_n3A_1132 = arith.select %gt3A_1126, %select_n3A_1122, %select_n3A_1096 : vector<16xi1>, vector<16xf32>
    %max3A_1133 = arith.maximumf %max3A_1097, %select_n3A_1122 : vector<16xf32>
    %broadcast_in_dim3A_1134 = arith.constant 14 : i32
    %broadcast_in_dim3A_1135 = vector.broadcast %broadcast_in_dim3A_1134 : i32 to vector<16xi32>
    %gather3A_1136 = tpu.vector_load_idx %arg9[%broadcast_in_dim3A_1135, %add3A_677] : memref<16x128xi32, #tpu.memory_space<vmem>>[vector<16xi32>, vector<16xi32>], vector<16xi32>,
    %add3A_1137 = arith.constant 14 : i32
    %add3A_1138 = arith.addi %mul3A_18, %add3A_1137 : i32
    %lt3A_1139 = arith.cmpi slt, %add3A_1138, %mul3A_47 : i32
    %jit3A_1140 = arith.constant 0 : i32
    %broadcast_in_dim3A_1141 = vector.broadcast %jit3A_1140 : i32 to vector<16xi32>
    %select_n3A_1142 = arith.select %lt3A_1139, %gather3A_1136, %broadcast_in_dim3A_1141 : vector<16xi32>
    %gather3A_1143 = tpu.vector_load_idx %arg10[%broadcast_in_dim3A_1135, %add3A_677] : memref<16x128xf32, #tpu.memory_space<vmem>>[vector<16xi32>, vector<16xi32>], vector<16xf32>,
    %gather3A_1144 = tpu.vector_load_idx %arg11[%broadcast_in_dim3A_1135, %add3A_677] : memref<16x128xf32, #tpu.memory_space<vmem>>[vector<16xi32>, vector<16xi32>], vector<16xf32>,
    %gather3A_1145 = tpu.vector_load_idx %arg8[%broadcast_in_dim3A_1135, %select_n3A_1142, %add3A_677] : memref<16x48x128xf32, #tpu.memory_space<vmem>>[vector<16xi32>, vector<16xi32>, vector<16xi32>], vector<16xf32>,
    %sub3A_1146 = arith.constant 1.000000e+00 : f32
    %sub3A_1147 = vector.broadcast %sub3A_1146 : f32 to vector<16xf32>
    %sub3A_1148 = arith.subf %sub3A_1147, %gather3A_1143 : vector<16xf32>
    %mul3A_1149 = arith.constant -1.000000e+05 : f32
    %mul3A_1150 = vector.broadcast %mul3A_1149 : f32 to vector<16xf32>
    %mul3A_1151 = arith.mulf %sub3A_1148, %mul3A_1150 : vector<16xf32>
    %add3A_1152 = arith.addf %gather3A_1145, %mul3A_1151 : vector<16xf32>
    %add3A_1153 = arith.constant 14 : i32
    %add3A_1154 = arith.addi %mul3A_18, %add3A_1153 : i32
    %lt3A_1155 = arith.cmpi slt, %add3A_1154, %mul3A_47 : i32
    %jit3A_1156 = arith.constant -3.000000e+38 : f32
    %broadcast_in_dim3A_1157 = vector.broadcast %jit3A_1156 : f32 to vector<16xf32>
    %select_n3A_1158 = arith.select %lt3A_1155, %add3A_1152, %broadcast_in_dim3A_1157 : vector<16xf32>
    %swap3A_1159 = arith.constant 912 : index
    %swap3A_1160 = tpu.vector_load %arg12[%swap3A_1159] {strides = array<i32>} : memref<1024xf32, #tpu.memory_space<vmem>>, vector<16xf32>,
    tpu.vector_store %arg12[%swap3A_1159], %select_n3A_1158 {strides = array<i32>} : memref<1024xf32, #tpu.memory_space<vmem>>, vector<16xf32>,
    %add3A_1161 = arith.addf %select_n3A_1158, %gather3A_1144 : vector<16xf32>
    %gt3A_1162 = arith.cmpf ogt, %add3A_1161, %select_n3A_1127 : vector<16xf32>
    %select_n3A_1163 = arith.select %gt3A_1162, %add3A_1161, %select_n3A_1127 : vector<16xi1>, vector<16xf32>
    %add3A_1164 = arith.constant 14 : i32
    %add3A_1165 = arith.addi %mul3A_18, %add3A_1164 : i32
    %broadcast_in_dim3A_1166 = vector.broadcast %add3A_1165 : i32 to vector<16xi32>
    %select_n3A_1167 = arith.select %gt3A_1162, %broadcast_in_dim3A_1166, %select_n3A_1131 : vector<16xi1>, vector<16xi32>
    %select_n3A_1168 = arith.select %gt3A_1162, %select_n3A_1158, %select_n3A_1132 : vector<16xi1>, vector<16xf32>
    %max3A_1169 = arith.maximumf %max3A_1133, %select_n3A_1158 : vector<16xf32>
    %broadcast_in_dim3A_1170 = arith.constant 15 : i32
    %broadcast_in_dim3A_1171 = vector.broadcast %broadcast_in_dim3A_1170 : i32 to vector<16xi32>
    %gather3A_1172 = tpu.vector_load_idx %arg9[%broadcast_in_dim3A_1171, %add3A_677] : memref<16x128xi32, #tpu.memory_space<vmem>>[vector<16xi32>, vector<16xi32>], vector<16xi32>,
    %add3A_1173 = arith.constant 15 : i32
    %add3A_1174 = arith.addi %mul3A_18, %add3A_1173 : i32
    %lt3A_1175 = arith.cmpi slt, %add3A_1174, %mul3A_47 : i32
    %jit3A_1176 = arith.constant 0 : i32
    %broadcast_in_dim3A_1177 = vector.broadcast %jit3A_1176 : i32 to vector<16xi32>
    %select_n3A_1178 = arith.select %lt3A_1175, %gather3A_1172, %broadcast_in_dim3A_1177 : vector<16xi32>
    %gather3A_1179 = tpu.vector_load_idx %arg10[%broadcast_in_dim3A_1171, %add3A_677] : memref<16x128xf32, #tpu.memory_space<vmem>>[vector<16xi32>, vector<16xi32>], vector<16xf32>,
    %gather3A_1180 = tpu.vector_load_idx %arg11[%broadcast_in_dim3A_1171, %add3A_677] : memref<16x128xf32, #tpu.memory_space<vmem>>[vector<16xi32>, vector<16xi32>], vector<16xf32>,
    %gather3A_1181 = tpu.vector_load_idx %arg8[%broadcast_in_dim3A_1171, %select_n3A_1178, %add3A_677] : memref<16x48x128xf32, #tpu.memory_space<vmem>>[vector<16xi32>, vector<16xi32>, vector<16xi32>], vector<16xf32>,
    %sub3A_1182 = arith.constant 1.000000e+00 : f32
    %sub3A_1183 = vector.broadcast %sub3A_1182 : f32 to vector<16xf32>
    %sub3A_1184 = arith.subf %sub3A_1183, %gather3A_1179 : vector<16xf32>
    %mul3A_1185 = arith.constant -1.000000e+05 : f32
    %mul3A_1186 = vector.broadcast %mul3A_1185 : f32 to vector<16xf32>
    %mul3A_1187 = arith.mulf %sub3A_1184, %mul3A_1186 : vector<16xf32>
    %add3A_1188 = arith.addf %gather3A_1181, %mul3A_1187 : vector<16xf32>
    %add3A_1189 = arith.constant 15 : i32
    %add3A_1190 = arith.addi %mul3A_18, %add3A_1189 : i32
    %lt3A_1191 = arith.cmpi slt, %add3A_1190, %mul3A_47 : i32
    %jit3A_1192 = arith.constant -3.000000e+38 : f32
    %broadcast_in_dim3A_1193 = vector.broadcast %jit3A_1192 : f32 to vector<16xf32>
    %select_n3A_1194 = arith.select %lt3A_1191, %add3A_1188, %broadcast_in_dim3A_1193 : vector<16xf32>
    %swap3A_1195 = arith.constant 976 : index
    %swap3A_1196 = tpu.vector_load %arg12[%swap3A_1195] {strides = array<i32>} : memref<1024xf32, #tpu.memory_space<vmem>>, vector<16xf32>,
    tpu.vector_store %arg12[%swap3A_1195], %select_n3A_1194 {strides = array<i32>} : memref<1024xf32, #tpu.memory_space<vmem>>, vector<16xf32>,
    %add3A_1197 = arith.addf %select_n3A_1194, %gather3A_1180 : vector<16xf32>
    %gt3A_1198 = arith.cmpf ogt, %add3A_1197, %select_n3A_1163 : vector<16xf32>
    %select_n3A_1199 = arith.select %gt3A_1198, %add3A_1197, %select_n3A_1163 : vector<16xi1>, vector<16xf32>
    %add3A_1200 = arith.constant 15 : i32
    %add3A_1201 = arith.addi %mul3A_18, %add3A_1200 : i32
    %broadcast_in_dim3A_1202 = vector.broadcast %add3A_1201 : i32 to vector<16xi32>
    %select_n3A_1203 = arith.select %gt3A_1198, %broadcast_in_dim3A_1202, %select_n3A_1167 : vector<16xi1>, vector<16xi32>
    %select_n3A_1204 = arith.select %gt3A_1198, %select_n3A_1194, %select_n3A_1168 : vector<16xi1>, vector<16xf32>
    %max3A_1205 = arith.maximumf %max3A_1169, %select_n3A_1194 : vector<16xf32>
    %mul3A_1206 = arith.constant 64 : i32
    %mul3A_1207 = arith.muli %arg0, %mul3A_1206 : i32
    %add3A_1208 = arith.constant 32 : i32
    %add3A_1209 = arith.addi %mul3A_1207, %add3A_1208 : i32
    %add3A_1210 = vector.broadcast %add3A_1209 : i32 to vector<16xi32>
    %add3A_1211 = arith.addi %add3A_1210, %iota3A : vector<16xi32>
    %broadcast_in_dim3A_1212 = arith.constant 0 : i32
    %broadcast_in_dim3A_1213 = vector.broadcast %broadcast_in_dim3A_1212 : i32 to vector<16xi32>
    %gather3A_1214 = tpu.vector_load_idx %arg9[%broadcast_in_dim3A_1213, %add3A_1211] : memref<16x128xi32, #tpu.memory_space<vmem>>[vector<16xi32>, vector<16xi32>], vector<16xi32>,
    %gather3A_1215 = tpu.vector_load_idx %arg10[%broadcast_in_dim3A_1213, %add3A_1211] : memref<16x128xf32, #tpu.memory_space<vmem>>[vector<16xi32>, vector<16xi32>], vector<16xf32>,
    %gather3A_1216 = tpu.vector_load_idx %arg11[%broadcast_in_dim3A_1213, %add3A_1211] : memref<16x128xf32, #tpu.memory_space<vmem>>[vector<16xi32>, vector<16xi32>], vector<16xf32>,
    %gather3A_1217 = tpu.vector_load_idx %arg8[%broadcast_in_dim3A_1213, %gather3A_1214, %add3A_1211] : memref<16x48x128xf32, #tpu.memory_space<vmem>>[vector<16xi32>, vector<16xi32>, vector<16xi32>], vector<16xf32>,
    %sub3A_1218 = arith.constant 1.000000e+00 : f32
    %sub3A_1219 = vector.broadcast %sub3A_1218 : f32 to vector<16xf32>
    %sub3A_1220 = arith.subf %sub3A_1219, %gather3A_1215 : vector<16xf32>
    %mul3A_1221 = arith.constant -1.000000e+05 : f32
    %mul3A_1222 = vector.broadcast %mul3A_1221 : f32 to vector<16xf32>
    %mul3A_1223 = arith.mulf %sub3A_1220, %mul3A_1222 : vector<16xf32>
    %add3A_1224 = arith.addf %gather3A_1217, %mul3A_1223 : vector<16xf32>
    %add3A_1225 = arith.constant 0 : i32
    %add3A_1226 = arith.addi %mul3A_18, %add3A_1225 : i32
    %lt3A_1227 = arith.cmpi slt, %add3A_1226, %mul3A_47 : i32
    %jit3A_1228 = arith.constant -3.000000e+38 : f32
    %broadcast_in_dim3A_1229 = vector.broadcast %jit3A_1228 : f32 to vector<16xf32>
    %select_n3A_1230 = arith.select %lt3A_1227, %add3A_1224, %broadcast_in_dim3A_1229 : vector<16xf32>
    %swap3A_1231 = arith.constant 32 : index
    %swap3A_1232 = tpu.vector_load %arg12[%swap3A_1231] {strides = array<i32>} : memref<1024xf32, #tpu.memory_space<vmem>>, vector<16xf32>,
    tpu.vector_store %arg12[%swap3A_1231], %select_n3A_1230 {strides = array<i32>} : memref<1024xf32, #tpu.memory_space<vmem>>, vector<16xf32>,
    %add3A_1233 = arith.addf %select_n3A_1230, %gather3A_1216 : vector<16xf32>
    %gt3A_1234 = arith.cmpf ogt, %add3A_1233, %broadcast_in_dim3A_116 : vector<16xf32>
    %select_n3A_1235 = arith.select %gt3A_1234, %add3A_1233, %broadcast_in_dim3A_116 : vector<16xi1>, vector<16xf32>
    %add3A_1236 = arith.constant 0 : i32
    %add3A_1237 = arith.addi %mul3A_18, %add3A_1236 : i32
    %broadcast_in_dim3A_1238 = vector.broadcast %add3A_1237 : i32 to vector<16xi32>
    %select_n3A_1239 = arith.select %gt3A_1234, %broadcast_in_dim3A_1238, %broadcast_in_dim3A_124 : vector<16xi1>, vector<16xi32>
    %select_n3A_1240 = arith.select %gt3A_1234, %select_n3A_1230, %broadcast_in_dim3A_132 : vector<16xi1>, vector<16xf32>
    %max3A_1241 = arith.maximumf %broadcast_in_dim3A_140, %select_n3A_1230 : vector<16xf32>
    %broadcast_in_dim3A_1242 = arith.constant 1 : i32
    %broadcast_in_dim3A_1243 = vector.broadcast %broadcast_in_dim3A_1242 : i32 to vector<16xi32>
    %gather3A_1244 = tpu.vector_load_idx %arg9[%broadcast_in_dim3A_1243, %add3A_1211] : memref<16x128xi32, #tpu.memory_space<vmem>>[vector<16xi32>, vector<16xi32>], vector<16xi32>,
    %gather3A_1245 = tpu.vector_load_idx %arg10[%broadcast_in_dim3A_1243, %add3A_1211] : memref<16x128xf32, #tpu.memory_space<vmem>>[vector<16xi32>, vector<16xi32>], vector<16xf32>,
    %gather3A_1246 = tpu.vector_load_idx %arg11[%broadcast_in_dim3A_1243, %add3A_1211] : memref<16x128xf32, #tpu.memory_space<vmem>>[vector<16xi32>, vector<16xi32>], vector<16xf32>,
    %gather3A_1247 = tpu.vector_load_idx %arg8[%broadcast_in_dim3A_1243, %gather3A_1244, %add3A_1211] : memref<16x48x128xf32, #tpu.memory_space<vmem>>[vector<16xi32>, vector<16xi32>, vector<16xi32>], vector<16xf32>,
    %sub3A_1248 = arith.constant 1.000000e+00 : f32
    %sub3A_1249 = vector.broadcast %sub3A_1248 : f32 to vector<16xf32>
    %sub3A_1250 = arith.subf %sub3A_1249, %gather3A_1245 : vector<16xf32>
    %mul3A_1251 = arith.constant -1.000000e+05 : f32
    %mul3A_1252 = vector.broadcast %mul3A_1251 : f32 to vector<16xf32>
    %mul3A_1253 = arith.mulf %sub3A_1250, %mul3A_1252 : vector<16xf32>
    %add3A_1254 = arith.addf %gather3A_1247, %mul3A_1253 : vector<16xf32>
    %add3A_1255 = arith.constant 1 : i32
    %add3A_1256 = arith.addi %mul3A_18, %add3A_1255 : i32
    %lt3A_1257 = arith.cmpi slt, %add3A_1256, %mul3A_47 : i32
    %jit3A_1258 = arith.constant -3.000000e+38 : f32
    %broadcast_in_dim3A_1259 = vector.broadcast %jit3A_1258 : f32 to vector<16xf32>
    %select_n3A_1260 = arith.select %lt3A_1257, %add3A_1254, %broadcast_in_dim3A_1259 : vector<16xf32>
    %swap3A_1261 = arith.constant 96 : index
    %swap3A_1262 = tpu.vector_load %arg12[%swap3A_1261] {strides = array<i32>} : memref<1024xf32, #tpu.memory_space<vmem>>, vector<16xf32>,
    tpu.vector_store %arg12[%swap3A_1261], %select_n3A_1260 {strides = array<i32>} : memref<1024xf32, #tpu.memory_space<vmem>>, vector<16xf32>,
    %add3A_1263 = arith.addf %select_n3A_1260, %gather3A_1246 : vector<16xf32>
    %gt3A_1264 = arith.cmpf ogt, %add3A_1263, %select_n3A_1235 : vector<16xf32>
    %select_n3A_1265 = arith.select %gt3A_1264, %add3A_1263, %select_n3A_1235 : vector<16xi1>, vector<16xf32>
    %add3A_1266 = arith.constant 1 : i32
    %add3A_1267 = arith.addi %mul3A_18, %add3A_1266 : i32
    %broadcast_in_dim3A_1268 = vector.broadcast %add3A_1267 : i32 to vector<16xi32>
    %select_n3A_1269 = arith.select %gt3A_1264, %broadcast_in_dim3A_1268, %select_n3A_1239 : vector<16xi1>, vector<16xi32>
    %select_n3A_1270 = arith.select %gt3A_1264, %select_n3A_1260, %select_n3A_1240 : vector<16xi1>, vector<16xf32>
    %max3A_1271 = arith.maximumf %max3A_1241, %select_n3A_1260 : vector<16xf32>
    %broadcast_in_dim3A_1272 = arith.constant 2 : i32
    %broadcast_in_dim3A_1273 = vector.broadcast %broadcast_in_dim3A_1272 : i32 to vector<16xi32>
    %gather3A_1274 = tpu.vector_load_idx %arg9[%broadcast_in_dim3A_1273, %add3A_1211] : memref<16x128xi32, #tpu.memory_space<vmem>>[vector<16xi32>, vector<16xi32>], vector<16xi32>,
    %gather3A_1275 = tpu.vector_load_idx %arg10[%broadcast_in_dim3A_1273, %add3A_1211] : memref<16x128xf32, #tpu.memory_space<vmem>>[vector<16xi32>, vector<16xi32>], vector<16xf32>,
    %gather3A_1276 = tpu.vector_load_idx %arg11[%broadcast_in_dim3A_1273, %add3A_1211] : memref<16x128xf32, #tpu.memory_space<vmem>>[vector<16xi32>, vector<16xi32>], vector<16xf32>,
    %gather3A_1277 = tpu.vector_load_idx %arg8[%broadcast_in_dim3A_1273, %gather3A_1274, %add3A_1211] : memref<16x48x128xf32, #tpu.memory_space<vmem>>[vector<16xi32>, vector<16xi32>, vector<16xi32>], vector<16xf32>,
    %sub3A_1278 = arith.constant 1.000000e+00 : f32
    %sub3A_1279 = vector.broadcast %sub3A_1278 : f32 to vector<16xf32>
    %sub3A_1280 = arith.subf %sub3A_1279, %gather3A_1275 : vector<16xf32>
    %mul3A_1281 = arith.constant -1.000000e+05 : f32
    %mul3A_1282 = vector.broadcast %mul3A_1281 : f32 to vector<16xf32>
    %mul3A_1283 = arith.mulf %sub3A_1280, %mul3A_1282 : vector<16xf32>
    %add3A_1284 = arith.addf %gather3A_1277, %mul3A_1283 : vector<16xf32>
    %add3A_1285 = arith.constant 2 : i32
    %add3A_1286 = arith.addi %mul3A_18, %add3A_1285 : i32
    %lt3A_1287 = arith.cmpi slt, %add3A_1286, %mul3A_47 : i32
    %jit3A_1288 = arith.constant -3.000000e+38 : f32
    %broadcast_in_dim3A_1289 = vector.broadcast %jit3A_1288 : f32 to vector<16xf32>
    %select_n3A_1290 = arith.select %lt3A_1287, %add3A_1284, %broadcast_in_dim3A_1289 : vector<16xf32>
    %swap3A_1291 = arith.constant 160 : index
    %swap3A_1292 = tpu.vector_load %arg12[%swap3A_1291] {strides = array<i32>} : memref<1024xf32, #tpu.memory_space<vmem>>, vector<16xf32>,
    tpu.vector_store %arg12[%swap3A_1291], %select_n3A_1290 {strides = array<i32>} : memref<1024xf32, #tpu.memory_space<vmem>>, vector<16xf32>,
    %add3A_1293 = arith.addf %select_n3A_1290, %gather3A_1276 : vector<16xf32>
    %gt3A_1294 = arith.cmpf ogt, %add3A_1293, %select_n3A_1265 : vector<16xf32>
    %select_n3A_1295 = arith.select %gt3A_1294, %add3A_1293, %select_n3A_1265 : vector<16xi1>, vector<16xf32>
    %add3A_1296 = arith.constant 2 : i32
    %add3A_1297 = arith.addi %mul3A_18, %add3A_1296 : i32
    %broadcast_in_dim3A_1298 = vector.broadcast %add3A_1297 : i32 to vector<16xi32>
    %select_n3A_1299 = arith.select %gt3A_1294, %broadcast_in_dim3A_1298, %select_n3A_1269 : vector<16xi1>, vector<16xi32>
    %select_n3A_1300 = arith.select %gt3A_1294, %select_n3A_1290, %select_n3A_1270 : vector<16xi1>, vector<16xf32>
    %max3A_1301 = arith.maximumf %max3A_1271, %select_n3A_1290 : vector<16xf32>
    %broadcast_in_dim3A_1302 = arith.constant 3 : i32
    %broadcast_in_dim3A_1303 = vector.broadcast %broadcast_in_dim3A_1302 : i32 to vector<16xi32>
    %gather3A_1304 = tpu.vector_load_idx %arg9[%broadcast_in_dim3A_1303, %add3A_1211] : memref<16x128xi32, #tpu.memory_space<vmem>>[vector<16xi32>, vector<16xi32>], vector<16xi32>,
    %gather3A_1305 = tpu.vector_load_idx %arg10[%broadcast_in_dim3A_1303, %add3A_1211] : memref<16x128xf32, #tpu.memory_space<vmem>>[vector<16xi32>, vector<16xi32>], vector<16xf32>,
    %gather3A_1306 = tpu.vector_load_idx %arg11[%broadcast_in_dim3A_1303, %add3A_1211] : memref<16x128xf32, #tpu.memory_space<vmem>>[vector<16xi32>, vector<16xi32>], vector<16xf32>,
    %gather3A_1307 = tpu.vector_load_idx %arg8[%broadcast_in_dim3A_1303, %gather3A_1304, %add3A_1211] : memref<16x48x128xf32, #tpu.memory_space<vmem>>[vector<16xi32>, vector<16xi32>, vector<16xi32>], vector<16xf32>,
    %sub3A_1308 = arith.constant 1.000000e+00 : f32
    %sub3A_1309 = vector.broadcast %sub3A_1308 : f32 to vector<16xf32>
    %sub3A_1310 = arith.subf %sub3A_1309, %gather3A_1305 : vector<16xf32>
    %mul3A_1311 = arith.constant -1.000000e+05 : f32
    %mul3A_1312 = vector.broadcast %mul3A_1311 : f32 to vector<16xf32>
    %mul3A_1313 = arith.mulf %sub3A_1310, %mul3A_1312 : vector<16xf32>
    %add3A_1314 = arith.addf %gather3A_1307, %mul3A_1313 : vector<16xf32>
    %add3A_1315 = arith.constant 3 : i32
    %add3A_1316 = arith.addi %mul3A_18, %add3A_1315 : i32
    %lt3A_1317 = arith.cmpi slt, %add3A_1316, %mul3A_47 : i32
    %jit3A_1318 = arith.constant -3.000000e+38 : f32
    %broadcast_in_dim3A_1319 = vector.broadcast %jit3A_1318 : f32 to vector<16xf32>
    %select_n3A_1320 = arith.select %lt3A_1317, %add3A_1314, %broadcast_in_dim3A_1319 : vector<16xf32>
    %swap3A_1321 = arith.constant 224 : index
    %swap3A_1322 = tpu.vector_load %arg12[%swap3A_1321] {strides = array<i32>} : memref<1024xf32, #tpu.memory_space<vmem>>, vector<16xf32>,
    tpu.vector_store %arg12[%swap3A_1321], %select_n3A_1320 {strides = array<i32>} : memref<1024xf32, #tpu.memory_space<vmem>>, vector<16xf32>,
    %add3A_1323 = arith.addf %select_n3A_1320, %gather3A_1306 : vector<16xf32>
    %gt3A_1324 = arith.cmpf ogt, %add3A_1323, %select_n3A_1295 : vector<16xf32>
    %select_n3A_1325 = arith.select %gt3A_1324, %add3A_1323, %select_n3A_1295 : vector<16xi1>, vector<16xf32>
    %add3A_1326 = arith.constant 3 : i32
    %add3A_1327 = arith.addi %mul3A_18, %add3A_1326 : i32
    %broadcast_in_dim3A_1328 = vector.broadcast %add3A_1327 : i32 to vector<16xi32>
    %select_n3A_1329 = arith.select %gt3A_1324, %broadcast_in_dim3A_1328, %select_n3A_1299 : vector<16xi1>, vector<16xi32>
    %select_n3A_1330 = arith.select %gt3A_1324, %select_n3A_1320, %select_n3A_1300 : vector<16xi1>, vector<16xf32>
    %max3A_1331 = arith.maximumf %max3A_1301, %select_n3A_1320 : vector<16xf32>
    %broadcast_in_dim3A_1332 = arith.constant 4 : i32
    %broadcast_in_dim3A_1333 = vector.broadcast %broadcast_in_dim3A_1332 : i32 to vector<16xi32>
    %gather3A_1334 = tpu.vector_load_idx %arg9[%broadcast_in_dim3A_1333, %add3A_1211] : memref<16x128xi32, #tpu.memory_space<vmem>>[vector<16xi32>, vector<16xi32>], vector<16xi32>,
    %gather3A_1335 = tpu.vector_load_idx %arg10[%broadcast_in_dim3A_1333, %add3A_1211] : memref<16x128xf32, #tpu.memory_space<vmem>>[vector<16xi32>, vector<16xi32>], vector<16xf32>,
    %gather3A_1336 = tpu.vector_load_idx %arg11[%broadcast_in_dim3A_1333, %add3A_1211] : memref<16x128xf32, #tpu.memory_space<vmem>>[vector<16xi32>, vector<16xi32>], vector<16xf32>,
    %gather3A_1337 = tpu.vector_load_idx %arg8[%broadcast_in_dim3A_1333, %gather3A_1334, %add3A_1211] : memref<16x48x128xf32, #tpu.memory_space<vmem>>[vector<16xi32>, vector<16xi32>, vector<16xi32>], vector<16xf32>,
    %sub3A_1338 = arith.constant 1.000000e+00 : f32
    %sub3A_1339 = vector.broadcast %sub3A_1338 : f32 to vector<16xf32>
    %sub3A_1340 = arith.subf %sub3A_1339, %gather3A_1335 : vector<16xf32>
    %mul3A_1341 = arith.constant -1.000000e+05 : f32
    %mul3A_1342 = vector.broadcast %mul3A_1341 : f32 to vector<16xf32>
    %mul3A_1343 = arith.mulf %sub3A_1340, %mul3A_1342 : vector<16xf32>
    %add3A_1344 = arith.addf %gather3A_1337, %mul3A_1343 : vector<16xf32>
    %add3A_1345 = arith.constant 4 : i32
    %add3A_1346 = arith.addi %mul3A_18, %add3A_1345 : i32
    %lt3A_1347 = arith.cmpi slt, %add3A_1346, %mul3A_47 : i32
    %jit3A_1348 = arith.constant -3.000000e+38 : f32
    %broadcast_in_dim3A_1349 = vector.broadcast %jit3A_1348 : f32 to vector<16xf32>
    %select_n3A_1350 = arith.select %lt3A_1347, %add3A_1344, %broadcast_in_dim3A_1349 : vector<16xf32>
    %swap3A_1351 = arith.constant 288 : index
    %swap3A_1352 = tpu.vector_load %arg12[%swap3A_1351] {strides = array<i32>} : memref<1024xf32, #tpu.memory_space<vmem>>, vector<16xf32>,
    tpu.vector_store %arg12[%swap3A_1351], %select_n3A_1350 {strides = array<i32>} : memref<1024xf32, #tpu.memory_space<vmem>>, vector<16xf32>,
    %add3A_1353 = arith.addf %select_n3A_1350, %gather3A_1336 : vector<16xf32>
    %gt3A_1354 = arith.cmpf ogt, %add3A_1353, %select_n3A_1325 : vector<16xf32>
    %select_n3A_1355 = arith.select %gt3A_1354, %add3A_1353, %select_n3A_1325 : vector<16xi1>, vector<16xf32>
    %add3A_1356 = arith.constant 4 : i32
    %add3A_1357 = arith.addi %mul3A_18, %add3A_1356 : i32
    %broadcast_in_dim3A_1358 = vector.broadcast %add3A_1357 : i32 to vector<16xi32>
    %select_n3A_1359 = arith.select %gt3A_1354, %broadcast_in_dim3A_1358, %select_n3A_1329 : vector<16xi1>, vector<16xi32>
    %select_n3A_1360 = arith.select %gt3A_1354, %select_n3A_1350, %select_n3A_1330 : vector<16xi1>, vector<16xf32>
    %max3A_1361 = arith.maximumf %max3A_1331, %select_n3A_1350 : vector<16xf32>
    %broadcast_in_dim3A_1362 = arith.constant 5 : i32
    %broadcast_in_dim3A_1363 = vector.broadcast %broadcast_in_dim3A_1362 : i32 to vector<16xi32>
    %gather3A_1364 = tpu.vector_load_idx %arg9[%broadcast_in_dim3A_1363, %add3A_1211] : memref<16x128xi32, #tpu.memory_space<vmem>>[vector<16xi32>, vector<16xi32>], vector<16xi32>,
    %gather3A_1365 = tpu.vector_load_idx %arg10[%broadcast_in_dim3A_1363, %add3A_1211] : memref<16x128xf32, #tpu.memory_space<vmem>>[vector<16xi32>, vector<16xi32>], vector<16xf32>,
    %gather3A_1366 = tpu.vector_load_idx %arg11[%broadcast_in_dim3A_1363, %add3A_1211] : memref<16x128xf32, #tpu.memory_space<vmem>>[vector<16xi32>, vector<16xi32>], vector<16xf32>,
    %gather3A_1367 = tpu.vector_load_idx %arg8[%broadcast_in_dim3A_1363, %gather3A_1364, %add3A_1211] : memref<16x48x128xf32, #tpu.memory_space<vmem>>[vector<16xi32>, vector<16xi32>, vector<16xi32>], vector<16xf32>,
    %sub3A_1368 = arith.constant 1.000000e+00 : f32
    %sub3A_1369 = vector.broadcast %sub3A_1368 : f32 to vector<16xf32>
    %sub3A_1370 = arith.subf %sub3A_1369, %gather3A_1365 : vector<16xf32>
    %mul3A_1371 = arith.constant -1.000000e+05 : f32
    %mul3A_1372 = vector.broadcast %mul3A_1371 : f32 to vector<16xf32>
    %mul3A_1373 = arith.mulf %sub3A_1370, %mul3A_1372 : vector<16xf32>
    %add3A_1374 = arith.addf %gather3A_1367, %mul3A_1373 : vector<16xf32>
    %add3A_1375 = arith.constant 5 : i32
    %add3A_1376 = arith.addi %mul3A_18, %add3A_1375 : i32
    %lt3A_1377 = arith.cmpi slt, %add3A_1376, %mul3A_47 : i32
    %jit3A_1378 = arith.constant -3.000000e+38 : f32
    %broadcast_in_dim3A_1379 = vector.broadcast %jit3A_1378 : f32 to vector<16xf32>
    %select_n3A_1380 = arith.select %lt3A_1377, %add3A_1374, %broadcast_in_dim3A_1379 : vector<16xf32>
    %swap3A_1381 = arith.constant 352 : index
    %swap3A_1382 = tpu.vector_load %arg12[%swap3A_1381] {strides = array<i32>} : memref<1024xf32, #tpu.memory_space<vmem>>, vector<16xf32>,
    tpu.vector_store %arg12[%swap3A_1381], %select_n3A_1380 {strides = array<i32>} : memref<1024xf32, #tpu.memory_space<vmem>>, vector<16xf32>,
    %add3A_1383 = arith.addf %select_n3A_1380, %gather3A_1366 : vector<16xf32>
    %gt3A_1384 = arith.cmpf ogt, %add3A_1383, %select_n3A_1355 : vector<16xf32>
    %select_n3A_1385 = arith.select %gt3A_1384, %add3A_1383, %select_n3A_1355 : vector<16xi1>, vector<16xf32>
    %add3A_1386 = arith.constant 5 : i32
    %add3A_1387 = arith.addi %mul3A_18, %add3A_1386 : i32
    %broadcast_in_dim3A_1388 = vector.broadcast %add3A_1387 : i32 to vector<16xi32>
    %select_n3A_1389 = arith.select %gt3A_1384, %broadcast_in_dim3A_1388, %select_n3A_1359 : vector<16xi1>, vector<16xi32>
    %select_n3A_1390 = arith.select %gt3A_1384, %select_n3A_1380, %select_n3A_1360 : vector<16xi1>, vector<16xf32>
    %max3A_1391 = arith.maximumf %max3A_1361, %select_n3A_1380 : vector<16xf32>
    %broadcast_in_dim3A_1392 = arith.constant 6 : i32
    %broadcast_in_dim3A_1393 = vector.broadcast %broadcast_in_dim3A_1392 : i32 to vector<16xi32>
    %gather3A_1394 = tpu.vector_load_idx %arg9[%broadcast_in_dim3A_1393, %add3A_1211] : memref<16x128xi32, #tpu.memory_space<vmem>>[vector<16xi32>, vector<16xi32>], vector<16xi32>,
    %gather3A_1395 = tpu.vector_load_idx %arg10[%broadcast_in_dim3A_1393, %add3A_1211] : memref<16x128xf32, #tpu.memory_space<vmem>>[vector<16xi32>, vector<16xi32>], vector<16xf32>,
    %gather3A_1396 = tpu.vector_load_idx %arg11[%broadcast_in_dim3A_1393, %add3A_1211] : memref<16x128xf32, #tpu.memory_space<vmem>>[vector<16xi32>, vector<16xi32>], vector<16xf32>,
    %gather3A_1397 = tpu.vector_load_idx %arg8[%broadcast_in_dim3A_1393, %gather3A_1394, %add3A_1211] : memref<16x48x128xf32, #tpu.memory_space<vmem>>[vector<16xi32>, vector<16xi32>, vector<16xi32>], vector<16xf32>,
    %sub3A_1398 = arith.constant 1.000000e+00 : f32
    %sub3A_1399 = vector.broadcast %sub3A_1398 : f32 to vector<16xf32>
    %sub3A_1400 = arith.subf %sub3A_1399, %gather3A_1395 : vector<16xf32>
    %mul3A_1401 = arith.constant -1.000000e+05 : f32
    %mul3A_1402 = vector.broadcast %mul3A_1401 : f32 to vector<16xf32>
    %mul3A_1403 = arith.mulf %sub3A_1400, %mul3A_1402 : vector<16xf32>
    %add3A_1404 = arith.addf %gather3A_1397, %mul3A_1403 : vector<16xf32>
    %add3A_1405 = arith.constant 6 : i32
    %add3A_1406 = arith.addi %mul3A_18, %add3A_1405 : i32
    %lt3A_1407 = arith.cmpi slt, %add3A_1406, %mul3A_47 : i32
    %jit3A_1408 = arith.constant -3.000000e+38 : f32
    %broadcast_in_dim3A_1409 = vector.broadcast %jit3A_1408 : f32 to vector<16xf32>
    %select_n3A_1410 = arith.select %lt3A_1407, %add3A_1404, %broadcast_in_dim3A_1409 : vector<16xf32>
    %swap3A_1411 = arith.constant 416 : index
    %swap3A_1412 = tpu.vector_load %arg12[%swap3A_1411] {strides = array<i32>} : memref<1024xf32, #tpu.memory_space<vmem>>, vector<16xf32>,
    tpu.vector_store %arg12[%swap3A_1411], %select_n3A_1410 {strides = array<i32>} : memref<1024xf32, #tpu.memory_space<vmem>>, vector<16xf32>,
    %add3A_1413 = arith.addf %select_n3A_1410, %gather3A_1396 : vector<16xf32>
    %gt3A_1414 = arith.cmpf ogt, %add3A_1413, %select_n3A_1385 : vector<16xf32>
    %select_n3A_1415 = arith.select %gt3A_1414, %add3A_1413, %select_n3A_1385 : vector<16xi1>, vector<16xf32>
    %add3A_1416 = arith.constant 6 : i32
    %add3A_1417 = arith.addi %mul3A_18, %add3A_1416 : i32
    %broadcast_in_dim3A_1418 = vector.broadcast %add3A_1417 : i32 to vector<16xi32>
    %select_n3A_1419 = arith.select %gt3A_1414, %broadcast_in_dim3A_1418, %select_n3A_1389 : vector<16xi1>, vector<16xi32>
    %select_n3A_1420 = arith.select %gt3A_1414, %select_n3A_1410, %select_n3A_1390 : vector<16xi1>, vector<16xf32>
    %max3A_1421 = arith.maximumf %max3A_1391, %select_n3A_1410 : vector<16xf32>
    %broadcast_in_dim3A_1422 = arith.constant 7 : i32
    %broadcast_in_dim3A_1423 = vector.broadcast %broadcast_in_dim3A_1422 : i32 to vector<16xi32>
    %gather3A_1424 = tpu.vector_load_idx %arg9[%broadcast_in_dim3A_1423, %add3A_1211] : memref<16x128xi32, #tpu.memory_space<vmem>>[vector<16xi32>, vector<16xi32>], vector<16xi32>,
    %gather3A_1425 = tpu.vector_load_idx %arg10[%broadcast_in_dim3A_1423, %add3A_1211] : memref<16x128xf32, #tpu.memory_space<vmem>>[vector<16xi32>, vector<16xi32>], vector<16xf32>,
    %gather3A_1426 = tpu.vector_load_idx %arg11[%broadcast_in_dim3A_1423, %add3A_1211] : memref<16x128xf32, #tpu.memory_space<vmem>>[vector<16xi32>, vector<16xi32>], vector<16xf32>,
    %gather3A_1427 = tpu.vector_load_idx %arg8[%broadcast_in_dim3A_1423, %gather3A_1424, %add3A_1211] : memref<16x48x128xf32, #tpu.memory_space<vmem>>[vector<16xi32>, vector<16xi32>, vector<16xi32>], vector<16xf32>,
    %sub3A_1428 = arith.constant 1.000000e+00 : f32
    %sub3A_1429 = vector.broadcast %sub3A_1428 : f32 to vector<16xf32>
    %sub3A_1430 = arith.subf %sub3A_1429, %gather3A_1425 : vector<16xf32>
    %mul3A_1431 = arith.constant -1.000000e+05 : f32
    %mul3A_1432 = vector.broadcast %mul3A_1431 : f32 to vector<16xf32>
    %mul3A_1433 = arith.mulf %sub3A_1430, %mul3A_1432 : vector<16xf32>
    %add3A_1434 = arith.addf %gather3A_1427, %mul3A_1433 : vector<16xf32>
    %add3A_1435 = arith.constant 7 : i32
    %add3A_1436 = arith.addi %mul3A_18, %add3A_1435 : i32
    %lt3A_1437 = arith.cmpi slt, %add3A_1436, %mul3A_47 : i32
    %jit3A_1438 = arith.constant -3.000000e+38 : f32
    %broadcast_in_dim3A_1439 = vector.broadcast %jit3A_1438 : f32 to vector<16xf32>
    %select_n3A_1440 = arith.select %lt3A_1437, %add3A_1434, %broadcast_in_dim3A_1439 : vector<16xf32>
    %swap3A_1441 = arith.constant 480 : index
    %swap3A_1442 = tpu.vector_load %arg12[%swap3A_1441] {strides = array<i32>} : memref<1024xf32, #tpu.memory_space<vmem>>, vector<16xf32>,
    tpu.vector_store %arg12[%swap3A_1441], %select_n3A_1440 {strides = array<i32>} : memref<1024xf32, #tpu.memory_space<vmem>>, vector<16xf32>,
    %add3A_1443 = arith.addf %select_n3A_1440, %gather3A_1426 : vector<16xf32>
    %gt3A_1444 = arith.cmpf ogt, %add3A_1443, %select_n3A_1415 : vector<16xf32>
    %select_n3A_1445 = arith.select %gt3A_1444, %add3A_1443, %select_n3A_1415 : vector<16xi1>, vector<16xf32>
    %add3A_1446 = arith.constant 7 : i32
    %add3A_1447 = arith.addi %mul3A_18, %add3A_1446 : i32
    %broadcast_in_dim3A_1448 = vector.broadcast %add3A_1447 : i32 to vector<16xi32>
    %select_n3A_1449 = arith.select %gt3A_1444, %broadcast_in_dim3A_1448, %select_n3A_1419 : vector<16xi1>, vector<16xi32>
    %select_n3A_1450 = arith.select %gt3A_1444, %select_n3A_1440, %select_n3A_1420 : vector<16xi1>, vector<16xf32>
    %max3A_1451 = arith.maximumf %max3A_1421, %select_n3A_1440 : vector<16xf32>
    %broadcast_in_dim3A_1452 = arith.constant 8 : i32
    %broadcast_in_dim3A_1453 = vector.broadcast %broadcast_in_dim3A_1452 : i32 to vector<16xi32>
    %gather3A_1454 = tpu.vector_load_idx %arg9[%broadcast_in_dim3A_1453, %add3A_1211] : memref<16x128xi32, #tpu.memory_space<vmem>>[vector<16xi32>, vector<16xi32>], vector<16xi32>,
    %add3A_1455 = arith.constant 8 : i32
    %add3A_1456 = arith.addi %mul3A_18, %add3A_1455 : i32
    %lt3A_1457 = arith.cmpi slt, %add3A_1456, %mul3A_47 : i32
    %jit3A_1458 = arith.constant 0 : i32
    %broadcast_in_dim3A_1459 = vector.broadcast %jit3A_1458 : i32 to vector<16xi32>
    %select_n3A_1460 = arith.select %lt3A_1457, %gather3A_1454, %broadcast_in_dim3A_1459 : vector<16xi32>
    %gather3A_1461 = tpu.vector_load_idx %arg10[%broadcast_in_dim3A_1453, %add3A_1211] : memref<16x128xf32, #tpu.memory_space<vmem>>[vector<16xi32>, vector<16xi32>], vector<16xf32>,
    %gather3A_1462 = tpu.vector_load_idx %arg11[%broadcast_in_dim3A_1453, %add3A_1211] : memref<16x128xf32, #tpu.memory_space<vmem>>[vector<16xi32>, vector<16xi32>], vector<16xf32>,
    %gather3A_1463 = tpu.vector_load_idx %arg8[%broadcast_in_dim3A_1453, %select_n3A_1460, %add3A_1211] : memref<16x48x128xf32, #tpu.memory_space<vmem>>[vector<16xi32>, vector<16xi32>, vector<16xi32>], vector<16xf32>,
    %sub3A_1464 = arith.constant 1.000000e+00 : f32
    %sub3A_1465 = vector.broadcast %sub3A_1464 : f32 to vector<16xf32>
    %sub3A_1466 = arith.subf %sub3A_1465, %gather3A_1461 : vector<16xf32>
    %mul3A_1467 = arith.constant -1.000000e+05 : f32
    %mul3A_1468 = vector.broadcast %mul3A_1467 : f32 to vector<16xf32>
    %mul3A_1469 = arith.mulf %sub3A_1466, %mul3A_1468 : vector<16xf32>
    %add3A_1470 = arith.addf %gather3A_1463, %mul3A_1469 : vector<16xf32>
    %add3A_1471 = arith.constant 8 : i32
    %add3A_1472 = arith.addi %mul3A_18, %add3A_1471 : i32
    %lt3A_1473 = arith.cmpi slt, %add3A_1472, %mul3A_47 : i32
    %jit3A_1474 = arith.constant -3.000000e+38 : f32
    %broadcast_in_dim3A_1475 = vector.broadcast %jit3A_1474 : f32 to vector<16xf32>
    %select_n3A_1476 = arith.select %lt3A_1473, %add3A_1470, %broadcast_in_dim3A_1475 : vector<16xf32>
    %swap3A_1477 = arith.constant 544 : index
    %swap3A_1478 = tpu.vector_load %arg12[%swap3A_1477] {strides = array<i32>} : memref<1024xf32, #tpu.memory_space<vmem>>, vector<16xf32>,
    tpu.vector_store %arg12[%swap3A_1477], %select_n3A_1476 {strides = array<i32>} : memref<1024xf32, #tpu.memory_space<vmem>>, vector<16xf32>,
    %add3A_1479 = arith.addf %select_n3A_1476, %gather3A_1462 : vector<16xf32>
    %gt3A_1480 = arith.cmpf ogt, %add3A_1479, %select_n3A_1445 : vector<16xf32>
    %select_n3A_1481 = arith.select %gt3A_1480, %add3A_1479, %select_n3A_1445 : vector<16xi1>, vector<16xf32>
    %add3A_1482 = arith.constant 8 : i32
    %add3A_1483 = arith.addi %mul3A_18, %add3A_1482 : i32
    %broadcast_in_dim3A_1484 = vector.broadcast %add3A_1483 : i32 to vector<16xi32>
    %select_n3A_1485 = arith.select %gt3A_1480, %broadcast_in_dim3A_1484, %select_n3A_1449 : vector<16xi1>, vector<16xi32>
    %select_n3A_1486 = arith.select %gt3A_1480, %select_n3A_1476, %select_n3A_1450 : vector<16xi1>, vector<16xf32>
    %max3A_1487 = arith.maximumf %max3A_1451, %select_n3A_1476 : vector<16xf32>
    %broadcast_in_dim3A_1488 = arith.constant 9 : i32
    %broadcast_in_dim3A_1489 = vector.broadcast %broadcast_in_dim3A_1488 : i32 to vector<16xi32>
    %gather3A_1490 = tpu.vector_load_idx %arg9[%broadcast_in_dim3A_1489, %add3A_1211] : memref<16x128xi32, #tpu.memory_space<vmem>>[vector<16xi32>, vector<16xi32>], vector<16xi32>,
    %add3A_1491 = arith.constant 9 : i32
    %add3A_1492 = arith.addi %mul3A_18, %add3A_1491 : i32
    %lt3A_1493 = arith.cmpi slt, %add3A_1492, %mul3A_47 : i32
    %jit3A_1494 = arith.constant 0 : i32
    %broadcast_in_dim3A_1495 = vector.broadcast %jit3A_1494 : i32 to vector<16xi32>
    %select_n3A_1496 = arith.select %lt3A_1493, %gather3A_1490, %broadcast_in_dim3A_1495 : vector<16xi32>
    %gather3A_1497 = tpu.vector_load_idx %arg10[%broadcast_in_dim3A_1489, %add3A_1211] : memref<16x128xf32, #tpu.memory_space<vmem>>[vector<16xi32>, vector<16xi32>], vector<16xf32>,
    %gather3A_1498 = tpu.vector_load_idx %arg11[%broadcast_in_dim3A_1489, %add3A_1211] : memref<16x128xf32, #tpu.memory_space<vmem>>[vector<16xi32>, vector<16xi32>], vector<16xf32>,
    %gather3A_1499 = tpu.vector_load_idx %arg8[%broadcast_in_dim3A_1489, %select_n3A_1496, %add3A_1211] : memref<16x48x128xf32, #tpu.memory_space<vmem>>[vector<16xi32>, vector<16xi32>, vector<16xi32>], vector<16xf32>,
    %sub3A_1500 = arith.constant 1.000000e+00 : f32
    %sub3A_1501 = vector.broadcast %sub3A_1500 : f32 to vector<16xf32>
    %sub3A_1502 = arith.subf %sub3A_1501, %gather3A_1497 : vector<16xf32>
    %mul3A_1503 = arith.constant -1.000000e+05 : f32
    %mul3A_1504 = vector.broadcast %mul3A_1503 : f32 to vector<16xf32>
    %mul3A_1505 = arith.mulf %sub3A_1502, %mul3A_1504 : vector<16xf32>
    %add3A_1506 = arith.addf %gather3A_1499, %mul3A_1505 : vector<16xf32>
    %add3A_1507 = arith.constant 9 : i32
    %add3A_1508 = arith.addi %mul3A_18, %add3A_1507 : i32
    %lt3A_1509 = arith.cmpi slt, %add3A_1508, %mul3A_47 : i32
    %jit3A_1510 = arith.constant -3.000000e+38 : f32
    %broadcast_in_dim3A_1511 = vector.broadcast %jit3A_1510 : f32 to vector<16xf32>
    %select_n3A_1512 = arith.select %lt3A_1509, %add3A_1506, %broadcast_in_dim3A_1511 : vector<16xf32>
    %swap3A_1513 = arith.constant 608 : index
    %swap3A_1514 = tpu.vector_load %arg12[%swap3A_1513] {strides = array<i32>} : memref<1024xf32, #tpu.memory_space<vmem>>, vector<16xf32>,
    tpu.vector_store %arg12[%swap3A_1513], %select_n3A_1512 {strides = array<i32>} : memref<1024xf32, #tpu.memory_space<vmem>>, vector<16xf32>,
    %add3A_1515 = arith.addf %select_n3A_1512, %gather3A_1498 : vector<16xf32>
    %gt3A_1516 = arith.cmpf ogt, %add3A_1515, %select_n3A_1481 : vector<16xf32>
    %select_n3A_1517 = arith.select %gt3A_1516, %add3A_1515, %select_n3A_1481 : vector<16xi1>, vector<16xf32>
    %add3A_1518 = arith.constant 9 : i32
    %add3A_1519 = arith.addi %mul3A_18, %add3A_1518 : i32
    %broadcast_in_dim3A_1520 = vector.broadcast %add3A_1519 : i32 to vector<16xi32>
    %select_n3A_1521 = arith.select %gt3A_1516, %broadcast_in_dim3A_1520, %select_n3A_1485 : vector<16xi1>, vector<16xi32>
    %select_n3A_1522 = arith.select %gt3A_1516, %select_n3A_1512, %select_n3A_1486 : vector<16xi1>, vector<16xf32>
    %max3A_1523 = arith.maximumf %max3A_1487, %select_n3A_1512 : vector<16xf32>
    %broadcast_in_dim3A_1524 = arith.constant 10 : i32
    %broadcast_in_dim3A_1525 = vector.broadcast %broadcast_in_dim3A_1524 : i32 to vector<16xi32>
    %gather3A_1526 = tpu.vector_load_idx %arg9[%broadcast_in_dim3A_1525, %add3A_1211] : memref<16x128xi32, #tpu.memory_space<vmem>>[vector<16xi32>, vector<16xi32>], vector<16xi32>,
    %add3A_1527 = arith.constant 10 : i32
    %add3A_1528 = arith.addi %mul3A_18, %add3A_1527 : i32
    %lt3A_1529 = arith.cmpi slt, %add3A_1528, %mul3A_47 : i32
    %jit3A_1530 = arith.constant 0 : i32
    %broadcast_in_dim3A_1531 = vector.broadcast %jit3A_1530 : i32 to vector<16xi32>
    %select_n3A_1532 = arith.select %lt3A_1529, %gather3A_1526, %broadcast_in_dim3A_1531 : vector<16xi32>
    %gather3A_1533 = tpu.vector_load_idx %arg10[%broadcast_in_dim3A_1525, %add3A_1211] : memref<16x128xf32, #tpu.memory_space<vmem>>[vector<16xi32>, vector<16xi32>], vector<16xf32>,
    %gather3A_1534 = tpu.vector_load_idx %arg11[%broadcast_in_dim3A_1525, %add3A_1211] : memref<16x128xf32, #tpu.memory_space<vmem>>[vector<16xi32>, vector<16xi32>], vector<16xf32>,
    %gather3A_1535 = tpu.vector_load_idx %arg8[%broadcast_in_dim3A_1525, %select_n3A_1532, %add3A_1211] : memref<16x48x128xf32, #tpu.memory_space<vmem>>[vector<16xi32>, vector<16xi32>, vector<16xi32>], vector<16xf32>,
    %sub3A_1536 = arith.constant 1.000000e+00 : f32
    %sub3A_1537 = vector.broadcast %sub3A_1536 : f32 to vector<16xf32>
    %sub3A_1538 = arith.subf %sub3A_1537, %gather3A_1533 : vector<16xf32>
    %mul3A_1539 = arith.constant -1.000000e+05 : f32
    %mul3A_1540 = vector.broadcast %mul3A_1539 : f32 to vector<16xf32>
    %mul3A_1541 = arith.mulf %sub3A_1538, %mul3A_1540 : vector<16xf32>
    %add3A_1542 = arith.addf %gather3A_1535, %mul3A_1541 : vector<16xf32>
    %add3A_1543 = arith.constant 10 : i32
    %add3A_1544 = arith.addi %mul3A_18, %add3A_1543 : i32
    %lt3A_1545 = arith.cmpi slt, %add3A_1544, %mul3A_47 : i32
    %jit3A_1546 = arith.constant -3.000000e+38 : f32
    %broadcast_in_dim3A_1547 = vector.broadcast %jit3A_1546 : f32 to vector<16xf32>
    %select_n3A_1548 = arith.select %lt3A_1545, %add3A_1542, %broadcast_in_dim3A_1547 : vector<16xf32>
    %swap3A_1549 = arith.constant 672 : index
    %swap3A_1550 = tpu.vector_load %arg12[%swap3A_1549] {strides = array<i32>} : memref<1024xf32, #tpu.memory_space<vmem>>, vector<16xf32>,
    tpu.vector_store %arg12[%swap3A_1549], %select_n3A_1548 {strides = array<i32>} : memref<1024xf32, #tpu.memory_space<vmem>>, vector<16xf32>,
    %add3A_1551 = arith.addf %select_n3A_1548, %gather3A_1534 : vector<16xf32>
    %gt3A_1552 = arith.cmpf ogt, %add3A_1551, %select_n3A_1517 : vector<16xf32>
    %select_n3A_1553 = arith.select %gt3A_1552, %add3A_1551, %select_n3A_1517 : vector<16xi1>, vector<16xf32>
    %add3A_1554 = arith.constant 10 : i32
    %add3A_1555 = arith.addi %mul3A_18, %add3A_1554 : i32
    %broadcast_in_dim3A_1556 = vector.broadcast %add3A_1555 : i32 to vector<16xi32>
    %select_n3A_1557 = arith.select %gt3A_1552, %broadcast_in_dim3A_1556, %select_n3A_1521 : vector<16xi1>, vector<16xi32>
    %select_n3A_1558 = arith.select %gt3A_1552, %select_n3A_1548, %select_n3A_1522 : vector<16xi1>, vector<16xf32>
    %max3A_1559 = arith.maximumf %max3A_1523, %select_n3A_1548 : vector<16xf32>
    %broadcast_in_dim3A_1560 = arith.constant 11 : i32
    %broadcast_in_dim3A_1561 = vector.broadcast %broadcast_in_dim3A_1560 : i32 to vector<16xi32>
    %gather3A_1562 = tpu.vector_load_idx %arg9[%broadcast_in_dim3A_1561, %add3A_1211] : memref<16x128xi32, #tpu.memory_space<vmem>>[vector<16xi32>, vector<16xi32>], vector<16xi32>,
    %add3A_1563 = arith.constant 11 : i32
    %add3A_1564 = arith.addi %mul3A_18, %add3A_1563 : i32
    %lt3A_1565 = arith.cmpi slt, %add3A_1564, %mul3A_47 : i32
    %jit3A_1566 = arith.constant 0 : i32
    %broadcast_in_dim3A_1567 = vector.broadcast %jit3A_1566 : i32 to vector<16xi32>
    %select_n3A_1568 = arith.select %lt3A_1565, %gather3A_1562, %broadcast_in_dim3A_1567 : vector<16xi32>
    %gather3A_1569 = tpu.vector_load_idx %arg10[%broadcast_in_dim3A_1561, %add3A_1211] : memref<16x128xf32, #tpu.memory_space<vmem>>[vector<16xi32>, vector<16xi32>], vector<16xf32>,
    %gather3A_1570 = tpu.vector_load_idx %arg11[%broadcast_in_dim3A_1561, %add3A_1211] : memref<16x128xf32, #tpu.memory_space<vmem>>[vector<16xi32>, vector<16xi32>], vector<16xf32>,
    %gather3A_1571 = tpu.vector_load_idx %arg8[%broadcast_in_dim3A_1561, %select_n3A_1568, %add3A_1211] : memref<16x48x128xf32, #tpu.memory_space<vmem>>[vector<16xi32>, vector<16xi32>, vector<16xi32>], vector<16xf32>,
    %sub3A_1572 = arith.constant 1.000000e+00 : f32
    %sub3A_1573 = vector.broadcast %sub3A_1572 : f32 to vector<16xf32>
    %sub3A_1574 = arith.subf %sub3A_1573, %gather3A_1569 : vector<16xf32>
    %mul3A_1575 = arith.constant -1.000000e+05 : f32
    %mul3A_1576 = vector.broadcast %mul3A_1575 : f32 to vector<16xf32>
    %mul3A_1577 = arith.mulf %sub3A_1574, %mul3A_1576 : vector<16xf32>
    %add3A_1578 = arith.addf %gather3A_1571, %mul3A_1577 : vector<16xf32>
    %add3A_1579 = arith.constant 11 : i32
    %add3A_1580 = arith.addi %mul3A_18, %add3A_1579 : i32
    %lt3A_1581 = arith.cmpi slt, %add3A_1580, %mul3A_47 : i32
    %jit3A_1582 = arith.constant -3.000000e+38 : f32
    %broadcast_in_dim3A_1583 = vector.broadcast %jit3A_1582 : f32 to vector<16xf32>
    %select_n3A_1584 = arith.select %lt3A_1581, %add3A_1578, %broadcast_in_dim3A_1583 : vector<16xf32>
    %swap3A_1585 = arith.constant 736 : index
    %swap3A_1586 = tpu.vector_load %arg12[%swap3A_1585] {strides = array<i32>} : memref<1024xf32, #tpu.memory_space<vmem>>, vector<16xf32>,
    tpu.vector_store %arg12[%swap3A_1585], %select_n3A_1584 {strides = array<i32>} : memref<1024xf32, #tpu.memory_space<vmem>>, vector<16xf32>,
    %add3A_1587 = arith.addf %select_n3A_1584, %gather3A_1570 : vector<16xf32>
    %gt3A_1588 = arith.cmpf ogt, %add3A_1587, %select_n3A_1553 : vector<16xf32>
    %select_n3A_1589 = arith.select %gt3A_1588, %add3A_1587, %select_n3A_1553 : vector<16xi1>, vector<16xf32>
    %add3A_1590 = arith.constant 11 : i32
    %add3A_1591 = arith.addi %mul3A_18, %add3A_1590 : i32
    %broadcast_in_dim3A_1592 = vector.broadcast %add3A_1591 : i32 to vector<16xi32>
    %select_n3A_1593 = arith.select %gt3A_1588, %broadcast_in_dim3A_1592, %select_n3A_1557 : vector<16xi1>, vector<16xi32>
    %select_n3A_1594 = arith.select %gt3A_1588, %select_n3A_1584, %select_n3A_1558 : vector<16xi1>, vector<16xf32>
    %max3A_1595 = arith.maximumf %max3A_1559, %select_n3A_1584 : vector<16xf32>
    %broadcast_in_dim3A_1596 = arith.constant 12 : i32
    %broadcast_in_dim3A_1597 = vector.broadcast %broadcast_in_dim3A_1596 : i32 to vector<16xi32>
    %gather3A_1598 = tpu.vector_load_idx %arg9[%broadcast_in_dim3A_1597, %add3A_1211] : memref<16x128xi32, #tpu.memory_space<vmem>>[vector<16xi32>, vector<16xi32>], vector<16xi32>,
    %add3A_1599 = arith.constant 12 : i32
    %add3A_1600 = arith.addi %mul3A_18, %add3A_1599 : i32
    %lt3A_1601 = arith.cmpi slt, %add3A_1600, %mul3A_47 : i32
    %jit3A_1602 = arith.constant 0 : i32
    %broadcast_in_dim3A_1603 = vector.broadcast %jit3A_1602 : i32 to vector<16xi32>
    %select_n3A_1604 = arith.select %lt3A_1601, %gather3A_1598, %broadcast_in_dim3A_1603 : vector<16xi32>
    %gather3A_1605 = tpu.vector_load_idx %arg10[%broadcast_in_dim3A_1597, %add3A_1211] : memref<16x128xf32, #tpu.memory_space<vmem>>[vector<16xi32>, vector<16xi32>], vector<16xf32>,
    %gather3A_1606 = tpu.vector_load_idx %arg11[%broadcast_in_dim3A_1597, %add3A_1211] : memref<16x128xf32, #tpu.memory_space<vmem>>[vector<16xi32>, vector<16xi32>], vector<16xf32>,
    %gather3A_1607 = tpu.vector_load_idx %arg8[%broadcast_in_dim3A_1597, %select_n3A_1604, %add3A_1211] : memref<16x48x128xf32, #tpu.memory_space<vmem>>[vector<16xi32>, vector<16xi32>, vector<16xi32>], vector<16xf32>,
    %sub3A_1608 = arith.constant 1.000000e+00 : f32
    %sub3A_1609 = vector.broadcast %sub3A_1608 : f32 to vector<16xf32>
    %sub3A_1610 = arith.subf %sub3A_1609, %gather3A_1605 : vector<16xf32>
    %mul3A_1611 = arith.constant -1.000000e+05 : f32
    %mul3A_1612 = vector.broadcast %mul3A_1611 : f32 to vector<16xf32>
    %mul3A_1613 = arith.mulf %sub3A_1610, %mul3A_1612 : vector<16xf32>
    %add3A_1614 = arith.addf %gather3A_1607, %mul3A_1613 : vector<16xf32>
    %add3A_1615 = arith.constant 12 : i32
    %add3A_1616 = arith.addi %mul3A_18, %add3A_1615 : i32
    %lt3A_1617 = arith.cmpi slt, %add3A_1616, %mul3A_47 : i32
    %jit3A_1618 = arith.constant -3.000000e+38 : f32
    %broadcast_in_dim3A_1619 = vector.broadcast %jit3A_1618 : f32 to vector<16xf32>
    %select_n3A_1620 = arith.select %lt3A_1617, %add3A_1614, %broadcast_in_dim3A_1619 : vector<16xf32>
    %swap3A_1621 = arith.constant 800 : index
    %swap3A_1622 = tpu.vector_load %arg12[%swap3A_1621] {strides = array<i32>} : memref<1024xf32, #tpu.memory_space<vmem>>, vector<16xf32>,
    tpu.vector_store %arg12[%swap3A_1621], %select_n3A_1620 {strides = array<i32>} : memref<1024xf32, #tpu.memory_space<vmem>>, vector<16xf32>,
    %add3A_1623 = arith.addf %select_n3A_1620, %gather3A_1606 : vector<16xf32>
    %gt3A_1624 = arith.cmpf ogt, %add3A_1623, %select_n3A_1589 : vector<16xf32>
    %select_n3A_1625 = arith.select %gt3A_1624, %add3A_1623, %select_n3A_1589 : vector<16xi1>, vector<16xf32>
    %add3A_1626 = arith.constant 12 : i32
    %add3A_1627 = arith.addi %mul3A_18, %add3A_1626 : i32
    %broadcast_in_dim3A_1628 = vector.broadcast %add3A_1627 : i32 to vector<16xi32>
    %select_n3A_1629 = arith.select %gt3A_1624, %broadcast_in_dim3A_1628, %select_n3A_1593 : vector<16xi1>, vector<16xi32>
    %select_n3A_1630 = arith.select %gt3A_1624, %select_n3A_1620, %select_n3A_1594 : vector<16xi1>, vector<16xf32>
    %max3A_1631 = arith.maximumf %max3A_1595, %select_n3A_1620 : vector<16xf32>
    %broadcast_in_dim3A_1632 = arith.constant 13 : i32
    %broadcast_in_dim3A_1633 = vector.broadcast %broadcast_in_dim3A_1632 : i32 to vector<16xi32>
    %gather3A_1634 = tpu.vector_load_idx %arg9[%broadcast_in_dim3A_1633, %add3A_1211] : memref<16x128xi32, #tpu.memory_space<vmem>>[vector<16xi32>, vector<16xi32>], vector<16xi32>,
    %add3A_1635 = arith.constant 13 : i32
    %add3A_1636 = arith.addi %mul3A_18, %add3A_1635 : i32
    %lt3A_1637 = arith.cmpi slt, %add3A_1636, %mul3A_47 : i32
    %jit3A_1638 = arith.constant 0 : i32
    %broadcast_in_dim3A_1639 = vector.broadcast %jit3A_1638 : i32 to vector<16xi32>
    %select_n3A_1640 = arith.select %lt3A_1637, %gather3A_1634, %broadcast_in_dim3A_1639 : vector<16xi32>
    %gather3A_1641 = tpu.vector_load_idx %arg10[%broadcast_in_dim3A_1633, %add3A_1211] : memref<16x128xf32, #tpu.memory_space<vmem>>[vector<16xi32>, vector<16xi32>], vector<16xf32>,
    %gather3A_1642 = tpu.vector_load_idx %arg11[%broadcast_in_dim3A_1633, %add3A_1211] : memref<16x128xf32, #tpu.memory_space<vmem>>[vector<16xi32>, vector<16xi32>], vector<16xf32>,
    %gather3A_1643 = tpu.vector_load_idx %arg8[%broadcast_in_dim3A_1633, %select_n3A_1640, %add3A_1211] : memref<16x48x128xf32, #tpu.memory_space<vmem>>[vector<16xi32>, vector<16xi32>, vector<16xi32>], vector<16xf32>,
    %sub3A_1644 = arith.constant 1.000000e+00 : f32
    %sub3A_1645 = vector.broadcast %sub3A_1644 : f32 to vector<16xf32>
    %sub3A_1646 = arith.subf %sub3A_1645, %gather3A_1641 : vector<16xf32>
    %mul3A_1647 = arith.constant -1.000000e+05 : f32
    %mul3A_1648 = vector.broadcast %mul3A_1647 : f32 to vector<16xf32>
    %mul3A_1649 = arith.mulf %sub3A_1646, %mul3A_1648 : vector<16xf32>
    %add3A_1650 = arith.addf %gather3A_1643, %mul3A_1649 : vector<16xf32>
    %add3A_1651 = arith.constant 13 : i32
    %add3A_1652 = arith.addi %mul3A_18, %add3A_1651 : i32
    %lt3A_1653 = arith.cmpi slt, %add3A_1652, %mul3A_47 : i32
    %jit3A_1654 = arith.constant -3.000000e+38 : f32
    %broadcast_in_dim3A_1655 = vector.broadcast %jit3A_1654 : f32 to vector<16xf32>
    %select_n3A_1656 = arith.select %lt3A_1653, %add3A_1650, %broadcast_in_dim3A_1655 : vector<16xf32>
    %swap3A_1657 = arith.constant 864 : index
    %swap3A_1658 = tpu.vector_load %arg12[%swap3A_1657] {strides = array<i32>} : memref<1024xf32, #tpu.memory_space<vmem>>, vector<16xf32>,
    tpu.vector_store %arg12[%swap3A_1657], %select_n3A_1656 {strides = array<i32>} : memref<1024xf32, #tpu.memory_space<vmem>>, vector<16xf32>,
    %add3A_1659 = arith.addf %select_n3A_1656, %gather3A_1642 : vector<16xf32>
    %gt3A_1660 = arith.cmpf ogt, %add3A_1659, %select_n3A_1625 : vector<16xf32>
    %select_n3A_1661 = arith.select %gt3A_1660, %add3A_1659, %select_n3A_1625 : vector<16xi1>, vector<16xf32>
    %add3A_1662 = arith.constant 13 : i32
    %add3A_1663 = arith.addi %mul3A_18, %add3A_1662 : i32
    %broadcast_in_dim3A_1664 = vector.broadcast %add3A_1663 : i32 to vector<16xi32>
    %select_n3A_1665 = arith.select %gt3A_1660, %broadcast_in_dim3A_1664, %select_n3A_1629 : vector<16xi1>, vector<16xi32>
    %select_n3A_1666 = arith.select %gt3A_1660, %select_n3A_1656, %select_n3A_1630 : vector<16xi1>, vector<16xf32>
    %max3A_1667 = arith.maximumf %max3A_1631, %select_n3A_1656 : vector<16xf32>
    %broadcast_in_dim3A_1668 = arith.constant 14 : i32
    %broadcast_in_dim3A_1669 = vector.broadcast %broadcast_in_dim3A_1668 : i32 to vector<16xi32>
    %gather3A_1670 = tpu.vector_load_idx %arg9[%broadcast_in_dim3A_1669, %add3A_1211] : memref<16x128xi32, #tpu.memory_space<vmem>>[vector<16xi32>, vector<16xi32>], vector<16xi32>,
    %add3A_1671 = arith.constant 14 : i32
    %add3A_1672 = arith.addi %mul3A_18, %add3A_1671 : i32
    %lt3A_1673 = arith.cmpi slt, %add3A_1672, %mul3A_47 : i32
    %jit3A_1674 = arith.constant 0 : i32
    %broadcast_in_dim3A_1675 = vector.broadcast %jit3A_1674 : i32 to vector<16xi32>
    %select_n3A_1676 = arith.select %lt3A_1673, %gather3A_1670, %broadcast_in_dim3A_1675 : vector<16xi32>
    %gather3A_1677 = tpu.vector_load_idx %arg10[%broadcast_in_dim3A_1669, %add3A_1211] : memref<16x128xf32, #tpu.memory_space<vmem>>[vector<16xi32>, vector<16xi32>], vector<16xf32>,
    %gather3A_1678 = tpu.vector_load_idx %arg11[%broadcast_in_dim3A_1669, %add3A_1211] : memref<16x128xf32, #tpu.memory_space<vmem>>[vector<16xi32>, vector<16xi32>], vector<16xf32>,
    %gather3A_1679 = tpu.vector_load_idx %arg8[%broadcast_in_dim3A_1669, %select_n3A_1676, %add3A_1211] : memref<16x48x128xf32, #tpu.memory_space<vmem>>[vector<16xi32>, vector<16xi32>, vector<16xi32>], vector<16xf32>,
    %sub3A_1680 = arith.constant 1.000000e+00 : f32
    %sub3A_1681 = vector.broadcast %sub3A_1680 : f32 to vector<16xf32>
    %sub3A_1682 = arith.subf %sub3A_1681, %gather3A_1677 : vector<16xf32>
    %mul3A_1683 = arith.constant -1.000000e+05 : f32
    %mul3A_1684 = vector.broadcast %mul3A_1683 : f32 to vector<16xf32>
    %mul3A_1685 = arith.mulf %sub3A_1682, %mul3A_1684 : vector<16xf32>
    %add3A_1686 = arith.addf %gather3A_1679, %mul3A_1685 : vector<16xf32>
    %add3A_1687 = arith.constant 14 : i32
    %add3A_1688 = arith.addi %mul3A_18, %add3A_1687 : i32
    %lt3A_1689 = arith.cmpi slt, %add3A_1688, %mul3A_47 : i32
    %jit3A_1690 = arith.constant -3.000000e+38 : f32
    %broadcast_in_dim3A_1691 = vector.broadcast %jit3A_1690 : f32 to vector<16xf32>
    %select_n3A_1692 = arith.select %lt3A_1689, %add3A_1686, %broadcast_in_dim3A_1691 : vector<16xf32>
    %swap3A_1693 = arith.constant 928 : index
    %swap3A_1694 = tpu.vector_load %arg12[%swap3A_1693] {strides = array<i32>} : memref<1024xf32, #tpu.memory_space<vmem>>, vector<16xf32>,
    tpu.vector_store %arg12[%swap3A_1693], %select_n3A_1692 {strides = array<i32>} : memref<1024xf32, #tpu.memory_space<vmem>>, vector<16xf32>,
    %add3A_1695 = arith.addf %select_n3A_1692, %gather3A_1678 : vector<16xf32>
    %gt3A_1696 = arith.cmpf ogt, %add3A_1695, %select_n3A_1661 : vector<16xf32>
    %select_n3A_1697 = arith.select %gt3A_1696, %add3A_1695, %select_n3A_1661 : vector<16xi1>, vector<16xf32>
    %add3A_1698 = arith.constant 14 : i32
    %add3A_1699 = arith.addi %mul3A_18, %add3A_1698 : i32
    %broadcast_in_dim3A_1700 = vector.broadcast %add3A_1699 : i32 to vector<16xi32>
    %select_n3A_1701 = arith.select %gt3A_1696, %broadcast_in_dim3A_1700, %select_n3A_1665 : vector<16xi1>, vector<16xi32>
    %select_n3A_1702 = arith.select %gt3A_1696, %select_n3A_1692, %select_n3A_1666 : vector<16xi1>, vector<16xf32>
    %max3A_1703 = arith.maximumf %max3A_1667, %select_n3A_1692 : vector<16xf32>
    %broadcast_in_dim3A_1704 = arith.constant 15 : i32
    %broadcast_in_dim3A_1705 = vector.broadcast %broadcast_in_dim3A_1704 : i32 to vector<16xi32>
    %gather3A_1706 = tpu.vector_load_idx %arg9[%broadcast_in_dim3A_1705, %add3A_1211] : memref<16x128xi32, #tpu.memory_space<vmem>>[vector<16xi32>, vector<16xi32>], vector<16xi32>,
    %add3A_1707 = arith.constant 15 : i32
    %add3A_1708 = arith.addi %mul3A_18, %add3A_1707 : i32
    %lt3A_1709 = arith.cmpi slt, %add3A_1708, %mul3A_47 : i32
    %jit3A_1710 = arith.constant 0 : i32
    %broadcast_in_dim3A_1711 = vector.broadcast %jit3A_1710 : i32 to vector<16xi32>
    %select_n3A_1712 = arith.select %lt3A_1709, %gather3A_1706, %broadcast_in_dim3A_1711 : vector<16xi32>
    %gather3A_1713 = tpu.vector_load_idx %arg10[%broadcast_in_dim3A_1705, %add3A_1211] : memref<16x128xf32, #tpu.memory_space<vmem>>[vector<16xi32>, vector<16xi32>], vector<16xf32>,
    %gather3A_1714 = tpu.vector_load_idx %arg11[%broadcast_in_dim3A_1705, %add3A_1211] : memref<16x128xf32, #tpu.memory_space<vmem>>[vector<16xi32>, vector<16xi32>], vector<16xf32>,
    %gather3A_1715 = tpu.vector_load_idx %arg8[%broadcast_in_dim3A_1705, %select_n3A_1712, %add3A_1211] : memref<16x48x128xf32, #tpu.memory_space<vmem>>[vector<16xi32>, vector<16xi32>, vector<16xi32>], vector<16xf32>,
    %sub3A_1716 = arith.constant 1.000000e+00 : f32
    %sub3A_1717 = vector.broadcast %sub3A_1716 : f32 to vector<16xf32>
    %sub3A_1718 = arith.subf %sub3A_1717, %gather3A_1713 : vector<16xf32>
    %mul3A_1719 = arith.constant -1.000000e+05 : f32
    %mul3A_1720 = vector.broadcast %mul3A_1719 : f32 to vector<16xf32>
    %mul3A_1721 = arith.mulf %sub3A_1718, %mul3A_1720 : vector<16xf32>
    %add3A_1722 = arith.addf %gather3A_1715, %mul3A_1721 : vector<16xf32>
    %add3A_1723 = arith.constant 15 : i32
    %add3A_1724 = arith.addi %mul3A_18, %add3A_1723 : i32
    %lt3A_1725 = arith.cmpi slt, %add3A_1724, %mul3A_47 : i32
    %jit3A_1726 = arith.constant -3.000000e+38 : f32
    %broadcast_in_dim3A_1727 = vector.broadcast %jit3A_1726 : f32 to vector<16xf32>
    %select_n3A_1728 = arith.select %lt3A_1725, %add3A_1722, %broadcast_in_dim3A_1727 : vector<16xf32>
    %swap3A_1729 = arith.constant 992 : index
    %swap3A_1730 = tpu.vector_load %arg12[%swap3A_1729] {strides = array<i32>} : memref<1024xf32, #tpu.memory_space<vmem>>, vector<16xf32>,
    tpu.vector_store %arg12[%swap3A_1729], %select_n3A_1728 {strides = array<i32>} : memref<1024xf32, #tpu.memory_space<vmem>>, vector<16xf32>,
    %add3A_1731 = arith.addf %select_n3A_1728, %gather3A_1714 : vector<16xf32>
    %gt3A_1732 = arith.cmpf ogt, %add3A_1731, %select_n3A_1697 : vector<16xf32>
    %select_n3A_1733 = arith.select %gt3A_1732, %add3A_1731, %select_n3A_1697 : vector<16xi1>, vector<16xf32>
    %add3A_1734 = arith.constant 15 : i32
    %add3A_1735 = arith.addi %mul3A_18, %add3A_1734 : i32
    %broadcast_in_dim3A_1736 = vector.broadcast %add3A_1735 : i32 to vector<16xi32>
    %select_n3A_1737 = arith.select %gt3A_1732, %broadcast_in_dim3A_1736, %select_n3A_1701 : vector<16xi1>, vector<16xi32>
    %select_n3A_1738 = arith.select %gt3A_1732, %select_n3A_1728, %select_n3A_1702 : vector<16xi1>, vector<16xf32>
    %max3A_1739 = arith.maximumf %max3A_1703, %select_n3A_1728 : vector<16xf32>
    %mul3A_1740 = arith.constant 64 : i32
    %mul3A_1741 = arith.muli %arg0, %mul3A_1740 : i32
    %add3A_1742 = arith.constant 48 : i32
    %add3A_1743 = arith.addi %mul3A_1741, %add3A_1742 : i32
    %add3A_1744 = vector.broadcast %add3A_1743 : i32 to vector<16xi32>
    %add3A_1745 = arith.addi %add3A_1744, %iota3A : vector<16xi32>
    %broadcast_in_dim3A_1746 = arith.constant 0 : i32
    %broadcast_in_dim3A_1747 = vector.broadcast %broadcast_in_dim3A_1746 : i32 to vector<16xi32>
    %gather3A_1748 = tpu.vector_load_idx %arg9[%broadcast_in_dim3A_1747, %add3A_1745] : memref<16x128xi32, #tpu.memory_space<vmem>>[vector<16xi32>, vector<16xi32>], vector<16xi32>,
    %gather3A_1749 = tpu.vector_load_idx %arg10[%broadcast_in_dim3A_1747, %add3A_1745] : memref<16x128xf32, #tpu.memory_space<vmem>>[vector<16xi32>, vector<16xi32>], vector<16xf32>,
    %gather3A_1750 = tpu.vector_load_idx %arg11[%broadcast_in_dim3A_1747, %add3A_1745] : memref<16x128xf32, #tpu.memory_space<vmem>>[vector<16xi32>, vector<16xi32>], vector<16xf32>,
    %gather3A_1751 = tpu.vector_load_idx %arg8[%broadcast_in_dim3A_1747, %gather3A_1748, %add3A_1745] : memref<16x48x128xf32, #tpu.memory_space<vmem>>[vector<16xi32>, vector<16xi32>, vector<16xi32>], vector<16xf32>,
    %sub3A_1752 = arith.constant 1.000000e+00 : f32
    %sub3A_1753 = vector.broadcast %sub3A_1752 : f32 to vector<16xf32>
    %sub3A_1754 = arith.subf %sub3A_1753, %gather3A_1749 : vector<16xf32>
    %mul3A_1755 = arith.constant -1.000000e+05 : f32
    %mul3A_1756 = vector.broadcast %mul3A_1755 : f32 to vector<16xf32>
    %mul3A_1757 = arith.mulf %sub3A_1754, %mul3A_1756 : vector<16xf32>
    %add3A_1758 = arith.addf %gather3A_1751, %mul3A_1757 : vector<16xf32>
    %add3A_1759 = arith.constant 0 : i32
    %add3A_1760 = arith.addi %mul3A_18, %add3A_1759 : i32
    %lt3A_1761 = arith.cmpi slt, %add3A_1760, %mul3A_47 : i32
    %jit3A_1762 = arith.constant -3.000000e+38 : f32
    %broadcast_in_dim3A_1763 = vector.broadcast %jit3A_1762 : f32 to vector<16xf32>
    %select_n3A_1764 = arith.select %lt3A_1761, %add3A_1758, %broadcast_in_dim3A_1763 : vector<16xf32>
    %swap3A_1765 = arith.constant 48 : index
    %swap3A_1766 = tpu.vector_load %arg12[%swap3A_1765] {strides = array<i32>} : memref<1024xf32, #tpu.memory_space<vmem>>, vector<16xf32>,
    tpu.vector_store %arg12[%swap3A_1765], %select_n3A_1764 {strides = array<i32>} : memref<1024xf32, #tpu.memory_space<vmem>>, vector<16xf32>,
    %add3A_1767 = arith.addf %select_n3A_1764, %gather3A_1750 : vector<16xf32>
    %gt3A_1768 = arith.cmpf ogt, %add3A_1767, %broadcast_in_dim3A_118 : vector<16xf32>
    %select_n3A_1769 = arith.select %gt3A_1768, %add3A_1767, %broadcast_in_dim3A_118 : vector<16xi1>, vector<16xf32>
    %add3A_1770 = arith.constant 0 : i32
    %add3A_1771 = arith.addi %mul3A_18, %add3A_1770 : i32
    %broadcast_in_dim3A_1772 = vector.broadcast %add3A_1771 : i32 to vector<16xi32>
    %select_n3A_1773 = arith.select %gt3A_1768, %broadcast_in_dim3A_1772, %broadcast_in_dim3A_126 : vector<16xi1>, vector<16xi32>
    %select_n3A_1774 = arith.select %gt3A_1768, %select_n3A_1764, %broadcast_in_dim3A_134 : vector<16xi1>, vector<16xf32>
    %max3A_1775 = arith.maximumf %broadcast_in_dim3A_142, %select_n3A_1764 : vector<16xf32>
    %broadcast_in_dim3A_1776 = arith.constant 1 : i32
    %broadcast_in_dim3A_1777 = vector.broadcast %broadcast_in_dim3A_1776 : i32 to vector<16xi32>
    %gather3A_1778 = tpu.vector_load_idx %arg9[%broadcast_in_dim3A_1777, %add3A_1745] : memref<16x128xi32, #tpu.memory_space<vmem>>[vector<16xi32>, vector<16xi32>], vector<16xi32>,
    %gather3A_1779 = tpu.vector_load_idx %arg10[%broadcast_in_dim3A_1777, %add3A_1745] : memref<16x128xf32, #tpu.memory_space<vmem>>[vector<16xi32>, vector<16xi32>], vector<16xf32>,
    %gather3A_1780 = tpu.vector_load_idx %arg11[%broadcast_in_dim3A_1777, %add3A_1745] : memref<16x128xf32, #tpu.memory_space<vmem>>[vector<16xi32>, vector<16xi32>], vector<16xf32>,
    %gather3A_1781 = tpu.vector_load_idx %arg8[%broadcast_in_dim3A_1777, %gather3A_1778, %add3A_1745] : memref<16x48x128xf32, #tpu.memory_space<vmem>>[vector<16xi32>, vector<16xi32>, vector<16xi32>], vector<16xf32>,
    %sub3A_1782 = arith.constant 1.000000e+00 : f32
    %sub3A_1783 = vector.broadcast %sub3A_1782 : f32 to vector<16xf32>
    %sub3A_1784 = arith.subf %sub3A_1783, %gather3A_1779 : vector<16xf32>
    %mul3A_1785 = arith.constant -1.000000e+05 : f32
    %mul3A_1786 = vector.broadcast %mul3A_1785 : f32 to vector<16xf32>
    %mul3A_1787 = arith.mulf %sub3A_1784, %mul3A_1786 : vector<16xf32>
    %add3A_1788 = arith.addf %gather3A_1781, %mul3A_1787 : vector<16xf32>
    %add3A_1789 = arith.constant 1 : i32
    %add3A_1790 = arith.addi %mul3A_18, %add3A_1789 : i32
    %lt3A_1791 = arith.cmpi slt, %add3A_1790, %mul3A_47 : i32
    %jit3A_1792 = arith.constant -3.000000e+38 : f32
    %broadcast_in_dim3A_1793 = vector.broadcast %jit3A_1792 : f32 to vector<16xf32>
    %select_n3A_1794 = arith.select %lt3A_1791, %add3A_1788, %broadcast_in_dim3A_1793 : vector<16xf32>
    %swap3A_1795 = arith.constant 112 : index
    %swap3A_1796 = tpu.vector_load %arg12[%swap3A_1795] {strides = array<i32>} : memref<1024xf32, #tpu.memory_space<vmem>>, vector<16xf32>,
    tpu.vector_store %arg12[%swap3A_1795], %select_n3A_1794 {strides = array<i32>} : memref<1024xf32, #tpu.memory_space<vmem>>, vector<16xf32>,
    %add3A_1797 = arith.addf %select_n3A_1794, %gather3A_1780 : vector<16xf32>
    %gt3A_1798 = arith.cmpf ogt, %add3A_1797, %select_n3A_1769 : vector<16xf32>
    %select_n3A_1799 = arith.select %gt3A_1798, %add3A_1797, %select_n3A_1769 : vector<16xi1>, vector<16xf32>
    %add3A_1800 = arith.constant 1 : i32
    %add3A_1801 = arith.addi %mul3A_18, %add3A_1800 : i32
    %broadcast_in_dim3A_1802 = vector.broadcast %add3A_1801 : i32 to vector<16xi32>
    %select_n3A_1803 = arith.select %gt3A_1798, %broadcast_in_dim3A_1802, %select_n3A_1773 : vector<16xi1>, vector<16xi32>
    %select_n3A_1804 = arith.select %gt3A_1798, %select_n3A_1794, %select_n3A_1774 : vector<16xi1>, vector<16xf32>
    %max3A_1805 = arith.maximumf %max3A_1775, %select_n3A_1794 : vector<16xf32>
    %broadcast_in_dim3A_1806 = arith.constant 2 : i32
    %broadcast_in_dim3A_1807 = vector.broadcast %broadcast_in_dim3A_1806 : i32 to vector<16xi32>
    %gather3A_1808 = tpu.vector_load_idx %arg9[%broadcast_in_dim3A_1807, %add3A_1745] : memref<16x128xi32, #tpu.memory_space<vmem>>[vector<16xi32>, vector<16xi32>], vector<16xi32>,
    %gather3A_1809 = tpu.vector_load_idx %arg10[%broadcast_in_dim3A_1807, %add3A_1745] : memref<16x128xf32, #tpu.memory_space<vmem>>[vector<16xi32>, vector<16xi32>], vector<16xf32>,
    %gather3A_1810 = tpu.vector_load_idx %arg11[%broadcast_in_dim3A_1807, %add3A_1745] : memref<16x128xf32, #tpu.memory_space<vmem>>[vector<16xi32>, vector<16xi32>], vector<16xf32>,
    %gather3A_1811 = tpu.vector_load_idx %arg8[%broadcast_in_dim3A_1807, %gather3A_1808, %add3A_1745] : memref<16x48x128xf32, #tpu.memory_space<vmem>>[vector<16xi32>, vector<16xi32>, vector<16xi32>], vector<16xf32>,
    %sub3A_1812 = arith.constant 1.000000e+00 : f32
    %sub3A_1813 = vector.broadcast %sub3A_1812 : f32 to vector<16xf32>
    %sub3A_1814 = arith.subf %sub3A_1813, %gather3A_1809 : vector<16xf32>
    %mul3A_1815 = arith.constant -1.000000e+05 : f32
    %mul3A_1816 = vector.broadcast %mul3A_1815 : f32 to vector<16xf32>
    %mul3A_1817 = arith.mulf %sub3A_1814, %mul3A_1816 : vector<16xf32>
    %add3A_1818 = arith.addf %gather3A_1811, %mul3A_1817 : vector<16xf32>
    %add3A_1819 = arith.constant 2 : i32
    %add3A_1820 = arith.addi %mul3A_18, %add3A_1819 : i32
    %lt3A_1821 = arith.cmpi slt, %add3A_1820, %mul3A_47 : i32
    %jit3A_1822 = arith.constant -3.000000e+38 : f32
    %broadcast_in_dim3A_1823 = vector.broadcast %jit3A_1822 : f32 to vector<16xf32>
    %select_n3A_1824 = arith.select %lt3A_1821, %add3A_1818, %broadcast_in_dim3A_1823 : vector<16xf32>
    %swap3A_1825 = arith.constant 176 : index
    %swap3A_1826 = tpu.vector_load %arg12[%swap3A_1825] {strides = array<i32>} : memref<1024xf32, #tpu.memory_space<vmem>>, vector<16xf32>,
    tpu.vector_store %arg12[%swap3A_1825], %select_n3A_1824 {strides = array<i32>} : memref<1024xf32, #tpu.memory_space<vmem>>, vector<16xf32>,
    %add3A_1827 = arith.addf %select_n3A_1824, %gather3A_1810 : vector<16xf32>
    %gt3A_1828 = arith.cmpf ogt, %add3A_1827, %select_n3A_1799 : vector<16xf32>
    %select_n3A_1829 = arith.select %gt3A_1828, %add3A_1827, %select_n3A_1799 : vector<16xi1>, vector<16xf32>
    %add3A_1830 = arith.constant 2 : i32
    %add3A_1831 = arith.addi %mul3A_18, %add3A_1830 : i32
    %broadcast_in_dim3A_1832 = vector.broadcast %add3A_1831 : i32 to vector<16xi32>
    %select_n3A_1833 = arith.select %gt3A_1828, %broadcast_in_dim3A_1832, %select_n3A_1803 : vector<16xi1>, vector<16xi32>
    %select_n3A_1834 = arith.select %gt3A_1828, %select_n3A_1824, %select_n3A_1804 : vector<16xi1>, vector<16xf32>
    %max3A_1835 = arith.maximumf %max3A_1805, %select_n3A_1824 : vector<16xf32>
    %broadcast_in_dim3A_1836 = arith.constant 3 : i32
    %broadcast_in_dim3A_1837 = vector.broadcast %broadcast_in_dim3A_1836 : i32 to vector<16xi32>
    %gather3A_1838 = tpu.vector_load_idx %arg9[%broadcast_in_dim3A_1837, %add3A_1745] : memref<16x128xi32, #tpu.memory_space<vmem>>[vector<16xi32>, vector<16xi32>], vector<16xi32>,
    %gather3A_1839 = tpu.vector_load_idx %arg10[%broadcast_in_dim3A_1837, %add3A_1745] : memref<16x128xf32, #tpu.memory_space<vmem>>[vector<16xi32>, vector<16xi32>], vector<16xf32>,
    %gather3A_1840 = tpu.vector_load_idx %arg11[%broadcast_in_dim3A_1837, %add3A_1745] : memref<16x128xf32, #tpu.memory_space<vmem>>[vector<16xi32>, vector<16xi32>], vector<16xf32>,
    %gather3A_1841 = tpu.vector_load_idx %arg8[%broadcast_in_dim3A_1837, %gather3A_1838, %add3A_1745] : memref<16x48x128xf32, #tpu.memory_space<vmem>>[vector<16xi32>, vector<16xi32>, vector<16xi32>], vector<16xf32>,
    %sub3A_1842 = arith.constant 1.000000e+00 : f32
    %sub3A_1843 = vector.broadcast %sub3A_1842 : f32 to vector<16xf32>
    %sub3A_1844 = arith.subf %sub3A_1843, %gather3A_1839 : vector<16xf32>
    %mul3A_1845 = arith.constant -1.000000e+05 : f32
    %mul3A_1846 = vector.broadcast %mul3A_1845 : f32 to vector<16xf32>
    %mul3A_1847 = arith.mulf %sub3A_1844, %mul3A_1846 : vector<16xf32>
    %add3A_1848 = arith.addf %gather3A_1841, %mul3A_1847 : vector<16xf32>
    %add3A_1849 = arith.constant 3 : i32
    %add3A_1850 = arith.addi %mul3A_18, %add3A_1849 : i32
    %lt3A_1851 = arith.cmpi slt, %add3A_1850, %mul3A_47 : i32
    %jit3A_1852 = arith.constant -3.000000e+38 : f32
    %broadcast_in_dim3A_1853 = vector.broadcast %jit3A_1852 : f32 to vector<16xf32>
    %select_n3A_1854 = arith.select %lt3A_1851, %add3A_1848, %broadcast_in_dim3A_1853 : vector<16xf32>
    %swap3A_1855 = arith.constant 240 : index
    %swap3A_1856 = tpu.vector_load %arg12[%swap3A_1855] {strides = array<i32>} : memref<1024xf32, #tpu.memory_space<vmem>>, vector<16xf32>,
    tpu.vector_store %arg12[%swap3A_1855], %select_n3A_1854 {strides = array<i32>} : memref<1024xf32, #tpu.memory_space<vmem>>, vector<16xf32>,
    %add3A_1857 = arith.addf %select_n3A_1854, %gather3A_1840 : vector<16xf32>
    %gt3A_1858 = arith.cmpf ogt, %add3A_1857, %select_n3A_1829 : vector<16xf32>
    %select_n3A_1859 = arith.select %gt3A_1858, %add3A_1857, %select_n3A_1829 : vector<16xi1>, vector<16xf32>
    %add3A_1860 = arith.constant 3 : i32
    %add3A_1861 = arith.addi %mul3A_18, %add3A_1860 : i32
    %broadcast_in_dim3A_1862 = vector.broadcast %add3A_1861 : i32 to vector<16xi32>
    %select_n3A_1863 = arith.select %gt3A_1858, %broadcast_in_dim3A_1862, %select_n3A_1833 : vector<16xi1>, vector<16xi32>
    %select_n3A_1864 = arith.select %gt3A_1858, %select_n3A_1854, %select_n3A_1834 : vector<16xi1>, vector<16xf32>
    %max3A_1865 = arith.maximumf %max3A_1835, %select_n3A_1854 : vector<16xf32>
    %broadcast_in_dim3A_1866 = arith.constant 4 : i32
    %broadcast_in_dim3A_1867 = vector.broadcast %broadcast_in_dim3A_1866 : i32 to vector<16xi32>
    %gather3A_1868 = tpu.vector_load_idx %arg9[%broadcast_in_dim3A_1867, %add3A_1745] : memref<16x128xi32, #tpu.memory_space<vmem>>[vector<16xi32>, vector<16xi32>], vector<16xi32>,
    %gather3A_1869 = tpu.vector_load_idx %arg10[%broadcast_in_dim3A_1867, %add3A_1745] : memref<16x128xf32, #tpu.memory_space<vmem>>[vector<16xi32>, vector<16xi32>], vector<16xf32>,
    %gather3A_1870 = tpu.vector_load_idx %arg11[%broadcast_in_dim3A_1867, %add3A_1745] : memref<16x128xf32, #tpu.memory_space<vmem>>[vector<16xi32>, vector<16xi32>], vector<16xf32>,
    %gather3A_1871 = tpu.vector_load_idx %arg8[%broadcast_in_dim3A_1867, %gather3A_1868, %add3A_1745] : memref<16x48x128xf32, #tpu.memory_space<vmem>>[vector<16xi32>, vector<16xi32>, vector<16xi32>], vector<16xf32>,
    %sub3A_1872 = arith.constant 1.000000e+00 : f32
    %sub3A_1873 = vector.broadcast %sub3A_1872 : f32 to vector<16xf32>
    %sub3A_1874 = arith.subf %sub3A_1873, %gather3A_1869 : vector<16xf32>
    %mul3A_1875 = arith.constant -1.000000e+05 : f32
    %mul3A_1876 = vector.broadcast %mul3A_1875 : f32 to vector<16xf32>
    %mul3A_1877 = arith.mulf %sub3A_1874, %mul3A_1876 : vector<16xf32>
    %add3A_1878 = arith.addf %gather3A_1871, %mul3A_1877 : vector<16xf32>
    %add3A_1879 = arith.constant 4 : i32
    %add3A_1880 = arith.addi %mul3A_18, %add3A_1879 : i32
    %lt3A_1881 = arith.cmpi slt, %add3A_1880, %mul3A_47 : i32
    %jit3A_1882 = arith.constant -3.000000e+38 : f32
    %broadcast_in_dim3A_1883 = vector.broadcast %jit3A_1882 : f32 to vector<16xf32>
    %select_n3A_1884 = arith.select %lt3A_1881, %add3A_1878, %broadcast_in_dim3A_1883 : vector<16xf32>
    %swap3A_1885 = arith.constant 304 : index
    %swap3A_1886 = tpu.vector_load %arg12[%swap3A_1885] {strides = array<i32>} : memref<1024xf32, #tpu.memory_space<vmem>>, vector<16xf32>,
    tpu.vector_store %arg12[%swap3A_1885], %select_n3A_1884 {strides = array<i32>} : memref<1024xf32, #tpu.memory_space<vmem>>, vector<16xf32>,
    %add3A_1887 = arith.addf %select_n3A_1884, %gather3A_1870 : vector<16xf32>
    %gt3A_1888 = arith.cmpf ogt, %add3A_1887, %select_n3A_1859 : vector<16xf32>
    %select_n3A_1889 = arith.select %gt3A_1888, %add3A_1887, %select_n3A_1859 : vector<16xi1>, vector<16xf32>
    %add3A_1890 = arith.constant 4 : i32
    %add3A_1891 = arith.addi %mul3A_18, %add3A_1890 : i32
    %broadcast_in_dim3A_1892 = vector.broadcast %add3A_1891 : i32 to vector<16xi32>
    %select_n3A_1893 = arith.select %gt3A_1888, %broadcast_in_dim3A_1892, %select_n3A_1863 : vector<16xi1>, vector<16xi32>
    %select_n3A_1894 = arith.select %gt3A_1888, %select_n3A_1884, %select_n3A_1864 : vector<16xi1>, vector<16xf32>
    %max3A_1895 = arith.maximumf %max3A_1865, %select_n3A_1884 : vector<16xf32>
    %broadcast_in_dim3A_1896 = arith.constant 5 : i32
    %broadcast_in_dim3A_1897 = vector.broadcast %broadcast_in_dim3A_1896 : i32 to vector<16xi32>
    %gather3A_1898 = tpu.vector_load_idx %arg9[%broadcast_in_dim3A_1897, %add3A_1745] : memref<16x128xi32, #tpu.memory_space<vmem>>[vector<16xi32>, vector<16xi32>], vector<16xi32>,
    %gather3A_1899 = tpu.vector_load_idx %arg10[%broadcast_in_dim3A_1897, %add3A_1745] : memref<16x128xf32, #tpu.memory_space<vmem>>[vector<16xi32>, vector<16xi32>], vector<16xf32>,
    %gather3A_1900 = tpu.vector_load_idx %arg11[%broadcast_in_dim3A_1897, %add3A_1745] : memref<16x128xf32, #tpu.memory_space<vmem>>[vector<16xi32>, vector<16xi32>], vector<16xf32>,
    %gather3A_1901 = tpu.vector_load_idx %arg8[%broadcast_in_dim3A_1897, %gather3A_1898, %add3A_1745] : memref<16x48x128xf32, #tpu.memory_space<vmem>>[vector<16xi32>, vector<16xi32>, vector<16xi32>], vector<16xf32>,
    %sub3A_1902 = arith.constant 1.000000e+00 : f32
    %sub3A_1903 = vector.broadcast %sub3A_1902 : f32 to vector<16xf32>
    %sub3A_1904 = arith.subf %sub3A_1903, %gather3A_1899 : vector<16xf32>
    %mul3A_1905 = arith.constant -1.000000e+05 : f32
    %mul3A_1906 = vector.broadcast %mul3A_1905 : f32 to vector<16xf32>
    %mul3A_1907 = arith.mulf %sub3A_1904, %mul3A_1906 : vector<16xf32>
    %add3A_1908 = arith.addf %gather3A_1901, %mul3A_1907 : vector<16xf32>
    %add3A_1909 = arith.constant 5 : i32
    %add3A_1910 = arith.addi %mul3A_18, %add3A_1909 : i32
    %lt3A_1911 = arith.cmpi slt, %add3A_1910, %mul3A_47 : i32
    %jit3A_1912 = arith.constant -3.000000e+38 : f32
    %broadcast_in_dim3A_1913 = vector.broadcast %jit3A_1912 : f32 to vector<16xf32>
    %select_n3A_1914 = arith.select %lt3A_1911, %add3A_1908, %broadcast_in_dim3A_1913 : vector<16xf32>
    %swap3A_1915 = arith.constant 368 : index
    %swap3A_1916 = tpu.vector_load %arg12[%swap3A_1915] {strides = array<i32>} : memref<1024xf32, #tpu.memory_space<vmem>>, vector<16xf32>,
    tpu.vector_store %arg12[%swap3A_1915], %select_n3A_1914 {strides = array<i32>} : memref<1024xf32, #tpu.memory_space<vmem>>, vector<16xf32>,
    %add3A_1917 = arith.addf %select_n3A_1914, %gather3A_1900 : vector<16xf32>
    %gt3A_1918 = arith.cmpf ogt, %add3A_1917, %select_n3A_1889 : vector<16xf32>
    %select_n3A_1919 = arith.select %gt3A_1918, %add3A_1917, %select_n3A_1889 : vector<16xi1>, vector<16xf32>
    %add3A_1920 = arith.constant 5 : i32
    %add3A_1921 = arith.addi %mul3A_18, %add3A_1920 : i32
    %broadcast_in_dim3A_1922 = vector.broadcast %add3A_1921 : i32 to vector<16xi32>
    %select_n3A_1923 = arith.select %gt3A_1918, %broadcast_in_dim3A_1922, %select_n3A_1893 : vector<16xi1>, vector<16xi32>
    %select_n3A_1924 = arith.select %gt3A_1918, %select_n3A_1914, %select_n3A_1894 : vector<16xi1>, vector<16xf32>
    %max3A_1925 = arith.maximumf %max3A_1895, %select_n3A_1914 : vector<16xf32>
    %broadcast_in_dim3A_1926 = arith.constant 6 : i32
    %broadcast_in_dim3A_1927 = vector.broadcast %broadcast_in_dim3A_1926 : i32 to vector<16xi32>
    %gather3A_1928 = tpu.vector_load_idx %arg9[%broadcast_in_dim3A_1927, %add3A_1745] : memref<16x128xi32, #tpu.memory_space<vmem>>[vector<16xi32>, vector<16xi32>], vector<16xi32>,
    %gather3A_1929 = tpu.vector_load_idx %arg10[%broadcast_in_dim3A_1927, %add3A_1745] : memref<16x128xf32, #tpu.memory_space<vmem>>[vector<16xi32>, vector<16xi32>], vector<16xf32>,
    %gather3A_1930 = tpu.vector_load_idx %arg11[%broadcast_in_dim3A_1927, %add3A_1745] : memref<16x128xf32, #tpu.memory_space<vmem>>[vector<16xi32>, vector<16xi32>], vector<16xf32>,
    %gather3A_1931 = tpu.vector_load_idx %arg8[%broadcast_in_dim3A_1927, %gather3A_1928, %add3A_1745] : memref<16x48x128xf32, #tpu.memory_space<vmem>>[vector<16xi32>, vector<16xi32>, vector<16xi32>], vector<16xf32>,
    %sub3A_1932 = arith.constant 1.000000e+00 : f32
    %sub3A_1933 = vector.broadcast %sub3A_1932 : f32 to vector<16xf32>
    %sub3A_1934 = arith.subf %sub3A_1933, %gather3A_1929 : vector<16xf32>
    %mul3A_1935 = arith.constant -1.000000e+05 : f32
    %mul3A_1936 = vector.broadcast %mul3A_1935 : f32 to vector<16xf32>
    %mul3A_1937 = arith.mulf %sub3A_1934, %mul3A_1936 : vector<16xf32>
    %add3A_1938 = arith.addf %gather3A_1931, %mul3A_1937 : vector<16xf32>
    %add3A_1939 = arith.constant 6 : i32
    %add3A_1940 = arith.addi %mul3A_18, %add3A_1939 : i32
    %lt3A_1941 = arith.cmpi slt, %add3A_1940, %mul3A_47 : i32
    %jit3A_1942 = arith.constant -3.000000e+38 : f32
    %broadcast_in_dim3A_1943 = vector.broadcast %jit3A_1942 : f32 to vector<16xf32>
    %select_n3A_1944 = arith.select %lt3A_1941, %add3A_1938, %broadcast_in_dim3A_1943 : vector<16xf32>
    %swap3A_1945 = arith.constant 432 : index
    %swap3A_1946 = tpu.vector_load %arg12[%swap3A_1945] {strides = array<i32>} : memref<1024xf32, #tpu.memory_space<vmem>>, vector<16xf32>,
    tpu.vector_store %arg12[%swap3A_1945], %select_n3A_1944 {strides = array<i32>} : memref<1024xf32, #tpu.memory_space<vmem>>, vector<16xf32>,
    %add3A_1947 = arith.addf %select_n3A_1944, %gather3A_1930 : vector<16xf32>
    %gt3A_1948 = arith.cmpf ogt, %add3A_1947, %select_n3A_1919 : vector<16xf32>
    %select_n3A_1949 = arith.select %gt3A_1948, %add3A_1947, %select_n3A_1919 : vector<16xi1>, vector<16xf32>
    %add3A_1950 = arith.constant 6 : i32
    %add3A_1951 = arith.addi %mul3A_18, %add3A_1950 : i32
    %broadcast_in_dim3A_1952 = vector.broadcast %add3A_1951 : i32 to vector<16xi32>
    %select_n3A_1953 = arith.select %gt3A_1948, %broadcast_in_dim3A_1952, %select_n3A_1923 : vector<16xi1>, vector<16xi32>
    %select_n3A_1954 = arith.select %gt3A_1948, %select_n3A_1944, %select_n3A_1924 : vector<16xi1>, vector<16xf32>
    %max3A_1955 = arith.maximumf %max3A_1925, %select_n3A_1944 : vector<16xf32>
    %broadcast_in_dim3A_1956 = arith.constant 7 : i32
    %broadcast_in_dim3A_1957 = vector.broadcast %broadcast_in_dim3A_1956 : i32 to vector<16xi32>
    %gather3A_1958 = tpu.vector_load_idx %arg9[%broadcast_in_dim3A_1957, %add3A_1745] : memref<16x128xi32, #tpu.memory_space<vmem>>[vector<16xi32>, vector<16xi32>], vector<16xi32>,
    %gather3A_1959 = tpu.vector_load_idx %arg10[%broadcast_in_dim3A_1957, %add3A_1745] : memref<16x128xf32, #tpu.memory_space<vmem>>[vector<16xi32>, vector<16xi32>], vector<16xf32>,
    %gather3A_1960 = tpu.vector_load_idx %arg11[%broadcast_in_dim3A_1957, %add3A_1745] : memref<16x128xf32, #tpu.memory_space<vmem>>[vector<16xi32>, vector<16xi32>], vector<16xf32>,
    %gather3A_1961 = tpu.vector_load_idx %arg8[%broadcast_in_dim3A_1957, %gather3A_1958, %add3A_1745] : memref<16x48x128xf32, #tpu.memory_space<vmem>>[vector<16xi32>, vector<16xi32>, vector<16xi32>], vector<16xf32>,
    %sub3A_1962 = arith.constant 1.000000e+00 : f32
    %sub3A_1963 = vector.broadcast %sub3A_1962 : f32 to vector<16xf32>
    %sub3A_1964 = arith.subf %sub3A_1963, %gather3A_1959 : vector<16xf32>
    %mul3A_1965 = arith.constant -1.000000e+05 : f32
    %mul3A_1966 = vector.broadcast %mul3A_1965 : f32 to vector<16xf32>
    %mul3A_1967 = arith.mulf %sub3A_1964, %mul3A_1966 : vector<16xf32>
    %add3A_1968 = arith.addf %gather3A_1961, %mul3A_1967 : vector<16xf32>
    %add3A_1969 = arith.constant 7 : i32
    %add3A_1970 = arith.addi %mul3A_18, %add3A_1969 : i32
    %lt3A_1971 = arith.cmpi slt, %add3A_1970, %mul3A_47 : i32
    %jit3A_1972 = arith.constant -3.000000e+38 : f32
    %broadcast_in_dim3A_1973 = vector.broadcast %jit3A_1972 : f32 to vector<16xf32>
    %select_n3A_1974 = arith.select %lt3A_1971, %add3A_1968, %broadcast_in_dim3A_1973 : vector<16xf32>
    %swap3A_1975 = arith.constant 496 : index
    %swap3A_1976 = tpu.vector_load %arg12[%swap3A_1975] {strides = array<i32>} : memref<1024xf32, #tpu.memory_space<vmem>>, vector<16xf32>,
    tpu.vector_store %arg12[%swap3A_1975], %select_n3A_1974 {strides = array<i32>} : memref<1024xf32, #tpu.memory_space<vmem>>, vector<16xf32>,
    %add3A_1977 = arith.addf %select_n3A_1974, %gather3A_1960 : vector<16xf32>
    %gt3A_1978 = arith.cmpf ogt, %add3A_1977, %select_n3A_1949 : vector<16xf32>
    %select_n3A_1979 = arith.select %gt3A_1978, %add3A_1977, %select_n3A_1949 : vector<16xi1>, vector<16xf32>
    %add3A_1980 = arith.constant 7 : i32
    %add3A_1981 = arith.addi %mul3A_18, %add3A_1980 : i32
    %broadcast_in_dim3A_1982 = vector.broadcast %add3A_1981 : i32 to vector<16xi32>
    %select_n3A_1983 = arith.select %gt3A_1978, %broadcast_in_dim3A_1982, %select_n3A_1953 : vector<16xi1>, vector<16xi32>
    %select_n3A_1984 = arith.select %gt3A_1978, %select_n3A_1974, %select_n3A_1954 : vector<16xi1>, vector<16xf32>
    %max3A_1985 = arith.maximumf %max3A_1955, %select_n3A_1974 : vector<16xf32>
    %broadcast_in_dim3A_1986 = arith.constant 8 : i32
    %broadcast_in_dim3A_1987 = vector.broadcast %broadcast_in_dim3A_1986 : i32 to vector<16xi32>
    %gather3A_1988 = tpu.vector_load_idx %arg9[%broadcast_in_dim3A_1987, %add3A_1745] : memref<16x128xi32, #tpu.memory_space<vmem>>[vector<16xi32>, vector<16xi32>], vector<16xi32>,
    %add3A_1989 = arith.constant 8 : i32
    %add3A_1990 = arith.addi %mul3A_18, %add3A_1989 : i32
    %lt3A_1991 = arith.cmpi slt, %add3A_1990, %mul3A_47 : i32
    %jit3A_1992 = arith.constant 0 : i32
    %broadcast_in_dim3A_1993 = vector.broadcast %jit3A_1992 : i32 to vector<16xi32>
    %select_n3A_1994 = arith.select %lt3A_1991, %gather3A_1988, %broadcast_in_dim3A_1993 : vector<16xi32>
    %gather3A_1995 = tpu.vector_load_idx %arg10[%broadcast_in_dim3A_1987, %add3A_1745] : memref<16x128xf32, #tpu.memory_space<vmem>>[vector<16xi32>, vector<16xi32>], vector<16xf32>,
    %gather3A_1996 = tpu.vector_load_idx %arg11[%broadcast_in_dim3A_1987, %add3A_1745] : memref<16x128xf32, #tpu.memory_space<vmem>>[vector<16xi32>, vector<16xi32>], vector<16xf32>,
    %gather3A_1997 = tpu.vector_load_idx %arg8[%broadcast_in_dim3A_1987, %select_n3A_1994, %add3A_1745] : memref<16x48x128xf32, #tpu.memory_space<vmem>>[vector<16xi32>, vector<16xi32>, vector<16xi32>], vector<16xf32>,
    %sub3A_1998 = arith.constant 1.000000e+00 : f32
    %sub3A_1999 = vector.broadcast %sub3A_1998 : f32 to vector<16xf32>
    %sub3A_2000 = arith.subf %sub3A_1999, %gather3A_1995 : vector<16xf32>
    %mul3A_2001 = arith.constant -1.000000e+05 : f32
    %mul3A_2002 = vector.broadcast %mul3A_2001 : f32 to vector<16xf32>
    %mul3A_2003 = arith.mulf %sub3A_2000, %mul3A_2002 : vector<16xf32>
    %add3A_2004 = arith.addf %gather3A_1997, %mul3A_2003 : vector<16xf32>
    %add3A_2005 = arith.constant 8 : i32
    %add3A_2006 = arith.addi %mul3A_18, %add3A_2005 : i32
    %lt3A_2007 = arith.cmpi slt, %add3A_2006, %mul3A_47 : i32
    %jit3A_2008 = arith.constant -3.000000e+38 : f32
    %broadcast_in_dim3A_2009 = vector.broadcast %jit3A_2008 : f32 to vector<16xf32>
    %select_n3A_2010 = arith.select %lt3A_2007, %add3A_2004, %broadcast_in_dim3A_2009 : vector<16xf32>
    %swap3A_2011 = arith.constant 560 : index
    %swap3A_2012 = tpu.vector_load %arg12[%swap3A_2011] {strides = array<i32>} : memref<1024xf32, #tpu.memory_space<vmem>>, vector<16xf32>,
    tpu.vector_store %arg12[%swap3A_2011], %select_n3A_2010 {strides = array<i32>} : memref<1024xf32, #tpu.memory_space<vmem>>, vector<16xf32>,
    %add3A_2013 = arith.addf %select_n3A_2010, %gather3A_1996 : vector<16xf32>
    %gt3A_2014 = arith.cmpf ogt, %add3A_2013, %select_n3A_1979 : vector<16xf32>
    %select_n3A_2015 = arith.select %gt3A_2014, %add3A_2013, %select_n3A_1979 : vector<16xi1>, vector<16xf32>
    %add3A_2016 = arith.constant 8 : i32
    %add3A_2017 = arith.addi %mul3A_18, %add3A_2016 : i32
    %broadcast_in_dim3A_2018 = vector.broadcast %add3A_2017 : i32 to vector<16xi32>
    %select_n3A_2019 = arith.select %gt3A_2014, %broadcast_in_dim3A_2018, %select_n3A_1983 : vector<16xi1>, vector<16xi32>
    %select_n3A_2020 = arith.select %gt3A_2014, %select_n3A_2010, %select_n3A_1984 : vector<16xi1>, vector<16xf32>
    %max3A_2021 = arith.maximumf %max3A_1985, %select_n3A_2010 : vector<16xf32>
    %broadcast_in_dim3A_2022 = arith.constant 9 : i32
    %broadcast_in_dim3A_2023 = vector.broadcast %broadcast_in_dim3A_2022 : i32 to vector<16xi32>
    %gather3A_2024 = tpu.vector_load_idx %arg9[%broadcast_in_dim3A_2023, %add3A_1745] : memref<16x128xi32, #tpu.memory_space<vmem>>[vector<16xi32>, vector<16xi32>], vector<16xi32>,
    %add3A_2025 = arith.constant 9 : i32
    %add3A_2026 = arith.addi %mul3A_18, %add3A_2025 : i32
    %lt3A_2027 = arith.cmpi slt, %add3A_2026, %mul3A_47 : i32
    %jit3A_2028 = arith.constant 0 : i32
    %broadcast_in_dim3A_2029 = vector.broadcast %jit3A_2028 : i32 to vector<16xi32>
    %select_n3A_2030 = arith.select %lt3A_2027, %gather3A_2024, %broadcast_in_dim3A_2029 : vector<16xi32>
    %gather3A_2031 = tpu.vector_load_idx %arg10[%broadcast_in_dim3A_2023, %add3A_1745] : memref<16x128xf32, #tpu.memory_space<vmem>>[vector<16xi32>, vector<16xi32>], vector<16xf32>,
    %gather3A_2032 = tpu.vector_load_idx %arg11[%broadcast_in_dim3A_2023, %add3A_1745] : memref<16x128xf32, #tpu.memory_space<vmem>>[vector<16xi32>, vector<16xi32>], vector<16xf32>,
    %gather3A_2033 = tpu.vector_load_idx %arg8[%broadcast_in_dim3A_2023, %select_n3A_2030, %add3A_1745] : memref<16x48x128xf32, #tpu.memory_space<vmem>>[vector<16xi32>, vector<16xi32>, vector<16xi32>], vector<16xf32>,
    %sub3A_2034 = arith.constant 1.000000e+00 : f32
    %sub3A_2035 = vector.broadcast %sub3A_2034 : f32 to vector<16xf32>
    %sub3A_2036 = arith.subf %sub3A_2035, %gather3A_2031 : vector<16xf32>
    %mul3A_2037 = arith.constant -1.000000e+05 : f32
    %mul3A_2038 = vector.broadcast %mul3A_2037 : f32 to vector<16xf32>
    %mul3A_2039 = arith.mulf %sub3A_2036, %mul3A_2038 : vector<16xf32>
    %add3A_2040 = arith.addf %gather3A_2033, %mul3A_2039 : vector<16xf32>
    %add3A_2041 = arith.constant 9 : i32
    %add3A_2042 = arith.addi %mul3A_18, %add3A_2041 : i32
    %lt3A_2043 = arith.cmpi slt, %add3A_2042, %mul3A_47 : i32
    %jit3A_2044 = arith.constant -3.000000e+38 : f32
    %broadcast_in_dim3A_2045 = vector.broadcast %jit3A_2044 : f32 to vector<16xf32>
    %select_n3A_2046 = arith.select %lt3A_2043, %add3A_2040, %broadcast_in_dim3A_2045 : vector<16xf32>
    %swap3A_2047 = arith.constant 624 : index
    %swap3A_2048 = tpu.vector_load %arg12[%swap3A_2047] {strides = array<i32>} : memref<1024xf32, #tpu.memory_space<vmem>>, vector<16xf32>,
    tpu.vector_store %arg12[%swap3A_2047], %select_n3A_2046 {strides = array<i32>} : memref<1024xf32, #tpu.memory_space<vmem>>, vector<16xf32>,
    %add3A_2049 = arith.addf %select_n3A_2046, %gather3A_2032 : vector<16xf32>
    %gt3A_2050 = arith.cmpf ogt, %add3A_2049, %select_n3A_2015 : vector<16xf32>
    %select_n3A_2051 = arith.select %gt3A_2050, %add3A_2049, %select_n3A_2015 : vector<16xi1>, vector<16xf32>
    %add3A_2052 = arith.constant 9 : i32
    %add3A_2053 = arith.addi %mul3A_18, %add3A_2052 : i32
    %broadcast_in_dim3A_2054 = vector.broadcast %add3A_2053 : i32 to vector<16xi32>
    %select_n3A_2055 = arith.select %gt3A_2050, %broadcast_in_dim3A_2054, %select_n3A_2019 : vector<16xi1>, vector<16xi32>
    %select_n3A_2056 = arith.select %gt3A_2050, %select_n3A_2046, %select_n3A_2020 : vector<16xi1>, vector<16xf32>
    %max3A_2057 = arith.maximumf %max3A_2021, %select_n3A_2046 : vector<16xf32>
    %broadcast_in_dim3A_2058 = arith.constant 10 : i32
    %broadcast_in_dim3A_2059 = vector.broadcast %broadcast_in_dim3A_2058 : i32 to vector<16xi32>
    %gather3A_2060 = tpu.vector_load_idx %arg9[%broadcast_in_dim3A_2059, %add3A_1745] : memref<16x128xi32, #tpu.memory_space<vmem>>[vector<16xi32>, vector<16xi32>], vector<16xi32>,
    %add3A_2061 = arith.constant 10 : i32
    %add3A_2062 = arith.addi %mul3A_18, %add3A_2061 : i32
    %lt3A_2063 = arith.cmpi slt, %add3A_2062, %mul3A_47 : i32
    %jit3A_2064 = arith.constant 0 : i32
    %broadcast_in_dim3A_2065 = vector.broadcast %jit3A_2064 : i32 to vector<16xi32>
    %select_n3A_2066 = arith.select %lt3A_2063, %gather3A_2060, %broadcast_in_dim3A_2065 : vector<16xi32>
    %gather3A_2067 = tpu.vector_load_idx %arg10[%broadcast_in_dim3A_2059, %add3A_1745] : memref<16x128xf32, #tpu.memory_space<vmem>>[vector<16xi32>, vector<16xi32>], vector<16xf32>,
    %gather3A_2068 = tpu.vector_load_idx %arg11[%broadcast_in_dim3A_2059, %add3A_1745] : memref<16x128xf32, #tpu.memory_space<vmem>>[vector<16xi32>, vector<16xi32>], vector<16xf32>,
    %gather3A_2069 = tpu.vector_load_idx %arg8[%broadcast_in_dim3A_2059, %select_n3A_2066, %add3A_1745] : memref<16x48x128xf32, #tpu.memory_space<vmem>>[vector<16xi32>, vector<16xi32>, vector<16xi32>], vector<16xf32>,
    %sub3A_2070 = arith.constant 1.000000e+00 : f32
    %sub3A_2071 = vector.broadcast %sub3A_2070 : f32 to vector<16xf32>
    %sub3A_2072 = arith.subf %sub3A_2071, %gather3A_2067 : vector<16xf32>
    %mul3A_2073 = arith.constant -1.000000e+05 : f32
    %mul3A_2074 = vector.broadcast %mul3A_2073 : f32 to vector<16xf32>
    %mul3A_2075 = arith.mulf %sub3A_2072, %mul3A_2074 : vector<16xf32>
    %add3A_2076 = arith.addf %gather3A_2069, %mul3A_2075 : vector<16xf32>
    %add3A_2077 = arith.constant 10 : i32
    %add3A_2078 = arith.addi %mul3A_18, %add3A_2077 : i32
    %lt3A_2079 = arith.cmpi slt, %add3A_2078, %mul3A_47 : i32
    %jit3A_2080 = arith.constant -3.000000e+38 : f32
    %broadcast_in_dim3A_2081 = vector.broadcast %jit3A_2080 : f32 to vector<16xf32>
    %select_n3A_2082 = arith.select %lt3A_2079, %add3A_2076, %broadcast_in_dim3A_2081 : vector<16xf32>
    %swap3A_2083 = arith.constant 688 : index
    %swap3A_2084 = tpu.vector_load %arg12[%swap3A_2083] {strides = array<i32>} : memref<1024xf32, #tpu.memory_space<vmem>>, vector<16xf32>,
    tpu.vector_store %arg12[%swap3A_2083], %select_n3A_2082 {strides = array<i32>} : memref<1024xf32, #tpu.memory_space<vmem>>, vector<16xf32>,
    %add3A_2085 = arith.addf %select_n3A_2082, %gather3A_2068 : vector<16xf32>
    %gt3A_2086 = arith.cmpf ogt, %add3A_2085, %select_n3A_2051 : vector<16xf32>
    %select_n3A_2087 = arith.select %gt3A_2086, %add3A_2085, %select_n3A_2051 : vector<16xi1>, vector<16xf32>
    %add3A_2088 = arith.constant 10 : i32
    %add3A_2089 = arith.addi %mul3A_18, %add3A_2088 : i32
    %broadcast_in_dim3A_2090 = vector.broadcast %add3A_2089 : i32 to vector<16xi32>
    %select_n3A_2091 = arith.select %gt3A_2086, %broadcast_in_dim3A_2090, %select_n3A_2055 : vector<16xi1>, vector<16xi32>
    %select_n3A_2092 = arith.select %gt3A_2086, %select_n3A_2082, %select_n3A_2056 : vector<16xi1>, vector<16xf32>
    %max3A_2093 = arith.maximumf %max3A_2057, %select_n3A_2082 : vector<16xf32>
    %broadcast_in_dim3A_2094 = arith.constant 11 : i32
    %broadcast_in_dim3A_2095 = vector.broadcast %broadcast_in_dim3A_2094 : i32 to vector<16xi32>
    %gather3A_2096 = tpu.vector_load_idx %arg9[%broadcast_in_dim3A_2095, %add3A_1745] : memref<16x128xi32, #tpu.memory_space<vmem>>[vector<16xi32>, vector<16xi32>], vector<16xi32>,
    %add3A_2097 = arith.constant 11 : i32
    %add3A_2098 = arith.addi %mul3A_18, %add3A_2097 : i32
    %lt3A_2099 = arith.cmpi slt, %add3A_2098, %mul3A_47 : i32
    %jit3A_2100 = arith.constant 0 : i32
    %broadcast_in_dim3A_2101 = vector.broadcast %jit3A_2100 : i32 to vector<16xi32>
    %select_n3A_2102 = arith.select %lt3A_2099, %gather3A_2096, %broadcast_in_dim3A_2101 : vector<16xi32>
    %gather3A_2103 = tpu.vector_load_idx %arg10[%broadcast_in_dim3A_2095, %add3A_1745] : memref<16x128xf32, #tpu.memory_space<vmem>>[vector<16xi32>, vector<16xi32>], vector<16xf32>,
    %gather3A_2104 = tpu.vector_load_idx %arg11[%broadcast_in_dim3A_2095, %add3A_1745] : memref<16x128xf32, #tpu.memory_space<vmem>>[vector<16xi32>, vector<16xi32>], vector<16xf32>,
    %gather3A_2105 = tpu.vector_load_idx %arg8[%broadcast_in_dim3A_2095, %select_n3A_2102, %add3A_1745] : memref<16x48x128xf32, #tpu.memory_space<vmem>>[vector<16xi32>, vector<16xi32>, vector<16xi32>], vector<16xf32>,
    %sub3A_2106 = arith.constant 1.000000e+00 : f32
    %sub3A_2107 = vector.broadcast %sub3A_2106 : f32 to vector<16xf32>
    %sub3A_2108 = arith.subf %sub3A_2107, %gather3A_2103 : vector<16xf32>
    %mul3A_2109 = arith.constant -1.000000e+05 : f32
    %mul3A_2110 = vector.broadcast %mul3A_2109 : f32 to vector<16xf32>
    %mul3A_2111 = arith.mulf %sub3A_2108, %mul3A_2110 : vector<16xf32>
    %add3A_2112 = arith.addf %gather3A_2105, %mul3A_2111 : vector<16xf32>
    %add3A_2113 = arith.constant 11 : i32
    %add3A_2114 = arith.addi %mul3A_18, %add3A_2113 : i32
    %lt3A_2115 = arith.cmpi slt, %add3A_2114, %mul3A_47 : i32
    %jit3A_2116 = arith.constant -3.000000e+38 : f32
    %broadcast_in_dim3A_2117 = vector.broadcast %jit3A_2116 : f32 to vector<16xf32>
    %select_n3A_2118 = arith.select %lt3A_2115, %add3A_2112, %broadcast_in_dim3A_2117 : vector<16xf32>
    %swap3A_2119 = arith.constant 752 : index
    %swap3A_2120 = tpu.vector_load %arg12[%swap3A_2119] {strides = array<i32>} : memref<1024xf32, #tpu.memory_space<vmem>>, vector<16xf32>,
    tpu.vector_store %arg12[%swap3A_2119], %select_n3A_2118 {strides = array<i32>} : memref<1024xf32, #tpu.memory_space<vmem>>, vector<16xf32>,
    %add3A_2121 = arith.addf %select_n3A_2118, %gather3A_2104 : vector<16xf32>
    %gt3A_2122 = arith.cmpf ogt, %add3A_2121, %select_n3A_2087 : vector<16xf32>
    %select_n3A_2123 = arith.select %gt3A_2122, %add3A_2121, %select_n3A_2087 : vector<16xi1>, vector<16xf32>
    %add3A_2124 = arith.constant 11 : i32
    %add3A_2125 = arith.addi %mul3A_18, %add3A_2124 : i32
    %broadcast_in_dim3A_2126 = vector.broadcast %add3A_2125 : i32 to vector<16xi32>
    %select_n3A_2127 = arith.select %gt3A_2122, %broadcast_in_dim3A_2126, %select_n3A_2091 : vector<16xi1>, vector<16xi32>
    %select_n3A_2128 = arith.select %gt3A_2122, %select_n3A_2118, %select_n3A_2092 : vector<16xi1>, vector<16xf32>
    %max3A_2129 = arith.maximumf %max3A_2093, %select_n3A_2118 : vector<16xf32>
    %broadcast_in_dim3A_2130 = arith.constant 12 : i32
    %broadcast_in_dim3A_2131 = vector.broadcast %broadcast_in_dim3A_2130 : i32 to vector<16xi32>
    %gather3A_2132 = tpu.vector_load_idx %arg9[%broadcast_in_dim3A_2131, %add3A_1745] : memref<16x128xi32, #tpu.memory_space<vmem>>[vector<16xi32>, vector<16xi32>], vector<16xi32>,
    %add3A_2133 = arith.constant 12 : i32
    %add3A_2134 = arith.addi %mul3A_18, %add3A_2133 : i32
    %lt3A_2135 = arith.cmpi slt, %add3A_2134, %mul3A_47 : i32
    %jit3A_2136 = arith.constant 0 : i32
    %broadcast_in_dim3A_2137 = vector.broadcast %jit3A_2136 : i32 to vector<16xi32>
    %select_n3A_2138 = arith.select %lt3A_2135, %gather3A_2132, %broadcast_in_dim3A_2137 : vector<16xi32>
    %gather3A_2139 = tpu.vector_load_idx %arg10[%broadcast_in_dim3A_2131, %add3A_1745] : memref<16x128xf32, #tpu.memory_space<vmem>>[vector<16xi32>, vector<16xi32>], vector<16xf32>,
    %gather3A_2140 = tpu.vector_load_idx %arg11[%broadcast_in_dim3A_2131, %add3A_1745] : memref<16x128xf32, #tpu.memory_space<vmem>>[vector<16xi32>, vector<16xi32>], vector<16xf32>,
    %gather3A_2141 = tpu.vector_load_idx %arg8[%broadcast_in_dim3A_2131, %select_n3A_2138, %add3A_1745] : memref<16x48x128xf32, #tpu.memory_space<vmem>>[vector<16xi32>, vector<16xi32>, vector<16xi32>], vector<16xf32>,
    %sub3A_2142 = arith.constant 1.000000e+00 : f32
    %sub3A_2143 = vector.broadcast %sub3A_2142 : f32 to vector<16xf32>
    %sub3A_2144 = arith.subf %sub3A_2143, %gather3A_2139 : vector<16xf32>
    %mul3A_2145 = arith.constant -1.000000e+05 : f32
    %mul3A_2146 = vector.broadcast %mul3A_2145 : f32 to vector<16xf32>
    %mul3A_2147 = arith.mulf %sub3A_2144, %mul3A_2146 : vector<16xf32>
    %add3A_2148 = arith.addf %gather3A_2141, %mul3A_2147 : vector<16xf32>
    %add3A_2149 = arith.constant 12 : i32
    %add3A_2150 = arith.addi %mul3A_18, %add3A_2149 : i32
    %lt3A_2151 = arith.cmpi slt, %add3A_2150, %mul3A_47 : i32
    %jit3A_2152 = arith.constant -3.000000e+38 : f32
    %broadcast_in_dim3A_2153 = vector.broadcast %jit3A_2152 : f32 to vector<16xf32>
    %select_n3A_2154 = arith.select %lt3A_2151, %add3A_2148, %broadcast_in_dim3A_2153 : vector<16xf32>
    %swap3A_2155 = arith.constant 816 : index
    %swap3A_2156 = tpu.vector_load %arg12[%swap3A_2155] {strides = array<i32>} : memref<1024xf32, #tpu.memory_space<vmem>>, vector<16xf32>,
    tpu.vector_store %arg12[%swap3A_2155], %select_n3A_2154 {strides = array<i32>} : memref<1024xf32, #tpu.memory_space<vmem>>, vector<16xf32>,
    %add3A_2157 = arith.addf %select_n3A_2154, %gather3A_2140 : vector<16xf32>
    %gt3A_2158 = arith.cmpf ogt, %add3A_2157, %select_n3A_2123 : vector<16xf32>
    %select_n3A_2159 = arith.select %gt3A_2158, %add3A_2157, %select_n3A_2123 : vector<16xi1>, vector<16xf32>
    %add3A_2160 = arith.constant 12 : i32
    %add3A_2161 = arith.addi %mul3A_18, %add3A_2160 : i32
    %broadcast_in_dim3A_2162 = vector.broadcast %add3A_2161 : i32 to vector<16xi32>
    %select_n3A_2163 = arith.select %gt3A_2158, %broadcast_in_dim3A_2162, %select_n3A_2127 : vector<16xi1>, vector<16xi32>
    %select_n3A_2164 = arith.select %gt3A_2158, %select_n3A_2154, %select_n3A_2128 : vector<16xi1>, vector<16xf32>
    %max3A_2165 = arith.maximumf %max3A_2129, %select_n3A_2154 : vector<16xf32>
    %broadcast_in_dim3A_2166 = arith.constant 13 : i32
    %broadcast_in_dim3A_2167 = vector.broadcast %broadcast_in_dim3A_2166 : i32 to vector<16xi32>
    %gather3A_2168 = tpu.vector_load_idx %arg9[%broadcast_in_dim3A_2167, %add3A_1745] : memref<16x128xi32, #tpu.memory_space<vmem>>[vector<16xi32>, vector<16xi32>], vector<16xi32>,
    %add3A_2169 = arith.constant 13 : i32
    %add3A_2170 = arith.addi %mul3A_18, %add3A_2169 : i32
    %lt3A_2171 = arith.cmpi slt, %add3A_2170, %mul3A_47 : i32
    %jit3A_2172 = arith.constant 0 : i32
    %broadcast_in_dim3A_2173 = vector.broadcast %jit3A_2172 : i32 to vector<16xi32>
    %select_n3A_2174 = arith.select %lt3A_2171, %gather3A_2168, %broadcast_in_dim3A_2173 : vector<16xi32>
    %gather3A_2175 = tpu.vector_load_idx %arg10[%broadcast_in_dim3A_2167, %add3A_1745] : memref<16x128xf32, #tpu.memory_space<vmem>>[vector<16xi32>, vector<16xi32>], vector<16xf32>,
    %gather3A_2176 = tpu.vector_load_idx %arg11[%broadcast_in_dim3A_2167, %add3A_1745] : memref<16x128xf32, #tpu.memory_space<vmem>>[vector<16xi32>, vector<16xi32>], vector<16xf32>,
    %gather3A_2177 = tpu.vector_load_idx %arg8[%broadcast_in_dim3A_2167, %select_n3A_2174, %add3A_1745] : memref<16x48x128xf32, #tpu.memory_space<vmem>>[vector<16xi32>, vector<16xi32>, vector<16xi32>], vector<16xf32>,
    %sub3A_2178 = arith.constant 1.000000e+00 : f32
    %sub3A_2179 = vector.broadcast %sub3A_2178 : f32 to vector<16xf32>
    %sub3A_2180 = arith.subf %sub3A_2179, %gather3A_2175 : vector<16xf32>
    %mul3A_2181 = arith.constant -1.000000e+05 : f32
    %mul3A_2182 = vector.broadcast %mul3A_2181 : f32 to vector<16xf32>
    %mul3A_2183 = arith.mulf %sub3A_2180, %mul3A_2182 : vector<16xf32>
    %add3A_2184 = arith.addf %gather3A_2177, %mul3A_2183 : vector<16xf32>
    %add3A_2185 = arith.constant 13 : i32
    %add3A_2186 = arith.addi %mul3A_18, %add3A_2185 : i32
    %lt3A_2187 = arith.cmpi slt, %add3A_2186, %mul3A_47 : i32
    %jit3A_2188 = arith.constant -3.000000e+38 : f32
    %broadcast_in_dim3A_2189 = vector.broadcast %jit3A_2188 : f32 to vector<16xf32>
    %select_n3A_2190 = arith.select %lt3A_2187, %add3A_2184, %broadcast_in_dim3A_2189 : vector<16xf32>
    %swap3A_2191 = arith.constant 880 : index
    %swap3A_2192 = tpu.vector_load %arg12[%swap3A_2191] {strides = array<i32>} : memref<1024xf32, #tpu.memory_space<vmem>>, vector<16xf32>,
    tpu.vector_store %arg12[%swap3A_2191], %select_n3A_2190 {strides = array<i32>} : memref<1024xf32, #tpu.memory_space<vmem>>, vector<16xf32>,
    %add3A_2193 = arith.addf %select_n3A_2190, %gather3A_2176 : vector<16xf32>
    %gt3A_2194 = arith.cmpf ogt, %add3A_2193, %select_n3A_2159 : vector<16xf32>
    %select_n3A_2195 = arith.select %gt3A_2194, %add3A_2193, %select_n3A_2159 : vector<16xi1>, vector<16xf32>
    %add3A_2196 = arith.constant 13 : i32
    %add3A_2197 = arith.addi %mul3A_18, %add3A_2196 : i32
    %broadcast_in_dim3A_2198 = vector.broadcast %add3A_2197 : i32 to vector<16xi32>
    %select_n3A_2199 = arith.select %gt3A_2194, %broadcast_in_dim3A_2198, %select_n3A_2163 : vector<16xi1>, vector<16xi32>
    %select_n3A_2200 = arith.select %gt3A_2194, %select_n3A_2190, %select_n3A_2164 : vector<16xi1>, vector<16xf32>
    %max3A_2201 = arith.maximumf %max3A_2165, %select_n3A_2190 : vector<16xf32>
    %broadcast_in_dim3A_2202 = arith.constant 14 : i32
    %broadcast_in_dim3A_2203 = vector.broadcast %broadcast_in_dim3A_2202 : i32 to vector<16xi32>
    %gather3A_2204 = tpu.vector_load_idx %arg9[%broadcast_in_dim3A_2203, %add3A_1745] : memref<16x128xi32, #tpu.memory_space<vmem>>[vector<16xi32>, vector<16xi32>], vector<16xi32>,
    %add3A_2205 = arith.constant 14 : i32
    %add3A_2206 = arith.addi %mul3A_18, %add3A_2205 : i32
    %lt3A_2207 = arith.cmpi slt, %add3A_2206, %mul3A_47 : i32
    %jit3A_2208 = arith.constant 0 : i32
    %broadcast_in_dim3A_2209 = vector.broadcast %jit3A_2208 : i32 to vector<16xi32>
    %select_n3A_2210 = arith.select %lt3A_2207, %gather3A_2204, %broadcast_in_dim3A_2209 : vector<16xi32>
    %gather3A_2211 = tpu.vector_load_idx %arg10[%broadcast_in_dim3A_2203, %add3A_1745] : memref<16x128xf32, #tpu.memory_space<vmem>>[vector<16xi32>, vector<16xi32>], vector<16xf32>,
    %gather3A_2212 = tpu.vector_load_idx %arg11[%broadcast_in_dim3A_2203, %add3A_1745] : memref<16x128xf32, #tpu.memory_space<vmem>>[vector<16xi32>, vector<16xi32>], vector<16xf32>,
    %gather3A_2213 = tpu.vector_load_idx %arg8[%broadcast_in_dim3A_2203, %select_n3A_2210, %add3A_1745] : memref<16x48x128xf32, #tpu.memory_space<vmem>>[vector<16xi32>, vector<16xi32>, vector<16xi32>], vector<16xf32>,
    %sub3A_2214 = arith.constant 1.000000e+00 : f32
    %sub3A_2215 = vector.broadcast %sub3A_2214 : f32 to vector<16xf32>
    %sub3A_2216 = arith.subf %sub3A_2215, %gather3A_2211 : vector<16xf32>
    %mul3A_2217 = arith.constant -1.000000e+05 : f32
    %mul3A_2218 = vector.broadcast %mul3A_2217 : f32 to vector<16xf32>
    %mul3A_2219 = arith.mulf %sub3A_2216, %mul3A_2218 : vector<16xf32>
    %add3A_2220 = arith.addf %gather3A_2213, %mul3A_2219 : vector<16xf32>
    %add3A_2221 = arith.constant 14 : i32
    %add3A_2222 = arith.addi %mul3A_18, %add3A_2221 : i32
    %lt3A_2223 = arith.cmpi slt, %add3A_2222, %mul3A_47 : i32
    %jit3A_2224 = arith.constant -3.000000e+38 : f32
    %broadcast_in_dim3A_2225 = vector.broadcast %jit3A_2224 : f32 to vector<16xf32>
    %select_n3A_2226 = arith.select %lt3A_2223, %add3A_2220, %broadcast_in_dim3A_2225 : vector<16xf32>
    %swap3A_2227 = arith.constant 944 : index
    %swap3A_2228 = tpu.vector_load %arg12[%swap3A_2227] {strides = array<i32>} : memref<1024xf32, #tpu.memory_space<vmem>>, vector<16xf32>,
    tpu.vector_store %arg12[%swap3A_2227], %select_n3A_2226 {strides = array<i32>} : memref<1024xf32, #tpu.memory_space<vmem>>, vector<16xf32>,
    %add3A_2229 = arith.addf %select_n3A_2226, %gather3A_2212 : vector<16xf32>
    %gt3A_2230 = arith.cmpf ogt, %add3A_2229, %select_n3A_2195 : vector<16xf32>
    %select_n3A_2231 = arith.select %gt3A_2230, %add3A_2229, %select_n3A_2195 : vector<16xi1>, vector<16xf32>
    %add3A_2232 = arith.constant 14 : i32
    %add3A_2233 = arith.addi %mul3A_18, %add3A_2232 : i32
    %broadcast_in_dim3A_2234 = vector.broadcast %add3A_2233 : i32 to vector<16xi32>
    %select_n3A_2235 = arith.select %gt3A_2230, %broadcast_in_dim3A_2234, %select_n3A_2199 : vector<16xi1>, vector<16xi32>
    %select_n3A_2236 = arith.select %gt3A_2230, %select_n3A_2226, %select_n3A_2200 : vector<16xi1>, vector<16xf32>
    %max3A_2237 = arith.maximumf %max3A_2201, %select_n3A_2226 : vector<16xf32>
    %broadcast_in_dim3A_2238 = arith.constant 15 : i32
    %broadcast_in_dim3A_2239 = vector.broadcast %broadcast_in_dim3A_2238 : i32 to vector<16xi32>
    %gather3A_2240 = tpu.vector_load_idx %arg9[%broadcast_in_dim3A_2239, %add3A_1745] : memref<16x128xi32, #tpu.memory_space<vmem>>[vector<16xi32>, vector<16xi32>], vector<16xi32>,
    %add3A_2241 = arith.constant 15 : i32
    %add3A_2242 = arith.addi %mul3A_18, %add3A_2241 : i32
    %lt3A_2243 = arith.cmpi slt, %add3A_2242, %mul3A_47 : i32
    %jit3A_2244 = arith.constant 0 : i32
    %broadcast_in_dim3A_2245 = vector.broadcast %jit3A_2244 : i32 to vector<16xi32>
    %select_n3A_2246 = arith.select %lt3A_2243, %gather3A_2240, %broadcast_in_dim3A_2245 : vector<16xi32>
    %gather3A_2247 = tpu.vector_load_idx %arg10[%broadcast_in_dim3A_2239, %add3A_1745] : memref<16x128xf32, #tpu.memory_space<vmem>>[vector<16xi32>, vector<16xi32>], vector<16xf32>,
    %gather3A_2248 = tpu.vector_load_idx %arg11[%broadcast_in_dim3A_2239, %add3A_1745] : memref<16x128xf32, #tpu.memory_space<vmem>>[vector<16xi32>, vector<16xi32>], vector<16xf32>,
    %gather3A_2249 = tpu.vector_load_idx %arg8[%broadcast_in_dim3A_2239, %select_n3A_2246, %add3A_1745] : memref<16x48x128xf32, #tpu.memory_space<vmem>>[vector<16xi32>, vector<16xi32>, vector<16xi32>], vector<16xf32>,
    %sub3A_2250 = arith.constant 1.000000e+00 : f32
    %sub3A_2251 = vector.broadcast %sub3A_2250 : f32 to vector<16xf32>
    %sub3A_2252 = arith.subf %sub3A_2251, %gather3A_2247 : vector<16xf32>
    %mul3A_2253 = arith.constant -1.000000e+05 : f32
    %mul3A_2254 = vector.broadcast %mul3A_2253 : f32 to vector<16xf32>
    %mul3A_2255 = arith.mulf %sub3A_2252, %mul3A_2254 : vector<16xf32>
    %add3A_2256 = arith.addf %gather3A_2249, %mul3A_2255 : vector<16xf32>
    %add3A_2257 = arith.constant 15 : i32
    %add3A_2258 = arith.addi %mul3A_18, %add3A_2257 : i32
    %lt3A_2259 = arith.cmpi slt, %add3A_2258, %mul3A_47 : i32
    %jit3A_2260 = arith.constant -3.000000e+38 : f32
    %broadcast_in_dim3A_2261 = vector.broadcast %jit3A_2260 : f32 to vector<16xf32>
    %select_n3A_2262 = arith.select %lt3A_2259, %add3A_2256, %broadcast_in_dim3A_2261 : vector<16xf32>
    %swap3A_2263 = arith.constant 1008 : index
    %swap3A_2264 = tpu.vector_load %arg12[%swap3A_2263] {strides = array<i32>} : memref<1024xf32, #tpu.memory_space<vmem>>, vector<16xf32>,
    tpu.vector_store %arg12[%swap3A_2263], %select_n3A_2262 {strides = array<i32>} : memref<1024xf32, #tpu.memory_space<vmem>>, vector<16xf32>,
    %add3A_2265 = arith.addf %select_n3A_2262, %gather3A_2248 : vector<16xf32>
    %gt3A_2266 = arith.cmpf ogt, %add3A_2265, %select_n3A_2231 : vector<16xf32>
    %select_n3A_2267 = arith.select %gt3A_2266, %add3A_2265, %select_n3A_2231 : vector<16xi1>, vector<16xf32>
    %add3A_2268 = arith.constant 15 : i32
    %add3A_2269 = arith.addi %mul3A_18, %add3A_2268 : i32
    %broadcast_in_dim3A_2270 = vector.broadcast %add3A_2269 : i32 to vector<16xi32>
    %select_n3A_2271 = arith.select %gt3A_2266, %broadcast_in_dim3A_2270, %select_n3A_2235 : vector<16xi1>, vector<16xi32>
    %select_n3A_2272 = arith.select %gt3A_2266, %select_n3A_2262, %select_n3A_2236 : vector<16xi1>, vector<16xf32>
    %max3A_2273 = arith.maximumf %max3A_2237, %select_n3A_2262 : vector<16xf32>
    %broadcast_in_dim3A_2274 = arith.constant 0.000000e+00 : f32
    %broadcast_in_dim3A_2275 = vector.broadcast %broadcast_in_dim3A_2274 : f32 to vector<16xf32>
    %get3A = arith.constant 0 : index
    %get3A_2276 = tpu.vector_load %arg12[%get3A] {strides = array<i32>} : memref<1024xf32, #tpu.memory_space<vmem>>, vector<16xf32>,
    %sub3A_2277 = arith.subf %get3A_2276, %max3A_671 : vector<16xf32>
    %exp3A = math.exp %sub3A_2277 : vector<16xf32>
    %add3A_2278 = arith.addf %broadcast_in_dim3A_2275, %exp3A : vector<16xf32>
    %get3A_2279 = arith.constant 64 : index
    %get3A_2280 = tpu.vector_load %arg12[%get3A_2279] {strides = array<i32>} : memref<1024xf32, #tpu.memory_space<vmem>>, vector<16xf32>,
    %sub3A_2281 = arith.subf %get3A_2280, %max3A_671 : vector<16xf32>
    %exp3A_2282 = math.exp %sub3A_2281 : vector<16xf32>
    %add3A_2283 = arith.addf %add3A_2278, %exp3A_2282 : vector<16xf32>
    %get3A_2284 = arith.constant 128 : index
    %get3A_2285 = tpu.vector_load %arg12[%get3A_2284] {strides = array<i32>} : memref<1024xf32, #tpu.memory_space<vmem>>, vector<16xf32>,
    %sub3A_2286 = arith.subf %get3A_2285, %max3A_671 : vector<16xf32>
    %exp3A_2287 = math.exp %sub3A_2286 : vector<16xf32>
    %add3A_2288 = arith.addf %add3A_2283, %exp3A_2287 : vector<16xf32>
    %get3A_2289 = arith.constant 192 : index
    %get3A_2290 = tpu.vector_load %arg12[%get3A_2289] {strides = array<i32>} : memref<1024xf32, #tpu.memory_space<vmem>>, vector<16xf32>,
    %sub3A_2291 = arith.subf %get3A_2290, %max3A_671 : vector<16xf32>
    %exp3A_2292 = math.exp %sub3A_2291 : vector<16xf32>
    %add3A_2293 = arith.addf %add3A_2288, %exp3A_2292 : vector<16xf32>
    %get3A_2294 = arith.constant 256 : index
    %get3A_2295 = tpu.vector_load %arg12[%get3A_2294] {strides = array<i32>} : memref<1024xf32, #tpu.memory_space<vmem>>, vector<16xf32>,
    %sub3A_2296 = arith.subf %get3A_2295, %max3A_671 : vector<16xf32>
    %exp3A_2297 = math.exp %sub3A_2296 : vector<16xf32>
    %add3A_2298 = arith.addf %add3A_2293, %exp3A_2297 : vector<16xf32>
    %get3A_2299 = arith.constant 320 : index
    %get3A_2300 = tpu.vector_load %arg12[%get3A_2299] {strides = array<i32>} : memref<1024xf32, #tpu.memory_space<vmem>>, vector<16xf32>,
    %sub3A_2301 = arith.subf %get3A_2300, %max3A_671 : vector<16xf32>
    %exp3A_2302 = math.exp %sub3A_2301 : vector<16xf32>
    %add3A_2303 = arith.addf %add3A_2298, %exp3A_2302 : vector<16xf32>
    %get3A_2304 = arith.constant 384 : index
    %get3A_2305 = tpu.vector_load %arg12[%get3A_2304] {strides = array<i32>} : memref<1024xf32, #tpu.memory_space<vmem>>, vector<16xf32>,
    %sub3A_2306 = arith.subf %get3A_2305, %max3A_671 : vector<16xf32>
    %exp3A_2307 = math.exp %sub3A_2306 : vector<16xf32>
    %add3A_2308 = arith.addf %add3A_2303, %exp3A_2307 : vector<16xf32>
    %get3A_2309 = arith.constant 448 : index
    %get3A_2310 = tpu.vector_load %arg12[%get3A_2309] {strides = array<i32>} : memref<1024xf32, #tpu.memory_space<vmem>>, vector<16xf32>,
    %sub3A_2311 = arith.subf %get3A_2310, %max3A_671 : vector<16xf32>
    %exp3A_2312 = math.exp %sub3A_2311 : vector<16xf32>
    %add3A_2313 = arith.addf %add3A_2308, %exp3A_2312 : vector<16xf32>
    %get3A_2314 = arith.constant 512 : index
    %get3A_2315 = tpu.vector_load %arg12[%get3A_2314] {strides = array<i32>} : memref<1024xf32, #tpu.memory_space<vmem>>, vector<16xf32>,
    %sub3A_2316 = arith.subf %get3A_2315, %max3A_671 : vector<16xf32>
    %exp3A_2317 = math.exp %sub3A_2316 : vector<16xf32>
    %add3A_2318 = arith.addf %add3A_2313, %exp3A_2317 : vector<16xf32>
    %get3A_2319 = arith.constant 576 : index
    %get3A_2320 = tpu.vector_load %arg12[%get3A_2319] {strides = array<i32>} : memref<1024xf32, #tpu.memory_space<vmem>>, vector<16xf32>,
    %sub3A_2321 = arith.subf %get3A_2320, %max3A_671 : vector<16xf32>
    %exp3A_2322 = math.exp %sub3A_2321 : vector<16xf32>
    %add3A_2323 = arith.addf %add3A_2318, %exp3A_2322 : vector<16xf32>
    %get3A_2324 = arith.constant 640 : index
    %get3A_2325 = tpu.vector_load %arg12[%get3A_2324] {strides = array<i32>} : memref<1024xf32, #tpu.memory_space<vmem>>, vector<16xf32>,
    %sub3A_2326 = arith.subf %get3A_2325, %max3A_671 : vector<16xf32>
    %exp3A_2327 = math.exp %sub3A_2326 : vector<16xf32>
    %add3A_2328 = arith.addf %add3A_2323, %exp3A_2327 : vector<16xf32>
    %get3A_2329 = arith.constant 704 : index
    %get3A_2330 = tpu.vector_load %arg12[%get3A_2329] {strides = array<i32>} : memref<1024xf32, #tpu.memory_space<vmem>>, vector<16xf32>,
    %sub3A_2331 = arith.subf %get3A_2330, %max3A_671 : vector<16xf32>
    %exp3A_2332 = math.exp %sub3A_2331 : vector<16xf32>
    %add3A_2333 = arith.addf %add3A_2328, %exp3A_2332 : vector<16xf32>
    %get3A_2334 = arith.constant 768 : index
    %get3A_2335 = tpu.vector_load %arg12[%get3A_2334] {strides = array<i32>} : memref<1024xf32, #tpu.memory_space<vmem>>, vector<16xf32>,
    %sub3A_2336 = arith.subf %get3A_2335, %max3A_671 : vector<16xf32>
    %exp3A_2337 = math.exp %sub3A_2336 : vector<16xf32>
    %add3A_2338 = arith.addf %add3A_2333, %exp3A_2337 : vector<16xf32>
    %get3A_2339 = arith.constant 832 : index
    %get3A_2340 = tpu.vector_load %arg12[%get3A_2339] {strides = array<i32>} : memref<1024xf32, #tpu.memory_space<vmem>>, vector<16xf32>,
    %sub3A_2341 = arith.subf %get3A_2340, %max3A_671 : vector<16xf32>
    %exp3A_2342 = math.exp %sub3A_2341 : vector<16xf32>
    %add3A_2343 = arith.addf %add3A_2338, %exp3A_2342 : vector<16xf32>
    %get3A_2344 = arith.constant 896 : index
    %get3A_2345 = tpu.vector_load %arg12[%get3A_2344] {strides = array<i32>} : memref<1024xf32, #tpu.memory_space<vmem>>, vector<16xf32>,
    %sub3A_2346 = arith.subf %get3A_2345, %max3A_671 : vector<16xf32>
    %exp3A_2347 = math.exp %sub3A_2346 : vector<16xf32>
    %add3A_2348 = arith.addf %add3A_2343, %exp3A_2347 : vector<16xf32>
    %get3A_2349 = arith.constant 960 : index
    %get3A_2350 = tpu.vector_load %arg12[%get3A_2349] {strides = array<i32>} : memref<1024xf32, #tpu.memory_space<vmem>>, vector<16xf32>,
    %sub3A_2351 = arith.subf %get3A_2350, %max3A_671 : vector<16xf32>
    %exp3A_2352 = math.exp %sub3A_2351 : vector<16xf32>
    %add3A_2353 = arith.addf %add3A_2348, %exp3A_2352 : vector<16xf32>
    %swap3A_2354 = arith.constant 0 : index
    %swap3A_2355 = tpu.vector_load %arg13[%swap3A_2354] {strides = array<i32>} : memref<256xf32, #tpu.memory_space<vmem>>, vector<16xf32>,
    tpu.vector_store %arg13[%swap3A_2354], %select_n3A_665 {strides = array<i32>} : memref<256xf32, #tpu.memory_space<vmem>>, vector<16xf32>,
    %swap3A_2356 = arith.constant 16 : index
    %swap3A_2357 = tpu.vector_load %arg13[%swap3A_2356] {strides = array<i32>} : memref<256xf32, #tpu.memory_space<vmem>>, vector<16xf32>,
    tpu.vector_store %arg13[%swap3A_2356], %select_n3A_670 {strides = array<i32>} : memref<256xf32, #tpu.memory_space<vmem>>, vector<16xf32>,
    %swap3A_2358 = arith.constant 32 : index
    %swap3A_2359 = tpu.vector_load %arg13[%swap3A_2358] {strides = array<i32>} : memref<256xf32, #tpu.memory_space<vmem>>, vector<16xf32>,
    tpu.vector_store %arg13[%swap3A_2358], %max3A_671 {strides = array<i32>} : memref<256xf32, #tpu.memory_space<vmem>>, vector<16xf32>,
    %swap3A_2360 = arith.constant 48 : index
    %swap3A_2361 = tpu.vector_load %arg13[%swap3A_2360] {strides = array<i32>} : memref<256xf32, #tpu.memory_space<vmem>>, vector<16xf32>,
    tpu.vector_store %arg13[%swap3A_2360], %add3A_2353 {strides = array<i32>} : memref<256xf32, #tpu.memory_space<vmem>>, vector<16xf32>,
    %swap3A_2362 = arith.constant 0 : index
    %swap3A_2363 = tpu.vector_load %arg14[%swap3A_2362] {strides = array<i32>} : memref<64xi32, #tpu.memory_space<vmem>>, vector<16xi32>,
    tpu.vector_store %arg14[%swap3A_2362], %select_n3A_669 {strides = array<i32>} : memref<64xi32, #tpu.memory_space<vmem>>, vector<16xi32>,
    %broadcast_in_dim3A_2364 = arith.constant 0.000000e+00 : f32
    %broadcast_in_dim3A_2365 = vector.broadcast %broadcast_in_dim3A_2364 : f32 to vector<16xf32>
    %get3A_2366 = arith.constant 16 : index
    %get3A_2367 = tpu.vector_load %arg12[%get3A_2366] {strides = array<i32>} : memref<1024xf32, #tpu.memory_space<vmem>>, vector<16xf32>,
    %sub3A_2368 = arith.subf %get3A_2367, %max3A_1205 : vector<16xf32>
    %exp3A_2369 = math.exp %sub3A_2368 : vector<16xf32>
    %add3A_2370 = arith.addf %broadcast_in_dim3A_2365, %exp3A_2369 : vector<16xf32>
    %get3A_2371 = arith.constant 80 : index
    %get3A_2372 = tpu.vector_load %arg12[%get3A_2371] {strides = array<i32>} : memref<1024xf32, #tpu.memory_space<vmem>>, vector<16xf32>,
    %sub3A_2373 = arith.subf %get3A_2372, %max3A_1205 : vector<16xf32>
    %exp3A_2374 = math.exp %sub3A_2373 : vector<16xf32>
    %add3A_2375 = arith.addf %add3A_2370, %exp3A_2374 : vector<16xf32>
    %get3A_2376 = arith.constant 144 : index
    %get3A_2377 = tpu.vector_load %arg12[%get3A_2376] {strides = array<i32>} : memref<1024xf32, #tpu.memory_space<vmem>>, vector<16xf32>,
    %sub3A_2378 = arith.subf %get3A_2377, %max3A_1205 : vector<16xf32>
    %exp3A_2379 = math.exp %sub3A_2378 : vector<16xf32>
    %add3A_2380 = arith.addf %add3A_2375, %exp3A_2379 : vector<16xf32>
    %get3A_2381 = arith.constant 208 : index
    %get3A_2382 = tpu.vector_load %arg12[%get3A_2381] {strides = array<i32>} : memref<1024xf32, #tpu.memory_space<vmem>>, vector<16xf32>,
    %sub3A_2383 = arith.subf %get3A_2382, %max3A_1205 : vector<16xf32>
    %exp3A_2384 = math.exp %sub3A_2383 : vector<16xf32>
    %add3A_2385 = arith.addf %add3A_2380, %exp3A_2384 : vector<16xf32>
    %get3A_2386 = arith.constant 272 : index
    %get3A_2387 = tpu.vector_load %arg12[%get3A_2386] {strides = array<i32>} : memref<1024xf32, #tpu.memory_space<vmem>>, vector<16xf32>,
    %sub3A_2388 = arith.subf %get3A_2387, %max3A_1205 : vector<16xf32>
    %exp3A_2389 = math.exp %sub3A_2388 : vector<16xf32>
    %add3A_2390 = arith.addf %add3A_2385, %exp3A_2389 : vector<16xf32>
    %get3A_2391 = arith.constant 336 : index
    %get3A_2392 = tpu.vector_load %arg12[%get3A_2391] {strides = array<i32>} : memref<1024xf32, #tpu.memory_space<vmem>>, vector<16xf32>,
    %sub3A_2393 = arith.subf %get3A_2392, %max3A_1205 : vector<16xf32>
    %exp3A_2394 = math.exp %sub3A_2393 : vector<16xf32>
    %add3A_2395 = arith.addf %add3A_2390, %exp3A_2394 : vector<16xf32>
    %get3A_2396 = arith.constant 400 : index
    %get3A_2397 = tpu.vector_load %arg12[%get3A_2396] {strides = array<i32>} : memref<1024xf32, #tpu.memory_space<vmem>>, vector<16xf32>,
    %sub3A_2398 = arith.subf %get3A_2397, %max3A_1205 : vector<16xf32>
    %exp3A_2399 = math.exp %sub3A_2398 : vector<16xf32>
    %add3A_2400 = arith.addf %add3A_2395, %exp3A_2399 : vector<16xf32>
    %get3A_2401 = arith.constant 464 : index
    %get3A_2402 = tpu.vector_load %arg12[%get3A_2401] {strides = array<i32>} : memref<1024xf32, #tpu.memory_space<vmem>>, vector<16xf32>,
    %sub3A_2403 = arith.subf %get3A_2402, %max3A_1205 : vector<16xf32>
    %exp3A_2404 = math.exp %sub3A_2403 : vector<16xf32>
    %add3A_2405 = arith.addf %add3A_2400, %exp3A_2404 : vector<16xf32>
    %get3A_2406 = arith.constant 528 : index
    %get3A_2407 = tpu.vector_load %arg12[%get3A_2406] {strides = array<i32>} : memref<1024xf32, #tpu.memory_space<vmem>>, vector<16xf32>,
    %sub3A_2408 = arith.subf %get3A_2407, %max3A_1205 : vector<16xf32>
    %exp3A_2409 = math.exp %sub3A_2408 : vector<16xf32>
    %add3A_2410 = arith.addf %add3A_2405, %exp3A_2409 : vector<16xf32>
    %get3A_2411 = arith.constant 592 : index
    %get3A_2412 = tpu.vector_load %arg12[%get3A_2411] {strides = array<i32>} : memref<1024xf32, #tpu.memory_space<vmem>>, vector<16xf32>,
    %sub3A_2413 = arith.subf %get3A_2412, %max3A_1205 : vector<16xf32>
    %exp3A_2414 = math.exp %sub3A_2413 : vector<16xf32>
    %add3A_2415 = arith.addf %add3A_2410, %exp3A_2414 : vector<16xf32>
    %get3A_2416 = arith.constant 656 : index
    %get3A_2417 = tpu.vector_load %arg12[%get3A_2416] {strides = array<i32>} : memref<1024xf32, #tpu.memory_space<vmem>>, vector<16xf32>,
    %sub3A_2418 = arith.subf %get3A_2417, %max3A_1205 : vector<16xf32>
    %exp3A_2419 = math.exp %sub3A_2418 : vector<16xf32>
    %add3A_2420 = arith.addf %add3A_2415, %exp3A_2419 : vector<16xf32>
    %get3A_2421 = arith.constant 720 : index
    %get3A_2422 = tpu.vector_load %arg12[%get3A_2421] {strides = array<i32>} : memref<1024xf32, #tpu.memory_space<vmem>>, vector<16xf32>,
    %sub3A_2423 = arith.subf %get3A_2422, %max3A_1205 : vector<16xf32>
    %exp3A_2424 = math.exp %sub3A_2423 : vector<16xf32>
    %add3A_2425 = arith.addf %add3A_2420, %exp3A_2424 : vector<16xf32>
    %get3A_2426 = arith.constant 784 : index
    %get3A_2427 = tpu.vector_load %arg12[%get3A_2426] {strides = array<i32>} : memref<1024xf32, #tpu.memory_space<vmem>>, vector<16xf32>,
    %sub3A_2428 = arith.subf %get3A_2427, %max3A_1205 : vector<16xf32>
    %exp3A_2429 = math.exp %sub3A_2428 : vector<16xf32>
    %add3A_2430 = arith.addf %add3A_2425, %exp3A_2429 : vector<16xf32>
    %get3A_2431 = arith.constant 848 : index
    %get3A_2432 = tpu.vector_load %arg12[%get3A_2431] {strides = array<i32>} : memref<1024xf32, #tpu.memory_space<vmem>>, vector<16xf32>,
    %sub3A_2433 = arith.subf %get3A_2432, %max3A_1205 : vector<16xf32>
    %exp3A_2434 = math.exp %sub3A_2433 : vector<16xf32>
    %add3A_2435 = arith.addf %add3A_2430, %exp3A_2434 : vector<16xf32>
    %get3A_2436 = arith.constant 912 : index
    %get3A_2437 = tpu.vector_load %arg12[%get3A_2436] {strides = array<i32>} : memref<1024xf32, #tpu.memory_space<vmem>>, vector<16xf32>,
    %sub3A_2438 = arith.subf %get3A_2437, %max3A_1205 : vector<16xf32>
    %exp3A_2439 = math.exp %sub3A_2438 : vector<16xf32>
    %add3A_2440 = arith.addf %add3A_2435, %exp3A_2439 : vector<16xf32>
    %get3A_2441 = arith.constant 976 : index
    %get3A_2442 = tpu.vector_load %arg12[%get3A_2441] {strides = array<i32>} : memref<1024xf32, #tpu.memory_space<vmem>>, vector<16xf32>,
    %sub3A_2443 = arith.subf %get3A_2442, %max3A_1205 : vector<16xf32>
    %exp3A_2444 = math.exp %sub3A_2443 : vector<16xf32>
    %add3A_2445 = arith.addf %add3A_2440, %exp3A_2444 : vector<16xf32>
    %swap3A_2446 = arith.constant 64 : index
    %swap3A_2447 = tpu.vector_load %arg13[%swap3A_2446] {strides = array<i32>} : memref<256xf32, #tpu.memory_space<vmem>>, vector<16xf32>,
    tpu.vector_store %arg13[%swap3A_2446], %select_n3A_1199 {strides = array<i32>} : memref<256xf32, #tpu.memory_space<vmem>>, vector<16xf32>,
    %swap3A_2448 = arith.constant 80 : index
    %swap3A_2449 = tpu.vector_load %arg13[%swap3A_2448] {strides = array<i32>} : memref<256xf32, #tpu.memory_space<vmem>>, vector<16xf32>,
    tpu.vector_store %arg13[%swap3A_2448], %select_n3A_1204 {strides = array<i32>} : memref<256xf32, #tpu.memory_space<vmem>>, vector<16xf32>,
    %swap3A_2450 = arith.constant 96 : index
    %swap3A_2451 = tpu.vector_load %arg13[%swap3A_2450] {strides = array<i32>} : memref<256xf32, #tpu.memory_space<vmem>>, vector<16xf32>,
    tpu.vector_store %arg13[%swap3A_2450], %max3A_1205 {strides = array<i32>} : memref<256xf32, #tpu.memory_space<vmem>>, vector<16xf32>,
    %swap3A_2452 = arith.constant 112 : index
    %swap3A_2453 = tpu.vector_load %arg13[%swap3A_2452] {strides = array<i32>} : memref<256xf32, #tpu.memory_space<vmem>>, vector<16xf32>,
    tpu.vector_store %arg13[%swap3A_2452], %add3A_2445 {strides = array<i32>} : memref<256xf32, #tpu.memory_space<vmem>>, vector<16xf32>,
    %swap3A_2454 = arith.constant 16 : index
    %swap3A_2455 = tpu.vector_load %arg14[%swap3A_2454] {strides = array<i32>} : memref<64xi32, #tpu.memory_space<vmem>>, vector<16xi32>,
    tpu.vector_store %arg14[%swap3A_2454], %select_n3A_1203 {strides = array<i32>} : memref<64xi32, #tpu.memory_space<vmem>>, vector<16xi32>,
    %broadcast_in_dim3A_2456 = arith.constant 0.000000e+00 : f32
    %broadcast_in_dim3A_2457 = vector.broadcast %broadcast_in_dim3A_2456 : f32 to vector<16xf32>
    %get3A_2458 = arith.constant 32 : index
    %get3A_2459 = tpu.vector_load %arg12[%get3A_2458] {strides = array<i32>} : memref<1024xf32, #tpu.memory_space<vmem>>, vector<16xf32>,
    %sub3A_2460 = arith.subf %get3A_2459, %max3A_1739 : vector<16xf32>
    %exp3A_2461 = math.exp %sub3A_2460 : vector<16xf32>
    %add3A_2462 = arith.addf %broadcast_in_dim3A_2457, %exp3A_2461 : vector<16xf32>
    %get3A_2463 = arith.constant 96 : index
    %get3A_2464 = tpu.vector_load %arg12[%get3A_2463] {strides = array<i32>} : memref<1024xf32, #tpu.memory_space<vmem>>, vector<16xf32>,
    %sub3A_2465 = arith.subf %get3A_2464, %max3A_1739 : vector<16xf32>
    %exp3A_2466 = math.exp %sub3A_2465 : vector<16xf32>
    %add3A_2467 = arith.addf %add3A_2462, %exp3A_2466 : vector<16xf32>
    %get3A_2468 = arith.constant 160 : index
    %get3A_2469 = tpu.vector_load %arg12[%get3A_2468] {strides = array<i32>} : memref<1024xf32, #tpu.memory_space<vmem>>, vector<16xf32>,
    %sub3A_2470 = arith.subf %get3A_2469, %max3A_1739 : vector<16xf32>
    %exp3A_2471 = math.exp %sub3A_2470 : vector<16xf32>
    %add3A_2472 = arith.addf %add3A_2467, %exp3A_2471 : vector<16xf32>
    %get3A_2473 = arith.constant 224 : index
    %get3A_2474 = tpu.vector_load %arg12[%get3A_2473] {strides = array<i32>} : memref<1024xf32, #tpu.memory_space<vmem>>, vector<16xf32>,
    %sub3A_2475 = arith.subf %get3A_2474, %max3A_1739 : vector<16xf32>
    %exp3A_2476 = math.exp %sub3A_2475 : vector<16xf32>
    %add3A_2477 = arith.addf %add3A_2472, %exp3A_2476 : vector<16xf32>
    %get3A_2478 = arith.constant 288 : index
    %get3A_2479 = tpu.vector_load %arg12[%get3A_2478] {strides = array<i32>} : memref<1024xf32, #tpu.memory_space<vmem>>, vector<16xf32>,
    %sub3A_2480 = arith.subf %get3A_2479, %max3A_1739 : vector<16xf32>
    %exp3A_2481 = math.exp %sub3A_2480 : vector<16xf32>
    %add3A_2482 = arith.addf %add3A_2477, %exp3A_2481 : vector<16xf32>
    %get3A_2483 = arith.constant 352 : index
    %get3A_2484 = tpu.vector_load %arg12[%get3A_2483] {strides = array<i32>} : memref<1024xf32, #tpu.memory_space<vmem>>, vector<16xf32>,
    %sub3A_2485 = arith.subf %get3A_2484, %max3A_1739 : vector<16xf32>
    %exp3A_2486 = math.exp %sub3A_2485 : vector<16xf32>
    %add3A_2487 = arith.addf %add3A_2482, %exp3A_2486 : vector<16xf32>
    %get3A_2488 = arith.constant 416 : index
    %get3A_2489 = tpu.vector_load %arg12[%get3A_2488] {strides = array<i32>} : memref<1024xf32, #tpu.memory_space<vmem>>, vector<16xf32>,
    %sub3A_2490 = arith.subf %get3A_2489, %max3A_1739 : vector<16xf32>
    %exp3A_2491 = math.exp %sub3A_2490 : vector<16xf32>
    %add3A_2492 = arith.addf %add3A_2487, %exp3A_2491 : vector<16xf32>
    %get3A_2493 = arith.constant 480 : index
    %get3A_2494 = tpu.vector_load %arg12[%get3A_2493] {strides = array<i32>} : memref<1024xf32, #tpu.memory_space<vmem>>, vector<16xf32>,
    %sub3A_2495 = arith.subf %get3A_2494, %max3A_1739 : vector<16xf32>
    %exp3A_2496 = math.exp %sub3A_2495 : vector<16xf32>
    %add3A_2497 = arith.addf %add3A_2492, %exp3A_2496 : vector<16xf32>
    %get3A_2498 = arith.constant 544 : index
    %get3A_2499 = tpu.vector_load %arg12[%get3A_2498] {strides = array<i32>} : memref<1024xf32, #tpu.memory_space<vmem>>, vector<16xf32>,
    %sub3A_2500 = arith.subf %get3A_2499, %max3A_1739 : vector<16xf32>
    %exp3A_2501 = math.exp %sub3A_2500 : vector<16xf32>
    %add3A_2502 = arith.addf %add3A_2497, %exp3A_2501 : vector<16xf32>
    %get3A_2503 = arith.constant 608 : index
    %get3A_2504 = tpu.vector_load %arg12[%get3A_2503] {strides = array<i32>} : memref<1024xf32, #tpu.memory_space<vmem>>, vector<16xf32>,
    %sub3A_2505 = arith.subf %get3A_2504, %max3A_1739 : vector<16xf32>
    %exp3A_2506 = math.exp %sub3A_2505 : vector<16xf32>
    %add3A_2507 = arith.addf %add3A_2502, %exp3A_2506 : vector<16xf32>
    %get3A_2508 = arith.constant 672 : index
    %get3A_2509 = tpu.vector_load %arg12[%get3A_2508] {strides = array<i32>} : memref<1024xf32, #tpu.memory_space<vmem>>, vector<16xf32>,
    %sub3A_2510 = arith.subf %get3A_2509, %max3A_1739 : vector<16xf32>
    %exp3A_2511 = math.exp %sub3A_2510 : vector<16xf32>
    %add3A_2512 = arith.addf %add3A_2507, %exp3A_2511 : vector<16xf32>
    %get3A_2513 = arith.constant 736 : index
    %get3A_2514 = tpu.vector_load %arg12[%get3A_2513] {strides = array<i32>} : memref<1024xf32, #tpu.memory_space<vmem>>, vector<16xf32>,
    %sub3A_2515 = arith.subf %get3A_2514, %max3A_1739 : vector<16xf32>
    %exp3A_2516 = math.exp %sub3A_2515 : vector<16xf32>
    %add3A_2517 = arith.addf %add3A_2512, %exp3A_2516 : vector<16xf32>
    %get3A_2518 = arith.constant 800 : index
    %get3A_2519 = tpu.vector_load %arg12[%get3A_2518] {strides = array<i32>} : memref<1024xf32, #tpu.memory_space<vmem>>, vector<16xf32>,
    %sub3A_2520 = arith.subf %get3A_2519, %max3A_1739 : vector<16xf32>
    %exp3A_2521 = math.exp %sub3A_2520 : vector<16xf32>
    %add3A_2522 = arith.addf %add3A_2517, %exp3A_2521 : vector<16xf32>
    %get3A_2523 = arith.constant 864 : index
    %get3A_2524 = tpu.vector_load %arg12[%get3A_2523] {strides = array<i32>} : memref<1024xf32, #tpu.memory_space<vmem>>, vector<16xf32>,
    %sub3A_2525 = arith.subf %get3A_2524, %max3A_1739 : vector<16xf32>
    %exp3A_2526 = math.exp %sub3A_2525 : vector<16xf32>
    %add3A_2527 = arith.addf %add3A_2522, %exp3A_2526 : vector<16xf32>
    %get3A_2528 = arith.constant 928 : index
    %get3A_2529 = tpu.vector_load %arg12[%get3A_2528] {strides = array<i32>} : memref<1024xf32, #tpu.memory_space<vmem>>, vector<16xf32>,
    %sub3A_2530 = arith.subf %get3A_2529, %max3A_1739 : vector<16xf32>
    %exp3A_2531 = math.exp %sub3A_2530 : vector<16xf32>
    %add3A_2532 = arith.addf %add3A_2527, %exp3A_2531 : vector<16xf32>
    %get3A_2533 = arith.constant 992 : index
    %get3A_2534 = tpu.vector_load %arg12[%get3A_2533] {strides = array<i32>} : memref<1024xf32, #tpu.memory_space<vmem>>, vector<16xf32>,
    %sub3A_2535 = arith.subf %get3A_2534, %max3A_1739 : vector<16xf32>
    %exp3A_2536 = math.exp %sub3A_2535 : vector<16xf32>
    %add3A_2537 = arith.addf %add3A_2532, %exp3A_2536 : vector<16xf32>
    %swap3A_2538 = arith.constant 128 : index
    %swap3A_2539 = tpu.vector_load %arg13[%swap3A_2538] {strides = array<i32>} : memref<256xf32, #tpu.memory_space<vmem>>, vector<16xf32>,
    tpu.vector_store %arg13[%swap3A_2538], %select_n3A_1733 {strides = array<i32>} : memref<256xf32, #tpu.memory_space<vmem>>, vector<16xf32>,
    %swap3A_2540 = arith.constant 144 : index
    %swap3A_2541 = tpu.vector_load %arg13[%swap3A_2540] {strides = array<i32>} : memref<256xf32, #tpu.memory_space<vmem>>, vector<16xf32>,
    tpu.vector_store %arg13[%swap3A_2540], %select_n3A_1738 {strides = array<i32>} : memref<256xf32, #tpu.memory_space<vmem>>, vector<16xf32>,
    %swap3A_2542 = arith.constant 160 : index
    %swap3A_2543 = tpu.vector_load %arg13[%swap3A_2542] {strides = array<i32>} : memref<256xf32, #tpu.memory_space<vmem>>, vector<16xf32>,
    tpu.vector_store %arg13[%swap3A_2542], %max3A_1739 {strides = array<i32>} : memref<256xf32, #tpu.memory_space<vmem>>, vector<16xf32>,
    %swap3A_2544 = arith.constant 176 : index
    %swap3A_2545 = tpu.vector_load %arg13[%swap3A_2544] {strides = array<i32>} : memref<256xf32, #tpu.memory_space<vmem>>, vector<16xf32>,
    tpu.vector_store %arg13[%swap3A_2544], %add3A_2537 {strides = array<i32>} : memref<256xf32, #tpu.memory_space<vmem>>, vector<16xf32>,
    %swap3A_2546 = arith.constant 32 : index
    %swap3A_2547 = tpu.vector_load %arg14[%swap3A_2546] {strides = array<i32>} : memref<64xi32, #tpu.memory_space<vmem>>, vector<16xi32>,
    tpu.vector_store %arg14[%swap3A_2546], %select_n3A_1737 {strides = array<i32>} : memref<64xi32, #tpu.memory_space<vmem>>, vector<16xi32>,
    %broadcast_in_dim3A_2548 = arith.constant 0.000000e+00 : f32
    %broadcast_in_dim3A_2549 = vector.broadcast %broadcast_in_dim3A_2548 : f32 to vector<16xf32>
    %get3A_2550 = arith.constant 48 : index
    %get3A_2551 = tpu.vector_load %arg12[%get3A_2550] {strides = array<i32>} : memref<1024xf32, #tpu.memory_space<vmem>>, vector<16xf32>,
    %sub3A_2552 = arith.subf %get3A_2551, %max3A_2273 : vector<16xf32>
    %exp3A_2553 = math.exp %sub3A_2552 : vector<16xf32>
    %add3A_2554 = arith.addf %broadcast_in_dim3A_2549, %exp3A_2553 : vector<16xf32>
    %get3A_2555 = arith.constant 112 : index
    %get3A_2556 = tpu.vector_load %arg12[%get3A_2555] {strides = array<i32>} : memref<1024xf32, #tpu.memory_space<vmem>>, vector<16xf32>,
    %sub3A_2557 = arith.subf %get3A_2556, %max3A_2273 : vector<16xf32>
    %exp3A_2558 = math.exp %sub3A_2557 : vector<16xf32>
    %add3A_2559 = arith.addf %add3A_2554, %exp3A_2558 : vector<16xf32>
    %get3A_2560 = arith.constant 176 : index
    %get3A_2561 = tpu.vector_load %arg12[%get3A_2560] {strides = array<i32>} : memref<1024xf32, #tpu.memory_space<vmem>>, vector<16xf32>,
    %sub3A_2562 = arith.subf %get3A_2561, %max3A_2273 : vector<16xf32>
    %exp3A_2563 = math.exp %sub3A_2562 : vector<16xf32>
    %add3A_2564 = arith.addf %add3A_2559, %exp3A_2563 : vector<16xf32>
    %get3A_2565 = arith.constant 240 : index
    %get3A_2566 = tpu.vector_load %arg12[%get3A_2565] {strides = array<i32>} : memref<1024xf32, #tpu.memory_space<vmem>>, vector<16xf32>,
    %sub3A_2567 = arith.subf %get3A_2566, %max3A_2273 : vector<16xf32>
    %exp3A_2568 = math.exp %sub3A_2567 : vector<16xf32>
    %add3A_2569 = arith.addf %add3A_2564, %exp3A_2568 : vector<16xf32>
    %get3A_2570 = arith.constant 304 : index
    %get3A_2571 = tpu.vector_load %arg12[%get3A_2570] {strides = array<i32>} : memref<1024xf32, #tpu.memory_space<vmem>>, vector<16xf32>,
    %sub3A_2572 = arith.subf %get3A_2571, %max3A_2273 : vector<16xf32>
    %exp3A_2573 = math.exp %sub3A_2572 : vector<16xf32>
    %add3A_2574 = arith.addf %add3A_2569, %exp3A_2573 : vector<16xf32>
    %get3A_2575 = arith.constant 368 : index
    %get3A_2576 = tpu.vector_load %arg12[%get3A_2575] {strides = array<i32>} : memref<1024xf32, #tpu.memory_space<vmem>>, vector<16xf32>,
    %sub3A_2577 = arith.subf %get3A_2576, %max3A_2273 : vector<16xf32>
    %exp3A_2578 = math.exp %sub3A_2577 : vector<16xf32>
    %add3A_2579 = arith.addf %add3A_2574, %exp3A_2578 : vector<16xf32>
    %get3A_2580 = arith.constant 432 : index
    %get3A_2581 = tpu.vector_load %arg12[%get3A_2580] {strides = array<i32>} : memref<1024xf32, #tpu.memory_space<vmem>>, vector<16xf32>,
    %sub3A_2582 = arith.subf %get3A_2581, %max3A_2273 : vector<16xf32>
    %exp3A_2583 = math.exp %sub3A_2582 : vector<16xf32>
    %add3A_2584 = arith.addf %add3A_2579, %exp3A_2583 : vector<16xf32>
    %get3A_2585 = arith.constant 496 : index
    %get3A_2586 = tpu.vector_load %arg12[%get3A_2585] {strides = array<i32>} : memref<1024xf32, #tpu.memory_space<vmem>>, vector<16xf32>,
    %sub3A_2587 = arith.subf %get3A_2586, %max3A_2273 : vector<16xf32>
    %exp3A_2588 = math.exp %sub3A_2587 : vector<16xf32>
    %add3A_2589 = arith.addf %add3A_2584, %exp3A_2588 : vector<16xf32>
    %get3A_2590 = arith.constant 560 : index
    %get3A_2591 = tpu.vector_load %arg12[%get3A_2590] {strides = array<i32>} : memref<1024xf32, #tpu.memory_space<vmem>>, vector<16xf32>,
    %sub3A_2592 = arith.subf %get3A_2591, %max3A_2273 : vector<16xf32>
    %exp3A_2593 = math.exp %sub3A_2592 : vector<16xf32>
    %add3A_2594 = arith.addf %add3A_2589, %exp3A_2593 : vector<16xf32>
    %get3A_2595 = arith.constant 624 : index
    %get3A_2596 = tpu.vector_load %arg12[%get3A_2595] {strides = array<i32>} : memref<1024xf32, #tpu.memory_space<vmem>>, vector<16xf32>,
    %sub3A_2597 = arith.subf %get3A_2596, %max3A_2273 : vector<16xf32>
    %exp3A_2598 = math.exp %sub3A_2597 : vector<16xf32>
    %add3A_2599 = arith.addf %add3A_2594, %exp3A_2598 : vector<16xf32>
    %get3A_2600 = arith.constant 688 : index
    %get3A_2601 = tpu.vector_load %arg12[%get3A_2600] {strides = array<i32>} : memref<1024xf32, #tpu.memory_space<vmem>>, vector<16xf32>,
    %sub3A_2602 = arith.subf %get3A_2601, %max3A_2273 : vector<16xf32>
    %exp3A_2603 = math.exp %sub3A_2602 : vector<16xf32>
    %add3A_2604 = arith.addf %add3A_2599, %exp3A_2603 : vector<16xf32>
    %get3A_2605 = arith.constant 752 : index
    %get3A_2606 = tpu.vector_load %arg12[%get3A_2605] {strides = array<i32>} : memref<1024xf32, #tpu.memory_space<vmem>>, vector<16xf32>,
    %sub3A_2607 = arith.subf %get3A_2606, %max3A_2273 : vector<16xf32>
    %exp3A_2608 = math.exp %sub3A_2607 : vector<16xf32>
    %add3A_2609 = arith.addf %add3A_2604, %exp3A_2608 : vector<16xf32>
    %get3A_2610 = arith.constant 816 : index
    %get3A_2611 = tpu.vector_load %arg12[%get3A_2610] {strides = array<i32>} : memref<1024xf32, #tpu.memory_space<vmem>>, vector<16xf32>,
    %sub3A_2612 = arith.subf %get3A_2611, %max3A_2273 : vector<16xf32>
    %exp3A_2613 = math.exp %sub3A_2612 : vector<16xf32>
    %add3A_2614 = arith.addf %add3A_2609, %exp3A_2613 : vector<16xf32>
    %get3A_2615 = arith.constant 880 : index
    %get3A_2616 = tpu.vector_load %arg12[%get3A_2615] {strides = array<i32>} : memref<1024xf32, #tpu.memory_space<vmem>>, vector<16xf32>,
    %sub3A_2617 = arith.subf %get3A_2616, %max3A_2273 : vector<16xf32>
    %exp3A_2618 = math.exp %sub3A_2617 : vector<16xf32>
    %add3A_2619 = arith.addf %add3A_2614, %exp3A_2618 : vector<16xf32>
    %get3A_2620 = arith.constant 944 : index
    %get3A_2621 = tpu.vector_load %arg12[%get3A_2620] {strides = array<i32>} : memref<1024xf32, #tpu.memory_space<vmem>>, vector<16xf32>,
    %sub3A_2622 = arith.subf %get3A_2621, %max3A_2273 : vector<16xf32>
    %exp3A_2623 = math.exp %sub3A_2622 : vector<16xf32>
    %add3A_2624 = arith.addf %add3A_2619, %exp3A_2623 : vector<16xf32>
    %get3A_2625 = arith.constant 1008 : index
    %get3A_2626 = tpu.vector_load %arg12[%get3A_2625] {strides = array<i32>} : memref<1024xf32, #tpu.memory_space<vmem>>, vector<16xf32>,
    %sub3A_2627 = arith.subf %get3A_2626, %max3A_2273 : vector<16xf32>
    %exp3A_2628 = math.exp %sub3A_2627 : vector<16xf32>
    %add3A_2629 = arith.addf %add3A_2624, %exp3A_2628 : vector<16xf32>
    %swap3A_2630 = arith.constant 192 : index
    %swap3A_2631 = tpu.vector_load %arg13[%swap3A_2630] {strides = array<i32>} : memref<256xf32, #tpu.memory_space<vmem>>, vector<16xf32>,
    tpu.vector_store %arg13[%swap3A_2630], %select_n3A_2267 {strides = array<i32>} : memref<256xf32, #tpu.memory_space<vmem>>, vector<16xf32>,
    %swap3A_2632 = arith.constant 208 : index
    %swap3A_2633 = tpu.vector_load %arg13[%swap3A_2632] {strides = array<i32>} : memref<256xf32, #tpu.memory_space<vmem>>, vector<16xf32>,
    tpu.vector_store %arg13[%swap3A_2632], %select_n3A_2272 {strides = array<i32>} : memref<256xf32, #tpu.memory_space<vmem>>, vector<16xf32>,
    %swap3A_2634 = arith.constant 224 : index
    %swap3A_2635 = tpu.vector_load %arg13[%swap3A_2634] {strides = array<i32>} : memref<256xf32, #tpu.memory_space<vmem>>, vector<16xf32>,
    tpu.vector_store %arg13[%swap3A_2634], %max3A_2273 {strides = array<i32>} : memref<256xf32, #tpu.memory_space<vmem>>, vector<16xf32>,
    %swap3A_2636 = arith.constant 240 : index
    %swap3A_2637 = tpu.vector_load %arg13[%swap3A_2636] {strides = array<i32>} : memref<256xf32, #tpu.memory_space<vmem>>, vector<16xf32>,
    tpu.vector_store %arg13[%swap3A_2636], %add3A_2629 {strides = array<i32>} : memref<256xf32, #tpu.memory_space<vmem>>, vector<16xf32>,
    %swap3A_2638 = arith.constant 48 : index
    %swap3A_2639 = tpu.vector_load %arg14[%swap3A_2638] {strides = array<i32>} : memref<64xi32, #tpu.memory_space<vmem>>, vector<16xi32>,
    tpu.vector_store %arg14[%swap3A_2638], %select_n3A_2271 {strides = array<i32>} : memref<64xi32, #tpu.memory_space<vmem>>, vector<16xi32>,
    %mul3A_2640 = arith.constant 256 : i32
    %mul3A_2641 = arith.muli %arg1, %mul3A_2640 : i32
    "tpu.region"() ({
      %run_scoped3A = tpu.sem_alloc : memref<!tpu.dma_semaphore, #tpu.memory_space<semaphore_mem>>
      %dma_start3A = tpu.memref_slice %arg19[%mul3A_2641] : memref<4096xf32, #tpu.memory_space<vmem_shared>> -> memref<256xf32, #tpu.memory_space<vmem_shared>>
      %dma_start3A_2649 = tpu.memref_slice %arg19[%mul3A_2641] : memref<4096xf32, #tpu.memory_space<vmem_shared>> -> memref<256xf32, #tpu.memory_space<vmem_shared>>
      tpu.enqueue_dma source(%arg13 : memref<256xf32, #tpu.memory_space<vmem>>) target(%dma_start3A_2649 : memref<256xf32, #tpu.memory_space<vmem_shared>>) target_semaphore(%run_scoped3A : memref<!tpu.dma_semaphore, #tpu.memory_space<semaphore_mem>>)
      %dma_wait3A_2650 = tpu.memref_slice %arg19[%mul3A_2641] : memref<4096xf32, #tpu.memory_space<vmem_shared>> -> memref<256xf32, #tpu.memory_space<vmem_shared>>
      %dma_wait3A_2651 = tpu.memref_slice %arg19[%mul3A_2641] : memref<4096xf32, #tpu.memory_space<vmem_shared>> -> memref<256xf32, #tpu.memory_space<vmem_shared>>
      tpu.wait_dma2 semaphore(%run_scoped3A : memref<!tpu.dma_semaphore, #tpu.memory_space<semaphore_mem>>) src(%arg13 : memref<256xf32, #tpu.memory_space<vmem>>) dst(%dma_wait3A_2651 : memref<256xf32, #tpu.memory_space<vmem_shared>>)
      tpu.yield
    }) : () -> ()
    %mul3A_2642 = arith.constant 64 : i32
    %mul3A_2643 = arith.muli %arg1, %mul3A_2642 : i32
    "tpu.region"() ({
      %run_scoped3A = tpu.sem_alloc : memref<!tpu.dma_semaphore, #tpu.memory_space<semaphore_mem>>
      %dma_start3A = tpu.memref_slice %arg20[%mul3A_2643] : memref<1024xi32, #tpu.memory_space<vmem_shared>> -> memref<64xi32, #tpu.memory_space<vmem_shared>>
      %dma_start3A_2649 = tpu.memref_slice %arg20[%mul3A_2643] : memref<1024xi32, #tpu.memory_space<vmem_shared>> -> memref<64xi32, #tpu.memory_space<vmem_shared>>
      tpu.enqueue_dma source(%arg14 : memref<64xi32, #tpu.memory_space<vmem>>) target(%dma_start3A_2649 : memref<64xi32, #tpu.memory_space<vmem_shared>>) target_semaphore(%run_scoped3A : memref<!tpu.dma_semaphore, #tpu.memory_space<semaphore_mem>>)
      %dma_wait3A_2650 = tpu.memref_slice %arg20[%mul3A_2643] : memref<1024xi32, #tpu.memory_space<vmem_shared>> -> memref<64xi32, #tpu.memory_space<vmem_shared>>
      %dma_wait3A_2651 = tpu.memref_slice %arg20[%mul3A_2643] : memref<1024xi32, #tpu.memory_space<vmem_shared>> -> memref<64xi32, #tpu.memory_space<vmem_shared>>
      tpu.wait_dma2 semaphore(%run_scoped3A : memref<!tpu.dma_semaphore, #tpu.memory_space<semaphore_mem>>) src(%arg14 : memref<64xi32, #tpu.memory_space<vmem>>) dst(%dma_wait3A_2651 : memref<64xi32, #tpu.memory_space<vmem_shared>>)
      tpu.yield
    }) : () -> ()
    %barrier3A = arith.constant 0 : index
    tpu.barrier barrier_id(%barrier3A)
    %lt3A_2644 = arith.constant 4 : i32
    %lt3A_2645 = arith.cmpi slt, %arg1, %lt3A_2644 : i32
    %convert_element_type3A_2646 = arith.extui %lt3A_2645 : i1 to i32
    %cond3A_2647 = arith.constant 0 : i32
    %cond3A_2648 = arith.cmpi ne, %convert_element_type3A_2646, %cond3A_2647 : i32
    scf.if %cond3A_2648 {
      "tpu.region"() ({
        %run_scoped3A = tpu.sem_alloc : memref<!tpu.dma_semaphore, #tpu.memory_space<semaphore_mem>>
        tpu.enqueue_dma source(%arg19 : memref<4096xf32, #tpu.memory_space<vmem_shared>>) target(%arg15 : memref<4096xf32, #tpu.memory_space<vmem>>) target_semaphore(%run_scoped3A : memref<!tpu.dma_semaphore, #tpu.memory_space<semaphore_mem>>)
        tpu.wait_dma2 semaphore(%run_scoped3A : memref<!tpu.dma_semaphore, #tpu.memory_space<semaphore_mem>>) src(%arg19 : memref<4096xf32, #tpu.memory_space<vmem_shared>>) dst(%arg15 : memref<4096xf32, #tpu.memory_space<vmem>>)
        tpu.yield
      }) : () -> ()
      "tpu.region"() ({
        %run_scoped3A = tpu.sem_alloc : memref<!tpu.dma_semaphore, #tpu.memory_space<semaphore_mem>>
        tpu.enqueue_dma source(%arg20 : memref<1024xi32, #tpu.memory_space<vmem_shared>>) target(%arg16 : memref<1024xi32, #tpu.memory_space<vmem>>) target_semaphore(%run_scoped3A : memref<!tpu.dma_semaphore, #tpu.memory_space<semaphore_mem>>)
        tpu.wait_dma2 semaphore(%run_scoped3A : memref<!tpu.dma_semaphore, #tpu.memory_space<semaphore_mem>>) src(%arg20 : memref<1024xi32, #tpu.memory_space<vmem_shared>>) dst(%arg16 : memref<1024xi32, #tpu.memory_space<vmem>>)
        tpu.yield
      }) : () -> ()
      %broadcast_in_dim3A_2649 = arith.constant -3.000000e+38 : f32
      %broadcast_in_dim3A_2650 = vector.broadcast %broadcast_in_dim3A_2649 : f32 to vector<16xf32>
      %broadcast_in_dim3A_2651 = arith.constant 0 : i32
      %broadcast_in_dim3A_2652 = vector.broadcast %broadcast_in_dim3A_2651 : i32 to vector<16xi32>
      %broadcast_in_dim3A_2653 = arith.constant -3.000000e+38 : f32
      %broadcast_in_dim3A_2654 = vector.broadcast %broadcast_in_dim3A_2653 : f32 to vector<16xf32>
      %broadcast_in_dim3A_2655 = arith.constant -3.000000e+38 : f32
      %broadcast_in_dim3A_2656 = vector.broadcast %broadcast_in_dim3A_2655 : f32 to vector<16xf32>
      %mul3A_2657 = arith.constant 64 : i32
      %mul3A_2658 = arith.muli %arg1, %mul3A_2657 : i32
      %add3A_2659 = arith.constant 0 : i32
      %add3A_2660 = arith.addi %add3A_2659, %mul3A_2658 : i32
      %add3A_2661 = vector.broadcast %add3A_2660 : i32 to vector<16xi32>
      %add3A_2662 = arith.addi %add3A_2661, %iota3A : vector<16xi32>
      %gather3A_2663 = tpu.vector_load_idx %arg15[%add3A_2662] : memref<4096xf32, #tpu.memory_space<vmem>>[vector<16xi32>], vector<16xf32>,
      %add3A_2664 = arith.constant 16 : i32
      %add3A_2665 = vector.broadcast %add3A_2664 : i32 to vector<16xi32>
      %add3A_2666 = arith.addi %add3A_2662, %add3A_2665 : vector<16xi32>
      %gather3A_2667 = tpu.vector_load_idx %arg15[%add3A_2666] : memref<4096xf32, #tpu.memory_space<vmem>>[vector<16xi32>], vector<16xf32>,
      %add3A_2668 = arith.constant 32 : i32
      %add3A_2669 = vector.broadcast %add3A_2668 : i32 to vector<16xi32>
      %add3A_2670 = arith.addi %add3A_2662, %add3A_2669 : vector<16xi32>
      %gather3A_2671 = tpu.vector_load_idx %arg15[%add3A_2670] : memref<4096xf32, #tpu.memory_space<vmem>>[vector<16xi32>], vector<16xf32>,
      %add3A_2672 = arith.constant 48 : i32
      %add3A_2673 = vector.broadcast %add3A_2672 : i32 to vector<16xi32>
      %add3A_2674 = arith.addi %add3A_2662, %add3A_2673 : vector<16xi32>
      %gather3A_2675 = tpu.vector_load_idx %arg15[%add3A_2674] : memref<4096xf32, #tpu.memory_space<vmem>>[vector<16xi32>], vector<16xf32>,
      %mul3A_2676 = arith.constant 16 : i32
      %mul3A_2677 = arith.muli %arg1, %mul3A_2676 : i32
      %add3A_2678 = arith.constant 0 : i32
      %add3A_2679 = arith.addi %add3A_2678, %mul3A_2677 : i32
      %add3A_2680 = vector.broadcast %add3A_2679 : i32 to vector<16xi32>
      %add3A_2681 = arith.addi %add3A_2680, %iota3A : vector<16xi32>
      %gather3A_2682 = tpu.vector_load_idx %arg16[%add3A_2681] : memref<1024xi32, #tpu.memory_space<vmem>>[vector<16xi32>], vector<16xi32>,
      %gt3A_2683 = arith.cmpf ogt, %gather3A_2663, %broadcast_in_dim3A_2650 : vector<16xf32>
      %select_n3A_2684 = arith.select %gt3A_2683, %gather3A_2663, %broadcast_in_dim3A_2650 : vector<16xi1>, vector<16xf32>
      %select_n3A_2685 = arith.select %gt3A_2683, %gather3A_2682, %broadcast_in_dim3A_2652 : vector<16xi1>, vector<16xi32>
      %select_n3A_2686 = arith.select %gt3A_2683, %gather3A_2667, %broadcast_in_dim3A_2654 : vector<16xi1>, vector<16xf32>
      %max3A_2687 = arith.maximumf %broadcast_in_dim3A_2656, %gather3A_2671 : vector<16xf32>
      %mul3A_2688 = arith.constant 64 : i32
      %mul3A_2689 = arith.muli %arg1, %mul3A_2688 : i32
      %add3A_2690 = arith.constant 256 : i32
      %add3A_2691 = arith.addi %add3A_2690, %mul3A_2689 : i32
      %add3A_2692 = vector.broadcast %add3A_2691 : i32 to vector<16xi32>
      %add3A_2693 = arith.addi %add3A_2692, %iota3A : vector<16xi32>
      %gather3A_2694 = tpu.vector_load_idx %arg15[%add3A_2693] : memref<4096xf32, #tpu.memory_space<vmem>>[vector<16xi32>], vector<16xf32>,
      %add3A_2695 = arith.constant 16 : i32
      %add3A_2696 = vector.broadcast %add3A_2695 : i32 to vector<16xi32>
      %add3A_2697 = arith.addi %add3A_2693, %add3A_2696 : vector<16xi32>
      %gather3A_2698 = tpu.vector_load_idx %arg15[%add3A_2697] : memref<4096xf32, #tpu.memory_space<vmem>>[vector<16xi32>], vector<16xf32>,
      %add3A_2699 = arith.constant 32 : i32
      %add3A_2700 = vector.broadcast %add3A_2699 : i32 to vector<16xi32>
      %add3A_2701 = arith.addi %add3A_2693, %add3A_2700 : vector<16xi32>
      %gather3A_2702 = tpu.vector_load_idx %arg15[%add3A_2701] : memref<4096xf32, #tpu.memory_space<vmem>>[vector<16xi32>], vector<16xf32>,
      %add3A_2703 = arith.constant 48 : i32
      %add3A_2704 = vector.broadcast %add3A_2703 : i32 to vector<16xi32>
      %add3A_2705 = arith.addi %add3A_2693, %add3A_2704 : vector<16xi32>
      %gather3A_2706 = tpu.vector_load_idx %arg15[%add3A_2705] : memref<4096xf32, #tpu.memory_space<vmem>>[vector<16xi32>], vector<16xf32>,
      %mul3A_2707 = arith.constant 16 : i32
      %mul3A_2708 = arith.muli %arg1, %mul3A_2707 : i32
      %add3A_2709 = arith.constant 64 : i32
      %add3A_2710 = arith.addi %add3A_2709, %mul3A_2708 : i32
      %add3A_2711 = vector.broadcast %add3A_2710 : i32 to vector<16xi32>
      %add3A_2712 = arith.addi %add3A_2711, %iota3A : vector<16xi32>
      %gather3A_2713 = tpu.vector_load_idx %arg16[%add3A_2712] : memref<1024xi32, #tpu.memory_space<vmem>>[vector<16xi32>], vector<16xi32>,
      %gt3A_2714 = arith.cmpf ogt, %gather3A_2694, %select_n3A_2684 : vector<16xf32>
      %select_n3A_2715 = arith.select %gt3A_2714, %gather3A_2694, %select_n3A_2684 : vector<16xi1>, vector<16xf32>
      %select_n3A_2716 = arith.select %gt3A_2714, %gather3A_2713, %select_n3A_2685 : vector<16xi1>, vector<16xi32>
      %select_n3A_2717 = arith.select %gt3A_2714, %gather3A_2698, %select_n3A_2686 : vector<16xi1>, vector<16xf32>
      %max3A_2718 = arith.maximumf %max3A_2687, %gather3A_2702 : vector<16xf32>
      %mul3A_2719 = arith.constant 64 : i32
      %mul3A_2720 = arith.muli %arg1, %mul3A_2719 : i32
      %add3A_2721 = arith.constant 512 : i32
      %add3A_2722 = arith.addi %add3A_2721, %mul3A_2720 : i32
      %add3A_2723 = vector.broadcast %add3A_2722 : i32 to vector<16xi32>
      %add3A_2724 = arith.addi %add3A_2723, %iota3A : vector<16xi32>
      %gather3A_2725 = tpu.vector_load_idx %arg15[%add3A_2724] : memref<4096xf32, #tpu.memory_space<vmem>>[vector<16xi32>], vector<16xf32>,
      %add3A_2726 = arith.constant 16 : i32
      %add3A_2727 = vector.broadcast %add3A_2726 : i32 to vector<16xi32>
      %add3A_2728 = arith.addi %add3A_2724, %add3A_2727 : vector<16xi32>
      %gather3A_2729 = tpu.vector_load_idx %arg15[%add3A_2728] : memref<4096xf32, #tpu.memory_space<vmem>>[vector<16xi32>], vector<16xf32>,
      %add3A_2730 = arith.constant 32 : i32
      %add3A_2731 = vector.broadcast %add3A_2730 : i32 to vector<16xi32>
      %add3A_2732 = arith.addi %add3A_2724, %add3A_2731 : vector<16xi32>
      %gather3A_2733 = tpu.vector_load_idx %arg15[%add3A_2732] : memref<4096xf32, #tpu.memory_space<vmem>>[vector<16xi32>], vector<16xf32>,
      %add3A_2734 = arith.constant 48 : i32
      %add3A_2735 = vector.broadcast %add3A_2734 : i32 to vector<16xi32>
      %add3A_2736 = arith.addi %add3A_2724, %add3A_2735 : vector<16xi32>
      %gather3A_2737 = tpu.vector_load_idx %arg15[%add3A_2736] : memref<4096xf32, #tpu.memory_space<vmem>>[vector<16xi32>], vector<16xf32>,
      %mul3A_2738 = arith.constant 16 : i32
      %mul3A_2739 = arith.muli %arg1, %mul3A_2738 : i32
      %add3A_2740 = arith.constant 128 : i32
      %add3A_2741 = arith.addi %add3A_2740, %mul3A_2739 : i32
      %add3A_2742 = vector.broadcast %add3A_2741 : i32 to vector<16xi32>
      %add3A_2743 = arith.addi %add3A_2742, %iota3A : vector<16xi32>
      %gather3A_2744 = tpu.vector_load_idx %arg16[%add3A_2743] : memref<1024xi32, #tpu.memory_space<vmem>>[vector<16xi32>], vector<16xi32>,
      %gt3A_2745 = arith.cmpf ogt, %gather3A_2725, %select_n3A_2715 : vector<16xf32>
      %select_n3A_2746 = arith.select %gt3A_2745, %gather3A_2725, %select_n3A_2715 : vector<16xi1>, vector<16xf32>
      %select_n3A_2747 = arith.select %gt3A_2745, %gather3A_2744, %select_n3A_2716 : vector<16xi1>, vector<16xi32>
      %select_n3A_2748 = arith.select %gt3A_2745, %gather3A_2729, %select_n3A_2717 : vector<16xi1>, vector<16xf32>
      %max3A_2749 = arith.maximumf %max3A_2718, %gather3A_2733 : vector<16xf32>
      %mul3A_2750 = arith.constant 64 : i32
      %mul3A_2751 = arith.muli %arg1, %mul3A_2750 : i32
      %add3A_2752 = arith.constant 768 : i32
      %add3A_2753 = arith.addi %add3A_2752, %mul3A_2751 : i32
      %add3A_2754 = vector.broadcast %add3A_2753 : i32 to vector<16xi32>
      %add3A_2755 = arith.addi %add3A_2754, %iota3A : vector<16xi32>
      %gather3A_2756 = tpu.vector_load_idx %arg15[%add3A_2755] : memref<4096xf32, #tpu.memory_space<vmem>>[vector<16xi32>], vector<16xf32>,
      %add3A_2757 = arith.constant 16 : i32
      %add3A_2758 = vector.broadcast %add3A_2757 : i32 to vector<16xi32>
      %add3A_2759 = arith.addi %add3A_2755, %add3A_2758 : vector<16xi32>
      %gather3A_2760 = tpu.vector_load_idx %arg15[%add3A_2759] : memref<4096xf32, #tpu.memory_space<vmem>>[vector<16xi32>], vector<16xf32>,
      %add3A_2761 = arith.constant 32 : i32
      %add3A_2762 = vector.broadcast %add3A_2761 : i32 to vector<16xi32>
      %add3A_2763 = arith.addi %add3A_2755, %add3A_2762 : vector<16xi32>
      %gather3A_2764 = tpu.vector_load_idx %arg15[%add3A_2763] : memref<4096xf32, #tpu.memory_space<vmem>>[vector<16xi32>], vector<16xf32>,
      %add3A_2765 = arith.constant 48 : i32
      %add3A_2766 = vector.broadcast %add3A_2765 : i32 to vector<16xi32>
      %add3A_2767 = arith.addi %add3A_2755, %add3A_2766 : vector<16xi32>
      %gather3A_2768 = tpu.vector_load_idx %arg15[%add3A_2767] : memref<4096xf32, #tpu.memory_space<vmem>>[vector<16xi32>], vector<16xf32>,
      %mul3A_2769 = arith.constant 16 : i32
      %mul3A_2770 = arith.muli %arg1, %mul3A_2769 : i32
      %add3A_2771 = arith.constant 192 : i32
      %add3A_2772 = arith.addi %add3A_2771, %mul3A_2770 : i32
      %add3A_2773 = vector.broadcast %add3A_2772 : i32 to vector<16xi32>
      %add3A_2774 = arith.addi %add3A_2773, %iota3A : vector<16xi32>
      %gather3A_2775 = tpu.vector_load_idx %arg16[%add3A_2774] : memref<1024xi32, #tpu.memory_space<vmem>>[vector<16xi32>], vector<16xi32>,
      %gt3A_2776 = arith.cmpf ogt, %gather3A_2756, %select_n3A_2746 : vector<16xf32>
      %select_n3A_2777 = arith.select %gt3A_2776, %gather3A_2756, %select_n3A_2746 : vector<16xi1>, vector<16xf32>
      %select_n3A_2778 = arith.select %gt3A_2776, %gather3A_2775, %select_n3A_2747 : vector<16xi1>, vector<16xi32>
      %select_n3A_2779 = arith.select %gt3A_2776, %gather3A_2760, %select_n3A_2748 : vector<16xi1>, vector<16xf32>
      %max3A_2780 = arith.maximumf %max3A_2749, %gather3A_2764 : vector<16xf32>
      %mul3A_2781 = arith.constant 64 : i32
      %mul3A_2782 = arith.muli %arg1, %mul3A_2781 : i32
      %add3A_2783 = arith.constant 1024 : i32
      %add3A_2784 = arith.addi %add3A_2783, %mul3A_2782 : i32
      %add3A_2785 = vector.broadcast %add3A_2784 : i32 to vector<16xi32>
      %add3A_2786 = arith.addi %add3A_2785, %iota3A : vector<16xi32>
      %gather3A_2787 = tpu.vector_load_idx %arg15[%add3A_2786] : memref<4096xf32, #tpu.memory_space<vmem>>[vector<16xi32>], vector<16xf32>,
      %add3A_2788 = arith.constant 16 : i32
      %add3A_2789 = vector.broadcast %add3A_2788 : i32 to vector<16xi32>
      %add3A_2790 = arith.addi %add3A_2786, %add3A_2789 : vector<16xi32>
      %gather3A_2791 = tpu.vector_load_idx %arg15[%add3A_2790] : memref<4096xf32, #tpu.memory_space<vmem>>[vector<16xi32>], vector<16xf32>,
      %add3A_2792 = arith.constant 32 : i32
      %add3A_2793 = vector.broadcast %add3A_2792 : i32 to vector<16xi32>
      %add3A_2794 = arith.addi %add3A_2786, %add3A_2793 : vector<16xi32>
      %gather3A_2795 = tpu.vector_load_idx %arg15[%add3A_2794] : memref<4096xf32, #tpu.memory_space<vmem>>[vector<16xi32>], vector<16xf32>,
      %add3A_2796 = arith.constant 48 : i32
      %add3A_2797 = vector.broadcast %add3A_2796 : i32 to vector<16xi32>
      %add3A_2798 = arith.addi %add3A_2786, %add3A_2797 : vector<16xi32>
      %gather3A_2799 = tpu.vector_load_idx %arg15[%add3A_2798] : memref<4096xf32, #tpu.memory_space<vmem>>[vector<16xi32>], vector<16xf32>,
      %mul3A_2800 = arith.constant 16 : i32
      %mul3A_2801 = arith.muli %arg1, %mul3A_2800 : i32
      %add3A_2802 = arith.constant 256 : i32
      %add3A_2803 = arith.addi %add3A_2802, %mul3A_2801 : i32
      %add3A_2804 = vector.broadcast %add3A_2803 : i32 to vector<16xi32>
      %add3A_2805 = arith.addi %add3A_2804, %iota3A : vector<16xi32>
      %gather3A_2806 = tpu.vector_load_idx %arg16[%add3A_2805] : memref<1024xi32, #tpu.memory_space<vmem>>[vector<16xi32>], vector<16xi32>,
      %gt3A_2807 = arith.cmpf ogt, %gather3A_2787, %select_n3A_2777 : vector<16xf32>
      %select_n3A_2808 = arith.select %gt3A_2807, %gather3A_2787, %select_n3A_2777 : vector<16xi1>, vector<16xf32>
      %select_n3A_2809 = arith.select %gt3A_2807, %gather3A_2806, %select_n3A_2778 : vector<16xi1>, vector<16xi32>
      %select_n3A_2810 = arith.select %gt3A_2807, %gather3A_2791, %select_n3A_2779 : vector<16xi1>, vector<16xf32>
      %max3A_2811 = arith.maximumf %max3A_2780, %gather3A_2795 : vector<16xf32>
      %mul3A_2812 = arith.constant 64 : i32
      %mul3A_2813 = arith.muli %arg1, %mul3A_2812 : i32
      %add3A_2814 = arith.constant 1280 : i32
      %add3A_2815 = arith.addi %add3A_2814, %mul3A_2813 : i32
      %add3A_2816 = vector.broadcast %add3A_2815 : i32 to vector<16xi32>
      %add3A_2817 = arith.addi %add3A_2816, %iota3A : vector<16xi32>
      %gather3A_2818 = tpu.vector_load_idx %arg15[%add3A_2817] : memref<4096xf32, #tpu.memory_space<vmem>>[vector<16xi32>], vector<16xf32>,
      %add3A_2819 = arith.constant 16 : i32
      %add3A_2820 = vector.broadcast %add3A_2819 : i32 to vector<16xi32>
      %add3A_2821 = arith.addi %add3A_2817, %add3A_2820 : vector<16xi32>
      %gather3A_2822 = tpu.vector_load_idx %arg15[%add3A_2821] : memref<4096xf32, #tpu.memory_space<vmem>>[vector<16xi32>], vector<16xf32>,
      %add3A_2823 = arith.constant 32 : i32
      %add3A_2824 = vector.broadcast %add3A_2823 : i32 to vector<16xi32>
      %add3A_2825 = arith.addi %add3A_2817, %add3A_2824 : vector<16xi32>
      %gather3A_2826 = tpu.vector_load_idx %arg15[%add3A_2825] : memref<4096xf32, #tpu.memory_space<vmem>>[vector<16xi32>], vector<16xf32>,
      %add3A_2827 = arith.constant 48 : i32
      %add3A_2828 = vector.broadcast %add3A_2827 : i32 to vector<16xi32>
      %add3A_2829 = arith.addi %add3A_2817, %add3A_2828 : vector<16xi32>
      %gather3A_2830 = tpu.vector_load_idx %arg15[%add3A_2829] : memref<4096xf32, #tpu.memory_space<vmem>>[vector<16xi32>], vector<16xf32>,
      %mul3A_2831 = arith.constant 16 : i32
      %mul3A_2832 = arith.muli %arg1, %mul3A_2831 : i32
      %add3A_2833 = arith.constant 320 : i32
      %add3A_2834 = arith.addi %add3A_2833, %mul3A_2832 : i32
      %add3A_2835 = vector.broadcast %add3A_2834 : i32 to vector<16xi32>
      %add3A_2836 = arith.addi %add3A_2835, %iota3A : vector<16xi32>
      %gather3A_2837 = tpu.vector_load_idx %arg16[%add3A_2836] : memref<1024xi32, #tpu.memory_space<vmem>>[vector<16xi32>], vector<16xi32>,
      %gt3A_2838 = arith.cmpf ogt, %gather3A_2818, %select_n3A_2808 : vector<16xf32>
      %select_n3A_2839 = arith.select %gt3A_2838, %gather3A_2818, %select_n3A_2808 : vector<16xi1>, vector<16xf32>
      %select_n3A_2840 = arith.select %gt3A_2838, %gather3A_2837, %select_n3A_2809 : vector<16xi1>, vector<16xi32>
      %select_n3A_2841 = arith.select %gt3A_2838, %gather3A_2822, %select_n3A_2810 : vector<16xi1>, vector<16xf32>
      %max3A_2842 = arith.maximumf %max3A_2811, %gather3A_2826 : vector<16xf32>
      %mul3A_2843 = arith.constant 64 : i32
      %mul3A_2844 = arith.muli %arg1, %mul3A_2843 : i32
      %add3A_2845 = arith.constant 1536 : i32
      %add3A_2846 = arith.addi %add3A_2845, %mul3A_2844 : i32
      %add3A_2847 = vector.broadcast %add3A_2846 : i32 to vector<16xi32>
      %add3A_2848 = arith.addi %add3A_2847, %iota3A : vector<16xi32>
      %gather3A_2849 = tpu.vector_load_idx %arg15[%add3A_2848] : memref<4096xf32, #tpu.memory_space<vmem>>[vector<16xi32>], vector<16xf32>,
      %add3A_2850 = arith.constant 16 : i32
      %add3A_2851 = vector.broadcast %add3A_2850 : i32 to vector<16xi32>
      %add3A_2852 = arith.addi %add3A_2848, %add3A_2851 : vector<16xi32>
      %gather3A_2853 = tpu.vector_load_idx %arg15[%add3A_2852] : memref<4096xf32, #tpu.memory_space<vmem>>[vector<16xi32>], vector<16xf32>,
      %add3A_2854 = arith.constant 32 : i32
      %add3A_2855 = vector.broadcast %add3A_2854 : i32 to vector<16xi32>
      %add3A_2856 = arith.addi %add3A_2848, %add3A_2855 : vector<16xi32>
      %gather3A_2857 = tpu.vector_load_idx %arg15[%add3A_2856] : memref<4096xf32, #tpu.memory_space<vmem>>[vector<16xi32>], vector<16xf32>,
      %add3A_2858 = arith.constant 48 : i32
      %add3A_2859 = vector.broadcast %add3A_2858 : i32 to vector<16xi32>
      %add3A_2860 = arith.addi %add3A_2848, %add3A_2859 : vector<16xi32>
      %gather3A_2861 = tpu.vector_load_idx %arg15[%add3A_2860] : memref<4096xf32, #tpu.memory_space<vmem>>[vector<16xi32>], vector<16xf32>,
      %mul3A_2862 = arith.constant 16 : i32
      %mul3A_2863 = arith.muli %arg1, %mul3A_2862 : i32
      %add3A_2864 = arith.constant 384 : i32
      %add3A_2865 = arith.addi %add3A_2864, %mul3A_2863 : i32
      %add3A_2866 = vector.broadcast %add3A_2865 : i32 to vector<16xi32>
      %add3A_2867 = arith.addi %add3A_2866, %iota3A : vector<16xi32>
      %gather3A_2868 = tpu.vector_load_idx %arg16[%add3A_2867] : memref<1024xi32, #tpu.memory_space<vmem>>[vector<16xi32>], vector<16xi32>,
      %gt3A_2869 = arith.cmpf ogt, %gather3A_2849, %select_n3A_2839 : vector<16xf32>
      %select_n3A_2870 = arith.select %gt3A_2869, %gather3A_2849, %select_n3A_2839 : vector<16xi1>, vector<16xf32>
      %select_n3A_2871 = arith.select %gt3A_2869, %gather3A_2868, %select_n3A_2840 : vector<16xi1>, vector<16xi32>
      %select_n3A_2872 = arith.select %gt3A_2869, %gather3A_2853, %select_n3A_2841 : vector<16xi1>, vector<16xf32>
      %max3A_2873 = arith.maximumf %max3A_2842, %gather3A_2857 : vector<16xf32>
      %mul3A_2874 = arith.constant 64 : i32
      %mul3A_2875 = arith.muli %arg1, %mul3A_2874 : i32
      %add3A_2876 = arith.constant 1792 : i32
      %add3A_2877 = arith.addi %add3A_2876, %mul3A_2875 : i32
      %add3A_2878 = vector.broadcast %add3A_2877 : i32 to vector<16xi32>
      %add3A_2879 = arith.addi %add3A_2878, %iota3A : vector<16xi32>
      %gather3A_2880 = tpu.vector_load_idx %arg15[%add3A_2879] : memref<4096xf32, #tpu.memory_space<vmem>>[vector<16xi32>], vector<16xf32>,
      %add3A_2881 = arith.constant 16 : i32
      %add3A_2882 = vector.broadcast %add3A_2881 : i32 to vector<16xi32>
      %add3A_2883 = arith.addi %add3A_2879, %add3A_2882 : vector<16xi32>
      %gather3A_2884 = tpu.vector_load_idx %arg15[%add3A_2883] : memref<4096xf32, #tpu.memory_space<vmem>>[vector<16xi32>], vector<16xf32>,
      %add3A_2885 = arith.constant 32 : i32
      %add3A_2886 = vector.broadcast %add3A_2885 : i32 to vector<16xi32>
      %add3A_2887 = arith.addi %add3A_2879, %add3A_2886 : vector<16xi32>
      %gather3A_2888 = tpu.vector_load_idx %arg15[%add3A_2887] : memref<4096xf32, #tpu.memory_space<vmem>>[vector<16xi32>], vector<16xf32>,
      %add3A_2889 = arith.constant 48 : i32
      %add3A_2890 = vector.broadcast %add3A_2889 : i32 to vector<16xi32>
      %add3A_2891 = arith.addi %add3A_2879, %add3A_2890 : vector<16xi32>
      %gather3A_2892 = tpu.vector_load_idx %arg15[%add3A_2891] : memref<4096xf32, #tpu.memory_space<vmem>>[vector<16xi32>], vector<16xf32>,
      %mul3A_2893 = arith.constant 16 : i32
      %mul3A_2894 = arith.muli %arg1, %mul3A_2893 : i32
      %add3A_2895 = arith.constant 448 : i32
      %add3A_2896 = arith.addi %add3A_2895, %mul3A_2894 : i32
      %add3A_2897 = vector.broadcast %add3A_2896 : i32 to vector<16xi32>
      %add3A_2898 = arith.addi %add3A_2897, %iota3A : vector<16xi32>
      %gather3A_2899 = tpu.vector_load_idx %arg16[%add3A_2898] : memref<1024xi32, #tpu.memory_space<vmem>>[vector<16xi32>], vector<16xi32>,
      %gt3A_2900 = arith.cmpf ogt, %gather3A_2880, %select_n3A_2870 : vector<16xf32>
      %select_n3A_2901 = arith.select %gt3A_2900, %gather3A_2880, %select_n3A_2870 : vector<16xi1>, vector<16xf32>
      %select_n3A_2902 = arith.select %gt3A_2900, %gather3A_2899, %select_n3A_2871 : vector<16xi1>, vector<16xi32>
      %select_n3A_2903 = arith.select %gt3A_2900, %gather3A_2884, %select_n3A_2872 : vector<16xi1>, vector<16xf32>
      %max3A_2904 = arith.maximumf %max3A_2873, %gather3A_2888 : vector<16xf32>
      %mul3A_2905 = arith.constant 64 : i32
      %mul3A_2906 = arith.muli %arg1, %mul3A_2905 : i32
      %add3A_2907 = arith.constant 2048 : i32
      %add3A_2908 = arith.addi %add3A_2907, %mul3A_2906 : i32
      %add3A_2909 = vector.broadcast %add3A_2908 : i32 to vector<16xi32>
      %add3A_2910 = arith.addi %add3A_2909, %iota3A : vector<16xi32>
      %gather3A_2911 = tpu.vector_load_idx %arg15[%add3A_2910] : memref<4096xf32, #tpu.memory_space<vmem>>[vector<16xi32>], vector<16xf32>,
      %add3A_2912 = arith.constant 16 : i32
      %add3A_2913 = vector.broadcast %add3A_2912 : i32 to vector<16xi32>
      %add3A_2914 = arith.addi %add3A_2910, %add3A_2913 : vector<16xi32>
      %gather3A_2915 = tpu.vector_load_idx %arg15[%add3A_2914] : memref<4096xf32, #tpu.memory_space<vmem>>[vector<16xi32>], vector<16xf32>,
      %add3A_2916 = arith.constant 32 : i32
      %add3A_2917 = vector.broadcast %add3A_2916 : i32 to vector<16xi32>
      %add3A_2918 = arith.addi %add3A_2910, %add3A_2917 : vector<16xi32>
      %gather3A_2919 = tpu.vector_load_idx %arg15[%add3A_2918] : memref<4096xf32, #tpu.memory_space<vmem>>[vector<16xi32>], vector<16xf32>,
      %add3A_2920 = arith.constant 48 : i32
      %add3A_2921 = vector.broadcast %add3A_2920 : i32 to vector<16xi32>
      %add3A_2922 = arith.addi %add3A_2910, %add3A_2921 : vector<16xi32>
      %gather3A_2923 = tpu.vector_load_idx %arg15[%add3A_2922] : memref<4096xf32, #tpu.memory_space<vmem>>[vector<16xi32>], vector<16xf32>,
      %mul3A_2924 = arith.constant 16 : i32
      %mul3A_2925 = arith.muli %arg1, %mul3A_2924 : i32
      %add3A_2926 = arith.constant 512 : i32
      %add3A_2927 = arith.addi %add3A_2926, %mul3A_2925 : i32
      %add3A_2928 = vector.broadcast %add3A_2927 : i32 to vector<16xi32>
      %add3A_2929 = arith.addi %add3A_2928, %iota3A : vector<16xi32>
      %gather3A_2930 = tpu.vector_load_idx %arg16[%add3A_2929] : memref<1024xi32, #tpu.memory_space<vmem>>[vector<16xi32>], vector<16xi32>,
      %gt3A_2931 = arith.cmpf ogt, %gather3A_2911, %select_n3A_2901 : vector<16xf32>
      %select_n3A_2932 = arith.select %gt3A_2931, %gather3A_2911, %select_n3A_2901 : vector<16xi1>, vector<16xf32>
      %select_n3A_2933 = arith.select %gt3A_2931, %gather3A_2930, %select_n3A_2902 : vector<16xi1>, vector<16xi32>
      %select_n3A_2934 = arith.select %gt3A_2931, %gather3A_2915, %select_n3A_2903 : vector<16xi1>, vector<16xf32>
      %max3A_2935 = arith.maximumf %max3A_2904, %gather3A_2919 : vector<16xf32>
      %mul3A_2936 = arith.constant 64 : i32
      %mul3A_2937 = arith.muli %arg1, %mul3A_2936 : i32
      %add3A_2938 = arith.constant 2304 : i32
      %add3A_2939 = arith.addi %add3A_2938, %mul3A_2937 : i32
      %add3A_2940 = vector.broadcast %add3A_2939 : i32 to vector<16xi32>
      %add3A_2941 = arith.addi %add3A_2940, %iota3A : vector<16xi32>
      %gather3A_2942 = tpu.vector_load_idx %arg15[%add3A_2941] : memref<4096xf32, #tpu.memory_space<vmem>>[vector<16xi32>], vector<16xf32>,
      %add3A_2943 = arith.constant 16 : i32
      %add3A_2944 = vector.broadcast %add3A_2943 : i32 to vector<16xi32>
      %add3A_2945 = arith.addi %add3A_2941, %add3A_2944 : vector<16xi32>
      %gather3A_2946 = tpu.vector_load_idx %arg15[%add3A_2945] : memref<4096xf32, #tpu.memory_space<vmem>>[vector<16xi32>], vector<16xf32>,
      %add3A_2947 = arith.constant 32 : i32
      %add3A_2948 = vector.broadcast %add3A_2947 : i32 to vector<16xi32>
      %add3A_2949 = arith.addi %add3A_2941, %add3A_2948 : vector<16xi32>
      %gather3A_2950 = tpu.vector_load_idx %arg15[%add3A_2949] : memref<4096xf32, #tpu.memory_space<vmem>>[vector<16xi32>], vector<16xf32>,
      %add3A_2951 = arith.constant 48 : i32
      %add3A_2952 = vector.broadcast %add3A_2951 : i32 to vector<16xi32>
      %add3A_2953 = arith.addi %add3A_2941, %add3A_2952 : vector<16xi32>
      %gather3A_2954 = tpu.vector_load_idx %arg15[%add3A_2953] : memref<4096xf32, #tpu.memory_space<vmem>>[vector<16xi32>], vector<16xf32>,
      %mul3A_2955 = arith.constant 16 : i32
      %mul3A_2956 = arith.muli %arg1, %mul3A_2955 : i32
      %add3A_2957 = arith.constant 576 : i32
      %add3A_2958 = arith.addi %add3A_2957, %mul3A_2956 : i32
      %add3A_2959 = vector.broadcast %add3A_2958 : i32 to vector<16xi32>
      %add3A_2960 = arith.addi %add3A_2959, %iota3A : vector<16xi32>
      %gather3A_2961 = tpu.vector_load_idx %arg16[%add3A_2960] : memref<1024xi32, #tpu.memory_space<vmem>>[vector<16xi32>], vector<16xi32>,
      %gt3A_2962 = arith.cmpf ogt, %gather3A_2942, %select_n3A_2932 : vector<16xf32>
      %select_n3A_2963 = arith.select %gt3A_2962, %gather3A_2942, %select_n3A_2932 : vector<16xi1>, vector<16xf32>
      %select_n3A_2964 = arith.select %gt3A_2962, %gather3A_2961, %select_n3A_2933 : vector<16xi1>, vector<16xi32>
      %select_n3A_2965 = arith.select %gt3A_2962, %gather3A_2946, %select_n3A_2934 : vector<16xi1>, vector<16xf32>
      %max3A_2966 = arith.maximumf %max3A_2935, %gather3A_2950 : vector<16xf32>
      %mul3A_2967 = arith.constant 64 : i32
      %mul3A_2968 = arith.muli %arg1, %mul3A_2967 : i32
      %add3A_2969 = arith.constant 2560 : i32
      %add3A_2970 = arith.addi %add3A_2969, %mul3A_2968 : i32
      %add3A_2971 = vector.broadcast %add3A_2970 : i32 to vector<16xi32>
      %add3A_2972 = arith.addi %add3A_2971, %iota3A : vector<16xi32>
      %gather3A_2973 = tpu.vector_load_idx %arg15[%add3A_2972] : memref<4096xf32, #tpu.memory_space<vmem>>[vector<16xi32>], vector<16xf32>,
      %add3A_2974 = arith.constant 16 : i32
      %add3A_2975 = vector.broadcast %add3A_2974 : i32 to vector<16xi32>
      %add3A_2976 = arith.addi %add3A_2972, %add3A_2975 : vector<16xi32>
      %gather3A_2977 = tpu.vector_load_idx %arg15[%add3A_2976] : memref<4096xf32, #tpu.memory_space<vmem>>[vector<16xi32>], vector<16xf32>,
      %add3A_2978 = arith.constant 32 : i32
      %add3A_2979 = vector.broadcast %add3A_2978 : i32 to vector<16xi32>
      %add3A_2980 = arith.addi %add3A_2972, %add3A_2979 : vector<16xi32>
      %gather3A_2981 = tpu.vector_load_idx %arg15[%add3A_2980] : memref<4096xf32, #tpu.memory_space<vmem>>[vector<16xi32>], vector<16xf32>,
      %add3A_2982 = arith.constant 48 : i32
      %add3A_2983 = vector.broadcast %add3A_2982 : i32 to vector<16xi32>
      %add3A_2984 = arith.addi %add3A_2972, %add3A_2983 : vector<16xi32>
      %gather3A_2985 = tpu.vector_load_idx %arg15[%add3A_2984] : memref<4096xf32, #tpu.memory_space<vmem>>[vector<16xi32>], vector<16xf32>,
      %mul3A_2986 = arith.constant 16 : i32
      %mul3A_2987 = arith.muli %arg1, %mul3A_2986 : i32
      %add3A_2988 = arith.constant 640 : i32
      %add3A_2989 = arith.addi %add3A_2988, %mul3A_2987 : i32
      %add3A_2990 = vector.broadcast %add3A_2989 : i32 to vector<16xi32>
      %add3A_2991 = arith.addi %add3A_2990, %iota3A : vector<16xi32>
      %gather3A_2992 = tpu.vector_load_idx %arg16[%add3A_2991] : memref<1024xi32, #tpu.memory_space<vmem>>[vector<16xi32>], vector<16xi32>,
      %gt3A_2993 = arith.cmpf ogt, %gather3A_2973, %select_n3A_2963 : vector<16xf32>
      %select_n3A_2994 = arith.select %gt3A_2993, %gather3A_2973, %select_n3A_2963 : vector<16xi1>, vector<16xf32>
      %select_n3A_2995 = arith.select %gt3A_2993, %gather3A_2992, %select_n3A_2964 : vector<16xi1>, vector<16xi32>
      %select_n3A_2996 = arith.select %gt3A_2993, %gather3A_2977, %select_n3A_2965 : vector<16xi1>, vector<16xf32>
      %max3A_2997 = arith.maximumf %max3A_2966, %gather3A_2981 : vector<16xf32>
      %mul3A_2998 = arith.constant 64 : i32
      %mul3A_2999 = arith.muli %arg1, %mul3A_2998 : i32
      %add3A_3000 = arith.constant 2816 : i32
      %add3A_3001 = arith.addi %add3A_3000, %mul3A_2999 : i32
      %add3A_3002 = vector.broadcast %add3A_3001 : i32 to vector<16xi32>
      %add3A_3003 = arith.addi %add3A_3002, %iota3A : vector<16xi32>
      %gather3A_3004 = tpu.vector_load_idx %arg15[%add3A_3003] : memref<4096xf32, #tpu.memory_space<vmem>>[vector<16xi32>], vector<16xf32>,
      %add3A_3005 = arith.constant 16 : i32
      %add3A_3006 = vector.broadcast %add3A_3005 : i32 to vector<16xi32>
      %add3A_3007 = arith.addi %add3A_3003, %add3A_3006 : vector<16xi32>
      %gather3A_3008 = tpu.vector_load_idx %arg15[%add3A_3007] : memref<4096xf32, #tpu.memory_space<vmem>>[vector<16xi32>], vector<16xf32>,
      %add3A_3009 = arith.constant 32 : i32
      %add3A_3010 = vector.broadcast %add3A_3009 : i32 to vector<16xi32>
      %add3A_3011 = arith.addi %add3A_3003, %add3A_3010 : vector<16xi32>
      %gather3A_3012 = tpu.vector_load_idx %arg15[%add3A_3011] : memref<4096xf32, #tpu.memory_space<vmem>>[vector<16xi32>], vector<16xf32>,
      %add3A_3013 = arith.constant 48 : i32
      %add3A_3014 = vector.broadcast %add3A_3013 : i32 to vector<16xi32>
      %add3A_3015 = arith.addi %add3A_3003, %add3A_3014 : vector<16xi32>
      %gather3A_3016 = tpu.vector_load_idx %arg15[%add3A_3015] : memref<4096xf32, #tpu.memory_space<vmem>>[vector<16xi32>], vector<16xf32>,
      %mul3A_3017 = arith.constant 16 : i32
      %mul3A_3018 = arith.muli %arg1, %mul3A_3017 : i32
      %add3A_3019 = arith.constant 704 : i32
      %add3A_3020 = arith.addi %add3A_3019, %mul3A_3018 : i32
      %add3A_3021 = vector.broadcast %add3A_3020 : i32 to vector<16xi32>
      %add3A_3022 = arith.addi %add3A_3021, %iota3A : vector<16xi32>
      %gather3A_3023 = tpu.vector_load_idx %arg16[%add3A_3022] : memref<1024xi32, #tpu.memory_space<vmem>>[vector<16xi32>], vector<16xi32>,
      %gt3A_3024 = arith.cmpf ogt, %gather3A_3004, %select_n3A_2994 : vector<16xf32>
      %select_n3A_3025 = arith.select %gt3A_3024, %gather3A_3004, %select_n3A_2994 : vector<16xi1>, vector<16xf32>
      %select_n3A_3026 = arith.select %gt3A_3024, %gather3A_3023, %select_n3A_2995 : vector<16xi1>, vector<16xi32>
      %select_n3A_3027 = arith.select %gt3A_3024, %gather3A_3008, %select_n3A_2996 : vector<16xi1>, vector<16xf32>
      %max3A_3028 = arith.maximumf %max3A_2997, %gather3A_3012 : vector<16xf32>
      %mul3A_3029 = arith.constant 64 : i32
      %mul3A_3030 = arith.muli %arg1, %mul3A_3029 : i32
      %add3A_3031 = arith.constant 3072 : i32
      %add3A_3032 = arith.addi %add3A_3031, %mul3A_3030 : i32
      %add3A_3033 = vector.broadcast %add3A_3032 : i32 to vector<16xi32>
      %add3A_3034 = arith.addi %add3A_3033, %iota3A : vector<16xi32>
      %gather3A_3035 = tpu.vector_load_idx %arg15[%add3A_3034] : memref<4096xf32, #tpu.memory_space<vmem>>[vector<16xi32>], vector<16xf32>,
      %add3A_3036 = arith.constant 16 : i32
      %add3A_3037 = vector.broadcast %add3A_3036 : i32 to vector<16xi32>
      %add3A_3038 = arith.addi %add3A_3034, %add3A_3037 : vector<16xi32>
      %gather3A_3039 = tpu.vector_load_idx %arg15[%add3A_3038] : memref<4096xf32, #tpu.memory_space<vmem>>[vector<16xi32>], vector<16xf32>,
      %add3A_3040 = arith.constant 32 : i32
      %add3A_3041 = vector.broadcast %add3A_3040 : i32 to vector<16xi32>
      %add3A_3042 = arith.addi %add3A_3034, %add3A_3041 : vector<16xi32>
      %gather3A_3043 = tpu.vector_load_idx %arg15[%add3A_3042] : memref<4096xf32, #tpu.memory_space<vmem>>[vector<16xi32>], vector<16xf32>,
      %add3A_3044 = arith.constant 48 : i32
      %add3A_3045 = vector.broadcast %add3A_3044 : i32 to vector<16xi32>
      %add3A_3046 = arith.addi %add3A_3034, %add3A_3045 : vector<16xi32>
      %gather3A_3047 = tpu.vector_load_idx %arg15[%add3A_3046] : memref<4096xf32, #tpu.memory_space<vmem>>[vector<16xi32>], vector<16xf32>,
      %mul3A_3048 = arith.constant 16 : i32
      %mul3A_3049 = arith.muli %arg1, %mul3A_3048 : i32
      %add3A_3050 = arith.constant 768 : i32
      %add3A_3051 = arith.addi %add3A_3050, %mul3A_3049 : i32
      %add3A_3052 = vector.broadcast %add3A_3051 : i32 to vector<16xi32>
      %add3A_3053 = arith.addi %add3A_3052, %iota3A : vector<16xi32>
      %gather3A_3054 = tpu.vector_load_idx %arg16[%add3A_3053] : memref<1024xi32, #tpu.memory_space<vmem>>[vector<16xi32>], vector<16xi32>,
      %gt3A_3055 = arith.cmpf ogt, %gather3A_3035, %select_n3A_3025 : vector<16xf32>
      %select_n3A_3056 = arith.select %gt3A_3055, %gather3A_3035, %select_n3A_3025 : vector<16xi1>, vector<16xf32>
      %select_n3A_3057 = arith.select %gt3A_3055, %gather3A_3054, %select_n3A_3026 : vector<16xi1>, vector<16xi32>
      %select_n3A_3058 = arith.select %gt3A_3055, %gather3A_3039, %select_n3A_3027 : vector<16xi1>, vector<16xf32>
      %max3A_3059 = arith.maximumf %max3A_3028, %gather3A_3043 : vector<16xf32>
      %mul3A_3060 = arith.constant 64 : i32
      %mul3A_3061 = arith.muli %arg1, %mul3A_3060 : i32
      %add3A_3062 = arith.constant 3328 : i32
      %add3A_3063 = arith.addi %add3A_3062, %mul3A_3061 : i32
      %add3A_3064 = vector.broadcast %add3A_3063 : i32 to vector<16xi32>
      %add3A_3065 = arith.addi %add3A_3064, %iota3A : vector<16xi32>
      %gather3A_3066 = tpu.vector_load_idx %arg15[%add3A_3065] : memref<4096xf32, #tpu.memory_space<vmem>>[vector<16xi32>], vector<16xf32>,
      %add3A_3067 = arith.constant 16 : i32
      %add3A_3068 = vector.broadcast %add3A_3067 : i32 to vector<16xi32>
      %add3A_3069 = arith.addi %add3A_3065, %add3A_3068 : vector<16xi32>
      %gather3A_3070 = tpu.vector_load_idx %arg15[%add3A_3069] : memref<4096xf32, #tpu.memory_space<vmem>>[vector<16xi32>], vector<16xf32>,
      %add3A_3071 = arith.constant 32 : i32
      %add3A_3072 = vector.broadcast %add3A_3071 : i32 to vector<16xi32>
      %add3A_3073 = arith.addi %add3A_3065, %add3A_3072 : vector<16xi32>
      %gather3A_3074 = tpu.vector_load_idx %arg15[%add3A_3073] : memref<4096xf32, #tpu.memory_space<vmem>>[vector<16xi32>], vector<16xf32>,
      %add3A_3075 = arith.constant 48 : i32
      %add3A_3076 = vector.broadcast %add3A_3075 : i32 to vector<16xi32>
      %add3A_3077 = arith.addi %add3A_3065, %add3A_3076 : vector<16xi32>
      %gather3A_3078 = tpu.vector_load_idx %arg15[%add3A_3077] : memref<4096xf32, #tpu.memory_space<vmem>>[vector<16xi32>], vector<16xf32>,
      %mul3A_3079 = arith.constant 16 : i32
      %mul3A_3080 = arith.muli %arg1, %mul3A_3079 : i32
      %add3A_3081 = arith.constant 832 : i32
      %add3A_3082 = arith.addi %add3A_3081, %mul3A_3080 : i32
      %add3A_3083 = vector.broadcast %add3A_3082 : i32 to vector<16xi32>
      %add3A_3084 = arith.addi %add3A_3083, %iota3A : vector<16xi32>
      %gather3A_3085 = tpu.vector_load_idx %arg16[%add3A_3084] : memref<1024xi32, #tpu.memory_space<vmem>>[vector<16xi32>], vector<16xi32>,
      %gt3A_3086 = arith.cmpf ogt, %gather3A_3066, %select_n3A_3056 : vector<16xf32>
      %select_n3A_3087 = arith.select %gt3A_3086, %gather3A_3066, %select_n3A_3056 : vector<16xi1>, vector<16xf32>
      %select_n3A_3088 = arith.select %gt3A_3086, %gather3A_3085, %select_n3A_3057 : vector<16xi1>, vector<16xi32>
      %select_n3A_3089 = arith.select %gt3A_3086, %gather3A_3070, %select_n3A_3058 : vector<16xi1>, vector<16xf32>
      %max3A_3090 = arith.maximumf %max3A_3059, %gather3A_3074 : vector<16xf32>
      %mul3A_3091 = arith.constant 64 : i32
      %mul3A_3092 = arith.muli %arg1, %mul3A_3091 : i32
      %add3A_3093 = arith.constant 3584 : i32
      %add3A_3094 = arith.addi %add3A_3093, %mul3A_3092 : i32
      %add3A_3095 = vector.broadcast %add3A_3094 : i32 to vector<16xi32>
      %add3A_3096 = arith.addi %add3A_3095, %iota3A : vector<16xi32>
      %gather3A_3097 = tpu.vector_load_idx %arg15[%add3A_3096] : memref<4096xf32, #tpu.memory_space<vmem>>[vector<16xi32>], vector<16xf32>,
      %add3A_3098 = arith.constant 16 : i32
      %add3A_3099 = vector.broadcast %add3A_3098 : i32 to vector<16xi32>
      %add3A_3100 = arith.addi %add3A_3096, %add3A_3099 : vector<16xi32>
      %gather3A_3101 = tpu.vector_load_idx %arg15[%add3A_3100] : memref<4096xf32, #tpu.memory_space<vmem>>[vector<16xi32>], vector<16xf32>,
      %add3A_3102 = arith.constant 32 : i32
      %add3A_3103 = vector.broadcast %add3A_3102 : i32 to vector<16xi32>
      %add3A_3104 = arith.addi %add3A_3096, %add3A_3103 : vector<16xi32>
      %gather3A_3105 = tpu.vector_load_idx %arg15[%add3A_3104] : memref<4096xf32, #tpu.memory_space<vmem>>[vector<16xi32>], vector<16xf32>,
      %add3A_3106 = arith.constant 48 : i32
      %add3A_3107 = vector.broadcast %add3A_3106 : i32 to vector<16xi32>
      %add3A_3108 = arith.addi %add3A_3096, %add3A_3107 : vector<16xi32>
      %gather3A_3109 = tpu.vector_load_idx %arg15[%add3A_3108] : memref<4096xf32, #tpu.memory_space<vmem>>[vector<16xi32>], vector<16xf32>,
      %mul3A_3110 = arith.constant 16 : i32
      %mul3A_3111 = arith.muli %arg1, %mul3A_3110 : i32
      %add3A_3112 = arith.constant 896 : i32
      %add3A_3113 = arith.addi %add3A_3112, %mul3A_3111 : i32
      %add3A_3114 = vector.broadcast %add3A_3113 : i32 to vector<16xi32>
      %add3A_3115 = arith.addi %add3A_3114, %iota3A : vector<16xi32>
      %gather3A_3116 = tpu.vector_load_idx %arg16[%add3A_3115] : memref<1024xi32, #tpu.memory_space<vmem>>[vector<16xi32>], vector<16xi32>,
      %gt3A_3117 = arith.cmpf ogt, %gather3A_3097, %select_n3A_3087 : vector<16xf32>
      %select_n3A_3118 = arith.select %gt3A_3117, %gather3A_3097, %select_n3A_3087 : vector<16xi1>, vector<16xf32>
      %select_n3A_3119 = arith.select %gt3A_3117, %gather3A_3116, %select_n3A_3088 : vector<16xi1>, vector<16xi32>
      %select_n3A_3120 = arith.select %gt3A_3117, %gather3A_3101, %select_n3A_3089 : vector<16xi1>, vector<16xf32>
      %max3A_3121 = arith.maximumf %max3A_3090, %gather3A_3105 : vector<16xf32>
      %mul3A_3122 = arith.constant 64 : i32
      %mul3A_3123 = arith.muli %arg1, %mul3A_3122 : i32
      %add3A_3124 = arith.constant 3840 : i32
      %add3A_3125 = arith.addi %add3A_3124, %mul3A_3123 : i32
      %add3A_3126 = vector.broadcast %add3A_3125 : i32 to vector<16xi32>
      %add3A_3127 = arith.addi %add3A_3126, %iota3A : vector<16xi32>
      %gather3A_3128 = tpu.vector_load_idx %arg15[%add3A_3127] : memref<4096xf32, #tpu.memory_space<vmem>>[vector<16xi32>], vector<16xf32>,
      %add3A_3129 = arith.constant 16 : i32
      %add3A_3130 = vector.broadcast %add3A_3129 : i32 to vector<16xi32>
      %add3A_3131 = arith.addi %add3A_3127, %add3A_3130 : vector<16xi32>
      %gather3A_3132 = tpu.vector_load_idx %arg15[%add3A_3131] : memref<4096xf32, #tpu.memory_space<vmem>>[vector<16xi32>], vector<16xf32>,
      %add3A_3133 = arith.constant 32 : i32
      %add3A_3134 = vector.broadcast %add3A_3133 : i32 to vector<16xi32>
      %add3A_3135 = arith.addi %add3A_3127, %add3A_3134 : vector<16xi32>
      %gather3A_3136 = tpu.vector_load_idx %arg15[%add3A_3135] : memref<4096xf32, #tpu.memory_space<vmem>>[vector<16xi32>], vector<16xf32>,
      %add3A_3137 = arith.constant 48 : i32
      %add3A_3138 = vector.broadcast %add3A_3137 : i32 to vector<16xi32>
      %add3A_3139 = arith.addi %add3A_3127, %add3A_3138 : vector<16xi32>
      %gather3A_3140 = tpu.vector_load_idx %arg15[%add3A_3139] : memref<4096xf32, #tpu.memory_space<vmem>>[vector<16xi32>], vector<16xf32>,
      %mul3A_3141 = arith.constant 16 : i32
      %mul3A_3142 = arith.muli %arg1, %mul3A_3141 : i32
      %add3A_3143 = arith.constant 960 : i32
      %add3A_3144 = arith.addi %add3A_3143, %mul3A_3142 : i32
      %add3A_3145 = vector.broadcast %add3A_3144 : i32 to vector<16xi32>
      %add3A_3146 = arith.addi %add3A_3145, %iota3A : vector<16xi32>
      %gather3A_3147 = tpu.vector_load_idx %arg16[%add3A_3146] : memref<1024xi32, #tpu.memory_space<vmem>>[vector<16xi32>], vector<16xi32>,
      %gt3A_3148 = arith.cmpf ogt, %gather3A_3128, %select_n3A_3118 : vector<16xf32>
      %select_n3A_3149 = arith.select %gt3A_3148, %gather3A_3128, %select_n3A_3118 : vector<16xi1>, vector<16xf32>
      %select_n3A_3150 = arith.select %gt3A_3148, %gather3A_3147, %select_n3A_3119 : vector<16xi1>, vector<16xi32>
      %select_n3A_3151 = arith.select %gt3A_3148, %gather3A_3132, %select_n3A_3120 : vector<16xi1>, vector<16xf32>
      %max3A_3152 = arith.maximumf %max3A_3121, %gather3A_3136 : vector<16xf32>
      %broadcast_in_dim3A_3153 = arith.constant 0.000000e+00 : f32
      %broadcast_in_dim3A_3154 = vector.broadcast %broadcast_in_dim3A_3153 : f32 to vector<16xf32>
      %sub3A_3155 = arith.subf %gather3A_2671, %max3A_3152 : vector<16xf32>
      %exp3A_3156 = math.exp %sub3A_3155 : vector<16xf32>
      %mul3A_3157 = arith.mulf %gather3A_2675, %exp3A_3156 : vector<16xf32>
      %add3A_3158 = arith.addf %broadcast_in_dim3A_3154, %mul3A_3157 : vector<16xf32>
      %sub3A_3159 = arith.subf %gather3A_2702, %max3A_3152 : vector<16xf32>
      %exp3A_3160 = math.exp %sub3A_3159 : vector<16xf32>
      %mul3A_3161 = arith.mulf %gather3A_2706, %exp3A_3160 : vector<16xf32>
      %add3A_3162 = arith.addf %add3A_3158, %mul3A_3161 : vector<16xf32>
      %sub3A_3163 = arith.subf %gather3A_2733, %max3A_3152 : vector<16xf32>
      %exp3A_3164 = math.exp %sub3A_3163 : vector<16xf32>
      %mul3A_3165 = arith.mulf %gather3A_2737, %exp3A_3164 : vector<16xf32>
      %add3A_3166 = arith.addf %add3A_3162, %mul3A_3165 : vector<16xf32>
      %sub3A_3167 = arith.subf %gather3A_2764, %max3A_3152 : vector<16xf32>
      %exp3A_3168 = math.exp %sub3A_3167 : vector<16xf32>
      %mul3A_3169 = arith.mulf %gather3A_2768, %exp3A_3168 : vector<16xf32>
      %add3A_3170 = arith.addf %add3A_3166, %mul3A_3169 : vector<16xf32>
      %sub3A_3171 = arith.subf %gather3A_2795, %max3A_3152 : vector<16xf32>
      %exp3A_3172 = math.exp %sub3A_3171 : vector<16xf32>
      %mul3A_3173 = arith.mulf %gather3A_2799, %exp3A_3172 : vector<16xf32>
      %add3A_3174 = arith.addf %add3A_3170, %mul3A_3173 : vector<16xf32>
      %sub3A_3175 = arith.subf %gather3A_2826, %max3A_3152 : vector<16xf32>
      %exp3A_3176 = math.exp %sub3A_3175 : vector<16xf32>
      %mul3A_3177 = arith.mulf %gather3A_2830, %exp3A_3176 : vector<16xf32>
      %add3A_3178 = arith.addf %add3A_3174, %mul3A_3177 : vector<16xf32>
      %sub3A_3179 = arith.subf %gather3A_2857, %max3A_3152 : vector<16xf32>
      %exp3A_3180 = math.exp %sub3A_3179 : vector<16xf32>
      %mul3A_3181 = arith.mulf %gather3A_2861, %exp3A_3180 : vector<16xf32>
      %add3A_3182 = arith.addf %add3A_3178, %mul3A_3181 : vector<16xf32>
      %sub3A_3183 = arith.subf %gather3A_2888, %max3A_3152 : vector<16xf32>
      %exp3A_3184 = math.exp %sub3A_3183 : vector<16xf32>
      %mul3A_3185 = arith.mulf %gather3A_2892, %exp3A_3184 : vector<16xf32>
      %add3A_3186 = arith.addf %add3A_3182, %mul3A_3185 : vector<16xf32>
      %sub3A_3187 = arith.subf %gather3A_2919, %max3A_3152 : vector<16xf32>
      %exp3A_3188 = math.exp %sub3A_3187 : vector<16xf32>
      %mul3A_3189 = arith.mulf %gather3A_2923, %exp3A_3188 : vector<16xf32>
      %add3A_3190 = arith.addf %add3A_3186, %mul3A_3189 : vector<16xf32>
      %sub3A_3191 = arith.subf %gather3A_2950, %max3A_3152 : vector<16xf32>
      %exp3A_3192 = math.exp %sub3A_3191 : vector<16xf32>
      %mul3A_3193 = arith.mulf %gather3A_2954, %exp3A_3192 : vector<16xf32>
      %add3A_3194 = arith.addf %add3A_3190, %mul3A_3193 : vector<16xf32>
      %sub3A_3195 = arith.subf %gather3A_2981, %max3A_3152 : vector<16xf32>
      %exp3A_3196 = math.exp %sub3A_3195 : vector<16xf32>
      %mul3A_3197 = arith.mulf %gather3A_2985, %exp3A_3196 : vector<16xf32>
      %add3A_3198 = arith.addf %add3A_3194, %mul3A_3197 : vector<16xf32>
      %sub3A_3199 = arith.subf %gather3A_3012, %max3A_3152 : vector<16xf32>
      %exp3A_3200 = math.exp %sub3A_3199 : vector<16xf32>
      %mul3A_3201 = arith.mulf %gather3A_3016, %exp3A_3200 : vector<16xf32>
      %add3A_3202 = arith.addf %add3A_3198, %mul3A_3201 : vector<16xf32>
      %sub3A_3203 = arith.subf %gather3A_3043, %max3A_3152 : vector<16xf32>
      %exp3A_3204 = math.exp %sub3A_3203 : vector<16xf32>
      %mul3A_3205 = arith.mulf %gather3A_3047, %exp3A_3204 : vector<16xf32>
      %add3A_3206 = arith.addf %add3A_3202, %mul3A_3205 : vector<16xf32>
      %sub3A_3207 = arith.subf %gather3A_3074, %max3A_3152 : vector<16xf32>
      %exp3A_3208 = math.exp %sub3A_3207 : vector<16xf32>
      %mul3A_3209 = arith.mulf %gather3A_3078, %exp3A_3208 : vector<16xf32>
      %add3A_3210 = arith.addf %add3A_3206, %mul3A_3209 : vector<16xf32>
      %sub3A_3211 = arith.subf %gather3A_3105, %max3A_3152 : vector<16xf32>
      %exp3A_3212 = math.exp %sub3A_3211 : vector<16xf32>
      %mul3A_3213 = arith.mulf %gather3A_3109, %exp3A_3212 : vector<16xf32>
      %add3A_3214 = arith.addf %add3A_3210, %mul3A_3213 : vector<16xf32>
      %sub3A_3215 = arith.subf %gather3A_3136, %max3A_3152 : vector<16xf32>
      %exp3A_3216 = math.exp %sub3A_3215 : vector<16xf32>
      %mul3A_3217 = arith.mulf %gather3A_3140, %exp3A_3216 : vector<16xf32>
      %add3A_3218 = arith.addf %add3A_3214, %mul3A_3217 : vector<16xf32>
      %bitcast_convert_type3A = tpu.bitcast %add3A_3218 : vector<16xf32> -> vector<16xi32>
      %shift_right_arithmetic3A = arith.constant 23 : i32
      %shift_right_arithmetic3A_3219 = vector.broadcast %shift_right_arithmetic3A : i32 to vector<16xi32>
      %shift_right_arithmetic3A_3220 = arith.shrsi %bitcast_convert_type3A, %shift_right_arithmetic3A_3219 : vector<16xi32>
      %sub3A_3221 = arith.constant 127 : i32
      %sub3A_3222 = vector.broadcast %sub3A_3221 : i32 to vector<16xi32>
      %sub3A_3223 = arith.subi %shift_right_arithmetic3A_3220, %sub3A_3222 : vector<16xi32>
      %convert_element_type3A_3224 = arith.sitofp %sub3A_3223 : vector<16xi32> to vector<16xf32>
      %mul3A_3225 = arith.constant 0.693147182 : f32
      %mul3A_3226 = vector.broadcast %mul3A_3225 : f32 to vector<16xf32>
      %mul3A_3227 = arith.mulf %convert_element_type3A_3224, %mul3A_3226 : vector<16xf32>
      %add3A_3228 = arith.constant 3.750000e-01 : f32
      %add3A_3229 = vector.broadcast %add3A_3228 : f32 to vector<16xf32>
      %add3A_3230 = arith.addf %mul3A_3227, %add3A_3229 : vector<16xf32>
      %neg3A = arith.constant 0.000000e+00 : f32
      %neg3A_3231 = vector.broadcast %neg3A : f32 to vector<16xf32>
      %neg3A_3232 = arith.subf %neg3A_3231, %add3A_3230 : vector<16xf32>
      %exp3A_3233 = math.exp %neg3A_3232 : vector<16xf32>
      %mul3A_3234 = arith.mulf %add3A_3218, %exp3A_3233 : vector<16xf32>
      %add3A_3235 = arith.addf %add3A_3230, %mul3A_3234 : vector<16xf32>
      %sub3A_3236 = arith.constant 1.000000e+00 : f32
      %sub3A_3237 = vector.broadcast %sub3A_3236 : f32 to vector<16xf32>
      %sub3A_3238 = arith.subf %add3A_3235, %sub3A_3237 : vector<16xf32>
      %neg3A_3239 = arith.constant 0.000000e+00 : f32
      %neg3A_3240 = vector.broadcast %neg3A_3239 : f32 to vector<16xf32>
      %neg3A_3241 = arith.subf %neg3A_3240, %sub3A_3238 : vector<16xf32>
      %exp3A_3242 = math.exp %neg3A_3241 : vector<16xf32>
      %mul3A_3243 = arith.mulf %add3A_3218, %exp3A_3242 : vector<16xf32>
      %add3A_3244 = arith.addf %sub3A_3238, %mul3A_3243 : vector<16xf32>
      %sub3A_3245 = arith.constant 1.000000e+00 : f32
      %sub3A_3246 = vector.broadcast %sub3A_3245 : f32 to vector<16xf32>
      %sub3A_3247 = arith.subf %add3A_3244, %sub3A_3246 : vector<16xf32>
      %neg3A_3248 = arith.constant 0.000000e+00 : f32
      %neg3A_3249 = vector.broadcast %neg3A_3248 : f32 to vector<16xf32>
      %neg3A_3250 = arith.subf %neg3A_3249, %sub3A_3247 : vector<16xf32>
      %exp3A_3251 = math.exp %neg3A_3250 : vector<16xf32>
      %mul3A_3252 = arith.mulf %add3A_3218, %exp3A_3251 : vector<16xf32>
      %add3A_3253 = arith.addf %sub3A_3247, %mul3A_3252 : vector<16xf32>
      %sub3A_3254 = arith.constant 1.000000e+00 : f32
      %sub3A_3255 = vector.broadcast %sub3A_3254 : f32 to vector<16xf32>
      %sub3A_3256 = arith.subf %add3A_3253, %sub3A_3255 : vector<16xf32>
      %neg3A_3257 = arith.constant 0.000000e+00 : f32
      %neg3A_3258 = vector.broadcast %neg3A_3257 : f32 to vector<16xf32>
      %neg3A_3259 = arith.subf %neg3A_3258, %sub3A_3256 : vector<16xf32>
      %exp3A_3260 = math.exp %neg3A_3259 : vector<16xf32>
      %mul3A_3261 = arith.mulf %add3A_3218, %exp3A_3260 : vector<16xf32>
      %add3A_3262 = arith.addf %sub3A_3256, %mul3A_3261 : vector<16xf32>
      %sub3A_3263 = arith.constant 1.000000e+00 : f32
      %sub3A_3264 = vector.broadcast %sub3A_3263 : f32 to vector<16xf32>
      %sub3A_3265 = arith.subf %add3A_3262, %sub3A_3264 : vector<16xf32>
      %swap3A_3266 = arith.constant 0 : index
      %swap3A_3267 = tpu.vector_load %arg17[%swap3A_3266] {strides = array<i32>} : memref<16xi32, #tpu.memory_space<vmem>>, vector<16xi32>,
      tpu.vector_store %arg17[%swap3A_3266], %select_n3A_3150 {strides = array<i32>} : memref<16xi32, #tpu.memory_space<vmem>>, vector<16xi32>,
      %sub3A_3268 = arith.subf %select_n3A_3151, %max3A_3152 : vector<16xf32>
      %sub3A_3269 = arith.subf %sub3A_3268, %sub3A_3265 : vector<16xf32>
      %swap3A_3270 = arith.constant 0 : index
      %swap3A_3271 = tpu.vector_load %arg18[%swap3A_3270] {strides = array<i32>} : memref<16xf32, #tpu.memory_space<vmem>>, vector<16xf32>,
      tpu.vector_store %arg18[%swap3A_3270], %sub3A_3269 {strides = array<i32>} : memref<16xf32, #tpu.memory_space<vmem>>, vector<16xf32>,
      %mul3A_3272 = arith.constant 4 : i32
      %mul3A_3273 = arith.muli %arg0, %mul3A_3272 : i32
      %add3A_3274 = arith.addi %mul3A_3273, %arg1 : i32
      %mul3A_3275 = arith.constant 16 : i32
      %mul3A_3276 = arith.muli %add3A_3274, %mul3A_3275 : i32
      "tpu.region"() ({
        %run_scoped3A = tpu.sem_alloc : memref<!tpu.dma_semaphore, #tpu.memory_space<semaphore_mem>>
        %dma_start3A = tpu.memref_slice %arg6[%mul3A_3276] : memref<128xi32, #tpu.memory_space<hbm>> -> memref<16xi32, #tpu.memory_space<hbm>>
        %dma_start3A_3277 = tpu.memref_slice %arg6[%mul3A_3276] : memref<128xi32, #tpu.memory_space<hbm>> -> memref<16xi32, #tpu.memory_space<hbm>>
        tpu.enqueue_dma source(%arg17 : memref<16xi32, #tpu.memory_space<vmem>>) target(%dma_start3A_3277 : memref<16xi32, #tpu.memory_space<hbm>>) target_semaphore(%run_scoped3A : memref<!tpu.dma_semaphore, #tpu.memory_space<semaphore_mem>>)
        %dma_wait3A_3278 = tpu.memref_slice %arg6[%mul3A_3276] : memref<128xi32, #tpu.memory_space<hbm>> -> memref<16xi32, #tpu.memory_space<hbm>>
        %dma_wait3A_3279 = tpu.memref_slice %arg6[%mul3A_3276] : memref<128xi32, #tpu.memory_space<hbm>> -> memref<16xi32, #tpu.memory_space<hbm>>
        tpu.wait_dma2 semaphore(%run_scoped3A : memref<!tpu.dma_semaphore, #tpu.memory_space<semaphore_mem>>) src(%arg17 : memref<16xi32, #tpu.memory_space<vmem>>) dst(%dma_wait3A_3279 : memref<16xi32, #tpu.memory_space<hbm>>)
        tpu.yield
      }) : () -> ()
      "tpu.region"() ({
        %run_scoped3A = tpu.sem_alloc : memref<!tpu.dma_semaphore, #tpu.memory_space<semaphore_mem>>
        %dma_start3A = tpu.memref_slice %arg7[%mul3A_3276] : memref<128xf32, #tpu.memory_space<hbm>> -> memref<16xf32, #tpu.memory_space<hbm>>
        %dma_start3A_3277 = tpu.memref_slice %arg7[%mul3A_3276] : memref<128xf32, #tpu.memory_space<hbm>> -> memref<16xf32, #tpu.memory_space<hbm>>
        tpu.enqueue_dma source(%arg18 : memref<16xf32, #tpu.memory_space<vmem>>) target(%dma_start3A_3277 : memref<16xf32, #tpu.memory_space<hbm>>) target_semaphore(%run_scoped3A : memref<!tpu.dma_semaphore, #tpu.memory_space<semaphore_mem>>)
        %dma_wait3A_3278 = tpu.memref_slice %arg7[%mul3A_3276] : memref<128xf32, #tpu.memory_space<hbm>> -> memref<16xf32, #tpu.memory_space<hbm>>
        %dma_wait3A_3279 = tpu.memref_slice %arg7[%mul3A_3276] : memref<128xf32, #tpu.memory_space<hbm>> -> memref<16xf32, #tpu.memory_space<hbm>>
        tpu.wait_dma2 semaphore(%run_scoped3A : memref<!tpu.dma_semaphore, #tpu.memory_space<semaphore_mem>>) src(%arg18 : memref<16xf32, #tpu.memory_space<vmem>>) dst(%dma_wait3A_3279 : memref<16xf32, #tpu.memory_space<hbm>>)
        tpu.yield
      }) : () -> ()
    } else {
    }
    return
  }
}

</mosaic_0001>

<sc_bundles>
// kernel: kernel.3.cloned.1.call-start
scs
__scs_entry_jumppad:
0x0: {  	(pc) =	sbr.rel $0x88, $3  }
0x1: {  	(tag) =	ssettag $0x0;
	lr =	simm.s32 $0x1  }
0x2: {  	[smem:$0x3F9E] =	sst lr;
	_ =	strace $0xD0000000  }
0x3: {  	_ = 	snop  }
0x4: {  	_ = 	snop  }
0x5: {  	_ = 	snop  }
0x6: {  	_ = 	snop  }
0x7: {  	_ = 	snop  }
__scs_overlays_trampoline_lowered:
0x8: {  	[smem:$0x3FAD] =	sst s0  }
0x9: {  	[smem:$0x3FAE] =	sst s1  }
0xa: {  	[smem:$0x3FAF] =	sst s2  }
0xb: {  	[smem:$0x3FB0] =	sst s3  }
0xc: {  	[smem:$0x3FB1] =	sst s4  }
0xd: {  	[smem:$0x3FB2] =	sst s5  }
0xe: {  	[smem:$0x3FB3] =	sst s6  }
0xf: {  	[smem:$0x3FB4] =	sst s7  }
0x10: {  	[smem:$0x3FB5] =	sst s8  }
0x11: {  	[smem:$0x3FB6] =	sst s9;
	s0 =	simm.s32 @!p0 $0x0  }
0x12: {  	s1 =	sld [smem:$0x3F9C];
	s0 =	simm.s32 @p0 $0x1  }
0x13: {  	[smem:$0x3FB7] =	sst s0;
	s0 =	simm.s32 @!p1 $0x0  }
0x14: {  	s2 =	sld [smem:$0x3F9B];
	s0 =	simm.s32 @p1 $0x1  }
0x15: {  	[smem:$0x3FB8] =	sst s0;
	s0 =	simm.s32 @!p2 $0x0  }
0x16: {  	s3 =	sld [smem:$0x3FDB];
	s0 =	simm.s32 @p2 $0x1  }
0x17: {  	s4 =	simm.s32 $0x1BF5;
	[smem:$0x3FBA] =	sst s0  }
0x18: {  	s0 =	sld [smem:$0x3F9D];
	_ =	swait.ge [sflag:s4], $0x0  }
0x19: {  	s7 =	sld [smem:$0x3F9E]  }
0x1a: {  	s8 =	sadd.s32 $0xFFFFE003, lr  }
0x1b: {  	s9 =	sadd.s32 $0xFFFFFEF7, lr;
	s5 =	simm.s32 $0xFFFFFFFF;
	p2 =	slt.u32 s8, $0xFFFFF086  }
0x1c: {  	p1 =	slt.u32 s9, $0xF7A;
	s5 =	simm.s32 @!p2 $0x0  }
0x1d: {  	s5 =	simm.s32 @p1 $0x1;
	p0 =	seq.s32 s7, s2  }
0x1e: {  	s7 =	smul.u32 @!p0 $0xF7A, s2;
	p2 =	seq.s32 @!p0 s5, $0x0  }
0x1f: {  	s9 =	smul.u32 $0xF7A, s1;
	s8 =	simm.s32 @!p0 $0x1BF5;
	p2 =	por !p2, p0  }
0x20: {  	[sflag:s8] =	ssyncset.s32 @!p0 $0xFFFFF086;
	s6 =	sadd.s32 @!p0 s3, s7;
	s7 =	simm.s32 @!p0 $0x108  }
0x21: {  	s3 =	sadd.s32 s3, s9;
	s6 =	sadd.s32 @!p0 $0x88, s6;
	s7 =	simm.s32 @p2 $0x1082  }
0x22: {  	[simem:s7], [sflag:s8] =	dma.local @!p0 [hbm:s6], $0xF7A  }
0x23: {  	s9 =	sor.u32 $0xD0000000, s2;
	s6 =	simm.s32 $0x108;
	_ =	swait.ge @!p0 [sflag:s8], $0x0  }
0x24: {  	s3 =	sadd.s32 $0x88, s3;
	s6 =	simm.s32 @!p1 $0x1082;
	[sflag:s4] =	ssyncset.s32 $0xFFFFF086  }
0x25: {  	[simem:s6], [sflag:s4] =	dma.local [hbm:s3], $0xF7A  }
0x26: {  	[smem:$0x3F9E] =	sst s1;
	(tag) =	ssettag s2;
	_ =	strace s9  }
0x27: {  	s1 =	sld [smem:$0x3FAE]  }
0x28: {  	s2 =	sld [smem:$0x3FAF]  }
0x29: {  	s4 =	sld [smem:$0x3FB1]  }
0x2a: {  	p0 =	seq.s32 s5, $0x0;
	s5 =	sld [smem:$0x3FB2]  }
0x2b: {  	s6 =	sld [smem:$0x3FB3]  }
0x2c: {  	s7 =	sld [smem:$0x3FB4]  }
0x2d: {  	s3 =	simm.s32 $0x108;
	s8 =	sld [smem:$0x3FB5]  }
0x2e: {  	s3 =	simm.s32 @!p0 $0x1082;
	s9 =	sld [smem:$0x3FB6]  }
0x2f: {  	lr =	sadd.s32 s0, s3;
	s0 =	sld [smem:$0x3FAD]  }
0x30: {  	s3 =	sld [smem:$0x3FB0]  }
0x31: {  	[smem:$0x3FB9] =	sst s10  }
0x32: {  	s10 =	sld [smem:$0x3FB7];
	_ =	sdelay $0x3  }
0x33: {  	p0 =	seq.s32 s10, $0x1;
	s10 =	sld [smem:$0x3FB9];
	_ =	sdelay $0x3  }
0x34: {  	[smem:$0x3FB9] =	sst s10  }
0x35: {  	s10 =	sld [smem:$0x3FB8];
	_ =	sdelay $0x3  }
0x36: {  	p1 =	seq.s32 s10, $0x1;
	s10 =	sld [smem:$0x3FB9];
	_ =	sdelay $0x3  }
0x37: {  	[smem:$0x3FB9] =	sst s10  }
0x38: {  	s10 =	sld [smem:$0x3FBA]  }
0x39: {  	_ = 	snop;
	(pc) =	sbr.ind lr, $3  }
0x3a: {  	_ = 	snop  }
0x3b: {  	_ = 	snop  }
0x3c: {  	p2 =	seq.s32 s10, $0x1;
	s10 =	sld [smem:$0x3FB9]  }
0x3d: {  	_ =	shalt  }
0x3e: {  	_ =	shalt  }
0x3f: {  	_ =	shalt  }
0x40: {  	_ =	shalt  }
0x41: {  	_ =	shalt  }
0x42: {  	_ =	shalt  }
0x43: {  	_ =	shalt  }
0x44: {  	_ =	shalt  }
0x45: {  	_ =	shalt  }
0x46: {  	_ =	shalt  }
0x47: {  	_ =	shalt  }
0x48: {  	_ =	shalt  }
0x49: {  	_ =	shalt  }
0x4a: {  	_ =	shalt  }
0x4b: {  	_ =	shalt  }
0x4c: {  	_ =	shalt  }
0x4d: {  	_ =	shalt  }
0x4e: {  	_ =	shalt  }
0x4f: {  	_ =	shalt  }
0x50: {  	_ =	shalt  }
0x51: {  	_ =	shalt  }
0x52: {  	_ =	shalt  }
0x53: {  	_ =	shalt  }
0x54: {  	_ =	shalt  }
0x55: {  	_ =	shalt  }
0x56: {  	_ =	shalt  }
0x57: {  	_ =	shalt  }
0x58: {  	_ =	shalt  }
0x59: {  	_ =	shalt  }
0x5a: {  	_ =	shalt  }
0x5b: {  	_ =	shalt  }
0x5c: {  	_ =	shalt  }
0x5d: {  	_ =	shalt  }
0x5e: {  	_ =	shalt  }
0x5f: {  	_ =	shalt  }
0x60: {  	_ =	shalt  }
0x61: {  	_ =	shalt  }
0x62: {  	_ =	shalt  }
0x63: {  	_ =	shalt  }
0x64: {  	_ =	shalt  }
0x65: {  	_ =	shalt  }
0x66: {  	_ =	shalt  }
0x67: {  	_ =	shalt  }
0x68: {  	_ =	shalt  }
0x69: {  	_ =	shalt  }
0x6a: {  	_ =	shalt  }
0x6b: {  	_ =	shalt  }
0x6c: {  	_ =	shalt  }
0x6d: {  	_ =	shalt  }
0x6e: {  	_ =	shalt  }
0x6f: {  	_ =	shalt  }
0x70: {  	_ =	shalt  }
0x71: {  	_ =	shalt  }
0x72: {  	_ =	shalt  }
0x73: {  	_ =	shalt  }
0x74: {  	_ =	shalt  }
0x75: {  	_ =	shalt  }
0x76: {  	_ =	shalt  }
0x77: {  	_ =	shalt  }
0x78: {  	_ =	shalt  }
0x79: {  	_ =	shalt  }
0x7a: {  	_ =	shalt  }
0x7b: {  	_ =	shalt  }
0x7c: {  	_ =	shalt  }
0x7d: {  	_ =	shalt  }
0x7e: {  	_ =	shalt  }
0x7f: {  	_ =	shalt  }
0x80: {  	_ =	shalt  }
0x81: {  	_ =	shalt  }
0x82: {  	_ =	shalt  }
0x83: {  	_ =	shalt  }
0x84: {  	_ =	shalt  }
0x85: {  	_ =	shalt  }
0x86: {  	_ =	shalt  }
0x87: {  	_ =	shalt  }
.Lfunc_end0:
.L_simem_size_0:
called_computation_lowered:
.L_overlay_start_0:
0x88: {  	s2 =	sld [smem:$0x3FD9]  }
0x89: {  	s3 =	sld [smem:$0x3FFE];
	_ =	sdelay $0x1  }
0x8a: {  	s1 =	srdreg.scid  }
0x8b: {  	s0 =	sand.u32 $0x1, s1  }
0x8c: {  	s14 =	sshll.u32 s0, $0xA;
	s2 =	sadd.s32 s3, s2  }
0x8d: {  	s2 =	sadd.s32 s2, s14  }
0x8e: {  	[smem:$0x3FC5] =	sst s2  }
0x8f: {  	_ = 	snop  }
0x90: {  	s2 =	sld [smem:$0x3FD0]  }
0x91: {  	s15 =	sld [smem:$0x3FC9]  }
0x92: {  	s4 =	sld [smem:$0x3FC8]  }
0x93: {  	s6 =	simm.s32 $0xA;
	s7 =	simm.s32 $0x10;
	s5 =	sld [smem:$0x3FC7]  }
0x94: {  	[smem:s7], [sflag:s6] =	dma.local [hbm:s2], $0x1  }
0x95: {  	_ =	swait.eq [sflag:s6], $0x1  }
0x96: {  	[sflag:s6] =	ssyncset.done $0x0  }
0x97: {  	s16 =	sld [smem:$0x10];
	[sflag:s6] =	ssyncadd.s32 $0xFFFFFFFF  }
0x98: {  	s17 =	sld [smem:$0x11];
	(tm) =	ssettm $0x1  }
0x99: {  	s18 =	sld [smem:$0x3FFB];
	_ =	sdelay $0x3  }
0x9a: {  	_ =	strace s18  }
0x9b: {  	s7 =	sld [smem:$0x3FFC];
	_ =	sdelay $0x3  }
0x9c: {  	_ =	strace s7  }
0x9d: {  	s7 =	sld [smem:$0x3FFD];
	_ =	sdelay $0x3  }
0x9e: {  	_ =	strace s7  }
0x9f: {  	_ =	strace $0x8FFFFFFF  }
0xa0: {  	s19 =	sld [smem:$0x3FDB];
	_ =	sdelay $0x1  }
0xa1: {  	s8 =	simm.s32 $_scs_section_size  }
0xa2: {  	s9 =	simm.s32 $_size__tile_overlayer_lowered;
	s10 =	simm.s32 $_tile_overlayer_lowered  }
0xa3: {  	s22 =	simm.s32 $0x1BFF;
	s21 =	sshll.u32 s10, $0x1;
	s7 =	sadd.s32 s8, s19  }
0xa4: {  	s11 =	simm.s32 $0x0;
	s20 =	sshll.u32 s9, $0x1;
	s9 =	sadd.s32 s21, s7  }
0xa5: {  	[timem:s11], [sflag:s22] =	dma.local [hbm:s9], s20  }
0xa6: {  	_ =	swait.ge [sflag:s22], s20  }
0xa7: {  	s8 =	ssub.s32 $0x0, s20;
	[sflag:s22] =	ssyncset.done $0x0  }
0xa8: {  	[sflag:s22] =	ssyncadd.s32 s8;
	_ =	sdelay $0x1  }
0xa9: {  	s23 =	simm.s32 $0x1B8B  }
0xaa: {  	_ =	swait.ge [sflag:s23], $0x1  }
0xab: {  	[sflag:s23] =	ssyncset.done $0x0  }
0xac: {  	s25 =	simm.s32 $0x1B8E;
	s24 =	sld [smem:$0x3FFE];
	[sflag:s23] =	ssyncadd.s32 $0xFFFFFFFF  }
0xad: {  	s26 =	simm.s32 $execute0_lowered;
	[smem:$0x3FD2] =	sst s25  }
0xae: {  	s9 =	sshll.u32 s26, $0x1;
	_ =	strace $0x80000046;
	[dreg:$0x1] =	wrdreg $0xFFFFFFFF  }
0xaf: {  	s28 =	simm.s32 $_size_execute0_lowered;
	s7 =	sadd.s32 s7, s9;
	[dreg:$0x0] =	wrdreg $0x0  }
0xb0: {  	s9 =	sshll.u32 s28, $0x1;
	[dreg:$0x2] =	wrdreg s7  }
0xb1: {  	[dreg:$0x3] =	wrdreg s9  }
0xb2: {  	[dreg:$0x4] =	wrdreg $0xC0  }
0xb3: {  	_ =	task [dreg:s11], $0x5FFFF  }
0xb4: {  	[dreg:$0x1] =	wrdreg $0xFFFFFFFF  }
0xb5: {  	[dreg:$0x0] =	wrdreg $0x60  }
0xb6: {  	[dreg:$0x2] =	wrdreg s15  }
0xb7: {  	[dreg:$0x3] =	wrdreg s4  }
0xb8: {  	[dreg:$0x4] =	wrdreg s5  }
0xb9: {  	[dreg:$0x5] =	wrdreg s24  }
0xba: {  	[dreg:$0x6] =	wrdreg s16  }
0xbb: {  	[dreg:$0x7] =	wrdreg s17  }
0xbc: {  	[dreg:$0x8] =	wrdreg $0x1B2800  }
0xbd: {  	[dreg:$0x9] =	wrdreg $0x1B3800  }
0xbe: {  	[dreg:$0xa] =	wrdreg $0x9  }
0xbf: {  	_ =	task.clear_ibuf [dreg:s11], $0xBFFFF;
	_ =	strace $0x90000046  }
0xc0: {  	s29 =	simm.s32 $0x9;
	_ =	strace $0x80000048  }
0xc1: {  	_ =	swait.ge [sflag:s29], $0x1  }
0xc2: {  	[sflag:s29] =	ssyncadd.s32 $0xFFFFFFFF  }
0xc3: {  	_ =	strace $0x90000048  }
0xc4: {  	_ =	sfence  }
0xc5: {  	s30 =	sld [smem:$0x0];
	_ =	sdelay $0x2  }
0xc6: {  	s31 =	sshll.u32 s1, $0xD;
	s1 =	sshrl.u32 s1, $0x2  }
0xc7: {  	s3 =	sand.u32 $0x4000, s31;
	s1 =	sadd.s32 s1, s30  }
0xc8: {  	s0 =	sor.u32 s3, s0;
	s1 =	sshll.u32 s1, $0x11  }
0xc9: {  	s0 =	sor.u32 s1, s0  }
0xca: {  	s0 =	sadd.s32 $0x8F2B, s0  }
0xcb: {  	[sflag:s0] =	ssyncadd.remote.s32 $0x1  }
0xcc: {  	_ =	sfence.sel $0xFFFF  }
0xcd: {  	[dreg:$0x0] =	wrdreg $0xFFFFFFFF;
	(pc) =	sbr.abs _section_cstart, $3  }
0xce: {  	[dreg:$0x1] =	wrdreg $0xFFFFFFFF  }
0xcf: {  	_ =	task.clear_ibuf [dreg:s11], $0x2FFFF;
	_ =	strace $0x9FFFFFFF  }
0xd0: {  	(tm) =	ssettm $0x7FFFFFFF  }
0xd1: {  	_ =	shalt  }
tec
execute0_lowered:
.L_overlay_start_1:
0x0: {  	(tag) =	ssettag $0x1  }
0x1: {  	s0 =	srdreg.scid  }
0x2: {  	v0 =	vlaneseq.u32;
	s5 =	sand.u32 $0x1, s0  }
0x3: {  	v1 =	vor.u32 $0x80, v0;
	s9 =	sshll.u32 s5, $0x6  }
0x4: {  	v41 =	vor.u32 $0x1800, v0;
	v2 =	vor.u32 s9, v1  }
0x5: {  	v42 =	vor.u32 $0x100, v0;
	v3 =	vor.u32 s9, v41;
	[tilespmem:$0x1F440] =	vst v2  }
0x6: {  	v4 =	vor.u32 $0x3000, v0;
	v5 =	vor.u32 s9, v42;
	[tilespmem:$0x1F450] =	vst v3  }
0x7: {  	v44 =	vor.u32 $0x180, v0;
	v43 =	vor.u32 s9, v4;
	[tilespmem:$0x1F460] =	vst v5  }
0x8: {  	v45 =	vor.u32 $0x4800, v0;
	v6 =	vor.u32 s9, v44;
	[tilespmem:$0x1F470] =	vst v43  }
0x9: {  	v7 =	vor.u32 $0x200, v0;
	v8 =	vor.u32 s9, v45;
	[tilespmem:$0x1F480] =	vst v6  }
0xa: {  	v47 =	vor.u32 $0x6000, v0;
	v46 =	vor.u32 s9, v7;
	[tilespmem:$0x1F490] =	vst v8  }
0xb: {  	v48 =	vor.u32 $0x280, v0;
	v9 =	vor.u32 s9, v47;
	[tilespmem:$0x1F4A0] =	vst v46  }
0xc: {  	v10 =	vor.u32 $0x7800, v0;
	v11 =	vor.u32 s9, v48;
	[tilespmem:$0x1F4B0] =	vst v9  }
0xd: {  	v50 =	vor.u32 $0x300, v0;
	v49 =	vor.u32 s9, v10;
	[tilespmem:$0x1F4C0] =	vst v11  }
0xe: {  	v51 =	vor.u32 $0x9000, v0;
	v12 =	vor.u32 s9, v50;
	[tilespmem:$0x1F4D0] =	vst v49  }
0xf: {  	v13 =	vor.u32 $0x380, v0;
	v14 =	vor.u32 s9, v51;
	[tilespmem:$0x1F4E0] =	vst v12  }
0x10: {  	v16 =	vor.u32 $0x480, v0;
	v52 =	vor.u32 s9, v13;
	[tilespmem:$0x1F4F0] =	vst v14  }
0x11: {  	s6 =	sor.u32 $0x10, s9;
	v53 =	vor.u32 s9, v16;
	[tilespmem:$0x1F500] =	vst v52  }
0x12: {  	[tilespmem:$0x1F530] =	vst v53;
	v54 =	vor.u32 s6, v1  }
0x13: {  	v55 =	vor.u32 s6, v41;
	[tilespmem:$0x1F540] =	vst v54  }
0x14: {  	v56 =	vor.u32 s6, v42;
	[tilespmem:$0x1F550] =	vst v55  }
0x15: {  	v57 =	vor.u32 s6, v4;
	[tilespmem:$0x1F560] =	vst v56  }
0x16: {  	v58 =	vor.u32 s6, v44;
	[tilespmem:$0x1F570] =	vst v57  }
0x17: {  	v59 =	vor.u32 s6, v45;
	[tilespmem:$0x1F580] =	vst v58  }
0x18: {  	v60 =	vor.u32 s6, v7;
	[tilespmem:$0x1F590] =	vst v59  }
0x19: {  	v61 =	vor.u32 s6, v47;
	[tilespmem:$0x1F5A0] =	vst v60  }
0x1a: {  	v62 =	vor.u32 s6, v48;
	[tilespmem:$0x1F5B0] =	vst v61  }
0x1b: {  	v63 =	vor.u32 s6, v10;
	[tilespmem:$0x1F5C0] =	vst v62  }
0x1c: {  	v20 =	vor.u32 s6, v50;
	[tilespmem:$0x1F5D0] =	vst v63  }
0x1d: {  	v21 =	vor.u32 s6, v51;
	[tilespmem:$0x1F5E0] =	vst v20  }
0x1e: {  	v22 =	vor.u32 s6, v13;
	[tilespmem:$0x1F5F0] =	vst v21  }
0x1f: {  	s14 =	sor.u32 $0x20, s9;
	v25 =	vor.u32 s6, v16;
	[tilespmem:$0x1F600] =	vst v22  }
0x20: {  	v26 =	vor.u32 s14, v1;
	[tilespmem:$0x1F630] =	vst v25  }
0x21: {  	v27 =	vor.u32 s14, v41;
	[tilespmem:$0x1F640] =	vst v26  }
0x22: {  	v28 =	vor.u32 s14, v42;
	[tilespmem:$0x1F650] =	vst v27  }
0x23: {  	v29 =	vor.u32 s14, v4;
	[tilespmem:$0x1F660] =	vst v28  }
0x24: {  	v30 =	vor.u32 s14, v44;
	[tilespmem:$0x1F670] =	vst v29  }
0x25: {  	v31 =	vor.u32 s14, v45;
	[tilespmem:$0x1F680] =	vst v30  }
0x26: {  	v32 =	vor.u32 s14, v7;
	[tilespmem:$0x1F690] =	vst v31  }
0x27: {  	v33 =	vor.u32 s14, v47;
	[tilespmem:$0x1F6A0] =	vst v32  }
0x28: {  	v34 =	vor.u32 s14, v48;
	[tilespmem:$0x1F6B0] =	vst v33  }
0x29: {  	v35 =	vor.u32 s14, v10;
	[tilespmem:$0x1F6C0] =	vst v34  }
0x2a: {  	v36 =	vor.u32 s14, v50;
	[tilespmem:$0x1F6D0] =	vst v35  }
0x2b: {  	v37 =	vor.u32 s14, v51;
	[tilespmem:$0x1F6E0] =	vst v36  }
0x2c: {  	s15 =	sor.u32 $0x30, s9;
	v38 =	vor.u32 s14, v13;
	[tilespmem:$0x1F6F0] =	vst v37  }
0x2d: {  	v1 =	vor.u32 s15, v1;
	[tilespmem:$0x1F700] =	vst v38  }
0x2e: {  	v41 =	vor.u32 s15, v41;
	[tilespmem:$0x1F730] =	vst v1  }
0x2f: {  	v42 =	vor.u32 s15, v42;
	[tilespmem:$0x1F740] =	vst v41  }
0x30: {  	v43 =	vor.u32 s15, v4;
	[tilespmem:$0x1F750] =	vst v42  }
0x31: {  	v44 =	vor.u32 s15, v44;
	[tilespmem:$0x1F760] =	vst v43  }
0x32: {  	v45 =	vor.u32 s15, v45;
	[tilespmem:$0x1F770] =	vst v44  }
0x33: {  	v46 =	vor.u32 s15, v7;
	[tilespmem:$0x1F780] =	vst v45  }
0x34: {  	v47 =	vor.u32 s15, v47;
	[tilespmem:$0x1F790] =	vst v46  }
0x35: {  	v48 =	vor.u32 s15, v48;
	[tilespmem:$0x1F7A0] =	vst v47  }
0x36: {  	v49 =	vor.u32 s15, v10;
	[tilespmem:$0x1F7B0] =	vst v48  }
0x37: {  	v50 =	vor.u32 s15, v50;
	[tilespmem:$0x1F7C0] =	vst v49  }
0x38: {  	v51 =	vor.u32 s15, v51;
	[tilespmem:$0x1F7D0] =	vst v50  }
0x39: {  	v14 =	vor.u32 $0xA800, v0;
	v52 =	vor.u32 s15, v13;
	[tilespmem:$0x1F7E0] =	vst v51  }
0x3a: {  	v15 =	vor.u32 s9, v14;
	[tilespmem:$0x1F7F0] =	vst v52  }
0x3b: {  	v23 =	vor.u32 s6, v14;
	[tilespmem:$0x1F510] =	vst v15  }
0x3c: {  	v39 =	vor.u32 s14, v14;
	[tilespmem:$0x1F610] =	vst v23  }
0x3d: {  	v53 =	vor.u32 s15, v14;
	[tilespmem:$0x1F710] =	vst v39  }
0x3e: {  	v55 =	vor.u32 s14, v16;
	[tilespmem:$0x1F800] =	vst v53  }
0x3f: {  	v11 =	vor.u32 $0x680, v0;
	v56 =	vor.u32 s15, v16;
	[tilespmem:$0x1F820] =	vst v55  }
0x40: {  	v12 =	vor.u32 s9, v11;
	[tilespmem:$0x1F830] =	vst v56  }
0x41: {  	v13 =	vor.u32 $0x700, v0;
	v14 =	vor.u32 s6, v11;
	[tilespmem:$0x1F900] =	vst v12  }
0x42: {  	v16 =	vor.u32 s9, v13;
	[tilespmem:$0x1F910] =	vst v14  }
0x43: {  	v18 =	vor.u32 s6, v13;
	[tilespmem:$0x1F940] =	vst v16  }
0x44: {  	s0 =	stileid.u32;
	v19 =	vor.u32 s14, v13;
	[tilespmem:$0x1F950] =	vst v18  }
0x45: {  	s13 =	sshll.u32 s0, $0x6;
	v25 =	vor.u32 s14, v0;
	[tilespmem:$0x1F960] =	vst v19  }
0x46: {  	s23 =	sor.u32 $0x100, s13;
	v26 =	vor.u32 s15, v0;
	[tilespmem:$0x1F9E0] =	vst v25  }
0x47: {  	v3 =	vor.u32 $0x20, v0;
	v27 =	vor.u32 s23, v0;
	[tilespmem:$0x1F9F0] =	vst v26  }
0x48: {  	v57 =	vor.u32 $0x500, v0;
	v29 =	vor.u32 s23, v3;
	[tilespmem:$0x1FA00] =	vst v27  }
0x49: {  	v58 =	vor.u32 s9, v57;
	[tilespmem:$0x1FA20] =	vst v29  }
0x4a: {  	v60 =	vor.u32 s6, v57;
	[tilespmem:$0x1F840] =	vst v58  }
0x4b: {  	v61 =	vor.u32 s14, v57;
	[tilespmem:$0x1F850] =	vst v60  }
0x4c: {  	v59 =	vor.u32 $0x580, v0;
	v1 =	vor.u32 s15, v57;
	[tilespmem:$0x1F860] =	vst v61  }
0x4d: {  	v62 =	vor.u32 s9, v59;
	[tilespmem:$0x1F870] =	vst v1  }
0x4e: {  	v6 =	vor.u32 s6, v59;
	[tilespmem:$0x1F880] =	vst v62  }
0x4f: {  	v7 =	vor.u32 s14, v59;
	[tilespmem:$0x1F890] =	vst v6  }
0x50: {  	v63 =	vor.u32 $0x600, v0;
	v2 =	vor.u32 s15, v59;
	[tilespmem:$0x1F8A0] =	vst v7  }
0x51: {  	v8 =	vor.u32 s9, v63;
	[tilespmem:$0x1F8B0] =	vst v2  }
0x52: {  	v9 =	vor.u32 s6, v63;
	[tilespmem:$0x1F8C0] =	vst v8  }
0x53: {  	v10 =	vor.u32 s14, v63;
	[tilespmem:$0x1F8D0] =	vst v9  }
0x54: {  	v15 =	vor.u32 $0x400, v0;
	v23 =	vor.u32 s9, v0;
	[tilespmem:$0x1F8E0] =	vst v10  }
0x55: {  	v17 =	vor.u32 s9, v15;
	[tilespmem:$0x1F9C0] =	vst v23  }
0x56: {  	v24 =	vor.u32 s6, v15;
	[tilespmem:$0x1F520] =	vst v17  }
0x57: {  	v40 =	vor.u32 s14, v15;
	[tilespmem:$0x1F620] =	vst v24  }
0x58: {  	v54 =	vor.u32 s15, v15;
	[tilespmem:$0x1F720] =	vst v40  }
0x59: {  	v1 =	vor.u32 s15, v63;
	[tilespmem:$0x1F810] =	vst v54  }
0x5a: {  	v15 =	vor.u32 s14, v11;
	[tilespmem:$0x1F8F0] =	vst v1  }
0x5b: {  	s7 =	rddreg [dreg:$0x0];
	v2 =	vor.u32 s15, v13;
	[tilespmem:$0x1F920] =	vst v15  }
0x5c: {  	s8 =	rddreg [dreg:$0x1];
	v1 =	vor.u32 s15, v11;
	[tilespmem:$0x1F970] =	vst v2  }
0x5d: {  	s16 =	rddreg [dreg:$0x2];
	v17 =	vor.u32 $0x780, v0;
	v24 =	vor.u32 s6, v0;
	[tilespmem:$0x1F930] =	vst v1  }
0x5e: {  	s17 =	rddreg [dreg:$0x3];
	v20 =	vor.u32 s9, v17;
	[tilespmem:$0x1F9D0] =	vst v24  }
0x5f: {  	s10 =	rddreg [dreg:$0x4];
	v21 =	vor.u32 s6, v17;
	[tilespmem:$0x1F980] =	vst v20  }
0x60: {  	s12 =	rddreg [dreg:$0x5];
	v22 =	vor.u32 s14, v17;
	[tilespmem:$0x1F990] =	vst v21  }
0x61: {  	s1 =	rddreg [dreg:$0x6];
	v2 =	vor.u32 $0x10, v0;
	v1 =	vor.u32 s15, v17;
	[tilespmem:$0x1F9A0] =	vst v22  }
0x62: {  	s3 =	rddreg [dreg:$0x7];
	s4 =	simm.s32 $0x0;
	s20 =	sor.u32 $0x200, s13;
	v28 =	vor.u32 s23, v2;
	[tilespmem:$0x1F9B0] =	vst v1  }
0x63: {  	[smem:$0x7FF] =	sst s4;
	v32 =	vor.u32 s20, v0;
	[tilespmem:$0x1FA10] =	vst v28  }
0x64: {  	s2 =	rddreg [dreg:$0x8];
	v33 =	vor.u32 s20, v2;
	_ =	strace $0x80000047;
	[tilespmem:$0x1FA50] =	vst v32  }
0x65: {  	s28 =	sor.u32 $0x300, s13;
	v34 =	vor.u32 s20, v3;
	[tilespmem:$0x1FA60] =	vst v33  }
0x66: {  	v37 =	vor.u32 s28, v0;
	[tilespmem:$0x1FA70] =	vst v34  }
0x67: {  	v38 =	vor.u32 s28, v2;
	[tilespmem:$0x1FAA0] =	vst v37  }
0x68: {  	s31 =	sor.u32 $0x500, s13;
	v39 =	vor.u32 s28, v3;
	[tilespmem:$0x1FAB0] =	vst v38  }
0x69: {  	v47 =	vor.u32 s31, v0;
	[tilespmem:$0x1FAC0] =	vst v39  }
0x6a: {  	v48 =	vor.u32 s31, v2;
	[tilespmem:$0x1FB40] =	vst v47  }
0x6b: {  	v49 =	vor.u32 s31, v3;
	s14 =	sshll.u32 s0, $0x4;
	v1 =	vor.u32 $0x30, v0;
	[tilespmem:$0x1FB50] =	vst v48  }
0x6c: {  	s19 =	sor.u32 $0x40, s14;
	v30 =	vor.u32 s23, v1;
	[tilespmem:$0x1FB60] =	vst v49  }
0x6d: {  	v31 =	vor.u32 s19, v0;
	[tilespmem:$0x1FA30] =	vst v30  }
0x6e: {  	s26 =	sor.u32 $0x80, s14;
	v35 =	vor.u32 s20, v1;
	[tilespmem:$0x1FA40] =	vst v31  }
0x6f: {  	v36 =	vor.u32 s26, v0;
	[tilespmem:$0x1FA80] =	vst v35  }
0x70: {  	s22 =	sor.u32 $0xC0, s14;
	v40 =	vor.u32 s28, v1;
	[tilespmem:$0x1FA90] =	vst v36  }
0x71: {  	s5 =	ssub.s32 $0x2, s5;
	s30 =	sor.u32 $0x100, s14;
	v41 =	vor.u32 s22, v0;
	[tilespmem:$0x1FAD0] =	vst v40  }
0x72: {  	s24 =	sshrl.u32 s5, $0x1;
	v46 =	vor.u32 s30, v0;
	[tilespmem:$0x1FAE0] =	vst v41  }
0x73: {  	s15 =	ssub.s32 s5, s24;
	s24 =	sor.u32 $0x140, s14;
	v50 =	vor.u32 s31, v1;
	[tilespmem:$0x1FB30] =	vst v46  }
0x74: {  	v51 =	vor.u32 s24, v0;
	[tilespmem:$0x1FB70] =	vst v50  }
0x75: {  	s23 =	sor.u32 $0x400, s13;
	v47 =	vor.u32 s14, v0;
	[tilespmem:$0x1FB80] =	vst v51  }
0x76: {  	v42 =	vor.u32 s23, v0;
	[tilespmem:$0x1FEC0] =	vst v47  }
0x77: {  	v43 =	vor.u32 s23, v2;
	[tilespmem:$0x1FAF0] =	vst v42  }
0x78: {  	v44 =	vor.u32 s23, v3;
	[tilespmem:$0x1FB00] =	vst v43  }
0x79: {  	s26 =	sor.u32 $0x600, s13;
	v45 =	vor.u32 s23, v1;
	[tilespmem:$0x1FB10] =	vst v44  }
0x7a: {  	v52 =	vor.u32 s26, v0;
	[tilespmem:$0x1FB20] =	vst v45  }
0x7b: {  	v53 =	vor.u32 s26, v2;
	[tilespmem:$0x1FB90] =	vst v52  }
0x7c: {  	v54 =	vor.u32 s26, v3;
	[tilespmem:$0x1FBA0] =	vst v53  }
0x7d: {  	s28 =	sor.u32 $0x180, s14;
	v55 =	vor.u32 s26, v1;
	[tilespmem:$0x1FBB0] =	vst v54  }
0x7e: {  	s24 =	sor.u32 $0x700, s13;
	v56 =	vor.u32 s28, v0;
	[tilespmem:$0x1FBC0] =	vst v55  }
0x7f: {  	v57 =	vor.u32 s24, v0;
	[tilespmem:$0x1FBD0] =	vst v56  }
0x80: {  	v58 =	vor.u32 s24, v2;
	[tilespmem:$0x1FBE0] =	vst v57  }
0x81: {  	v59 =	vor.u32 s24, v3;
	[tilespmem:$0x1FBF0] =	vst v58  }
0x82: {  	s30 =	sor.u32 $0x1C0, s14;
	v60 =	vor.u32 s24, v1;
	[tilespmem:$0x1FC00] =	vst v59  }
0x83: {  	s18 =	smul.u32 $0x19, s0;
	s31 =	sor.u32 $0x800, s13;
	v61 =	vor.u32 s30, v0;
	[tilespmem:$0x1FC10] =	vst v60  }
0x84: {  	v63 =	vor.u32 s31, v0;
	[tilespmem:$0x1FC20] =	vst v61  }
0x85: {  	s11 =	sshrl.u32 s18, $0x4;
	v8 =	vor.u32 s31, v2;
	[tilespmem:$0x1FC40] =	vst v63  }
0x86: {  	s25 =	sadd.s32 $0x19, s18;
	s29 =	smul.u32 $0x1800, s11;
	v9 =	vor.u32 s31, v3;
	[tilespmem:$0x1FC50] =	vst v8  }
0x87: {  	s5 =	sshrl.u32 s25, $0x1;
	s19 =	sshll.u32 s11, $0x3;
	v10 =	vor.u32 s31, v1;
	[tilespmem:$0x1FC60] =	vst v9  }
0x88: {  	s20 =	sand.u32 $0x1F8, s5;
	s5 =	sadd.s32 s7, s29;
	s29 =	sadd.s32 $0xF, s19;
	v46 =	vor.u32 s13, v1;
	[tilespmem:$0x1FC70] =	vst v10  }
0x89: {  	s24 =	sadd.s32 $0xE, s19;
	v62 =	vmov s29;
	[tilespmem:$0x1FEB0] =	vst v46  }
0x8a: {  	s28 =	sor.u32 $0x200, s14;
	v11 =	vmov s24;
	[tilespmem:$0x1FC30] =	vst v62  }
0x8b: {  	s30 =	sor.u32 $0x900, s13;
	v12 =	vor.u32 s28, v0;
	[tilespmem:$0x1FC80] =	vst v11  }
0x8c: {  	v14 =	vor.u32 s30, v0;
	[tilespmem:$0x1FC90] =	vst v12  }
0x8d: {  	v15 =	vor.u32 s30, v2;
	[tilespmem:$0x1FCB0] =	vst v14  }
0x8e: {  	v16 =	vor.u32 s30, v3;
	[tilespmem:$0x1FCC0] =	vst v15  }
0x8f: {  	s21 =	sshll.u32 s11, $0x7;
	s31 =	sadd.s32 $0xC, s19;
	v17 =	vor.u32 s30, v1;
	[tilespmem:$0x1FCD0] =	vst v16  }
0x90: {  	s17 =	sadd.s32 s21, s17;
	s23 =	sor.u32 $0x6, s19;
	v18 =	vmov s31;
	[tilespmem:$0x1FCE0] =	vst v17  }
0x91: {  	s6 =	sadd.s32 s8, s21;
	s7 =	sadd.s32 s16, s21;
	s21 =	sor.u32 $0x4, s19;
	v40 =	vmov s23;
	[tilespmem:$0x1FCF0] =	vst v18  }
0x92: {  	v41 =	vmov s21;
	[tilespmem:$0x1FE50] =	vst v40  }
0x93: {  	v43 =	vor.u32 s13, v0;
	[tilespmem:$0x1FE60] =	vst v41  }
0x94: {  	v44 =	vor.u32 s13, v2;
	[tilespmem:$0x1FE80] =	vst v43  }
0x95: {  	s16 =	sor.u32 $0x3, s19;
	v45 =	vor.u32 s13, v3;
	[tilespmem:$0x1FE90] =	vst v44  }
0x96: {  	s8 =	sadd.s32 $0x800, s17;
	s17 =	sor.u32 $0x2, s19;
	v48 =	vmov s16;
	[tilespmem:$0x1FEA0] =	vst v45  }
0x97: {  	s18 =	sor.u32 $0x1, s19;
	v54 =	vmov s17;
	[tilespmem:$0x1FED0] =	vst v48  }
0x98: {  	v55 =	vmov s18;
	[tilespmem:$0x1FF30] =	vst v54  }
0x99: {  	s9 =	sor.u32 s14, s9;
	p0 =	slt.u32 s29, s20;
	s29 =	sadd.s32 $0xD, s19;
	v56 =	vmov s19;
	[tilespmem:$0x1FF40] =	vst v55  }
0x9a: {  	s26 =	sshrl.u32 s9, $0x3;
	s28 =	sor.u32 $0x240, s14;
	v13 =	vmov s29;
	[tilespmem:$0x1FF50] =	vst v56  }
0x9b: {  	s9 =	sadd.s32 s10, s26;
	s10 =	sadd.s32 s12, s26;
	s12 =	sadd.s32 $0xA, s19;
	v19 =	vor.u32 s28, v0;
	[tilespmem:$0x1FCA0] =	vst v13  }
0x9c: {  	s26 =	sadd.s32 $0xB, s19;
	s22 =	simm.s32 @!p0 $0x0;
	v20 =	vmov s12;
	[tilespmem:$0x1FD00] =	vst v19  }
0x9d: {  	s30 =	sor.u32 $0xA00, s13;
	v21 =	vmov s26;
	s22 =	simm.s32 @p0 $0x1;
	p0 =	slt.u32 s24, s20;
	[tilespmem:$0x1FD10] =	vst v20  }
0x9e: {  	v22 =	vor.u32 s30, v0;
	[tilespmem:$0x1FD20] =	vst v21;
	s24 =	simm.s32 @!p0 $0x0  }
0x9f: {  	v23 =	vor.u32 s30, v2;
	[tilespmem:$0x1FD30] =	vst v22;
	s24 =	simm.s32 @p0 $0x1;
	p0 =	slt.u32 s29, s20  }
0xa0: {  	v24 =	vor.u32 s30, v3;
	[tilespmem:$0x1FD40] =	vst v23;
	[smem:$0x7EC] =	sst s22;
	s22 =	simm.s32 @!p0 $0x0  }
0xa1: {  	v25 =	vor.u32 s30, v1;
	s28 =	sor.u32 $0xB00, s13;
	[tilespmem:$0x1FD50] =	vst v24;
	s22 =	simm.s32 @p0 $0x1;
	p0 =	slt.u32 s31, s20  }
0xa2: {  	s25 =	ssub.s32 s20, s19;
	[tilespmem:$0x1FD60] =	vst v25;
	v28 =	vor.u32 s28, v0;
	[smem:$0x7ED] =	sst s24;
	s24 =	simm.s32 @!p0 $0x0  }
0xa3: {  	s30 =	sor.u32 $0x2C0, s14;
	v29 =	vor.u32 s28, v2;
	[tilespmem:$0x1FD90] =	vst v28;
	s24 =	simm.s32 @p0 $0x1;
	p0 =	slt.u32 s26, s20  }
0xa4: {  	v30 =	vor.u32 s28, v3;
	v31 =	vor.u32 s28, v1;
	s28 =	sshllo.u32 s11, $0x3;
	[tilespmem:$0x1FDA0] =	vst v29;
	[smem:$0x7EE] =	sst s22;
	s22 =	simm.s32 @!p0 $0x0  }
0xa5: {  	v32 =	vor.u32 s30, v0;
	s30 =	sor.u32 $0xE00, s13;
	[tilespmem:$0x1FDB0] =	vst v30;
	s22 =	simm.s32 @p0 $0x1;
	p0 =	slt.u32 s12, s20  }
0xa6: {  	[tilespmem:$0x1FDC0] =	vst v31;
	s29 =	sadd.s32 $0x9, s19;
	s31 =	sor.u32 $0x280, s14;
	s12 =	simm.s32 @!p0 $0x0  }
0xa7: {  	[tilespmem:$0x1FDD0] =	vst v32;
	v39 =	vmov s28;
	v26 =	vor.u32 s31, v0;
	s31 =	sshll.u32 s0, $0x8;
	s12 =	simm.s32 @p0 $0x1;
	p0 =	slt.u32 s29, s20  }
0xa8: {  	v57 =	vor.u32 s30, v0;
	[tilespmem:$0x1FE40] =	vst v39;
	v27 =	vmov s29;
	[smem:$0x7F0] =	sst s22;
	s29 =	sadd.s32 $0x8, s19;
	s22 =	simm.s32 @!p0 $0x0  }
0xa9: {  	v58 =	vor.u32 s30, v2;
	[tilespmem:$0x1FF60] =	vst v57;
	s26 =	sor.u32 $0x5, s19;
	s22 =	simm.s32 @p0 $0x1;
	p0 =	slt.u32 s29, s20  }
0xaa: {  	v59 =	vor.u32 s30, v3;
	[tilespmem:$0x1FF70] =	vst v58;
	s11 =	sadd.s32 s31, s1;
	[smem:$0x7F2] =	sst s22;
	s22 =	simm.s32 @!p0 $0x0  }
0xab: {  	v60 =	vor.u32 s30, v1;
	[tilespmem:$0x1FF80] =	vst v59;
	[smem:$0x7EF] =	sst s24;
	s22 =	simm.s32 @p0 $0x1;
	p0 =	slt.u32 s28, s20  }
0xac: {  	[tilespmem:$0x1FF90] =	vst v60;
	s31 =	sor.u32 $0x380, s14;
	[smem:$0x7F3] =	sst s22;
	s22 =	simm.s32 @!p0 $0x0  }
0xad: {  	[tilespmem:$0x1FD80] =	vst v27;
	s24 =	sor.u32 $0xC00, s13;
	s22 =	simm.s32 @p0 $0x1;
	p0 =	slt.u32 s23, s20  }
0xae: {  	[tilespmem:$0x1FD70] =	vst v26;
	v42 =	vmov s26;
	v62 =	vor.u32 s31, v0;
	[smem:$0x7F1] =	sst s12;
	s12 =	sadd.s32 s13, s3;
	s23 =	simm.s32 @!p0 $0x0  }
0xaf: {  	v34 =	vor.u32 s24, v0;
	v35 =	vor.u32 s24, v2;
	[tilespmem:$0x1FE70] =	vst v42;
	v33 =	vmov s29;
	s29 =	sor.u32 $0x300, s14;
	s23 =	simm.s32 @p0 $0x1;
	p0 =	slt.u32 s26, s20  }
0xb0: {  	v36 =	vor.u32 s24, v3;
	v37 =	vor.u32 s24, v1;
	[tilespmem:$0x1FFC0] =	vst v62;
	v38 =	vor.u32 s29, v0;
	s29 =	sor.u32 $0x3C0, s14;
	s28 =	sor.u32 $0xF00, s13;
	s24 =	simm.s32 @!p0 $0x0  }
0xb1: {  	[tilespmem:$0x1FDF0] =	vst v34;
	[smem:$0x7F4] =	sst s22;
	s24 =	simm.s32 @p0 $0x1;
	p0 =	slt.u32 s21, s20  }
0xb2: {  	[tilespmem:$0x1FE00] =	vst v35;
	s22 =	sor.u32 $0xD00, s13;
	s13 =	smax.u32 s15, $0x1;
	s21 =	simm.s32 @!p0 $0x0  }
0xb3: {  	[tilespmem:$0x1FE10] =	vst v36;
	s15 =	simm.s32 $0x2;
	s21 =	simm.s32 @p0 $0x1;
	p0 =	slt.u32 s16, s20  }
0xb4: {  	[tilespmem:$0x1FE20] =	vst v37;
	v49 =	vor.u32 s22, v0;
	[smem:$0x7F5] =	sst s23;
	s23 =	sor.u32 $0x340, s14;
	s14 =	simm.s32 @!p0 $0x0  }
0xb5: {  	[tilespmem:$0x1FDE0] =	vst v33;
	v50 =	vor.u32 s22, v2;
	v51 =	vor.u32 s22, v3;
	v52 =	vor.u32 s22, v1;
	s22 =	simm.s32 $0x19D80;
	s14 =	simm.s32 @p0 $0x1;
	p0 =	slt.u32 s17, s20  }
0xb6: {  	[tilespmem:$0x1FE30] =	vst v38;
	v61 =	vor.u32 s28, v3;
	v53 =	vor.u32 s23, v0;
	s23 =	simm.s32 $0x1AD80;
	[smem:$0x7F6] =	sst s24;
	s17 =	simm.s32 @!p0 $0x0  }
0xb7: {  	v63 =	vor.u32 s28, v0;
	[tilespmem:$0x1FFB0] =	vst v61;
	s24 =	simm.s32 $0x1B180;
	s17 =	simm.s32 @p0 $0x1;
	p0 =	slt.u32 s18, s20  }
0xb8: {  	[tilespmem:$0x1FFD0] =	vst v63;
	s16 =	simm.s32 $0x18000;
	[smem:$0x7F7] =	sst s21;
	s18 =	simm.s32 @!p0 $0x0  }
0xb9: {  	[tilespmem:$0x1FEE0] =	vst v49;
	s21 =	simm.s32 $0x19D00;
	s18 =	simm.s32 @p0 $0x1;
	p0 =	sgt.u32 s20, s19  }
0xba: {  	[tilespmem:$0x1FEF0] =	vst v50;
	[smem:$0x7F8] =	sst s14;
	s14 =	simm.s32 $0x1;
	s19 =	simm.s32 @!p0 $0x0  }
0xbb: {  	[tilespmem:$0x1FF00] =	vst v51;
	[smem:$0x7F9] =	sst s17;
	s19 =	simm.s32 @p0 $0x1;
	p0 =	sne.s32 s25, $0x10  }
.Ltmp0:
0xbc: {  	v2 =	vor.u32 s28, v2;
	[tilespmem:$0x1FF10] =	vst v52;
	s17 =	simm.s32 $0x18800;
	s25 =	simm.s32 @!p0 $0x0;
	(pc) =	sbr.rel .LBB2_1-.Ltmp0, $4  }
0xbd: {  	v1 =	vor.u32 s28, v1;
	[tilespmem:$0x1FFA0] =	vst v2;
	[smem:$0x7FA] =	sst s18;
	s25 =	simm.s32 @p0 $0x1;
	p0 =	sgt.u32 s0, $0x3  }
0xbe: {  	[tilespmem:$0x1FFE0] =	vst v1;
	s20 =	simm.s32 $0x3;
	[smem:$0x7FB] =	sst s19;
	s26 =	simm.s32 @!p0 $0x0  }
0xbf: {  	v0 =	vor.u32 s29, v0;
	[tilespmem:$0x1FF20] =	vst v53;
	s18 =	simm.s32 $0x19000;
	[smem:$0x7FC] =	sst s25;
	s26 =	simm.s32 @p0 $0x1  }
0xc0: {  	[tilespmem:$0x1FFF0] =	vst v0;
	s19 =	simm.s32 $0x19C00;
	s25 =	simm.s32 $0x1B200;
	[smem:$0x7FD] =	sst s26  }
.LBB2_3:
0xc1: {  	s13 =	sadd.s32 $0xFFFFFFFF, s13  }
0xc2: {  	p2 =	sne.s32 s13, $0x0  }
.Ltmp1:
0xc3: {  	_ = 	snop;
	(pc) =	sbr.rel @!p2 .LBB2_4-.Ltmp1, $1  }
0xc4: {  	_ =	sdelay $0x3  }
.LBB2_1:
0xc5: {  	s26 =	sld [smem:$0x7FC];
	_ =	sdelay $0x2  }
0xc6: {  	p0 =	seq.s32 s26, $0x1  }
0xc7: {  	s26 =	simm.s32 @p0 $0x0  }
0xc8: {  	[tilespmem:s26], [sflag:$0x1] =	stream.linear.gather @p0 [hbm4b:s5+s26], $0xC000, $0x38;
	[tilespmem:$0x1B3C0] =	vst v63  }
0xc9: {  	s28 =	simm.s32 @p0 $0x18000  }
0xca: {  	[tilespmem:s28], [sflag:$0x2] =	stream.linear.gather @p0 [hbm4b:s6+s26], $0x400, $0x38;
	[tilespmem:$0x1B3C0] =	vst v63  }
0xcb: {  	s28 =	simm.s32 @p0 $0x18800  }
0xcc: {  	[tilespmem:s28], [sflag:$0x2] =	stream.linear.gather @p0 [hbm4b:s7+s26], $0x400, $0x38;
	[tilespmem:$0x1B3C0] =	vst v63  }
0xcd: {  	s28 =	simm.s32 @p0 $0x19000  }
0xce: {  	[tilespmem:s28], [sflag:$0x2] =	stream.linear.gather @p0 [hbm4b:s8+s26], $0x400, $0x38;
	[tilespmem:$0x1B3C0] =	vst v63  }
0xcf: {  	s26 =	simm.s32 @!p0 $0x0  }
0xd0: {  	[tilespmem:s26], [sflag:$0x1] =	stream.linear.gather @!p0 [hbm4b:s5+s26], $0x18000, $0x38;
	[tilespmem:$0x1B3C0] =	vst v63  }
0xd1: {  	s28 =	simm.s32 @!p0 $0x18000  }
0xd2: {  	[tilespmem:s28], [sflag:$0x2] =	stream.linear.gather @!p0 [hbm4b:s6+s26], $0x800, $0x38;
	[tilespmem:$0x1B3C0] =	vst v63  }
0xd3: {  	s28 =	simm.s32 @!p0 $0x18800  }
0xd4: {  	[tilespmem:s28], [sflag:$0x2] =	stream.linear.gather @!p0 [hbm4b:s7+s26], $0x800, $0x38;
	[tilespmem:$0x1B3C0] =	vst v63  }
0xd5: {  	s28 =	simm.s32 @!p0 $0x19000  }
0xd6: {  	[tilespmem:s28], [sflag:$0x2] =	stream.linear.gather @!p0 [hbm4b:s8+s26], $0x800, $0x38;
	[tilespmem:$0x1B3C0] =	vst v63  }
0xd7: {  	_ =	swait.ge [sflag:s14], $0xC000  }
0xd8: {  	[sflag:s14] =	ssyncset.done $0x0  }
0xd9: {  	[sflag:s14] =	ssyncadd.s32 $0xFFFF4000  }
0xda: {  	_ =	swait.ge [sflag:s15], $0x400  }
0xdb: {  	[sflag:s15] =	ssyncset.done $0x0  }
0xdc: {  	[sflag:s15] =	ssyncadd.s32 $0xFFFFFC00  }
0xdd: {  	_ =	swait.ge [sflag:s15], $0x400  }
0xde: {  	[sflag:s15] =	ssyncset.done $0x0  }
0xdf: {  	[sflag:s15] =	ssyncadd.s32 $0xFFFFFC00  }
0xe0: {  	_ =	swait.ge [sflag:s15], $0x400  }
0xe1: {  	[sflag:s15] =	ssyncset.done $0x0  }
0xe2: {  	s26 =	simm.s32 @!p0 $0x1;
	[sflag:s15] =	ssyncadd.s32 $0xFFFFFC00  }
0xe3: {  	_ =	swait.ge @!p0 [sflag:s26], $0xC000  }
0xe4: {  	[sflag:s26] =	ssyncset.done @!p0 $0x0  }
0xe5: {  	[sflag:s26] =	ssyncadd.s32 @!p0 $0xFFFF4000;
	s26 =	simm.s32 @!p0 $0x2  }
0xe6: {  	_ =	swait.ge @!p0 [sflag:s26], $0x400  }
0xe7: {  	[sflag:s26] =	ssyncset.done @!p0 $0x0  }
0xe8: {  	[sflag:s26] =	ssyncadd.s32 @!p0 $0xFFFFFC00  }
0xe9: {  	_ =	swait.ge @!p0 [sflag:s26], $0x400  }
0xea: {  	[sflag:s26] =	ssyncset.done @!p0 $0x0  }
0xeb: {  	[sflag:s26] =	ssyncadd.s32 @!p0 $0xFFFFFC00  }
0xec: {  	_ =	swait.ge @!p0 [sflag:s26], $0x400  }
0xed: {  	v3 =	vld [tilespmem:$0x1F9C0];
	_ =	sdelay $0x5  }
0xee: {  	[sflag:s26] =	ssyncset.done @!p0 $0x0  }
0xef: {  	[sflag:s26] =	ssyncadd.s32 @!p0 $0xFFFFFC00  }
0xf0: {  	v0 =	vld.idx.msk [tilespmem:v3+s16+$0x0], $0xffff;
	_ =	sdelay $0x4  }
0xf1: {  	v0 =	vshll.u32 v0, $0x7  }
0xf2: {  	v0 =	vor.u32 v3, v0  }
0xf3: {  	v1 =	vld.idx.msk [tilespmem:v3+s17+$0x0], $0xffff;
	_ =	sdelay $0x3  }
0xf4: {  	v0 =	vld.idx.msk [tilespmem:v0+s4+$0x0], $0xffff  }
0xf5: {  	v2 =	vld [tilespmem:$0x1F440];
	v1 =	vsub.f32 $1.000000000e+00, v1;
	_ =	sdelay $0x1  }
0xf6: {  	s30 =	sld [smem:$0x7FB];
	v1 =	vmul.f32 $1.000000000e+05, v1;
	_ =	sdelay $0x1  }
0xf7: {  	v0 =	vsub.f32 v0, v1  }
0xf8: {  	p3 =	seq.s32 s30, $0x1  }
0xf9: {  	v7 =	vpsel !p3, $0xFF61B1E6, v0  }
0xfa: {  	v24 =	vld.idx.msk [tilespmem:v3+s18+$0x0], $0xffff;
	[tilespmem:$0x19800] =	vst v7  }
0xfb: {  	v44 =	vld.idx.msk [tilespmem:v2+s16+$0x0], $0xffff  }
0xfc: {  	v45 =	vld [tilespmem:$0x1F450];
	_ =	sdelay $0x3  }
0xfd: {  	v0 =	vshll.u32 v44, $0x7  }
0xfe: {  	v0 =	vadd.s32 v45, v0  }
0xff: {  	v46 =	vld.idx.msk [tilespmem:v2+s17+$0x0], $0xffff;
	_ =	sdelay $0x3  }
0x100: {  	v0 =	vld.idx.msk [tilespmem:v0+s4+$0x0], $0xffff  }
0x101: {  	v47 =	vld [tilespmem:$0x1F460];
	v1 =	vsub.f32 $1.000000000e+00, v46;
	_ =	sdelay $0x1  }
0x102: {  	s31 =	sld [smem:$0x7FA];
	v1 =	vmul.f32 $1.000000000e+05, v1;
	_ =	sdelay $0x1  }
0x103: {  	v0 =	vsub.f32 v0, v1  }
0x104: {  	p4 =	seq.s32 s31, $0x1  }
0x105: {  	v16 =	vpsel !p4, $0xFF61B1E6, v0  }
0x106: {  	v44 =	vld.idx.msk [tilespmem:v2+s18+$0x0], $0xffff;
	[tilespmem:$0x19840] =	vst v16  }
0x107: {  	v48 =	vld.idx.msk [tilespmem:v47+s16+$0x0], $0xffff  }
0x108: {  	v49 =	vld [tilespmem:$0x1F470];
	_ =	sdelay $0x3  }
0x109: {  	v0 =	vshll.u32 v48, $0x7  }
0x10a: {  	v0 =	vadd.s32 v49, v0  }
0x10b: {  	v50 =	vld.idx.msk [tilespmem:v47+s17+$0x0], $0xffff;
	_ =	sdelay $0x3  }
0x10c: {  	v0 =	vld.idx.msk [tilespmem:v0+s4+$0x0], $0xffff  }
0x10d: {  	v51 =	vld [tilespmem:$0x1F480];
	v1 =	vsub.f32 $1.000000000e+00, v50;
	_ =	sdelay $0x1  }
0x10e: {  	s28 =	sld [smem:$0x7F9];
	v1 =	vmul.f32 $1.000000000e+05, v1;
	_ =	sdelay $0x1  }
0x10f: {  	v0 =	vsub.f32 v0, v1  }
0x110: {  	p2 =	seq.s32 s28, $0x1  }
0x111: {  	v6 =	vpsel !p2, $0xFF61B1E6, v0  }
0x112: {  	v18 =	vld.idx.msk [tilespmem:v47+s18+$0x0], $0xffff;
	[tilespmem:$0x19880] =	vst v6  }
0x113: {  	v52 =	vld.idx.msk [tilespmem:v51+s16+$0x0], $0xffff  }
0x114: {  	v53 =	vld [tilespmem:$0x1F490];
	_ =	sdelay $0x3  }
0x115: {  	v0 =	vshll.u32 v52, $0x7  }
0x116: {  	v0 =	vadd.s32 v53, v0  }
0x117: {  	v54 =	vld.idx.msk [tilespmem:v51+s17+$0x0], $0xffff;
	_ =	sdelay $0x3  }
0x118: {  	v0 =	vld.idx.msk [tilespmem:v0+s4+$0x0], $0xffff  }
0x119: {  	v56 =	vld [tilespmem:$0x1F4A0];
	v1 =	vsub.f32 $1.000000000e+00, v54;
	_ =	sdelay $0x1  }
0x11a: {  	s29 =	sld [smem:$0x7F8];
	v1 =	vmul.f32 $1.000000000e+05, v1;
	_ =	sdelay $0x1  }
0x11b: {  	v0 =	vsub.f32 v0, v1  }
0x11c: {  	p6 =	seq.s32 s29, $0x1  }
0x11d: {  	v63 =	vpsel !p6, $0xFF61B1E6, v0  }
0x11e: {  	v55 =	vld.idx.msk [tilespmem:v51+s18+$0x0], $0xffff;
	[tilespmem:$0x198C0] =	vst v63  }
0x11f: {  	v57 =	vld.idx.msk [tilespmem:v56+s16+$0x0], $0xffff  }
0x120: {  	v58 =	vld [tilespmem:$0x1F4B0];
	_ =	sdelay $0x3  }
0x121: {  	v0 =	vshll.u32 v57, $0x7  }
0x122: {  	v0 =	vadd.s32 v58, v0  }
0x123: {  	v59 =	vld.idx.msk [tilespmem:v56+s17+$0x0], $0xffff;
	_ =	sdelay $0x3  }
0x124: {  	v0 =	vld.idx.msk [tilespmem:v0+s4+$0x0], $0xffff  }
0x125: {  	v60 =	vld [tilespmem:$0x1F4C0];
	v1 =	vsub.f32 $1.000000000e+00, v59;
	_ =	sdelay $0x1  }
0x126: {  	s30 =	sld [smem:$0x7F7];
	v1 =	vmul.f32 $1.000000000e+05, v1;
	_ =	sdelay $0x1  }
0x127: {  	v0 =	vsub.f32 v0, v1  }
0x128: {  	p5 =	seq.s32 s30, $0x1  }
0x129: {  	v51 =	vpsel !p5, $0xFF61B1E6, v0  }
0x12a: {  	v48 =	vld.idx.msk [tilespmem:v56+s18+$0x0], $0xffff;
	[tilespmem:$0x19900] =	vst v51  }
0x12b: {  	v61 =	vld.idx.msk [tilespmem:v60+s16+$0x0], $0xffff  }
0x12c: {  	v62 =	vld [tilespmem:$0x1F4D0];
	_ =	sdelay $0x3  }
0x12d: {  	v0 =	vshll.u32 v61, $0x7  }
0x12e: {  	v0 =	vadd.s32 v62, v0  }
0x12f: {  	v4 =	vld.idx.msk [tilespmem:v60+s17+$0x0], $0xffff;
	_ =	sdelay $0x3  }
0x130: {  	v0 =	vld.idx.msk [tilespmem:v0+s4+$0x0], $0xffff  }
0x131: {  	v8 =	vld [tilespmem:$0x1F4E0];
	v1 =	vsub.f32 $1.000000000e+00, v4;
	_ =	sdelay $0x1  }
0x132: {  	s31 =	sld [smem:$0x7F6];
	v1 =	vmul.f32 $1.000000000e+05, v1;
	_ =	sdelay $0x1  }
0x133: {  	v0 =	vsub.f32 v0, v1  }
0x134: {  	p5 =	seq.s32 s31, $0x1  }
0x135: {  	v53 =	vpsel !p5, $0xFF61B1E6, v0  }
0x136: {  	v5 =	vld.idx.msk [tilespmem:v60+s18+$0x0], $0xffff;
	[tilespmem:$0x19940] =	vst v53  }
0x137: {  	v9 =	vld.idx.msk [tilespmem:v8+s16+$0x0], $0xffff  }
0x138: {  	v10 =	vld [tilespmem:$0x1F4F0];
	_ =	sdelay $0x3  }
0x139: {  	v0 =	vshll.u32 v9, $0x7  }
0x13a: {  	v0 =	vadd.s32 v10, v0  }
0x13b: {  	v11 =	vld.idx.msk [tilespmem:v8+s17+$0x0], $0xffff;
	_ =	sdelay $0x3  }
0x13c: {  	v0 =	vld.idx.msk [tilespmem:v0+s4+$0x0], $0xffff  }
0x13d: {  	v12 =	vld [tilespmem:$0x1F500];
	v1 =	vsub.f32 $1.000000000e+00, v11;
	_ =	sdelay $0x1  }
0x13e: {  	s28 =	sld [smem:$0x7F5];
	v1 =	vmul.f32 $1.000000000e+05, v1;
	_ =	sdelay $0x1  }
0x13f: {  	v0 =	vsub.f32 v0, v1  }
0x140: {  	p1 =	seq.s32 s28, $0x1  }
0x141: {  	v31 =	vpsel !p1, $0xFF61B1E6, v0  }
0x142: {  	v50 =	vld.idx.msk [tilespmem:v8+s18+$0x0], $0xffff;
	[tilespmem:$0x19980] =	vst v31  }
0x143: {  	v13 =	vld.idx.msk [tilespmem:v12+s16+$0x0], $0xffff  }
0x144: {  	v14 =	vld [tilespmem:$0x1F510];
	_ =	sdelay $0x3  }
0x145: {  	v0 =	vshll.u32 v13, $0x7  }
0x146: {  	v0 =	vadd.s32 v14, v0  }
0x147: {  	v15 =	vld.idx.msk [tilespmem:v12+s17+$0x0], $0xffff;
	_ =	sdelay $0x3  }
0x148: {  	v0 =	vld.idx.msk [tilespmem:v0+s4+$0x0], $0xffff  }
0x149: {  	v19 =	vld [tilespmem:$0x1F520];
	v1 =	vsub.f32 $1.000000000e+00, v15;
	_ =	sdelay $0x1  }
0x14a: {  	s29 =	sld [smem:$0x7F4];
	v1 =	vmul.f32 $1.000000000e+05, v1;
	_ =	sdelay $0x1  }
0x14b: {  	v0 =	vsub.f32 v0, v1  }
0x14c: {  	p1 =	seq.s32 s29, $0x1  }
0x14d: {  	v32 =	vpsel !p1, $0xFF61B1E6, v0  }
0x14e: {  	v17 =	vld.idx.msk [tilespmem:v12+s18+$0x0], $0xffff;
	[tilespmem:$0x199C0] =	vst v32  }
0x14f: {  	v20 =	vld.idx.msk [tilespmem:v19+s16+$0x0], $0xffff;
	_ =	sdelay $0x2  }
0x150: {  	s30 =	sld [smem:$0x7F3];
	_ =	sdelay $0x1  }
0x151: {  	v0 =	vshll.u32 v20, $0x7  }
0x152: {  	p2 =	seq.s32 s30, $0x1;
	v0 =	vadd.s32 $0xC000, v0  }
0x153: {  	v0 =	vpsel !p2, $0xC000, v0  }
0x154: {  	v0 =	vor.u32 v3, v0  }
0x155: {  	v21 =	vld.idx.msk [tilespmem:v19+s17+$0x0], $0xffff;
	_ =	sdelay $0x3  }
0x156: {  	v0 =	vld.idx.msk [tilespmem:v0+s4+$0x0], $0xffff  }
0x157: {  	v23 =	vld [tilespmem:$0x1F530];
	v1 =	vsub.f32 $1.000000000e+00, v21;
	_ =	sdelay $0x1  }
0x158: {  	v1 =	vmul.f32 $1.000000000e+05, v1;
	_ =	sdelay $0x1  }
0x159: {  	v0 =	vsub.f32 v0, v1;
	_ =	sdelay $0x1  }
0x15a: {  	v36 =	vpsel !p2, $0xFF61B1E6, v0  }
0x15b: {  	v22 =	vld.idx.msk [tilespmem:v19+s18+$0x0], $0xffff;
	[tilespmem:$0x19A00] =	vst v36  }
0x15c: {  	v25 =	vld.idx.msk [tilespmem:v23+s16+$0x0], $0xffff;
	_ =	sdelay $0x2  }
0x15d: {  	s31 =	sld [smem:$0x7F2];
	_ =	sdelay $0x1  }
0x15e: {  	v0 =	vshll.u32 v25, $0x7  }
0x15f: {  	p2 =	seq.s32 s31, $0x1;
	v0 =	vadd.s32 $0xD800, v0  }
0x160: {  	v0 =	vpsel !p2, $0xD800, v0  }
0x161: {  	v0 =	vor.u32 v3, v0  }
0x162: {  	v26 =	vld.idx.msk [tilespmem:v23+s17+$0x0], $0xffff;
	_ =	sdelay $0x3  }
0x163: {  	v0 =	vld.idx.msk [tilespmem:v0+s4+$0x0], $0xffff  }
0x164: {  	v27 =	vld [tilespmem:$0x1F840];
	v1 =	vsub.f32 $1.000000000e+00, v26;
	_ =	sdelay $0x1  }
0x165: {  	v1 =	vmul.f32 $1.000000000e+05, v1;
	_ =	sdelay $0x1  }
0x166: {  	v0 =	vsub.f32 v0, v1;
	_ =	sdelay $0x1  }
0x167: {  	v29 =	vpsel !p2, $0xFF61B1E6, v0  }
0x168: {  	v61 =	vld.idx.msk [tilespmem:v23+s18+$0x0], $0xffff;
	[tilespmem:$0x19A40] =	vst v29  }
0x169: {  	v28 =	vld.idx.msk [tilespmem:v27+s16+$0x0], $0xffff;
	_ =	sdelay $0x2  }
0x16a: {  	s28 =	sld [smem:$0x7F1];
	_ =	sdelay $0x1  }
0x16b: {  	v0 =	vshll.u32 v28, $0x7  }
0x16c: {  	p2 =	seq.s32 s28, $0x1;
	v0 =	vadd.s32 $0xF000, v0  }
0x16d: {  	v0 =	vpsel !p2, $0xF000, v0  }
0x16e: {  	v0 =	vor.u32 v3, v0  }
0x16f: {  	v30 =	vld.idx.msk [tilespmem:v27+s17+$0x0], $0xffff;
	_ =	sdelay $0x3  }
0x170: {  	v0 =	vld.idx.msk [tilespmem:v0+s4+$0x0], $0xffff  }
0x171: {  	v34 =	vld [tilespmem:$0x1F880];
	v1 =	vsub.f32 $1.000000000e+00, v30;
	_ =	sdelay $0x1  }
0x172: {  	v1 =	vmul.f32 $1.000000000e+05, v1;
	_ =	sdelay $0x1  }
0x173: {  	v0 =	vsub.f32 v0, v1;
	_ =	sdelay $0x1  }
0x174: {  	v38 =	vpsel !p2, $0xFF61B1E6, v0  }
0x175: {  	v33 =	vld.idx.msk [tilespmem:v27+s18+$0x0], $0xffff;
	[tilespmem:$0x19A80] =	vst v38  }
0x176: {  	v35 =	vld.idx.msk [tilespmem:v34+s16+$0x0], $0xffff;
	_ =	sdelay $0x2  }
0x177: {  	s29 =	sld [smem:$0x7F0];
	_ =	sdelay $0x1  }
0x178: {  	v0 =	vshll.u32 v35, $0x7  }
0x179: {  	p2 =	seq.s32 s29, $0x1;
	v0 =	vadd.s32 $0x10800, v0  }
0x17a: {  	v0 =	vpsel !p2, $0x10800, v0  }
0x17b: {  	v0 =	vor.u32 v3, v0  }
0x17c: {  	v37 =	vld.idx.msk [tilespmem:v34+s17+$0x0], $0xffff;
	_ =	sdelay $0x3  }
0x17d: {  	v0 =	vld.idx.msk [tilespmem:v0+s4+$0x0], $0xffff  }
0x17e: {  	v40 =	vld [tilespmem:$0x1F8C0];
	v1 =	vsub.f32 $1.000000000e+00, v37;
	_ =	sdelay $0x1  }
0x17f: {  	v1 =	vmul.f32 $1.000000000e+05, v1;
	_ =	sdelay $0x1  }
0x180: {  	v0 =	vsub.f32 v0, v1;
	_ =	sdelay $0x1  }
0x181: {  	v42 =	vpsel !p2, $0xFF61B1E6, v0  }
0x182: {  	v39 =	vld.idx.msk [tilespmem:v34+s18+$0x0], $0xffff;
	[tilespmem:$0x19AC0] =	vst v42  }
0x183: {  	v41 =	vld.idx.msk [tilespmem:v40+s16+$0x0], $0xffff;
	_ =	sdelay $0x2  }
0x184: {  	s30 =	sld [smem:$0x7EF];
	_ =	sdelay $0x1  }
0x185: {  	v0 =	vshll.u32 v41, $0x7  }
0x186: {  	p2 =	seq.s32 s30, $0x1;
	v0 =	vadd.s32 $0x12000, v0  }
0x187: {  	v0 =	vpsel !p2, $0x12000, v0  }
0x188: {  	v0 =	vor.u32 v3, v0  }
0x189: {  	v43 =	vld.idx.msk [tilespmem:v40+s17+$0x0], $0xffff;
	_ =	sdelay $0x3  }
0x18a: {  	v0 =	vld.idx.msk [tilespmem:v0+s4+$0x0], $0xffff  }
0x18b: {  	v46 =	vld [tilespmem:$0x1F900];
	v1 =	vsub.f32 $1.000000000e+00, v43;
	_ =	sdelay $0x1  }
0x18c: {  	v1 =	vmul.f32 $1.000000000e+05, v1;
	_ =	sdelay $0x1  }
0x18d: {  	v0 =	vsub.f32 v0, v1;
	_ =	sdelay $0x1  }
0x18e: {  	v30 =	vpsel !p2, $0xFF61B1E6, v0  }
0x18f: {  	v45 =	vld.idx.msk [tilespmem:v40+s18+$0x0], $0xffff;
	[tilespmem:$0x19B00] =	vst v30  }
0x190: {  	v47 =	vld.idx.msk [tilespmem:v46+s16+$0x0], $0xffff;
	_ =	sdelay $0x2  }
0x191: {  	s31 =	sld [smem:$0x7EE];
	_ =	sdelay $0x1  }
0x192: {  	v0 =	vshll.u32 v47, $0x7  }
0x193: {  	p0 =	seq.s32 s31, $0x1;
	v0 =	vadd.s32 $0x13800, v0  }
0x194: {  	v0 =	vpsel !p0, $0x13800, v0  }
0x195: {  	v0 =	vor.u32 v3, v0  }
0x196: {  	v49 =	vld.idx.msk [tilespmem:v46+s17+$0x0], $0xffff;
	_ =	sdelay $0x3  }
0x197: {  	v0 =	vld.idx.msk [tilespmem:v0+s4+$0x0], $0xffff  }
0x198: {  	v54 =	vld [tilespmem:$0x1F940];
	v1 =	vsub.f32 $1.000000000e+00, v49;
	_ =	sdelay $0x1  }
0x199: {  	v1 =	vmul.f32 $1.000000000e+05, v1;
	_ =	sdelay $0x1  }
0x19a: {  	v0 =	vsub.f32 v0, v1;
	_ =	sdelay $0x1  }
0x19b: {  	v9 =	vpsel !p0, $0xFF61B1E6, v0  }
0x19c: {  	v52 =	vld.idx.msk [tilespmem:v46+s18+$0x0], $0xffff;
	[tilespmem:$0x19B40] =	vst v9  }
0x19d: {  	[tilespmem:$0x1EFB0] =	vst v55;
	v55 =	vld.idx.msk [tilespmem:v54+s16+$0x0], $0xffff;
	_ =	sdelay $0x2  }
0x19e: {  	s28 =	sld [smem:$0x7ED];
	_ =	sdelay $0x1  }
0x19f: {  	v0 =	vshll.u32 v55, $0x7  }
0x1a0: {  	p0 =	seq.s32 s28, $0x1;
	v0 =	vadd.s32 $0x15000, v0  }
0x1a1: {  	v0 =	vpsel !p0, $0x15000, v0  }
0x1a2: {  	v0 =	vor.u32 v3, v0  }
0x1a3: {  	v56 =	vld.idx.msk [tilespmem:v54+s17+$0x0], $0xffff;
	_ =	sdelay $0x3  }
0x1a4: {  	v0 =	vld.idx.msk [tilespmem:v0+s4+$0x0], $0xffff  }
0x1a5: {  	v58 =	vld [tilespmem:$0x1F980];
	v1 =	vsub.f32 $1.000000000e+00, v56;
	_ =	sdelay $0x1  }
0x1a6: {  	v1 =	vmul.f32 $1.000000000e+05, v1;
	_ =	sdelay $0x1  }
0x1a7: {  	v0 =	vsub.f32 v0, v1;
	_ =	sdelay $0x1  }
0x1a8: {  	v35 =	vpsel !p0, $0xFF61B1E6, v0  }
0x1a9: {  	v57 =	vld.idx.msk [tilespmem:v54+s18+$0x0], $0xffff;
	[tilespmem:$0x19B80] =	vst v35  }
0x1aa: {  	v59 =	vld.idx.msk [tilespmem:v58+s16+$0x0], $0xffff;
	_ =	sdelay $0x2  }
0x1ab: {  	s29 =	sld [smem:$0x7EC];
	_ =	sdelay $0x1  }
0x1ac: {  	v0 =	vshll.u32 v59, $0x7  }
0x1ad: {  	p0 =	seq.s32 s29, $0x1;
	v0 =	vadd.s32 $0x16800, v0  }
0x1ae: {  	v0 =	vpsel !p0, $0x16800, v0  }
0x1af: {  	v0 =	vor.u32 v3, v0  }
0x1b0: {  	v60 =	vld.idx.msk [tilespmem:v58+s17+$0x0], $0xffff;
	_ =	sdelay $0x3  }
0x1b1: {  	v0 =	vld.idx.msk [tilespmem:v0+s4+$0x0], $0xffff  }
0x1b2: {  	v4 =	vld [tilespmem:$0x1F9D0];
	v1 =	vsub.f32 $1.000000000e+00, v60;
	_ =	sdelay $0x1  }
0x1b3: {  	v1 =	vmul.f32 $1.000000000e+05, v1;
	_ =	sdelay $0x1  }
0x1b4: {  	v0 =	vsub.f32 v0, v1;
	_ =	sdelay $0x1  }
0x1b5: {  	v11 =	vpsel !p0, $0xFF61B1E6, v0  }
0x1b6: {  	v40 =	vld.idx.msk [tilespmem:v58+s18+$0x0], $0xffff;
	[tilespmem:$0x19BC0] =	vst v11  }
0x1b7: {  	v62 =	vld.idx.msk [tilespmem:v4+s16+$0x0], $0xffff;
	_ =	sdelay $0x4  }
0x1b8: {  	v0 =	vshll.u32 v62, $0x7  }
0x1b9: {  	v0 =	vor.u32 v4, v0  }
0x1ba: {  	[tilespmem:$0x1EFC0] =	vst v5;
	v5 =	vld.idx.msk [tilespmem:v4+s17+$0x0], $0xffff;
	_ =	sdelay $0x3  }
0x1bb: {  	v0 =	vld.idx.msk [tilespmem:v0+s4+$0x0], $0xffff  }
0x1bc: {  	v10 =	vld [tilespmem:$0x1F540];
	v1 =	vsub.f32 $1.000000000e+00, v5;
	_ =	sdelay $0x1  }
0x1bd: {  	v1 =	vmul.f32 $1.000000000e+05, v1;
	_ =	sdelay $0x1  }
0x1be: {  	v0 =	vsub.f32 v0, v1;
	_ =	sdelay $0x1  }
0x1bf: {  	[tilespmem:$0x1F000] =	vst v39;
	v39 =	vpsel !p3, $0xFF61B1E6, v0  }
0x1c0: {  	v8 =	vld.idx.msk [tilespmem:v4+s18+$0x0], $0xffff;
	[tilespmem:$0x19810] =	vst v39  }
0x1c1: {  	v12 =	vld.idx.msk [tilespmem:v10+s16+$0x0], $0xffff  }
0x1c2: {  	v13 =	vld [tilespmem:$0x1F550];
	_ =	sdelay $0x3  }
0x1c3: {  	v0 =	vshll.u32 v12, $0x7  }
0x1c4: {  	v0 =	vadd.s32 v13, v0  }
0x1c5: {  	v14 =	vld.idx.msk [tilespmem:v10+s17+$0x0], $0xffff;
	_ =	sdelay $0x3  }
0x1c6: {  	v0 =	vld.idx.msk [tilespmem:v0+s4+$0x0], $0xffff  }
0x1c7: {  	[tilespmem:$0x1EFD0] =	vst v17;
	v17 =	vld [tilespmem:$0x1F560];
	v1 =	vsub.f32 $1.000000000e+00, v14;
	_ =	sdelay $0x1  }
0x1c8: {  	v1 =	vmul.f32 $1.000000000e+05, v1;
	_ =	sdelay $0x1  }
0x1c9: {  	v0 =	vsub.f32 v0, v1;
	_ =	sdelay $0x1  }
0x1ca: {  	[tilespmem:$0x1F010] =	vst v45;
	v45 =	vpsel !p4, $0xFF61B1E6, v0  }
0x1cb: {  	v15 =	vld.idx.msk [tilespmem:v10+s18+$0x0], $0xffff;
	[tilespmem:$0x19850] =	vst v45  }
0x1cc: {  	v19 =	vld.idx.msk [tilespmem:v17+s16+$0x0], $0xffff  }
0x1cd: {  	v20 =	vld [tilespmem:$0x1F570];
	_ =	sdelay $0x3  }
0x1ce: {  	v0 =	vshll.u32 v19, $0x7  }
0x1cf: {  	v0 =	vadd.s32 v20, v0  }
0x1d0: {  	v21 =	vld.idx.msk [tilespmem:v17+s17+$0x0], $0xffff;
	_ =	sdelay $0x3  }
0x1d1: {  	v0 =	vld.idx.msk [tilespmem:v0+s4+$0x0], $0xffff  }
0x1d2: {  	v23 =	vld [tilespmem:$0x1F580];
	v1 =	vsub.f32 $1.000000000e+00, v21;
	_ =	sdelay $0x1  }
0x1d3: {  	s30 =	sld [smem:$0x7F9];
	v1 =	vmul.f32 $1.000000000e+05, v1;
	_ =	sdelay $0x1  }
0x1d4: {  	v0 =	vsub.f32 v0, v1  }
0x1d5: {  	p4 =	seq.s32 s30, $0x1  }
0x1d6: {  	[tilespmem:$0x1EFE0] =	vst v22;
	v41 =	vpsel !p4, $0xFF61B1E6, v0  }
0x1d7: {  	v22 =	vld.idx.msk [tilespmem:v17+s18+$0x0], $0xffff;
	[tilespmem:$0x19890] =	vst v41  }
0x1d8: {  	v25 =	vld.idx.msk [tilespmem:v23+s16+$0x0], $0xffff  }
0x1d9: {  	v26 =	vld [tilespmem:$0x1F590];
	_ =	sdelay $0x3  }
0x1da: {  	v0 =	vshll.u32 v25, $0x7  }
0x1db: {  	v0 =	vadd.s32 v26, v0  }
0x1dc: {  	v27 =	vld.idx.msk [tilespmem:v23+s17+$0x0], $0xffff;
	_ =	sdelay $0x3  }
0x1dd: {  	v0 =	vld.idx.msk [tilespmem:v0+s4+$0x0], $0xffff  }
0x1de: {  	[tilespmem:$0x1EFF0] =	vst v33;
	v33 =	vld [tilespmem:$0x1F5A0];
	v1 =	vsub.f32 $1.000000000e+00, v27;
	_ =	sdelay $0x1  }
0x1df: {  	v1 =	vmul.f32 $1.000000000e+05, v1;
	_ =	sdelay $0x1  }
0x1e0: {  	v0 =	vsub.f32 v0, v1;
	_ =	sdelay $0x1  }
0x1e1: {  	v46 =	vpsel !p6, $0xFF61B1E6, v0  }
0x1e2: {  	v28 =	vld.idx.msk [tilespmem:v23+s18+$0x0], $0xffff;
	[tilespmem:$0x198D0] =	vst v46  }
0x1e3: {  	v34 =	vld.idx.msk [tilespmem:v33+s16+$0x0], $0xffff  }
0x1e4: {  	v37 =	vld [tilespmem:$0x1F5B0];
	_ =	sdelay $0x3  }
0x1e5: {  	v0 =	vshll.u32 v34, $0x7  }
0x1e6: {  	v0 =	vadd.s32 v37, v0  }
0x1e7: {  	v43 =	vld.idx.msk [tilespmem:v33+s17+$0x0], $0xffff;
	_ =	sdelay $0x3  }
0x1e8: {  	v0 =	vld.idx.msk [tilespmem:v0+s4+$0x0], $0xffff  }
0x1e9: {  	v49 =	vld [tilespmem:$0x1F5C0];
	v1 =	vsub.f32 $1.000000000e+00, v43;
	_ =	sdelay $0x1  }
0x1ea: {  	s31 =	sld [smem:$0x7F7];
	v1 =	vmul.f32 $1.000000000e+05, v1;
	_ =	sdelay $0x1  }
0x1eb: {  	v0 =	vsub.f32 v0, v1  }
0x1ec: {  	p6 =	seq.s32 s31, $0x1  }
0x1ed: {  	[tilespmem:$0x1F040] =	vst v8;
	v8 =	vpsel !p6, $0xFF61B1E6, v0  }
0x1ee: {  	v47 =	vld.idx.msk [tilespmem:v33+s18+$0x0], $0xffff;
	[tilespmem:$0x19910] =	vst v8  }
0x1ef: {  	[tilespmem:$0x1F020] =	vst v52;
	v52 =	vld.idx.msk [tilespmem:v49+s16+$0x0], $0xffff  }
0x1f0: {  	v54 =	vld [tilespmem:$0x1F5D0];
	_ =	sdelay $0x3  }
0x1f1: {  	v0 =	vshll.u32 v52, $0x7  }
0x1f2: {  	v0 =	vadd.s32 v54, v0  }
0x1f3: {  	v55 =	vld.idx.msk [tilespmem:v49+s17+$0x0], $0xffff;
	_ =	sdelay $0x3  }
0x1f4: {  	v0 =	vld.idx.msk [tilespmem:v0+s4+$0x0], $0xffff  }
0x1f5: {  	[tilespmem:$0x1F030] =	vst v57;
	v57 =	vld [tilespmem:$0x1F5E0];
	v1 =	vsub.f32 $1.000000000e+00, v55;
	_ =	sdelay $0x1  }
0x1f6: {  	v1 =	vmul.f32 $1.000000000e+05, v1;
	_ =	sdelay $0x1  }
0x1f7: {  	v0 =	vsub.f32 v0, v1;
	_ =	sdelay $0x1  }
0x1f8: {  	v21 =	vpsel !p5, $0xFF61B1E6, v0  }
0x1f9: {  	v56 =	vld.idx.msk [tilespmem:v49+s18+$0x0], $0xffff;
	[tilespmem:$0x19950] =	vst v21  }
0x1fa: {  	v58 =	vld.idx.msk [tilespmem:v57+s16+$0x0], $0xffff  }
0x1fb: {  	v59 =	vld [tilespmem:$0x1F5F0];
	_ =	sdelay $0x3  }
0x1fc: {  	v0 =	vshll.u32 v58, $0x7  }
0x1fd: {  	v0 =	vadd.s32 v59, v0  }
0x1fe: {  	v60 =	vld.idx.msk [tilespmem:v57+s17+$0x0], $0xffff;
	_ =	sdelay $0x3  }
0x1ff: {  	v0 =	vld.idx.msk [tilespmem:v0+s4+$0x0], $0xffff  }
0x200: {  	v5 =	vld [tilespmem:$0x1F600];
	v1 =	vsub.f32 $1.000000000e+00, v60;
	_ =	sdelay $0x1  }
0x201: {  	s28 =	sld [smem:$0x7F5];
	v1 =	vmul.f32 $1.000000000e+05, v1;
	_ =	sdelay $0x1  }
0x202: {  	v0 =	vsub.f32 v0, v1  }
0x203: {  	p5 =	seq.s32 s28, $0x1  }
0x204: {  	v12 =	vpsel !p5, $0xFF61B1E6, v0  }
0x205: {  	v62 =	vld.idx.msk [tilespmem:v57+s18+$0x0], $0xffff;
	[tilespmem:$0x19990] =	vst v12  }
0x206: {  	v10 =	vld.idx.msk [tilespmem:v5+s16+$0x0], $0xffff  }
0x207: {  	v13 =	vld [tilespmem:$0x1F610];
	_ =	sdelay $0x3  }
0x208: {  	v0 =	vshll.u32 v10, $0x7  }
0x209: {  	v0 =	vadd.s32 v13, v0  }
0x20a: {  	v14 =	vld.idx.msk [tilespmem:v5+s17+$0x0], $0xffff;
	_ =	sdelay $0x3  }
0x20b: {  	v0 =	vld.idx.msk [tilespmem:v0+s4+$0x0], $0xffff  }
0x20c: {  	v17 =	vld [tilespmem:$0x1F620];
	v1 =	vsub.f32 $1.000000000e+00, v14;
	_ =	sdelay $0x1  }
0x20d: {  	v1 =	vmul.f32 $1.000000000e+05, v1;
	_ =	sdelay $0x1  }
0x20e: {  	v0 =	vsub.f32 v0, v1;
	_ =	sdelay $0x1  }
0x20f: {  	[tilespmem:$0x1F050] =	vst v15;
	v54 =	vpsel !p1, $0xFF61B1E6, v0  }
0x210: {  	v15 =	vld.idx.msk [tilespmem:v5+s18+$0x0], $0xffff;
	[tilespmem:$0x199D0] =	vst v54  }
0x211: {  	v19 =	vld.idx.msk [tilespmem:v17+s16+$0x0], $0xffff;
	_ =	sdelay $0x2  }
0x212: {  	s29 =	sld [smem:$0x7F3];
	_ =	sdelay $0x1  }
0x213: {  	v0 =	vshll.u32 v19, $0x7  }
0x214: {  	p1 =	seq.s32 s29, $0x1;
	v0 =	vadd.s32 $0xC000, v0  }
0x215: {  	v0 =	vpsel !p1, $0xC000, v0  }
0x216: {  	v0 =	vor.u32 v4, v0  }
0x217: {  	v20 =	vld.idx.msk [tilespmem:v17+s17+$0x0], $0xffff;
	_ =	sdelay $0x3  }
0x218: {  	v0 =	vld.idx.msk [tilespmem:v0+s4+$0x0], $0xffff  }
0x219: {  	v23 =	vld [tilespmem:$0x1F630];
	v1 =	vsub.f32 $1.000000000e+00, v20;
	_ =	sdelay $0x1  }
0x21a: {  	v1 =	vmul.f32 $1.000000000e+05, v1;
	_ =	sdelay $0x1  }
0x21b: {  	v0 =	vsub.f32 v0, v1;
	_ =	sdelay $0x1  }
0x21c: {  	[tilespmem:$0x1F060] =	vst v22;
	v14 =	vpsel !p1, $0xFF61B1E6, v0  }
0x21d: {  	v22 =	vld.idx.msk [tilespmem:v17+s18+$0x0], $0xffff;
	[tilespmem:$0x19A10] =	vst v14  }
0x21e: {  	v25 =	vld.idx.msk [tilespmem:v23+s16+$0x0], $0xffff;
	_ =	sdelay $0x2  }
0x21f: {  	s30 =	sld [smem:$0x7F2];
	_ =	sdelay $0x1  }
0x220: {  	v0 =	vshll.u32 v25, $0x7  }
0x221: {  	p1 =	seq.s32 s30, $0x1;
	v0 =	vadd.s32 $0xD800, v0  }
0x222: {  	v0 =	vpsel !p1, $0xD800, v0  }
0x223: {  	v0 =	vor.u32 v4, v0  }
0x224: {  	v26 =	vld.idx.msk [tilespmem:v23+s17+$0x0], $0xffff;
	_ =	sdelay $0x3  }
0x225: {  	v0 =	vld.idx.msk [tilespmem:v0+s4+$0x0], $0xffff  }
0x226: {  	[tilespmem:$0x1F070] =	vst v28;
	v28 =	vld [tilespmem:$0x1F850];
	v1 =	vsub.f32 $1.000000000e+00, v26;
	_ =	sdelay $0x1  }
0x227: {  	v1 =	vmul.f32 $1.000000000e+05, v1;
	_ =	sdelay $0x1  }
0x228: {  	v0 =	vsub.f32 v0, v1;
	_ =	sdelay $0x1  }
0x229: {  	v59 =	vpsel !p1, $0xFF61B1E6, v0  }
0x22a: {  	v27 =	vld.idx.msk [tilespmem:v23+s18+$0x0], $0xffff;
	[tilespmem:$0x19A50] =	vst v59  }
0x22b: {  	v33 =	vld.idx.msk [tilespmem:v28+s16+$0x0], $0xffff;
	_ =	sdelay $0x2  }
0x22c: {  	s31 =	sld [smem:$0x7F1];
	_ =	sdelay $0x1  }
0x22d: {  	v0 =	vshll.u32 v33, $0x7  }
0x22e: {  	p1 =	seq.s32 s31, $0x1;
	v0 =	vadd.s32 $0xF000, v0  }
0x22f: {  	v0 =	vpsel !p1, $0xF000, v0  }
0x230: {  	v0 =	vor.u32 v4, v0  }
0x231: {  	v34 =	vld.idx.msk [tilespmem:v28+s17+$0x0], $0xffff;
	_ =	sdelay $0x3  }
0x232: {  	v0 =	vld.idx.msk [tilespmem:v0+s4+$0x0], $0xffff  }
0x233: {  	v43 =	vld [tilespmem:$0x1F890];
	v1 =	vsub.f32 $1.000000000e+00, v34;
	_ =	sdelay $0x1  }
0x234: {  	v1 =	vmul.f32 $1.000000000e+05, v1;
	_ =	sdelay $0x1  }
0x235: {  	v0 =	vsub.f32 v0, v1;
	_ =	sdelay $0x1  }
0x236: {  	[tilespmem:$0x1F0B0] =	vst v15;
	v15 =	vpsel !p1, $0xFF61B1E6, v0  }
0x237: {  	v37 =	vld.idx.msk [tilespmem:v28+s18+$0x0], $0xffff;
	[tilespmem:$0x19A90] =	vst v15  }
0x238: {  	[tilespmem:$0x1F080] =	vst v47;
	v47 =	vld.idx.msk [tilespmem:v43+s16+$0x0], $0xffff;
	_ =	sdelay $0x2  }
0x239: {  	s28 =	sld [smem:$0x7F0];
	_ =	sdelay $0x1  }
0x23a: {  	v0 =	vshll.u32 v47, $0x7  }
0x23b: {  	p1 =	seq.s32 s28, $0x1;
	v0 =	vadd.s32 $0x10800, v0  }
0x23c: {  	v0 =	vpsel !p1, $0x10800, v0  }
0x23d: {  	v0 =	vor.u32 v4, v0  }
0x23e: {  	v49 =	vld.idx.msk [tilespmem:v43+s17+$0x0], $0xffff;
	_ =	sdelay $0x3  }
0x23f: {  	v0 =	vld.idx.msk [tilespmem:v0+s4+$0x0], $0xffff  }
0x240: {  	v55 =	vld [tilespmem:$0x1F8D0];
	v1 =	vsub.f32 $1.000000000e+00, v49;
	_ =	sdelay $0x1  }
0x241: {  	v1 =	vmul.f32 $1.000000000e+05, v1;
	_ =	sdelay $0x1  }
0x242: {  	v0 =	vsub.f32 v0, v1;
	_ =	sdelay $0x1  }
0x243: {  	v49 =	vpsel !p1, $0xFF61B1E6, v0  }
0x244: {  	v52 =	vld.idx.msk [tilespmem:v43+s18+$0x0], $0xffff;
	[tilespmem:$0x19AD0] =	vst v49  }
0x245: {  	[tilespmem:$0x1F090] =	vst v56;
	v56 =	vld.idx.msk [tilespmem:v55+s16+$0x0], $0xffff;
	_ =	sdelay $0x4  }
0x246: {  	v0 =	vshll.u32 v56, $0x7  }
0x247: {  	v0 =	vadd.s32 $0x12000, v0  }
0x248: {  	v0 =	vpsel !p2, $0x12000, v0  }
0x249: {  	v0 =	vor.u32 v4, v0  }
0x24a: {  	v57 =	vld.idx.msk [tilespmem:v55+s17+$0x0], $0xffff;
	_ =	sdelay $0x3  }
0x24b: {  	v0 =	vld.idx.msk [tilespmem:v0+s4+$0x0], $0xffff  }
0x24c: {  	v60 =	vld [tilespmem:$0x1F910];
	v1 =	vsub.f32 $1.000000000e+00, v57;
	_ =	sdelay $0x1  }
0x24d: {  	v1 =	vmul.f32 $1.000000000e+05, v1;
	_ =	sdelay $0x1  }
0x24e: {  	v0 =	vsub.f32 v0, v1;
	_ =	sdelay $0x1  }
0x24f: {  	v47 =	vpsel !p2, $0xFF61B1E6, v0  }
0x250: {  	v58 =	vld.idx.msk [tilespmem:v55+s18+$0x0], $0xffff;
	[tilespmem:$0x19B10] =	vst v47  }
0x251: {  	[tilespmem:$0x1F0A0] =	vst v62;
	v62 =	vld.idx.msk [tilespmem:v60+s16+$0x0], $0xffff;
	_ =	sdelay $0x2  }
0x252: {  	s29 =	sld [smem:$0x7EE];
	_ =	sdelay $0x1  }
0x253: {  	v0 =	vshll.u32 v62, $0x7  }
0x254: {  	p1 =	seq.s32 s29, $0x1;
	v0 =	vadd.s32 $0x13800, v0  }
0x255: {  	v0 =	vpsel !p1, $0x13800, v0  }
0x256: {  	v0 =	vor.u32 v4, v0  }
0x257: {  	v5 =	vld.idx.msk [tilespmem:v60+s17+$0x0], $0xffff;
	_ =	sdelay $0x3  }
0x258: {  	v0 =	vld.idx.msk [tilespmem:v0+s4+$0x0], $0xffff  }
0x259: {  	v13 =	vld [tilespmem:$0x1F950];
	v1 =	vsub.f32 $1.000000000e+00, v5  }
0x25a: {  	v10 =	vld.idx.msk [tilespmem:v60+s18+$0x0], $0xffff  }
0x25b: {  	v1 =	vmul.f32 $1.000000000e+05, v1;
	_ =	sdelay $0x1  }
0x25c: {  	v0 =	vsub.f32 v0, v1;
	_ =	sdelay $0x1  }
0x25d: {  	[tilespmem:$0x1F110] =	vst v10;
	v10 =	vpsel !p1, $0xFF61B1E6, v0  }
0x25e: {  	[tilespmem:$0x19B50] =	vst v10  }
0x25f: {  	v17 =	vld.idx.msk [tilespmem:v13+s16+$0x0], $0xffff;
	_ =	sdelay $0x2  }
0x260: {  	s30 =	sld [smem:$0x7ED];
	_ =	sdelay $0x1  }
0x261: {  	v1 =	vshll.u32 v17, $0x7  }
0x262: {  	p1 =	seq.s32 s30, $0x1;
	v1 =	vadd.s32 $0x15000, v1  }
0x263: {  	v1 =	vpsel !p1, $0x15000, v1  }
0x264: {  	v1 =	vor.u32 v4, v1  }
0x265: {  	v19 =	vld.idx.msk [tilespmem:v13+s17+$0x0], $0xffff;
	_ =	sdelay $0x3  }
0x266: {  	v1 =	vld.idx.msk [tilespmem:v1+s4+$0x0], $0xffff  }
0x267: {  	[tilespmem:$0x1F0C0] =	vst v22;
	v22 =	vld [tilespmem:$0x1F990];
	v3 =	vsub.f32 $1.000000000e+00, v19;
	_ =	sdelay $0x1  }
0x268: {  	v3 =	vmul.f32 $1.000000000e+05, v3;
	_ =	sdelay $0x1  }
0x269: {  	v1 =	vsub.f32 v1, v3;
	_ =	sdelay $0x1  }
0x26a: {  	v20 =	vpsel !p1, $0xFF61B1E6, v1  }
0x26b: {  	v0 =	vld.idx.msk [tilespmem:v13+s18+$0x0], $0xffff;
	[tilespmem:$0x19B90] =	vst v20  }
0x26c: {  	v23 =	vld.idx.msk [tilespmem:v22+s16+$0x0], $0xffff;
	_ =	sdelay $0x2  }
0x26d: {  	s31 =	sld [smem:$0x7EC];
	_ =	sdelay $0x1  }
0x26e: {  	v1 =	vshll.u32 v23, $0x7  }
0x26f: {  	p0 =	seq.s32 s31, $0x1;
	v1 =	vadd.s32 $0x16800, v1  }
0x270: {  	v1 =	vpsel !p0, $0x16800, v1  }
0x271: {  	v1 =	vor.u32 v4, v1  }
0x272: {  	v25 =	vld.idx.msk [tilespmem:v22+s17+$0x0], $0xffff;
	_ =	sdelay $0x3  }
0x273: {  	v1 =	vld.idx.msk [tilespmem:v1+s4+$0x0], $0xffff  }
0x274: {  	v3 =	vsub.f32 $1.000000000e+00, v25;
	v4 =	vld [tilespmem:$0x1F9E0];
	_ =	sdelay $0x1  }
0x275: {  	v3 =	vmul.f32 $1.000000000e+05, v3;
	_ =	sdelay $0x1  }
0x276: {  	v1 =	vsub.f32 v1, v3;
	_ =	sdelay $0x1  }
0x277: {  	[tilespmem:$0x1F130] =	vst v0;
	v26 =	vpsel !p0, $0xFF61B1E6, v1  }
0x278: {  	v0 =	vld.idx.msk [tilespmem:v22+s18+$0x0], $0xffff;
	[tilespmem:$0x19BD0] =	vst v26  }
0x279: {  	[tilespmem:$0x1F0D0] =	vst v27;
	v27 =	vld.idx.msk [tilespmem:v4+s16+$0x0], $0xffff;
	_ =	sdelay $0x4  }
0x27a: {  	v1 =	vshll.u32 v27, $0x7  }
0x27b: {  	v1 =	vor.u32 v4, v1  }
0x27c: {  	v28 =	vld.idx.msk [tilespmem:v4+s17+$0x0], $0xffff;
	_ =	sdelay $0x3  }
0x27d: {  	v1 =	vld.idx.msk [tilespmem:v1+s4+$0x0], $0xffff  }
0x27e: {  	[tilespmem:$0x1F0E0] =	vst v37;
	v37 =	vld [tilespmem:$0x1F640];
	v3 =	vsub.f32 $1.000000000e+00, v28;
	_ =	sdelay $0x1  }
0x27f: {  	v3 =	vmul.f32 $1.000000000e+05, v3;
	_ =	sdelay $0x1  }
0x280: {  	v1 =	vsub.f32 v1, v3;
	_ =	sdelay $0x1  }
0x281: {  	v33 =	vpsel !p3, $0xFF61B1E6, v1  }
0x282: {  	v34 =	vld.idx.msk [tilespmem:v4+s18+$0x0], $0xffff;
	[tilespmem:$0x19820] =	vst v33  }
0x283: {  	v43 =	vld.idx.msk [tilespmem:v37+s16+$0x0], $0xffff  }
0x284: {  	[tilespmem:$0x1F0F0] =	vst v52;
	v52 =	vld [tilespmem:$0x1F650];
	_ =	sdelay $0x3  }
0x285: {  	v1 =	vshll.u32 v43, $0x7  }
0x286: {  	v1 =	vadd.s32 v52, v1  }
0x287: {  	v55 =	vld.idx.msk [tilespmem:v37+s17+$0x0], $0xffff;
	_ =	sdelay $0x3  }
0x288: {  	v1 =	vld.idx.msk [tilespmem:v1+s4+$0x0], $0xffff  }
0x289: {  	v56 =	vld [tilespmem:$0x1F660];
	v3 =	vsub.f32 $1.000000000e+00, v55;
	_ =	sdelay $0x1  }
0x28a: {  	s28 =	sld [smem:$0x7FA];
	v3 =	vmul.f32 $1.000000000e+05, v3;
	_ =	sdelay $0x1  }
0x28b: {  	v1 =	vsub.f32 v1, v3  }
0x28c: {  	p1 =	seq.s32 s28, $0x1  }
0x28d: {  	[tilespmem:$0x1F150] =	vst v0;
	v1 =	vpsel !p1, $0xFF61B1E6, v1  }
0x28e: {  	v0 =	vld.idx.msk [tilespmem:v37+s18+$0x0], $0xffff;
	[tilespmem:$0x19860] =	vst v1  }
0x28f: {  	[tilespmem:$0x1F180] =	vst v1;
	v1 =	vld.idx.msk [tilespmem:v56+s16+$0x0], $0xffff  }
0x290: {  	v57 =	vld [tilespmem:$0x1F670];
	_ =	sdelay $0x3  }
0x291: {  	v1 =	vshll.u32 v1, $0x7  }
0x292: {  	v1 =	vadd.s32 v57, v1  }
0x293: {  	v5 =	vld.idx.msk [tilespmem:v56+s17+$0x0], $0xffff;
	_ =	sdelay $0x3  }
0x294: {  	v1 =	vld.idx.msk [tilespmem:v1+s4+$0x0], $0xffff  }
0x295: {  	[tilespmem:$0x1F100] =	vst v58;
	v58 =	vld [tilespmem:$0x1F680];
	v5 =	vsub.f32 $1.000000000e+00, v5;
	_ =	sdelay $0x1  }
0x296: {  	v5 =	vmul.f32 $1.000000000e+05, v5;
	_ =	sdelay $0x1  }
0x297: {  	v1 =	vsub.f32 v1, v5;
	_ =	sdelay $0x1  }
0x298: {  	[tilespmem:$0x1F190] =	vst v0;
	v1 =	vpsel !p4, $0xFF61B1E6, v1  }
0x299: {  	v0 =	vld.idx.msk [tilespmem:v56+s18+$0x0], $0xffff;
	[tilespmem:$0x198A0] =	vst v1  }
0x29a: {  	[tilespmem:$0x1F1A0] =	vst v1;
	v1 =	vld.idx.msk [tilespmem:v58+s16+$0x0], $0xffff  }
0x29b: {  	v60 =	vld [tilespmem:$0x1F690];
	_ =	sdelay $0x3  }
0x29c: {  	v1 =	vshll.u32 v1, $0x7  }
0x29d: {  	v1 =	vadd.s32 v60, v1  }
0x29e: {  	v62 =	vld.idx.msk [tilespmem:v58+s17+$0x0], $0xffff;
	_ =	sdelay $0x3  }
0x29f: {  	v1 =	vld.idx.msk [tilespmem:v1+s4+$0x0], $0xffff  }
0x2a0: {  	v13 =	vld [tilespmem:$0x1F6A0];
	v5 =	vsub.f32 $1.000000000e+00, v62;
	_ =	sdelay $0x1  }
0x2a1: {  	s29 =	sld [smem:$0x7F8];
	v5 =	vmul.f32 $1.000000000e+05, v5;
	_ =	sdelay $0x1  }
0x2a2: {  	v1 =	vsub.f32 v1, v5  }
0x2a3: {  	p4 =	seq.s32 s29, $0x1  }
0x2a4: {  	[tilespmem:$0x1F1B0] =	vst v0;
	v1 =	vpsel !p4, $0xFF61B1E6, v1  }
0x2a5: {  	v0 =	vld.idx.msk [tilespmem:v58+s18+$0x0], $0xffff;
	[tilespmem:$0x198E0] =	vst v1  }
0x2a6: {  	[tilespmem:$0x1F1D0] =	vst v1;
	v1 =	vld.idx.msk [tilespmem:v13+s16+$0x0], $0xffff  }
0x2a7: {  	[tilespmem:$0x1F120] =	vst v20;
	v20 =	vld [tilespmem:$0x1F6B0];
	_ =	sdelay $0x3  }
0x2a8: {  	v1 =	vshll.u32 v1, $0x7  }
0x2a9: {  	v1 =	vadd.s32 v20, v1  }
0x2aa: {  	v22 =	vld.idx.msk [tilespmem:v13+s17+$0x0], $0xffff;
	_ =	sdelay $0x3  }
0x2ab: {  	v1 =	vld.idx.msk [tilespmem:v1+s4+$0x0], $0xffff  }
0x2ac: {  	v23 =	vld [tilespmem:$0x1F6C0];
	v5 =	vsub.f32 $1.000000000e+00, v22;
	_ =	sdelay $0x1  }
0x2ad: {  	v5 =	vmul.f32 $1.000000000e+05, v5;
	_ =	sdelay $0x1  }
0x2ae: {  	v1 =	vsub.f32 v1, v5;
	_ =	sdelay $0x1  }
0x2af: {  	[tilespmem:$0x1F1C0] =	vst v0;
	v19 =	vpsel !p6, $0xFF61B1E6, v1  }
0x2b0: {  	v0 =	vld.idx.msk [tilespmem:v13+s18+$0x0], $0xffff;
	[tilespmem:$0x19920] =	vst v19  }
0x2b1: {  	v25 =	vld.idx.msk [tilespmem:v23+s16+$0x0], $0xffff  }
0x2b2: {  	[tilespmem:$0x1F140] =	vst v26;
	v26 =	vld [tilespmem:$0x1F6D0];
	_ =	sdelay $0x3  }
0x2b3: {  	v1 =	vshll.u32 v25, $0x7  }
0x2b4: {  	v1 =	vadd.s32 v26, v1  }
0x2b5: {  	v27 =	vld.idx.msk [tilespmem:v23+s17+$0x0], $0xffff;
	_ =	sdelay $0x3  }
0x2b6: {  	v1 =	vld.idx.msk [tilespmem:v1+s4+$0x0], $0xffff  }
0x2b7: {  	v28 =	vld [tilespmem:$0x1F6E0];
	v5 =	vsub.f32 $1.000000000e+00, v27;
	_ =	sdelay $0x1  }
0x2b8: {  	s30 =	sld [smem:$0x7F6];
	v5 =	vmul.f32 $1.000000000e+05, v5;
	_ =	sdelay $0x1  }
0x2b9: {  	v1 =	vsub.f32 v1, v5  }
0x2ba: {  	p6 =	seq.s32 s30, $0x1  }
0x2bb: {  	[tilespmem:$0x1F1E0] =	vst v0;
	v62 =	vpsel !p6, $0xFF61B1E6, v1  }
0x2bc: {  	v0 =	vld.idx.msk [tilespmem:v23+s18+$0x0], $0xffff;
	[tilespmem:$0x19960] =	vst v62  }
0x2bd: {  	[tilespmem:$0x1F160] =	vst v33;
	v33 =	vld.idx.msk [tilespmem:v28+s16+$0x0], $0xffff  }
0x2be: {  	[tilespmem:$0x1F170] =	vst v34;
	v34 =	vld [tilespmem:$0x1F6F0];
	_ =	sdelay $0x3  }
0x2bf: {  	v1 =	vshll.u32 v33, $0x7  }
0x2c0: {  	v1 =	vadd.s32 v34, v1  }
0x2c1: {  	v37 =	vld.idx.msk [tilespmem:v28+s17+$0x0], $0xffff;
	_ =	sdelay $0x3  }
0x2c2: {  	v1 =	vld.idx.msk [tilespmem:v1+s4+$0x0], $0xffff  }
0x2c3: {  	v43 =	vld [tilespmem:$0x1F700];
	v5 =	vsub.f32 $1.000000000e+00, v37;
	_ =	sdelay $0x1  }
0x2c4: {  	v5 =	vmul.f32 $1.000000000e+05, v5  }
0x2c5: {  	[tilespmem:$0x1F1F0] =	vst v0;
	v0 =	vld.idx.msk [tilespmem:v28+s18+$0x0], $0xffff  }
0x2c6: {  	v1 =	vsub.f32 v1, v5;
	_ =	sdelay $0x1  }
0x2c7: {  	v57 =	vpsel !p5, $0xFF61B1E6, v1  }
0x2c8: {  	[tilespmem:$0x199A0] =	vst v57  }
0x2c9: {  	[tilespmem:$0x1F200] =	vst v0;
	v56 =	vld.idx.msk [tilespmem:v43+s16+$0x0], $0xffff  }
0x2ca: {  	v58 =	vld [tilespmem:$0x1F710];
	_ =	sdelay $0x3  }
0x2cb: {  	v1 =	vshll.u32 v56, $0x7  }
0x2cc: {  	v1 =	vadd.s32 v58, v1  }
0x2cd: {  	v60 =	vld.idx.msk [tilespmem:v43+s17+$0x0], $0xffff;
	_ =	sdelay $0x3  }
0x2ce: {  	v1 =	vld.idx.msk [tilespmem:v1+s4+$0x0], $0xffff  }
0x2cf: {  	v13 =	vld [tilespmem:$0x1F720];
	v5 =	vsub.f32 $1.000000000e+00, v60;
	_ =	sdelay $0x1  }
0x2d0: {  	s31 =	sld [smem:$0x7F4];
	v5 =	vmul.f32 $1.000000000e+05, v5;
	_ =	sdelay $0x1  }
0x2d1: {  	v1 =	vsub.f32 v1, v5  }
0x2d2: {  	p4 =	seq.s32 s31, $0x1  }
0x2d3: {  	v55 =	vpsel !p4, $0xFF61B1E6, v1  }
0x2d4: {  	v0 =	vld.idx.msk [tilespmem:v43+s18+$0x0], $0xffff;
	[tilespmem:$0x199E0] =	vst v55  }
0x2d5: {  	v17 =	vld.idx.msk [tilespmem:v13+s16+$0x0], $0xffff;
	_ =	sdelay $0x2  }
0x2d6: {  	s28 =	sld [smem:$0x7F3];
	_ =	sdelay $0x1  }
0x2d7: {  	v1 =	vshll.u32 v17, $0x7  }
0x2d8: {  	p4 =	seq.s32 s28, $0x1;
	v1 =	vadd.s32 $0xC000, v1  }
0x2d9: {  	v1 =	vpsel !p4, $0xC000, v1  }
0x2da: {  	v1 =	vor.u32 v4, v1  }
0x2db: {  	v20 =	vld.idx.msk [tilespmem:v13+s17+$0x0], $0xffff;
	_ =	sdelay $0x3  }
0x2dc: {  	v1 =	vld.idx.msk [tilespmem:v1+s4+$0x0], $0xffff  }
0x2dd: {  	v22 =	vld [tilespmem:$0x1F820];
	v5 =	vsub.f32 $1.000000000e+00, v20;
	_ =	sdelay $0x1  }
0x2de: {  	v5 =	vmul.f32 $1.000000000e+05, v5;
	_ =	sdelay $0x1  }
0x2df: {  	v1 =	vsub.f32 v1, v5;
	_ =	sdelay $0x1  }
0x2e0: {  	[tilespmem:$0x1F210] =	vst v0;
	v52 =	vpsel !p4, $0xFF61B1E6, v1  }
0x2e1: {  	v0 =	vld.idx.msk [tilespmem:v13+s18+$0x0], $0xffff;
	[tilespmem:$0x19A20] =	vst v52  }
0x2e2: {  	v23 =	vld.idx.msk [tilespmem:v22+s16+$0x0], $0xffff;
	_ =	sdelay $0x2  }
0x2e3: {  	s29 =	sld [smem:$0x7F2];
	_ =	sdelay $0x1  }
0x2e4: {  	v1 =	vshll.u32 v23, $0x7  }
0x2e5: {  	p6 =	seq.s32 s29, $0x1;
	v1 =	vadd.s32 $0xD800, v1  }
0x2e6: {  	v1 =	vpsel !p6, $0xD800, v1  }
0x2e7: {  	v1 =	vor.u32 v4, v1  }
0x2e8: {  	v25 =	vld.idx.msk [tilespmem:v22+s17+$0x0], $0xffff;
	_ =	sdelay $0x3  }
0x2e9: {  	v1 =	vld.idx.msk [tilespmem:v1+s4+$0x0], $0xffff  }
0x2ea: {  	v26 =	vld [tilespmem:$0x1F860];
	v5 =	vsub.f32 $1.000000000e+00, v25;
	_ =	sdelay $0x1  }
0x2eb: {  	v5 =	vmul.f32 $1.000000000e+05, v5;
	_ =	sdelay $0x1  }
0x2ec: {  	v1 =	vsub.f32 v1, v5;
	_ =	sdelay $0x1  }
0x2ed: {  	[tilespmem:$0x1F220] =	vst v0;
	v33 =	vpsel !p6, $0xFF61B1E6, v1  }
0x2ee: {  	v0 =	vld.idx.msk [tilespmem:v22+s18+$0x0], $0xffff;
	[tilespmem:$0x19A60] =	vst v33  }
0x2ef: {  	v27 =	vld.idx.msk [tilespmem:v26+s16+$0x0], $0xffff;
	_ =	sdelay $0x2  }
0x2f0: {  	s30 =	sld [smem:$0x7F1];
	_ =	sdelay $0x1  }
0x2f1: {  	v1 =	vshll.u32 v27, $0x7  }
0x2f2: {  	p5 =	seq.s32 s30, $0x1;
	v1 =	vadd.s32 $0xF000, v1  }
0x2f3: {  	v1 =	vpsel !p5, $0xF000, v1  }
0x2f4: {  	v1 =	vor.u32 v4, v1  }
0x2f5: {  	v28 =	vld.idx.msk [tilespmem:v26+s17+$0x0], $0xffff;
	_ =	sdelay $0x3  }
0x2f6: {  	v1 =	vld.idx.msk [tilespmem:v1+s4+$0x0], $0xffff  }
0x2f7: {  	v34 =	vld [tilespmem:$0x1F8A0];
	v5 =	vsub.f32 $1.000000000e+00, v28;
	_ =	sdelay $0x1  }
0x2f8: {  	v5 =	vmul.f32 $1.000000000e+05, v5;
	_ =	sdelay $0x1  }
0x2f9: {  	v1 =	vsub.f32 v1, v5;
	_ =	sdelay $0x1  }
0x2fa: {  	[tilespmem:$0x1F230] =	vst v0;
	v20 =	vpsel !p5, $0xFF61B1E6, v1  }
0x2fb: {  	v0 =	vld.idx.msk [tilespmem:v26+s18+$0x0], $0xffff;
	[tilespmem:$0x19AA0] =	vst v20  }
0x2fc: {  	v37 =	vld.idx.msk [tilespmem:v34+s16+$0x0], $0xffff;
	_ =	sdelay $0x2  }
0x2fd: {  	s31 =	sld [smem:$0x7F0];
	_ =	sdelay $0x1  }
0x2fe: {  	v1 =	vshll.u32 v37, $0x7  }
0x2ff: {  	p1 =	seq.s32 s31, $0x1;
	v1 =	vadd.s32 $0x10800, v1  }
0x300: {  	v1 =	vpsel !p1, $0x10800, v1  }
0x301: {  	v1 =	vor.u32 v4, v1  }
0x302: {  	v43 =	vld.idx.msk [tilespmem:v34+s17+$0x0], $0xffff;
	_ =	sdelay $0x3  }
0x303: {  	v1 =	vld.idx.msk [tilespmem:v1+s4+$0x0], $0xffff  }
0x304: {  	v56 =	vld [tilespmem:$0x1F8E0];
	v5 =	vsub.f32 $1.000000000e+00, v43;
	_ =	sdelay $0x1  }
0x305: {  	v5 =	vmul.f32 $1.000000000e+05, v5;
	_ =	sdelay $0x1  }
0x306: {  	v1 =	vsub.f32 v1, v5;
	_ =	sdelay $0x1  }
0x307: {  	[tilespmem:$0x1F240] =	vst v0;
	v25 =	vpsel !p1, $0xFF61B1E6, v1  }
0x308: {  	v0 =	vld.idx.msk [tilespmem:v34+s18+$0x0], $0xffff;
	[tilespmem:$0x19AE0] =	vst v25  }
0x309: {  	v58 =	vld.idx.msk [tilespmem:v56+s16+$0x0], $0xffff;
	_ =	sdelay $0x4  }
0x30a: {  	v1 =	vshll.u32 v58, $0x7  }
0x30b: {  	v1 =	vadd.s32 $0x12000, v1  }
0x30c: {  	v1 =	vpsel !p2, $0x12000, v1  }
0x30d: {  	v1 =	vor.u32 v4, v1  }
0x30e: {  	v60 =	vld.idx.msk [tilespmem:v56+s17+$0x0], $0xffff;
	_ =	sdelay $0x3  }
0x30f: {  	v1 =	vld.idx.msk [tilespmem:v1+s4+$0x0], $0xffff  }
0x310: {  	v13 =	vld [tilespmem:$0x1F920];
	v5 =	vsub.f32 $1.000000000e+00, v60;
	_ =	sdelay $0x1  }
0x311: {  	v5 =	vmul.f32 $1.000000000e+05, v5;
	_ =	sdelay $0x1  }
0x312: {  	v1 =	vsub.f32 v1, v5;
	_ =	sdelay $0x1  }
0x313: {  	[tilespmem:$0x1F260] =	vst v0;
	v37 =	vpsel !p2, $0xFF61B1E6, v1  }
0x314: {  	v0 =	vld.idx.msk [tilespmem:v56+s18+$0x0], $0xffff;
	[tilespmem:$0x19B20] =	vst v37  }
0x315: {  	v17 =	vld.idx.msk [tilespmem:v13+s16+$0x0], $0xffff;
	_ =	sdelay $0x2  }
0x316: {  	s28 =	sld [smem:$0x7EE];
	_ =	sdelay $0x1  }
0x317: {  	v1 =	vshll.u32 v17, $0x7  }
0x318: {  	p1 =	seq.s32 s28, $0x1;
	v1 =	vadd.s32 $0x13800, v1  }
0x319: {  	v1 =	vpsel !p1, $0x13800, v1  }
0x31a: {  	v1 =	vor.u32 v4, v1  }
0x31b: {  	v22 =	vld.idx.msk [tilespmem:v13+s17+$0x0], $0xffff;
	_ =	sdelay $0x3  }
0x31c: {  	v1 =	vld.idx.msk [tilespmem:v1+s4+$0x0], $0xffff  }
0x31d: {  	v23 =	vld [tilespmem:$0x1F960];
	v5 =	vsub.f32 $1.000000000e+00, v22;
	_ =	sdelay $0x1  }
0x31e: {  	v5 =	vmul.f32 $1.000000000e+05, v5;
	_ =	sdelay $0x1  }
0x31f: {  	v1 =	vsub.f32 v1, v5;
	_ =	sdelay $0x1  }
0x320: {  	[tilespmem:$0x1F270] =	vst v0;
	v43 =	vpsel !p1, $0xFF61B1E6, v1  }
0x321: {  	v0 =	vld.idx.msk [tilespmem:v13+s18+$0x0], $0xffff;
	[tilespmem:$0x19B60] =	vst v43  }
0x322: {  	v28 =	vld.idx.msk [tilespmem:v23+s16+$0x0], $0xffff;
	_ =	sdelay $0x2  }
0x323: {  	s29 =	sld [smem:$0x7ED];
	_ =	sdelay $0x1  }
0x324: {  	v1 =	vshll.u32 v28, $0x7  }
0x325: {  	p2 =	seq.s32 s29, $0x1;
	v1 =	vadd.s32 $0x15000, v1  }
0x326: {  	v1 =	vpsel !p2, $0x15000, v1  }
0x327: {  	v1 =	vor.u32 v4, v1  }
0x328: {  	v34 =	vld.idx.msk [tilespmem:v23+s17+$0x0], $0xffff;
	_ =	sdelay $0x3  }
0x329: {  	v1 =	vld.idx.msk [tilespmem:v1+s4+$0x0], $0xffff  }
0x32a: {  	v56 =	vld [tilespmem:$0x1F9A0];
	v5 =	vsub.f32 $1.000000000e+00, v34;
	_ =	sdelay $0x1  }
0x32b: {  	v5 =	vmul.f32 $1.000000000e+05, v5;
	_ =	sdelay $0x1  }
0x32c: {  	v1 =	vsub.f32 v1, v5;
	_ =	sdelay $0x1  }
0x32d: {  	[tilespmem:$0x1F280] =	vst v0;
	v26 =	vpsel !p2, $0xFF61B1E6, v1  }
0x32e: {  	v0 =	vld.idx.msk [tilespmem:v23+s18+$0x0], $0xffff;
	[tilespmem:$0x19BA0] =	vst v26  }
0x32f: {  	v58 =	vld.idx.msk [tilespmem:v56+s16+$0x0], $0xffff;
	_ =	sdelay $0x4  }
0x330: {  	v1 =	vshll.u32 v58, $0x7  }
0x331: {  	v1 =	vadd.s32 $0x16800, v1  }
0x332: {  	v1 =	vpsel !p0, $0x16800, v1  }
0x333: {  	v1 =	vor.u32 v4, v1  }
0x334: {  	v60 =	vld.idx.msk [tilespmem:v56+s17+$0x0], $0xffff;
	_ =	sdelay $0x3  }
0x335: {  	v1 =	vld.idx.msk [tilespmem:v1+s4+$0x0], $0xffff  }
0x336: {  	v22 =	vld [tilespmem:$0x1F9F0];
	v5 =	vsub.f32 $1.000000000e+00, v60;
	_ =	sdelay $0x1  }
0x337: {  	v5 =	vmul.f32 $1.000000000e+05, v5;
	_ =	sdelay $0x1  }
0x338: {  	v1 =	vsub.f32 v1, v5;
	_ =	sdelay $0x1  }
0x339: {  	[tilespmem:$0x1F290] =	vst v0;
	v28 =	vpsel !p0, $0xFF61B1E6, v1  }
0x33a: {  	v0 =	vld.idx.msk [tilespmem:v56+s18+$0x0], $0xffff;
	[tilespmem:$0x19BE0] =	vst v28  }
0x33b: {  	v13 =	vld.idx.msk [tilespmem:v22+s16+$0x0], $0xffff;
	_ =	sdelay $0x4  }
0x33c: {  	v1 =	vshll.u32 v13, $0x7  }
0x33d: {  	v1 =	vor.u32 v22, v1  }
0x33e: {  	v17 =	vld.idx.msk [tilespmem:v22+s17+$0x0], $0xffff;
	_ =	sdelay $0x3  }
0x33f: {  	v1 =	vld.idx.msk [tilespmem:v1+s4+$0x0], $0xffff  }
0x340: {  	v34 =	vld [tilespmem:$0x1F730];
	v5 =	vsub.f32 $1.000000000e+00, v17;
	_ =	sdelay $0x1  }
0x341: {  	v5 =	vmul.f32 $1.000000000e+05, v5;
	_ =	sdelay $0x1  }
0x342: {  	v1 =	vsub.f32 v1, v5;
	_ =	sdelay $0x1  }
0x343: {  	v27 =	vpsel !p3, $0xFF61B1E6, v1  }
0x344: {  	v23 =	vld.idx.msk [tilespmem:v22+s18+$0x0], $0xffff;
	[tilespmem:$0x19830] =	vst v27  }
0x345: {  	v56 =	vld.idx.msk [tilespmem:v34+s16+$0x0], $0xffff  }
0x346: {  	v58 =	vld [tilespmem:$0x1F740];
	_ =	sdelay $0x3  }
0x347: {  	v1 =	vshll.u32 v56, $0x7  }
0x348: {  	v1 =	vadd.s32 v58, v1  }
0x349: {  	v60 =	vld.idx.msk [tilespmem:v34+s17+$0x0], $0xffff;
	_ =	sdelay $0x3  }
0x34a: {  	v1 =	vld.idx.msk [tilespmem:v1+s4+$0x0], $0xffff  }
0x34b: {  	v5 =	vsub.f32 $1.000000000e+00, v60;
	_ =	sdelay $0x1  }
0x34c: {  	v5 =	vmul.f32 $1.000000000e+05, v5;
	_ =	sdelay $0x1  }
0x34d: {  	v1 =	vsub.f32 v1, v5;
	v5 =	vld [tilespmem:$0x1F750];
	_ =	sdelay $0x1  }
0x34e: {  	s30 =	sld [smem:$0x7FA];
	_ =	sdelay $0x2  }
0x34f: {  	[tilespmem:$0x1F2A0] =	vst v0;
	p3 =	seq.s32 s30, $0x1  }
0x350: {  	[tilespmem:$0x1F2B0] =	vst v23;
	v23 =	vpsel !p3, $0xFF61B1E6, v1  }
0x351: {  	v0 =	vld.idx.msk [tilespmem:v34+s18+$0x0], $0xffff;
	[tilespmem:$0x19870] =	vst v23  }
0x352: {  	v13 =	vld.idx.msk [tilespmem:v5+s16+$0x0], $0xffff  }
0x353: {  	v17 =	vld [tilespmem:$0x1F760];
	_ =	sdelay $0x3  }
0x354: {  	v13 =	vshll.u32 v13, $0x7  }
0x355: {  	v13 =	vadd.s32 v17, v13  }
0x356: {  	v17 =	vld.idx.msk [tilespmem:v5+s17+$0x0], $0xffff;
	_ =	sdelay $0x3  }
0x357: {  	v13 =	vld.idx.msk [tilespmem:v13+s4+$0x0], $0xffff  }
0x358: {  	v34 =	vld [tilespmem:$0x1F770];
	v17 =	vsub.f32 $1.000000000e+00, v17;
	_ =	sdelay $0x1  }
0x359: {  	s31 =	sld [smem:$0x7F9];
	v17 =	vmul.f32 $1.000000000e+05, v17;
	_ =	sdelay $0x1  }
0x35a: {  	v13 =	vsub.f32 v13, v17  }
0x35b: {  	p3 =	seq.s32 s31, $0x1  }
0x35c: {  	[tilespmem:$0x1F2C0] =	vst v0;
	v56 =	vpsel !p3, $0xFF61B1E6, v13  }
0x35d: {  	v0 =	vld.idx.msk [tilespmem:v5+s18+$0x0], $0xffff;
	[tilespmem:$0x198B0] =	vst v56  }
0x35e: {  	v58 =	vld.idx.msk [tilespmem:v34+s16+$0x0], $0xffff  }
0x35f: {  	v60 =	vld [tilespmem:$0x1F780];
	_ =	sdelay $0x3  }
0x360: {  	v13 =	vshll.u32 v58, $0x7  }
0x361: {  	v13 =	vadd.s32 v60, v13  }
0x362: {  	v4 =	vld.idx.msk [tilespmem:v34+s17+$0x0], $0xffff;
	_ =	sdelay $0x3  }
0x363: {  	v13 =	vld.idx.msk [tilespmem:v13+s4+$0x0], $0xffff  }
0x364: {  	v5 =	vld [tilespmem:$0x1F790];
	v17 =	vsub.f32 $1.000000000e+00, v4;
	_ =	sdelay $0x1  }
0x365: {  	s28 =	sld [smem:$0x7F8];
	v17 =	vmul.f32 $1.000000000e+05, v17;
	_ =	sdelay $0x1  }
0x366: {  	v13 =	vsub.f32 v13, v17  }
0x367: {  	p3 =	seq.s32 s28, $0x1  }
0x368: {  	[tilespmem:$0x1F2D0] =	vst v0;
	v58 =	vpsel !p3, $0xFF61B1E6, v13  }
0x369: {  	v0 =	vld.idx.msk [tilespmem:v34+s18+$0x0], $0xffff;
	[tilespmem:$0x198F0] =	vst v58  }
0x36a: {  	v34 =	vld.idx.msk [tilespmem:v5+s16+$0x0], $0xffff  }
0x36b: {  	v60 =	vld [tilespmem:$0x1F7A0];
	_ =	sdelay $0x3  }
0x36c: {  	v13 =	vshll.u32 v34, $0x7  }
0x36d: {  	v13 =	vadd.s32 v60, v13  }
0x36e: {  	v3 =	vld.idx.msk [tilespmem:v5+s17+$0x0], $0xffff;
	_ =	sdelay $0x2  }
0x36f: {  	[tilespmem:$0x1F2E0] =	vst v0;
	v0 =	vld.idx.msk [tilespmem:v5+s18+$0x0], $0xffff  }
0x370: {  	v13 =	vld.idx.msk [tilespmem:v13+s4+$0x0], $0xffff  }
0x371: {  	v5 =	vld [tilespmem:$0x1F7B0];
	v17 =	vsub.f32 $1.000000000e+00, v3;
	_ =	sdelay $0x1  }
0x372: {  	s29 =	sld [smem:$0x7F7];
	v17 =	vmul.f32 $1.000000000e+05, v17;
	_ =	sdelay $0x1  }
0x373: {  	v13 =	vsub.f32 v13, v17  }
0x374: {  	p3 =	seq.s32 s29, $0x1  }
0x375: {  	v4 =	vpsel !p3, $0xFF61B1E6, v13  }
0x376: {  	[tilespmem:$0x19930] =	vst v4  }
0x377: {  	v34 =	vld.idx.msk [tilespmem:v5+s16+$0x0], $0xffff  }
0x378: {  	v60 =	vld [tilespmem:$0x1F7C0];
	_ =	sdelay $0x3  }
0x379: {  	v13 =	vshll.u32 v34, $0x7  }
0x37a: {  	v13 =	vadd.s32 v60, v13  }
0x37b: {  	v3 =	vld.idx.msk [tilespmem:v5+s17+$0x0], $0xffff;
	_ =	sdelay $0x2  }
0x37c: {  	[tilespmem:$0x1F310] =	vst v0;
	v0 =	vld.idx.msk [tilespmem:v5+s18+$0x0], $0xffff  }
0x37d: {  	v13 =	vld.idx.msk [tilespmem:v13+s4+$0x0], $0xffff  }
0x37e: {  	v5 =	vld [tilespmem:$0x1F7D0];
	v17 =	vsub.f32 $1.000000000e+00, v3;
	_ =	sdelay $0x1  }
0x37f: {  	s30 =	sld [smem:$0x7F6];
	v17 =	vmul.f32 $1.000000000e+05, v17;
	_ =	sdelay $0x1  }
0x380: {  	v13 =	vsub.f32 v13, v17  }
0x381: {  	p3 =	seq.s32 s30, $0x1  }
0x382: {  	[tilespmem:$0x1F300] =	vst v4;
	v4 =	vpsel !p3, $0xFF61B1E6, v13  }
0x383: {  	[tilespmem:$0x19970] =	vst v4  }
0x384: {  	v34 =	vld.idx.msk [tilespmem:v5+s16+$0x0], $0xffff  }
0x385: {  	v60 =	vld [tilespmem:$0x1F7E0];
	_ =	sdelay $0x3  }
0x386: {  	v13 =	vshll.u32 v34, $0x7  }
0x387: {  	v13 =	vadd.s32 v60, v13  }
0x388: {  	v3 =	vld.idx.msk [tilespmem:v5+s17+$0x0], $0xffff;
	_ =	sdelay $0x2  }
0x389: {  	[tilespmem:$0x1F330] =	vst v0;
	v0 =	vld.idx.msk [tilespmem:v5+s18+$0x0], $0xffff  }
0x38a: {  	v13 =	vld.idx.msk [tilespmem:v13+s4+$0x0], $0xffff  }
0x38b: {  	v5 =	vld [tilespmem:$0x1F7F0];
	v17 =	vsub.f32 $1.000000000e+00, v3;
	_ =	sdelay $0x1  }
0x38c: {  	s31 =	sld [smem:$0x7F5];
	v17 =	vmul.f32 $1.000000000e+05, v17;
	_ =	sdelay $0x1  }
0x38d: {  	v13 =	vsub.f32 v13, v17  }
0x38e: {  	p3 =	seq.s32 s31, $0x1  }
0x38f: {  	[tilespmem:$0x1F320] =	vst v4;
	v4 =	vpsel !p3, $0xFF61B1E6, v13  }
0x390: {  	[tilespmem:$0x199B0] =	vst v4  }
0x391: {  	v17 =	vld.idx.msk [tilespmem:v5+s16+$0x0], $0xffff  }
0x392: {  	v34 =	vld [tilespmem:$0x1F800];
	_ =	sdelay $0x3  }
0x393: {  	v13 =	vshll.u32 v17, $0x7  }
0x394: {  	v13 =	vadd.s32 v34, v13  }
0x395: {  	v60 =	vld.idx.msk [tilespmem:v5+s17+$0x0], $0xffff;
	_ =	sdelay $0x3  }
0x396: {  	v13 =	vld.idx.msk [tilespmem:v13+s4+$0x0], $0xffff  }
0x397: {  	[tilespmem:$0x1F340] =	vst v4;
	v4 =	vld [tilespmem:$0x1F810];
	v60 =	vsub.f32 $1.000000000e+00, v60;
	_ =	sdelay $0x1  }
0x398: {  	s28 =	sld [smem:$0x7F4];
	v60 =	vmul.f32 $1.000000000e+05, v60;
	_ =	sdelay $0x1  }
0x399: {  	v13 =	vsub.f32 v13, v60  }
0x39a: {  	p3 =	seq.s32 s28, $0x1  }
0x39b: {  	[tilespmem:$0x1F350] =	vst v0;
	v60 =	vpsel !p3, $0xFF61B1E6, v13  }
0x39c: {  	v0 =	vld.idx.msk [tilespmem:v5+s18+$0x0], $0xffff;
	[tilespmem:$0x199F0] =	vst v60  }
0x39d: {  	v3 =	vld.idx.msk [tilespmem:v4+s16+$0x0], $0xffff;
	_ =	sdelay $0x4  }
0x39e: {  	[tilespmem:$0x1F360] =	vst v60;
	v60 =	vshll.u32 v3, $0x7  }
0x39f: {  	v60 =	vadd.s32 $0xC000, v60  }
0x3a0: {  	v60 =	vpsel !p4, $0xC000, v60  }
0x3a1: {  	v5 =	vld.idx.msk [tilespmem:v4+s17+$0x0], $0xffff;
	v60 =	vor.u32 v22, v60  }
0x3a2: {  	v4 =	vld.idx.msk [tilespmem:v4+s18+$0x0], $0xffff;
	_ =	sdelay $0x2  }
0x3a3: {  	v17 =	vmov v16;
	v13 =	vadd.f32 v7, v24;
	v24 =	vadd.f32 v16, v44;
	v16 =	vld [tilespmem:$0x1EFB0]  }
0x3a4: {  	v60 =	vld.idx.msk [tilespmem:v60+s4+$0x0], $0xffff  }
0x3a5: {  	v34 =	vsub.f32 $1.000000000e+00, v5;
	[tilespmem:$0x1F390] =	vst v4;
	v4 =	vld [tilespmem:$0x1F830]  }
0x3a6: {  	vm4 =	vgt.f32 v13, $-3.000000010e+38  }
0x3a7: {  	[tilespmem:$0x1F370] =	vst v0;
	v0 =	vnsel vm4, $0xFF61B1E6, v13;
	v3 =	vmul.f32 $1.000000000e+05, v34  }
0x3a8: {  	v44 =	vadd.f32 v6, v18;
	vm6 =	vgt.f32 v24, v0  }
0x3a9: {  	v13 =	vmov v6;
	v0 =	vsel vm6, v24, v0;
	v24 =	vld [tilespmem:$0x1EFC0];
	v6 =	vsub.f32 v60, v3  }
0x3aa: {  	vm14 =	vgt.f32 v44, v0;
	v3 =	vadd.f32 v63, v16  }
0x3ab: {  	v0 =	vsel vm14, v44, v0;
	v1 =	vpsel !p4, $0xFF61B1E6, v6  }
0x3ac: {  	v18 =	vadd.f32 v51, v48;
	v48 =	vld [tilespmem:$0x1EFD0];
	vm9 =	vgt.f32 v3, v0;
	[tilespmem:$0x19A30] =	vst v1  }
0x3ad: {  	v0 =	vsel vm9, v3, v0;
	v34 =	vld.idx.msk [tilespmem:v4+s16+$0x0], $0xffff  }
0x3ae: {  	[tilespmem:$0x1F380] =	vst v1;
	v1 =	vadd.f32 v53, v24;
	vm11 =	vgt.f32 v18, v0  }
0x3af: {  	v0 =	vsel vm11, v18, v0  }
0x3b0: {  	v44 =	vadd.f32 v31, v50;
	vm10 =	vgt.f32 v1, v0  }
0x3b1: {  	v0 =	vsel vm10, v1, v0  }
0x3b2: {  	v1 =	vadd.f32 v32, v48;
	vm12 =	vgt.f32 v44, v0;
	v50 =	vshll.u32 v34, $0x7  }
0x3b3: {  	v60 =	vld [tilespmem:$0x1EFE0];
	v0 =	vsel vm12, v44, v0;
	v2 =	vadd.s32 $0xD800, v50  }
0x3b4: {  	vm5 =	vgt.f32 v1, v0;
	v6 =	vpsel !p6, $0xD800, v2  }
0x3b5: {  	v0 =	vsel vm5, v1, v0;
	v1 =	vor.u32 v22, v6  }
0x3b6: {  	v18 =	vld.idx.msk [tilespmem:v4+s17+$0x0], $0xffff  }
0x3b7: {  	v24 =	vld [tilespmem:$0x1EFF0]  }
0x3b8: {  	v3 =	vadd.f32 v36, v60  }
0x3b9: {  	v44 =	vld [tilespmem:$0x1F000]  }
0x3ba: {  	v16 =	vadd.f32 v29, v61;
	vm15 =	vgt.f32 v3, v0;
	v1 =	vld.idx.msk [tilespmem:v1+s4+$0x0], $0xffff  }
0x3bb: {  	v48 =	vld [tilespmem:$0x1F010];
	v0 =	vsel vm15, v3, v0;
	v3 =	vsub.f32 $1.000000000e+00, v18  }
0x3bc: {  	v34 =	vadd.f32 v38, v24;
	vm7 =	vgt.f32 v16, v0  }
0x3bd: {  	v5 =	vld [tilespmem:$0x1F020];
	v0 =	vsel vm7, v16, v0;
	v3 =	vmul.f32 $1.000000000e+05, v3  }
0x3be: {  	v2 =	vadd.f32 v42, v44;
	vm1 =	vgt.f32 v34, v0  }
0x3bf: {  	v6 =	vld [tilespmem:$0x1F030];
	v0 =	vsel vm1, v34, v0;
	v1 =	vsub.f32 v1, v3  }
0x3c0: {  	v50 =	vadd.f32 v30, v48;
	v18 =	vld.idx.msk [tilespmem:v4+s18+$0x0], $0xffff;
	vm3 =	vgt.f32 v2, v0  }
0x3c1: {  	v24 =	vld [tilespmem:$0x1F040];
	v0 =	vsel vm3, v2, v0;
	v16 =	vpsel !p6, $0xFF61B1E6, v1  }
0x3c2: {  	v34 =	vld [tilespmem:$0x1F050];
	v2 =	vadd.f32 v9, v5;
	vm2 =	vgt.f32 v50, v0;
	[tilespmem:$0x1F3A0] =	vst v16  }
0x3c3: {  	v0 =	vsel vm2, v50, v0;
	[tilespmem:$0x19A70] =	vst v16;
	v16 =	vld [tilespmem:$0x1FF50]  }
0x3c4: {  	v3 =	vadd.f32 v35, v6;
	vm13 =	vgt.f32 v2, v0  }
0x3c5: {  	[tilespmem:$0x1F3B0] =	vst v18;
	v18 =	vld [tilespmem:$0x1FF40];
	v0 =	vsel vm13, v2, v0  }
0x3c6: {  	v44 =	vmovc v9;
	v9 =	vadd.f32 v11, v40;
	vm0 =	vgt.f32 v3, v0;
	v1 =	vadd.f32 v39, v24  }
0x3c7: {  	v50 =	vnsel vm4, $0xFF61B1E6, v7;
	v0 =	vsel vm0, v3, v0;
	v3 =	vadd.f32 v45, v34  }
0x3c8: {  	vm8 =	vgt.f32 v9, v0;
	v48 =	vnsel vm4, $0x0, v16;
	vm4 =	vgt.f32 v1, $-3.000000010e+38  }
0x3c9: {  	v6 =	vld [tilespmem:$0x1F870];
	v2 =	vsel vm6, v17, v50;
	v0 =	vsel vm8, v9, v0;
	v1 =	vnsel vm4, $0xFF61B1E6, v1  }
0x3ca: {  	v50 =	vmovc v17;
	v17 =	vld [tilespmem:$0x1F060];
	v9 =	vmax.f32 v39, $-3.000000010e+38;
	[tilespmem:$0x1F3D0] =	vst v0;
	v0 =	vsel vm6, v18, v48;
	vm6 =	vgt.f32 v3, v1  }
0x3cb: {  	v61 =	vnsel vm4, $0xFF61B1E6, v39;
	v1 =	vsel vm6, v3, v1;
	v3 =	vmax.f32 v9, v45;
	v9 =	vld [tilespmem:$0x1FF30]  }
0x3cc: {  	v4 =	vsel vm6, v45, v61;
	v45 =	vld [tilespmem:$0x1F070];
	_ =	sdelay $0x1  }
0x3cd: {  	v60 =	vmov v13;
	v2 =	vsel vm14, v13, v2;
	v13 =	vld [tilespmem:$0x1FED0]  }
0x3ce: {  	v5 =	vadd.f32 v41, v17;
	_ =	sdelay $0x1  }
0x3cf: {  	v40 =	vld.idx.msk [tilespmem:v6+s16+$0x0], $0xffff;
	v0 =	vsel vm14, v9, v0;
	v48 =	vadd.f32 v46, v45;
	vm14 =	vgt.f32 v5, v1  }
0x3d0: {  	v2 =	vsel vm9, v63, v2;
	v17 =	vld [tilespmem:$0x1F080];
	v3 =	vmax.f32 v3, v41;
	v1 =	vsel vm14, v5, v1  }
0x3d1: {  	v45 =	vld [tilespmem:$0x1F090];
	v0 =	vsel vm9, v13, v0;
	v4 =	vsel vm14, v41, v4;
	vm9 =	vgt.f32 v48, v1  }
0x3d2: {  	v3 =	vmax.f32 v3, v46;
	v4 =	vsel vm9, v46, v4;
	v46 =	vld [tilespmem:$0x1FE60]  }
0x3d3: {  	v61 =	vld.idx.msk [tilespmem:v6+s17+$0x0], $0xffff  }
0x3d4: {  	v34 =	vshll.u32 v40, $0x7;
	v40 =	vld [tilespmem:$0x1FE70]  }
0x3d5: {  	v39 =	vadd.s32 $0xF000, v34;
	v34 =	vadd.f32 v8, v17  }
0x3d6: {  	v2 =	vsel vm11, v51, v2;
	v39 =	vpsel !p5, $0xF000, v39;
	v1 =	vsel vm9, v48, v1  }
0x3d7: {  	v48 =	vadd.f32 v21, v45;
	v0 =	vsel vm11, v46, v0;
	vm11 =	vgt.f32 v34, v1  }
0x3d8: {  	v5 =	vor.u32 v22, v39;
	v39 =	vsub.f32 $1.000000000e+00, v61;
	v61 =	vld [tilespmem:$0x1F0A0];
	v1 =	vsel vm11, v34, v1  }
0x3d9: {  	v2 =	vsel vm10, v53, v2;
	v0 =	vsel vm10, v40, v0;
	vm10 =	vgt.f32 v48, v1  }
0x3da: {  	v1 =	vsel vm10, v48, v1;
	v48 =	vld [tilespmem:$0x1FE50];
	_ =	sdelay $0x2  }
0x3db: {  	v3 =	vmax.f32 v3, v8;
	v4 =	vsel vm11, v8, v4;
	v8 =	vadd.f32 v12, v61  }
0x3dc: {  	v3 =	vmax.f32 v3, v21;
	v4 =	vsel vm10, v21, v4;
	v21 =	vld [tilespmem:$0x1F0B0]  }
0x3dd: {  	v2 =	vsel vm12, v31, v2;
	v0 =	vsel vm12, v48, v0;
	vm12 =	vgt.f32 v8, v1  }
0x3de: {  	v1 =	vsel vm12, v8, v1;
	v8 =	vld [tilespmem:$0x1FE40];
	_ =	sdelay $0x1  }
0x3df: {  	v17 =	vmul.f32 $1.000000000e+05, v39;
	v39 =	vld.idx.msk [tilespmem:v6+s18+$0x0], $0xffff  }
0x3e0: {  	v5 =	vld.idx.msk [tilespmem:v5+s4+$0x0], $0xffff;
	v34 =	vadd.f32 v54, v21  }
0x3e1: {  	v2 =	vsel vm5, v32, v2;
	v3 =	vmax.f32 v3, v12;
	v61 =	vld [tilespmem:$0x1F0C0]  }
0x3e2: {  	v4 =	vsel vm12, v12, v4;
	v12 =	vld [tilespmem:$0x1FDE0];
	v0 =	vsel vm5, v8, v0;
	vm5 =	vgt.f32 v34, v1  }
0x3e3: {  	v3 =	vmax.f32 v3, v54;
	v4 =	vsel vm5, v54, v4;
	v54 =	vld [tilespmem:$0x1F0D0];
	_ =	sdelay $0x1  }
0x3e4: {  	[tilespmem:$0x1F3C0] =	vst v39;
	v39 =	vld [tilespmem:$0x1FD80]  }
0x3e5: {  	v5 =	vsub.f32 v5, v17;
	v17 =	vadd.f32 v14, v61  }
0x3e6: {  	v2 =	vsel vm15, v36, v2;
	v1 =	vsel vm5, v34, v1  }
0x3e7: {  	v0 =	vsel vm15, v12, v0;
	vm15 =	vgt.f32 v17, v1;
	v61 =	vadd.f32 v59, v54  }
0x3e8: {  	v2 =	vsel vm7, v29, v2;
	v3 =	vmax.f32 v3, v14;
	v1 =	vsel vm15, v17, v1  }
0x3e9: {  	v0 =	vsel vm7, v39, v0;
	v4 =	vsel vm15, v14, v4;
	vm7 =	vgt.f32 v61, v1  }
0x3ea: {  	v3 =	vmax.f32 v3, v59;
	v4 =	vsel vm7, v59, v4;
	v59 =	vld [tilespmem:$0x1F0F0]  }
0x3eb: {  	v17 =	vld [tilespmem:$0x1F0E0];
	_ =	sdelay $0x1  }
0x3ec: {  	v54 =	vld [tilespmem:$0x1FD10];
	_ =	sdelay $0x1  }
0x3ed: {  	v1 =	vsel vm7, v61, v1;
	v61 =	vadd.f32 v49, v59;
	v59 =	vld [tilespmem:$0x1FD20]  }
0x3ee: {  	v6 =	vld [tilespmem:$0x1F8B0];
	v34 =	vmov v36;
	v36 =	vmov v29;
	v29 =	vadd.f32 v15, v17;
	_ =	sdelay $0x1  }
0x3ef: {  	v2 =	vsel vm1, v38, v2;
	v0 =	vsel vm1, v54, v0;
	vm1 =	vgt.f32 v29, v1  }
0x3f0: {  	v21 =	vld [tilespmem:$0x1F100];
	v1 =	vsel vm1, v29, v1  }
0x3f1: {  	v2 =	vsel vm3, v42, v2;
	v0 =	vsel vm3, v59, v0;
	vm3 =	vgt.f32 v61, v1  }
0x3f2: {  	v1 =	vsel vm3, v61, v1;
	v61 =	vld [tilespmem:$0x1FCF0]  }
0x3f3: {  	v41 =	vpsel !p5, $0xFF61B1E6, v5  }
0x3f4: {  	v2 =	vsel vm2, v30, v2;
	[tilespmem:$0x19AB0] =	vst v41  }
0x3f5: {  	v3 =	vmax.f32 v3, v15;
	v45 =	vimm.s32 $0x0;
	v5 =	vld.idx.msk [tilespmem:v6+s16+$0x0], $0xffff;
	v29 =	vadd.f32 v47, v21  }
0x3f6: {  	v24 =	vmovc v7;
	v3 =	vmax.f32 v3, v49;
	v7 =	vsel vm1, $0xFFFFFFFF, v45;
	v4 =	vsel vm1, v15, v4;
	v45 =	vld [tilespmem:$0x1F110]  }
0x3f7: {  	v4 =	vsel vm3, v49, v4;
	v0 =	vsel vm2, v61, v0;
	vm2 =	vgt.f32 v29, v1  }
0x3f8: {  	s29 =	sld [smem:$0x7F0];
	v3 =	vmax.f32 v3, v47;
	v4 =	vsel vm2, v47, v4;
	v47 =	vld [tilespmem:$0x1FCA0];
	_ =	sdelay $0x1  }
0x3f9: {  	v5 =	vshll.u32 v5, $0x7;
	v17 =	vmov v38;
	v38 =	vmov v42;
	v42 =	vld.idx.msk [tilespmem:v6+s17+$0x0], $0xffff  }
0x3fa: {  	p5 =	seq.s32 s29, $0x1;
	v5 =	vadd.s32 $0x10800, v5;
	v15 =	vld [tilespmem:$0x1F130];
	v49 =	vadd.f32 v10, v45  }
0x3fb: {  	v2 =	vsel vm13, v44, v2;
	v5 =	vpsel !p5, $0x10800, v5;
	v1 =	vsel vm2, v29, v1;
	v29 =	vld [tilespmem:$0x1F120]  }
0x3fc: {  	v5 =	vor.u32 v22, v5;
	v0 =	vsel vm13, v47, v0;
	vm13 =	vgt.f32 v49, v1  }
0x3fd: {  	v1 =	vsel vm13, v49, v1;
	v49 =	vld [tilespmem:$0x1FC80];
	_ =	sdelay $0x1  }
0x3fe: {  	v21 =	vsub.f32 $1.000000000e+00, v42  }
0x3ff: {  	v15 =	vadd.f32 v29, v15  }
0x400: {  	v2 =	vsel vm0, v35, v2;
	v5 =	vld.idx.msk [tilespmem:v5+s4+$0x0], $0xffff;
	v42 =	vmul.f32 $1.000000000e+05, v21  }
0x401: {  	v21 =	vld [tilespmem:$0x1F140];
	v45 =	vimm.s32 $0x0;
	v0 =	vsel vm0, v49, v0;
	vm0 =	vgt.f32 v15, v1  }
0x402: {  	v3 =	vmax.f32 v3, v10;
	[tilespmem:$0x1F250] =	vst v7;
	v4 =	vsel vm13, v10, v4;
	v10 =	vld [tilespmem:$0x1F150];
	v7 =	vsel vm0, $0xFFFFFFFF, v45  }
0x403: {  	v1 =	vsel vm0, v15, v1;
	v45 =	vld [tilespmem:$0x1FC30];
	v15 =	vsel vm8, v11, v2  }
0x404: {  	[tilespmem:$0x1F3E0] =	vst v15;
	v15 =	vld [tilespmem:$0x1F170]  }
0x405: {  	[tilespmem:$0x1F2F0] =	vst v7;
	v7 =	vmov v11;
	v11 =	vld [tilespmem:$0x1F160];
	_ =	sdelay $0x1  }
0x406: {  	v10 =	vadd.f32 v21, v10  }
0x407: {  	v5 =	vsub.f32 v5, v42;
	v42 =	vsel vm0, v29, v4  }
0x408: {  	v14 =	vld [tilespmem:$0x1F180];
	v3 =	vmax.f32 v3, v29;
	v0 =	vsel vm8, v45, v0;
	vm8 =	vgt.f32 v10, v1  }
0x409: {  	v29 =	vnsel vm4, $0x0, v16;
	[tilespmem:$0x1F3F0] =	vst v0;
	v1 =	vsel vm8, v10, v1;
	v4 =	vadd.f32 v11, v15;
	v15 =	vld [tilespmem:$0x1F190]  }
0x40a: {  	v0 =	vsel vm8, v21, v42;
	v42 =	vmov v18;
	[tilespmem:$0x1F400] =	vst v1;
	v1 =	vsel vm6, v18, v29;
	v18 =	vld [tilespmem:$0x1F1A0]  }
0x40b: {  	v29 =	vld [tilespmem:$0x1F1B0];
	_ =	sdelay $0x2  }
0x40c: {  	vm4 =	vgt.f32 v4, $-3.000000010e+38;
	v10 =	vadd.f32 v14, v15  }
0x40d: {  	v3 =	vmax.f32 v3, v21;
	v21 =	vnsel vm4, $0xFF61B1E6, v4;
	v15 =	vld.idx.msk [tilespmem:v6+s18+$0x0], $0xffff  }
0x40e: {  	v1 =	vsel vm14, v9, v1;
	v4 =	vadd.f32 v18, v29;
	v6 =	vld [tilespmem:$0x1F8F0];
	vm1 =	vgt.f32 v10, v21  }
0x40f: {  	[tilespmem:$0x1F410] =	vst v0;
	v29 =	vmovc v9;
	v9 =	vnsel vm4, $0xFF61B1E6, v11;
	v0 =	vsel vm1, v10, v21;
	v10 =	vmax.f32 v11, $-3.000000010e+38;
	v11 =	vld [tilespmem:$0x1F1C0]  }
0x410: {  	v21 =	vld [tilespmem:$0x1F1D0];
	_ =	sdelay $0x4  }
0x411: {  	v2 =	vpsel !p5, $0xFF61B1E6, v5;
	vm6 =	vgt.f32 v4, v0;
	v11 =	vadd.f32 v21, v11  }
0x412: {  	v1 =	vsel vm9, v13, v1;
	[tilespmem:$0x19AF0] =	vst v2;
	v9 =	vsel vm1, v14, v9;
	v0 =	vsel vm6, v4, v0  }
0x413: {  	v10 =	vmax.f32 v10, v14;
	v14 =	vsel vm6, v18, v9;
	v5 =	vld.idx.msk [tilespmem:v6+s16+$0x0], $0xffff;
	vm9 =	vgt.f32 v11, v0  }
0x414: {  	v4 =	vsel vm9, v21, v14;
	v14 =	vld [tilespmem:$0x1F1E0];
	_ =	sdelay $0x1  }
0x415: {  	s30 =	sld [smem:$0x7EF];
	v18 =	vmax.f32 v10, v18  }
0x416: {  	v9 =	vmax.f32 v18, v21;
	v18 =	vld [tilespmem:$0x1F1F0]  }
0x417: {  	v21 =	vld [tilespmem:$0x1F200];
	v5 =	vshll.u32 v5, $0x7  }
0x418: {  	p6 =	seq.s32 s30, $0x1;
	v5 =	vadd.s32 $0x12000, v5;
	v10 =	vadd.f32 v19, v14  }
0x419: {  	v0 =	vsel vm9, v11, v0;
	v5 =	vpsel !p6, $0x12000, v5  }
0x41a: {  	v1 =	vsel vm11, v46, v1;
	v5 =	vor.u32 v22, v5;
	vm0 =	vgt.f32 v10, v0  }
0x41b: {  	v1 =	vsel vm10, v40, v1;
	v11 =	vadd.f32 v62, v18;
	v0 =	vsel vm0, v10, v0;
	v10 =	vld.idx.msk [tilespmem:v6+s17+$0x0], $0xffff  }
0x41c: {  	v1 =	vsel vm12, v48, v1;
	v14 =	vadd.f32 v57, v21;
	v21 =	vld [tilespmem:$0x1F210]  }
0x41d: {  	v9 =	vmax.f32 v9, v19;
	v4 =	vsel vm0, v19, v4;
	vm11 =	vgt.f32 v11, v0  }
0x41e: {  	v1 =	vsel vm5, v8, v1;
	v9 =	vmax.f32 v9, v62;
	v4 =	vsel vm11, v62, v4;
	v62 =	vld [tilespmem:$0x1F220]  }
0x41f: {  	v1 =	vsel vm15, v12, v1;
	v9 =	vmax.f32 v9, v57;
	v5 =	vld.idx.msk [tilespmem:v5+s4+$0x0], $0xffff  }
0x420: {  	v9 =	vmax.f32 v9, v55;
	v0 =	vsel vm11, v11, v0;
	v10 =	vsub.f32 $1.000000000e+00, v10  }
0x421: {  	v11 =	vadd.f32 v55, v21;
	v21 =	vmax.f32 v24, $-3.000000010e+38;
	vm12 =	vgt.f32 v14, v0  }
0x422: {  	v19 =	vmax.f32 v21, v50;
	v0 =	vsel vm12, v14, v0;
	v10 =	vmul.f32 $1.000000000e+05, v10  }
0x423: {  	v4 =	vsel vm12, v57, v4;
	vm14 =	vgt.f32 v11, v0;
	v14 =	vadd.f32 v52, v62;
	v62 =	vmovc v12;
	v12 =	vld [tilespmem:$0x1F230]  }
0x424: {  	v4 =	vsel vm14, v55, v4;
	v55 =	vsub.f32 v5, v10;
	v10 =	vmax.f32 v19, v60;
	v19 =	vld.idx.msk [tilespmem:v6+s18+$0x0], $0xffff  }
0x425: {  	v6 =	vld [tilespmem:$0x1F930];
	_ =	sdelay $0x1  }
0x426: {  	v21 =	vld [tilespmem:$0x1F240];
	v0 =	vsel vm14, v11, v0  }
0x427: {  	v9 =	vmax.f32 v9, v52;
	v18 =	vld [tilespmem:$0x1F260];
	vm15 =	vgt.f32 v14, v0;
	v5 =	vmax.f32 v10, v63  }
0x428: {  	v11 =	vsel vm15, v14, v0;
	v5 =	vmax.f32 v5, v51;
	v14 =	vadd.f32 v33, v12;
	v12 =	vld [tilespmem:$0x1F250]  }
0x429: {  	v1 =	vsel vm7, v39, v1;
	v9 =	vmax.f32 v9, v33;
	v5 =	vmax.f32 v5, v53  }
0x42a: {  	v4 =	vsel vm15, v52, v4;
	v0 =	vpsel !p6, $0xFF61B1E6, v55;
	v5 =	vmax.f32 v5, v31  }
0x42b: {  	v52 =	vadd.f32 v20, v21;
	[tilespmem:$0x19B30] =	vst v0;
	vm7 =	vgt.f32 v14, v11;
	v5 =	vmax.f32 v5, v32  }
0x42c: {  	v10 =	vsel vm7, v14, v11;
	v4 =	vsel vm7, v33, v4;
	v5 =	vmax.f32 v5, v34;
	v55 =	vld.idx.msk [tilespmem:v6+s16+$0x0], $0xffff  }
0x42d: {  	v33 =	vadd.f32 v25, v18;
	v5 =	vmax.f32 v5, v36;
	vm10 =	vnez.u8 v12  }
0x42e: {  	v5 =	vmax.f32 v5, v17;
	v1 =	vsel vm10, v54, v1;
	vm10 =	vgt.f32 v52, v10  }
0x42f: {  	v14 =	vimm.s32 $0x0;
	v12 =	vld [tilespmem:$0x1F270];
	v5 =	vmax.f32 v5, v38;
	v10 =	vsel vm10, v52, v10  }
0x430: {  	v57 =	vmovc v8;
	v8 =	vsel vm10, $0xFFFFFFFF, v14;
	v4 =	vsel vm10, v20, v4;
	vm10 =	vgt.f32 v33, v10  }
0x431: {  	v5 =	vmax.f32 v5, v30;
	v10 =	vsel vm10, v33, v10;
	v33 =	vmovc v30;
	v30 =	vld [tilespmem:$0x1F280];
	v54 =	vshll.u32 v55, $0x7  }
0x432: {  	v9 =	vmax.f32 v9, v20;
	v55 =	vadd.s32 $0x13800, v54  }
0x433: {  	v9 =	vmax.f32 v9, v25;
	v11 =	vpsel !p1, $0x13800, v55;
	v55 =	vld [tilespmem:$0x1F290]  }
0x434: {  	v1 =	vsel vm3, v59, v1;
	v52 =	vimm.s32 $0x0;
	v14 =	vadd.f32 v37, v12  }
0x435: {  	v21 =	vld [tilespmem:$0x1F2A0];
	[tilespmem:$0x1F420] =	vst v8;
	v1 =	vsel vm2, v61, v1;
	v5 =	vmax.f32 v5, v44;
	v8 =	vsel vm10, $0xFFFFFFFF, v52  }
0x436: {  	v4 =	vsel vm10, v25, v4;
	v25 =	vld.idx.msk [tilespmem:v6+s17+$0x0], $0xffff;
	vm2 =	vgt.f32 v14, v10;
	v52 =	vadd.f32 v43, v30  }
0x437: {  	v5 =	vmax.f32 v5, v35;
	v10 =	vsel vm2, v14, v10  }
0x438: {  	v54 =	vnsel vm4, $0x0, v16;
	vm3 =	vgt.f32 v52, v10;
	v12 =	vadd.f32 v26, v55  }
0x439: {  	v30 =	vsel vm1, v42, v54;
	v20 =	vsel vm3, v52, v10;
	v10 =	vmax.f32 v5, v7  }
0x43a: {  	v54 =	vsub.f32 v24, v10;
	v24 =	vadd.f32 v28, v21;
	vm4 =	vgt.f32 v12, v20  }
0x43b: {  	v11 =	vor.u32 v22, v11;
	v52 =	vsub.f32 $1.000000000e+00, v25;
	v12 =	vsel vm4, v12, v20  }
0x43c: {  	vm5 =	vgt.f32 v24, v12  }
0x43d: {  	v25 =	vmul.f32 $1.442695020e+00, v54;
	v54 =	vsel vm5, v24, v12;
	v12 =	vld [tilespmem:$0x1F2B0];
	_ =	sdelay $0x1  }
0x43e: {  	v9 =	vmax.f32 v9, v37;
	v30 =	vsel vm6, v29, v30;
	v18 =	vmul.f32 $1.000000000e+05, v52;
	v52 =	vmovc v29;
	v29 =	vld [tilespmem:$0x1F2C0]  }
0x43f: {  	v9 =	vmax.f32 v9, v43;
	v4 =	vsel vm2, v37, v4;
	v11 =	vld.idx.msk [tilespmem:v11+s4+$0x0], $0xffff  }
0x440: {  	[tilespmem:$0x1F430] =	vst v8;
	v8 =	vmax.f32 v9, v26;
	v9 =	vsel vm9, v13, v30;
	v4 =	vsel vm3, v43, v4  }
0x441: {  	v5 =	vmovc v13;
	v4 =	vsel vm4, v26, v4;
	v26 =	vsub.f32 v50, v10;
	v13 =	vadd.f32 v27, v12  }
0x442: {  	v20 =	vsel vm0, v46, v9  }
0x443: {  	v43 =	vmul.f32 $1.442695020e+00, v26;
	v24 =	vld [tilespmem:$0x1F2D0];
	v30 =	vadd.f32 v23, v29;
	vm0 =	vgt.f32 v13, $-3.000000010e+38  }
0x444: {  	v55 =	vmovc v42;
	(erf) = vpow2.f32 v25;
	v42 =	vsub.f32 v11, v18;
	v50 =	vnsel vm0, $0xFF61B1E6, v13  }
0x445: {  	v9 =	vsel vm5, v28, v4;
	(erf) = vpow2.f32 v43;
	v43 =	vld [tilespmem:$0x1F2E0];
	vm9 =	vgt.f32 v30, v50  }
0x446: {  	v4 =	vpsel !p1, $0xFF61B1E6, v42;
	v42 =	vmax.f32 v27, $-3.000000010e+38;
	v12 =	vsel vm9, v30, v50;
	v30 =	vld [tilespmem:$0x1F970]  }
0x447: {  	v26 =	vnsel vm0, $0xFF61B1E6, v27;
	v27 =	vmax.f32 v42, v23;
	v42 =	vld [tilespmem:$0x1F2F0]  }
0x448: {  	v14 =	vmov v16;
	v16 =	vadd.f32 v56, v24  }
0x449: {  	v19 =	vadd.f32 v0, v19;
	v1 =	vsel vm13, v47, v1;
	v60 =	vsub.f32 v60, v10  }
0x44a: {  	v63 =	vsub.f32 v63, v10;
	v50 =	vadd.f32 v58, v43;
	vm1 =	vgt.f32 v16, v12  }
0x44b: {  	v25 =	vmul.f32 $1.442695020e+00, v60;
	v11 =	vmax.f32 v8, v28;
	v8 =	vld.idx.msk [tilespmem:v6+s18+$0x0], $0xffff;
	v28 =	vsel vm1, v16, v12  }
0x44c: {  	v18 =	vsel vm9, v23, v26;
	v23 =	vld [tilespmem:$0x1F300];
	vm6 =	vgt.f32 v50, v28;
	vm13 =	vnez.u8 v42  }
0x44d: {  	v38 =	vsub.f32 v38, v10;
	[tilespmem:$0x19B70] =	vst v4;
	v12 =	vsel vm13, v49, v1;
	v1 =	vsel vm6, v50, v28;
	v50 =	vld [tilespmem:$0x1F310]  }
0x44e: {  	v60 =	vsub.f32 v34, v10;
	v34 =	vsub.f32 v17, v10;
	(erf) = vpow2.f32 v25;
	v21 =	vld.idx.msk [tilespmem:v30+s16+$0x0], $0xffff  }
0x44f: {  	v29 =	vsel vm11, v40, v20;
	v6 =	vmax.f32 v27, v56;
	v26 =	vmul.f32 $1.442695020e+00, v63  }
0x450: {  	v6 =	vmax.f32 v6, v58;
	v18 =	vsel vm1, v56, v18;
	v16 =	vsel vm12, v48, v29  }
0x451: {  	v56 =	vmovc v40;
	v40 =	vsub.f32 v51, v10;
	(erf) = vpow2.f32 v26;
	v42 =	vsub.f32 v53, v10  }
0x452: {  	v53 =	vsub.f32 v32, v10;
	v32 =	vmul.f32 $1.442695020e+00, v60;
	v16 =	vsel vm14, v57, v16  }
0x453: {  	v37 =	vmovc v7;
	v7 =	vsel vm6, v58, v18;
	v20 =	vadd.f32 v23, v50;
	v43 =	vshll.u32 v21, $0x7  }
0x454: {  	v58 =	vpop (erf);
	v50 =	vsub.f32 v31, v10;
	v18 =	vadd.s32 $0x15000, v43;
	v43 =	vmul.f32 $1.442695020e+00, v40  }
0x455: {  	v51 =	vmul.f32 $1.442695020e+00, v42;
	v63 =	vmul.f32 $1.442695020e+00, v53;
	v21 =	vadd.f32 $0.0e+00, v58  }
0x456: {  	v13 =	vpop (erf);
	v58 =	vmul.f32 $1.442695020e+00, v50;
	v18 =	vpsel !p2, $0x15000, v18;
	(erf) = vpow2.f32 v43  }
0x457: {  	v21 =	vadd.f32 v21, v13;
	v13 =	vsub.f32 v36, v10;
	(erf) = vpow2.f32 v51  }
0x458: {  	v42 =	vmul.f32 $1.442695020e+00, v34;
	v18 =	vor.u32 v22, v18;
	(erf) = vpow2.f32 v58  }
0x459: {  	v31 =	vld.idx.msk [tilespmem:v30+s17+$0x0], $0xffff;
	v43 =	vsub.f32 v33, v10;
	v36 =	vmul.f32 $1.442695020e+00, v13;
	(erf) = vpow2.f32 v63  }
0x45a: {  	v50 =	vmul.f32 $1.442695020e+00, v38;
	v40 =	vld [tilespmem:$0x19810];
	v51 =	vsub.f32 v44, v10;
	(erf) = vpow2.f32 v32  }
0x45b: {  	v44 =	vld [tilespmem:$0x19850];
	v53 =	vmul.f32 $1.442695020e+00, v43;
	v58 =	vsub.f32 v35, v10;
	(erf) = vpow2.f32 v36  }
0x45c: {  	vm10 =	vgt.f32 v20, v1;
	v63 =	vmul.f32 $1.442695020e+00, v51;
	v51 =	vld [tilespmem:$0x19890];
	(erf) = vpow2.f32 v42  }
0x45d: {  	v60 =	vpop (erf);
	v13 =	vsub.f32 v37, v10;
	v37 =	vmul.f32 $1.442695020e+00, v58;
	v58 =	vld [tilespmem:$0x1F330];
	(erf) = vpow2.f32 v50  }
0x45e: {  	v20 =	vsel vm10, v20, v1;
	v21 =	vadd.f32 v21, v60;
	v36 =	vpop (erf);
	v18 =	vld.idx.msk [tilespmem:v18+s4+$0x0], $0xffff;
	(erf) = vpow2.f32 v53  }
0x45f: {  	v31 =	vsub.f32 $1.000000000e+00, v31;
	v38 =	vsub.f32 v40, v3;
	v42 =	vmul.f32 $1.442695020e+00, v13;
	v13 =	vld [tilespmem:$0x1F320];
	v40 =	vpop (erf)  }
0x460: {  	v7 =	vsel vm10, v23, v7;
	v21 =	vadd.f32 v21, v36;
	v53 =	vld [tilespmem:$0x198D0];
	(erf) = vpow2.f32 v63;
	v43 =	vpop (erf)  }
0x461: {  	v31 =	vmul.f32 $1.000000000e+05, v31;
	v28 =	vsub.f32 v51, v3;
	v51 =	vld [tilespmem:$0x19990];
	(erf) = vpow2.f32 v37;
	v32 =	vpop (erf)  }
0x462: {  	v29 =	vsub.f32 v44, v3;
	v50 =	vmul.f32 $1.442695020e+00, v38;
	v63 =	vld [tilespmem:$0x19910];
	v44 =	vadd.f32 v21, v40;
	v33 =	vpop (erf)  }
0x463: {  	v37 =	vmax.f32 v6, v23;
	v18 =	vsub.f32 v18, v31;
	v23 =	vld [tilespmem:$0x1F9B0];
	(erf) = vpow2.f32 v42;
	v36 =	vpop (erf)  }
0x464: {  	v60 =	vadd.f32 v13, v58;
	(erf) = vpow2.f32 v50;
	v50 =	vld [tilespmem:$0x19950];
	v27 =	vadd.f32 v44, v43;
	v21 =	vpop (erf)  }
0x465: {  	v29 =	vmul.f32 $1.442695020e+00, v29;
	v28 =	vmul.f32 $1.442695020e+00, v28;
	v26 =	vsub.f32 v53, v3;
	v53 =	vld [tilespmem:$0x199D0];
	v31 =	vpop (erf)  }
0x466: {  	v6 =	vpsel !p2, $0xFF61B1E6, v18;
	vm12 =	vgt.f32 v60, v20;
	v58 =	vadd.f32 v27, v32;
	v27 =	vld [tilespmem:$0x19A50];
	v35 =	vpop (erf)  }
0x467: {  	v17 =	vsub.f32 v51, v3;
	v20 =	vsel vm12, v60, v20;
	v42 =	vpop (erf);
	(erf) = vpow2.f32 v29;
	v29 =	vld [tilespmem:$0x19A10]  }
0x468: {  	v25 =	vsub.f32 v63, v3;
	v63 =	vld [tilespmem:$0x19A90];
	v7 =	vsel vm12, v13, v7;
	v26 =	vmul.f32 $1.442695020e+00, v26  }
0x469: {  	v34 =	vld [tilespmem:$0x19B50];
	v33 =	vadd.f32 v58, v33;
	v60 =	vsub.f32 v50, v3;
	v32 =	vpop (erf);
	(erf) = vpow2.f32 v28  }
0x46a: {  	v38 =	vld [tilespmem:$0x19AD0];
	v25 =	vmul.f32 $1.442695020e+00, v25;
	v53 =	vsub.f32 v53, v3;
	v43 =	vpop (erf);
	(erf) = vpow2.f32 v26  }
0x46b: {  	v28 =	vld [tilespmem:$0x19B10];
	v33 =	vadd.f32 v33, v36;
	v51 =	vmul.f32 $1.442695020e+00, v60;
	v26 =	vmul.f32 $1.442695020e+00, v17  }
0x46c: {  	v1 =	vld.idx.msk [tilespmem:v30+s18+$0x0], $0xffff;
	v27 =	vsub.f32 v27, v3;
	(erf) = vpow2.f32 v25;
	v29 =	vsub.f32 v29, v3  }
0x46d: {  	[tilespmem:$0x19BB0] =	vst v6;
	v63 =	vsub.f32 v63, v3;
	v18 =	vpop (erf);
	v58 =	vmul.f32 $1.442695020e+00, v53;
	(erf) = vpow2.f32 v51;
	v51 =	vld [tilespmem:$0x19B90]  }
0x46e: {  	v40 =	vld.idx.msk [tilespmem:v23+s16+$0x0], $0xffff;
	v21 =	vadd.f32 v33, v21;
	v50 =	vpop (erf);
	(erf) = vpow2.f32 v26;
	v60 =	vmul.f32 $1.442695020e+00, v29  }
0x46f: {  	v17 =	vmul.f32 $1.442695020e+00, v27;
	v44 =	vadd.f32 $0.0e+00, v50;
	(erf) = vpow2.f32 v58  }
0x470: {  	v50 =	vsub.f32 v38, v3;
	v28 =	vsub.f32 v28, v3;
	(erf) = vpow2.f32 v60;
	v60 =	vld [tilespmem:$0x19BD0]  }
0x471: {  	v21 =	vadd.f32 v21, v31;
	v58 =	vmul.f32 $1.442695020e+00, v63;
	(erf) = vpow2.f32 v17;
	v17 =	vld [tilespmem:$0x19820]  }
0x472: {  	v63 =	vmul.f32 $1.442695020e+00, v50;
	v50 =	vld [tilespmem:$0x19860];
	v28 =	vmul.f32 $1.442695020e+00, v28;
	v53 =	vpop (erf);
	v51 =	vsub.f32 v51, v3  }
0x473: {  	v36 =	vadd.f32 v53, v44;
	v44 =	vsub.f32 v34, v3;
	v53 =	vshll.u32 v40, $0x7  }
0x474: {  	v33 =	vpop (erf);
	(erf) = vpow2.f32 v58;
	v34 =	vmul.f32 $1.442695020e+00, v51;
	v51 =	vmax.f32 v37, v13  }
0x475: {  	v26 =	vadd.f32 v33, v36;
	(erf) = vpow2.f32 v63;
	v29 =	vsub.f32 v60, v3;
	v60 =	vld [tilespmem:$0x1F350]  }
0x476: {  	v25 =	vmul.f32 $1.442695020e+00, v44;
	v36 =	vadd.s32 $0x16800, v53;
	v27 =	vsub.f32 v17, v11;
	v17 =	vld [tilespmem:$0x1F340]  }
0x477: {  	v33 =	vsub.f32 v50, v11;
	(erf) = vpow2.f32 v28;
	v28 =	vpop (erf);
	v36 =	vpsel !p0, $0x16800, v36  }
0x478: {  	v53 =	vld.idx.msk [tilespmem:v23+s17+$0x0], $0xffff;
	(erf) = vpow2.f32 v25;
	v26 =	vadd.f32 v28, v26;
	v58 =	vmul.f32 $1.442695020e+00, v29  }
0x479: {  	v13 =	vld [tilespmem:$0x1F360];
	v38 =	vpop (erf);
	v36 =	vor.u32 v22, v36;
	(erf) = vpow2.f32 v34;
	v27 =	vmul.f32 $1.442695020e+00, v27  }
0x47a: {  	v50 =	vmul.f32 $1.442695020e+00, v33;
	v22 =	vld [tilespmem:$0x1F380];
	v29 =	vpop (erf);
	(erf) = vpow2.f32 v58;
	v58 =	vadd.f32 v38, v26  }
0x47b: {  	v21 =	vadd.f32 v21, v35;
	v40 =	vpop (erf);
	(erf) = vpow2.f32 v27;
	v63 =	vadd.f32 v17, v60;
	v60 =	vld [tilespmem:$0x1F370]  }
0x47c: {  	v25 =	vsel vm15, v62, v16;
	v44 =	vpop (erf);
	(erf) = vpow2.f32 v50;
	v50 =	vld [tilespmem:$0x198A0];
	v16 =	vadd.f32 v29, v58  }
0x47d: {  	v37 =	vmax.f32 v51, v17;
	v51 =	vsub.f32 $1.000000000e+00, v53;
	v53 =	vadd.f32 v21, v42;
	v58 =	vld [tilespmem:$0x1F390]  }
0x47e: {  	v8 =	vadd.f32 v4, v8;
	v12 =	vsel vm8, v45, v12;
	v28 =	vpop (erf);
	v16 =	vadd.f32 v40, v16  }
0x47f: {  	v1 =	vadd.f32 v6, v1;
	v31 =	vpop (erf);
	vm13 =	vgt.f32 v63, v20;
	v29 =	vadd.f32 v53, v32;
	v32 =	vld [tilespmem:$0x19920]  }
0x480: {  	v36 =	vld.idx.msk [tilespmem:v36+s4+$0x0], $0xffff;
	v33 =	vpop (erf);
	v20 =	vsel vm13, v63, v20;
	v16 =	vadd.f32 v44, v16;
	v63 =	vadd.f32 v13, v60  }
0x481: {  	v30 =	vld [tilespmem:$0x198E0];
	v7 =	vsel vm13, v17, v7;
	v34 =	vpop (erf);
	v29 =	vadd.f32 v29, v43;
	v35 =	vsub.f32 v50, v11  }
0x482: {  	v27 =	vpop (erf);
	v60 =	vadd.f32 v22, v58;
	v28 =	vadd.f32 v28, v16;
	vm14 =	vgt.f32 v63, v20  }
0x483: {  	v50 =	vld [tilespmem:$0x19960];
	v21 =	vpop (erf);
	v35 =	vmul.f32 $1.442695020e+00, v35;
	v26 =	vsel vm14, v63, v20;
	v63 =	vmul.f32 $1.000000000e+05, v51  }
0x484: {  	v32 =	vsub.f32 v32, v11;
	v7 =	vsel vm14, v13, v7;
	v20 =	vpop (erf);
	v51 =	vld [tilespmem:$0x199A0];
	v28 =	vadd.f32 v31, v28  }
0x485: {  	v58 =	vld [tilespmem:$0x199E0];
	v13 =	vmax.f32 v37, v13;
	v17 =	vpop (erf);
	vm15 =	vgt.f32 v60, v26;
	v36 =	vsub.f32 v36, v63  }
0x486: {  	v24 =	vpop (erf);
	v38 =	vsel vm15, v60, v26;
	v60 =	vsub.f32 v30, v11;
	v63 =	vld [tilespmem:$0x19A20];
	v28 =	vadd.f32 v33, v28  }
0x487: {  	v13 =	vmax.f32 v13, v22;
	(erf) = vpow2.f32 v35;
	v35 =	vld [tilespmem:$0x19A60];
	v37 =	vadd.f32 $0.0e+00, v24  }
0x488: {  	v50 =	vsub.f32 v50, v11;
	v53 =	vpop (erf);
	v24 =	vld [tilespmem:$0x1F3A0];
	v16 =	vmul.f32 $1.442695020e+00, v60;
	v28 =	vadd.f32 v34, v28  }
0x489: {  	v32 =	vmul.f32 $1.442695020e+00, v32;
	v26 =	vadd.f32 v53, v37;
	v40 =	vsub.f32 v51, v11  }
0x48a: {  	v51 =	vmul.f32 $1.442695020e+00, v50;
	v53 =	vsub.f32 v58, v11;
	v58 =	vld [tilespmem:$0x19AA0];
	(erf) = vpow2.f32 v16  }
0x48b: {  	v50 =	vld [tilespmem:$0x19B20];
	v16 =	vpsel !p0, $0xFF61B1E6, v36;
	v27 =	vadd.f32 v27, v28;
	(erf) = vpow2.f32 v32  }
0x48c: {  	v60 =	vmul.f32 $1.442695020e+00, v40;
	v30 =	vsub.f32 v63, v11;
	v63 =	vld [tilespmem:$0x19AE0];
	v44 =	vmul.f32 $1.442695020e+00, v53  }
0x48d: {  	v35 =	vsub.f32 v35, v11;
	v32 =	vld [tilespmem:$0x19B60];
	v13 =	vmax.f32 v13, v24;
	(erf) = vpow2.f32 v51  }
0x48e: {  	v53 =	vld [tilespmem:$0x19BA0];
	v21 =	vadd.f32 v21, v27;
	v13 =	vmax.f32 v13, v41;
	(erf) = vpow2.f32 v60  }
0x48f: {  	v30 =	vmul.f32 $1.442695020e+00, v30;
	v51 =	vmul.f32 $1.442695020e+00, v35;
	v13 =	vmax.f32 v13, v2  }
0x490: {  	v60 =	vld [tilespmem:$0x19BE0];
	(erf) = vpow2.f32 v44;
	v58 =	vsub.f32 v58, v11;
	v44 =	vsub.f32 v50, v11  }
0x491: {  	v13 =	vmax.f32 v13, v0;
	(erf) = vpow2.f32 v30;
	v40 =	vsub.f32 v63, v11;
	v63 =	vld [tilespmem:$0x19830]  }
0x492: {  	v13 =	vmax.f32 v13, v4;
	(erf) = vpow2.f32 v51;
	v30 =	vmul.f32 $1.442695020e+00, v58  }
0x493: {  	v32 =	vsub.f32 v32, v11;
	v35 =	vsub.f32 v53, v11;
	v13 =	vmax.f32 v13, v6  }
0x494: {  	v36 =	vld [tilespmem:$0x19870];
	v51 =	vmul.f32 $1.442695020e+00, v44;
	v13 =	vmax.f32 v13, v16;
	v50 =	vmul.f32 $1.442695020e+00, v40  }
0x495: {  	(erf) = vpow2.f32 v30;
	v53 =	vsub.f32 v60, v11;
	v60 =	vmul.f32 $1.442695020e+00, v35;
	v35 =	vld [tilespmem:$0x198F0]  }
0x496: {  	v42 =	vld [tilespmem:$0x198B0];
	v32 =	vmul.f32 $1.442695020e+00, v32;
	v58 =	vpop (erf);
	(erf) = vpow2.f32 v50;
	v63 =	vsub.f32 v63, v13  }
0x497: {  	v44 =	vpop (erf);
	v50 =	vmul.f32 $1.442695020e+00, v53;
	(erf) = vpow2.f32 v51;
	v51 =	vadd.f32 v58, v26  }
0x498: {  	v20 =	vadd.f32 v20, v21;
	v40 =	vpop (erf);
	(erf) = vpow2.f32 v32;
	v53 =	vmul.f32 $1.442695020e+00, v63;
	v63 =	vld [tilespmem:$0x19930]  }
0x499: {  	v58 =	vpop (erf);
	(erf) = vpow2.f32 v60;
	v60 =	vsub.f32 v36, v13;
	v31 =	vadd.f32 v44, v51;
	v44 =	vld [tilespmem:$0x199F0]  }
0x49a: {  	v26 =	vadd.f32 v29, v18;
	v32 =	vpop (erf);
	v35 =	vsub.f32 v35, v13;
	(erf) = vpow2.f32 v50;
	v50 =	vld [tilespmem:$0x1F3B0]  }
0x49b: {  	v33 =	vpop (erf);
	v51 =	vsub.f32 v42, v13;
	(erf) = vpow2.f32 v53;
	v18 =	vmul.f32 $1.442695020e+00, v60;
	v53 =	vld [tilespmem:$0x19970]  }
0x49c: {  	v7 =	vsel vm15, v22, v7;
	v42 =	vpop (erf);
	v31 =	vadd.f32 v40, v31;
	v60 =	vmul.f32 $1.442695020e+00, v35;
	v35 =	vld [tilespmem:$0x199B0]  }
0x49d: {  	v17 =	vadd.f32 v17, v20;
	v40 =	vpop (erf);
	v37 =	vmul.f32 $1.442695020e+00, v51;
	(erf) = vpow2.f32 v18  }
0x49e: {  	v43 =	vpop (erf);
	v18 =	vsel vm7, v39, v25;
	v58 =	vadd.f32 v58, v31;
	v30 =	vsub.f32 v63, v13  }
0x49f: {  	(erf) = vpow2.f32 v37;
	v34 =	vsub.f32 v44, v13;
	v36 =	vadd.f32 v24, v50;
	v29 =	vpop (erf)  }
0x4a0: {  	v25 =	vadd.f32 v32, v58;
	v50 =	vld [tilespmem:$0x1F3C0];
	v28 =	vpop (erf);
	(erf) = vpow2.f32 v60;
	v30 =	vmul.f32 $1.442695020e+00, v30  }
0x4a1: {  	v58 =	vld [tilespmem:$0x19A30];
	v63 =	vsub.f32 v53, v13;
	v60 =	vnsel vm0, $0x0, v14;
	v35 =	vsub.f32 v35, v13  }
0x4a2: {  	v14 =	vld [tilespmem:$0x19A70];
	v34 =	vmul.f32 $1.442695020e+00, v34;
	vm7 =	vgt.f32 v36, v38;
	v32 =	vpop (erf);
	v25 =	vadd.f32 v33, v25  }
0x4a3: {  	v44 =	vld [tilespmem:$0x19AB0];
	v33 =	vsel vm9, v55, v60;
	v37 =	vpop (erf);
	(erf) = vpow2.f32 v30;
	v53 =	vmul.f32 $1.442695020e+00, v63  }
0x4a4: {  	v36 =	vsel vm7, v36, v38;
	v7 =	vsel vm7, v24, v7;
	v35 =	vmul.f32 $1.442695020e+00, v35;
	v27 =	vpop (erf)  }
0x4a5: {  	v25 =	vadd.f32 v42, v25;
	v51 =	vadd.f32 v41, v50;
	v63 =	vpop (erf);
	(erf) = vpow2.f32 v53  }
0x4a6: {  	v22 =	vmovc v39;
	v33 =	vsel vm1, v52, v33;
	v31 =	vsub.f32 v58, v13;
	v39 =	vadd.f32 $0.0e+00, v63  }
0x4a7: {  	v25 =	vadd.f32 v40, v25;
	(erf) = vpow2.f32 v35;
	v30 =	vsub.f32 v14, v13;
	v42 =	vpop (erf)  }
0x4a8: {  	v58 =	vld [tilespmem:$0x19AF0];
	v63 =	vsub.f32 v44, v13;
	vm0 =	vgt.f32 v51, v36;
	v21 =	vadd.f32 v42, v39  }
0x4a9: {  	v31 =	vmul.f32 $1.442695020e+00, v31;
	v36 =	vsel vm0, v51, v36;
	v50 =	vpop (erf);
	v7 =	vsel vm0, v41, v7  }
0x4aa: {  	v14 =	vld [tilespmem:$0x19B30];
	v51 =	vadd.f32 v2, v15;
	v21 =	vadd.f32 v50, v21;
	v53 =	vpop (erf);
	(erf) = vpow2.f32 v34  }
0x4ab: {  	v40 =	vld [tilespmem:$0x19B70];
	v30 =	vmul.f32 $1.442695020e+00, v30;
	v25 =	vadd.f32 v43, v25;
	v39 =	vmul.f32 $1.442695020e+00, v63  }
0x4ac: {  	vm8 =	vgt.f32 v51, v36;
	v21 =	vadd.f32 v53, v21;
	v60 =	vpop (erf);
	(erf) = vpow2.f32 v31  }
0x4ad: {  	v34 =	vsub.f32 v58, v13;
	v44 =	vadd.f32 v29, v25;
	v24 =	vsel vm8, v51, v36  }
0x4ae: {  	v41 =	vld [tilespmem:$0x19BB0];
	v7 =	vsel vm8, v2, v7;
	v21 =	vadd.f32 v60, v21;
	v36 =	vpop (erf);
	(erf) = vpow2.f32 v30  }
0x4af: {  	v43 =	vsub.f32 v14, v13;
	vm1 =	vgt.f32 v19, v24;
	v34 =	vmul.f32 $1.442695020e+00, v34  }
0x4b0: {  	v23 =	vld.idx.msk [tilespmem:v23+s18+$0x0], $0xffff;
	[tilespmem:$0x19BF0] =	vst v16;
	v31 =	vsub.f32 v40, v13;
	(erf) = vpow2.f32 v39;
	v21 =	vadd.f32 v36, v21  }
0x4b1: {  	v50 =	vld [tilespmem:$0x19BF0];
	v35 =	vadd.f32 v28, v44;
	v19 =	vsel vm1, v19, v24;
	v52 =	vmul.f32 $1.442695020e+00, v43;
	v42 =	vpop (erf)  }
0x4b2: {  	v0 =	vsel vm1, v0, v7;
	(erf) = vpow2.f32 v34;
	v20 =	vadd.f32 v42, v21  }
0x4b3: {  	[tilespmem:$0x19C20] =	vst v10;
	v63 =	vsub.f32 v41, v13;
	v60 =	vmul.f32 $1.442695020e+00, v31;
	v31 =	vsel vm6, v5, v33;
	v51 =	vpop (erf)  }
0x4b4: {  	[tilespmem:$0x19C60] =	vst v3;
	vm6 =	vgt.f32 v8, v19;
	(erf) = vpow2.f32 v52;
	v53 =	vadd.f32 v51, v20  }
0x4b5: {  	[tilespmem:$0x19D10] =	vst v12;
	v55 =	vld [tilespmem:$0x1F3D0];
	v41 =	vadd.f32 v32, v35;
	v43 =	vsel vm10, v46, v31;
	v34 =	vmul.f32 $1.442695020e+00, v63;
	v58 =	vpop (erf)  }
0x4b6: {  	[tilespmem:$0x19C80] =	vst v54;
	v40 =	vld [tilespmem:$0x1F400];
	v21 =	vsub.f32 v50, v13;
	(erf) = vpow2.f32 v60;
	v7 =	vadd.f32 v58, v53  }
0x4b7: {  	[tilespmem:$0x19C90] =	vst v9;
	v30 =	vld [tilespmem:$0x1F3E0];
	v8 =	vsel vm6, v8, v19;
	v0 =	vsel vm6, v4, v0;
	v2 =	vsel vm12, v56, v43;
	v33 =	vpop (erf)  }
0x4b8: {  	[tilespmem:$0x19CA0] =	vst v11;
	v50 =	vld [tilespmem:$0x1FD10];
	v39 =	vmul.f32 $1.442695020e+00, v21;
	(erf) = vpow2.f32 v34;
	v7 =	vadd.f32 v33, v7  }
0x4b9: {  	[tilespmem:$0x19C70] =	vst v17;
	vm9 =	vgt.f32 v1, v8;
	v44 =	vadd.f32 v37, v41;
	v2 =	vsel vm13, v48, v2;
	v51 =	vld [tilespmem:$0x1F420];
	v38 =	vpop (erf)  }
0x4ba: {  	[tilespmem:$0x19CE0] =	vst v13;
	v2 =	vsel vm14, v57, v2;
	v53 =	vld [tilespmem:$0x1F430];
	(erf) = vpow2.f32 v39;
	v7 =	vadd.f32 v38, v7  }
0x4bb: {  	[tilespmem:$0x19C30] =	vst v26;
	v36 =	vld [tilespmem:$0x1F3F0];
	v1 =	vsel vm9, v1, v8;
	v2 =	vsel vm15, v62, v2;
	v58 =	vadd.f32 v16, v23;
	v46 =	vpop (erf)  }
0x4bc: {  	[tilespmem:$0x19C00] =	vst v55;
	v0 =	vsel vm9, v6, v0;
	v42 =	vld [tilespmem:$0x1F410];
	v2 =	vsel vm7, v22, v2;
	v4 =	vadd.f32 v46, v7  }
0x4bd: {  	[tilespmem:$0x19C40] =	vst v40;
	v3 =	vadd.f32 v27, v44;
	v2 =	vsel vm0, v50, v2;
	vm15 =	vgt.f32 v58, v1;
	v55 =	vpop (erf)  }
0x4be: {  	[tilespmem:$0x19C10] =	vst v30;
	v2 =	vsel vm8, v59, v2;
	vm10 =	vnez.u8 v51;
	v4 =	vadd.f32 v55, v4  }
0x4bf: {  	[tilespmem:$0x19CB0] =	vst v3;
	v1 =	vsel vm15, v58, v1;
	v52 =	vsel vm10, v50, v18;
	vm12 =	vnez.u8 v53;
	v57 =	vpop (erf)  }
0x4c0: {  	[tilespmem:$0x19D00] =	vst v36;
	v2 =	vsel vm1, v61, v2;
	v6 =	vsel vm12, v59, v52;
	v4 =	vadd.f32 v57, v4  }
0x4c1: {  	[tilespmem:$0x19C50] =	vst v42;
	v0 =	vsel vm15, v16, v0;
	v63 =	vsel vm6, v47, v2;
	v56 =	vsel vm2, v61, v6;
	v60 =	vpop (erf)  }
0x4c2: {  	[tilespmem:$0x19CD0] =	vst v0;
	v0 =	vsel vm9, v49, v63;
	v5 =	vsel vm3, v47, v56;
	v3 =	vadd.f32 v60, v4  }
0x4c3: {  	[tilespmem:$0x19CC0] =	vst v1;
	v0 =	vsel vm15, v45, v0;
	v5 =	vsel vm4, v49, v5;
	v62 =	vpop (erf)  }
0x4c4: {  	[tilespmem:$0x19D30] =	vst v0;
	v5 =	vsel vm5, v45, v5;
	v1 =	vadd.f32 v62, v3  }
0x4c5: {  	[tilespmem:$0x19D20] =	vst v5  }
0x4c6: {  	[tilespmem:$0x19CF0] =	vst v1  }
0x4c7: {  	[spmem:s11] =	stream.linear.scatter [tilespmem:s19], [sflag:$0x3], $0x100, $0x38;
	[tilespmem:$0x1B3C0] =	vst v63  }
0x4c8: {  	_ =	swait.ge [sflag:s20], $0x100  }
0x4c9: {  	[sflag:s20] =	ssyncset.done $0x0  }
0x4ca: {  	[sflag:s20] =	ssyncadd.s32 $0xFFFFFF00  }
0x4cb: {  	[spmem:s12] =	stream.linear.scatter [tilespmem:s21], [sflag:$0x3], $0x40, $0x38;
	[tilespmem:$0x1B3C0] =	vst v63  }
0x4cc: {  	_ =	swait.ge [sflag:s20], $0x40  }
0x4cd: {  	[sflag:s20] =	ssyncset.done $0x0  }
0x4ce: {  	[sflag:s20] =	ssyncadd.s32 $0xFFFFFFC0  }
0x4cf: {  	[bflag:$0x0] =	sbarrier.arrive $0xFFFF  }
0x4d0: {  	s31 =	sld [smem:$0x7FD];
	_ =	sdelay $0x2  }
0x4d1: {  	p0 =	seq.s32 s31, $0x1  }
.Ltmp2:
0x4d2: {  	_ = 	snop;
	(pc) =	sbr.rel @p0 .LBB2_3-.Ltmp2, $1  }
0x4d3: {  	_ =	sdelay $0x3  }
0x4d4: {  	[tilespmem:s22], [sflag:$0x3] =	stream.linear.gather [spmem:s1], $0x1000, $0x38;
	[tilespmem:$0x1B3C0] =	vst v63  }
0x4d5: {  	_ =	swait.ge [sflag:s20], $0x1000  }
0x4d6: {  	[sflag:s20] =	ssyncset.done $0x0  }
0x4d7: {  	[sflag:s20] =	ssyncadd.s32 $0xFFFFF000  }
0x4d8: {  	[tilespmem:s23], [sflag:$0x3] =	stream.linear.gather [spmem:s3], $0x400, $0x38;
	[tilespmem:$0x1B3C0] =	vst v63  }
0x4d9: {  	_ =	swait.ge [sflag:s20], $0x400  }
0x4da: {  	v0 =	vld [tilespmem:$0x1FEA0]  }
0x4db: {  	v50 =	vld [tilespmem:$0x1FA20]  }
0x4dc: {  	v51 =	vld [tilespmem:$0x1FA70]  }
0x4dd: {  	v52 =	vld [tilespmem:$0x1FAC0]  }
0x4de: {  	v53 =	vld [tilespmem:$0x1FB10]  }
0x4df: {  	v6 =	vld [tilespmem:$0x1FB60]  }
0x4e0: {  	v7 =	vld [tilespmem:$0x1FBB0]  }
0x4e1: {  	v8 =	vld [tilespmem:$0x1FC00]  }
0x4e2: {  	v9 =	vld [tilespmem:$0x1FC60]  }
0x4e3: {  	v10 =	vld [tilespmem:$0x1FCD0]  }
0x4e4: {  	v11 =	vld [tilespmem:$0x1FD50]  }
0x4e5: {  	v12 =	vld [tilespmem:$0x1FDB0]  }
0x4e6: {  	v13 =	vld [tilespmem:$0x1FE10]  }
0x4e7: {  	v14 =	vld [tilespmem:$0x1FF00]  }
0x4e8: {  	[sflag:s20] =	ssyncset.done $0x0;
	v15 =	vld [tilespmem:$0x1FF80]  }
0x4e9: {  	v16 =	vld [tilespmem:$0x1FFB0];
	[sflag:s20] =	ssyncadd.s32 $0xFFFFFC00  }
0x4ea: {  	v1 =	vld.idx.msk [tilespmem:v0+s22+$0x0], $0xffff  }
0x4eb: {  	v2 =	vld.idx.msk [tilespmem:v50+s22+$0x0], $0xffff  }
0x4ec: {  	v3 =	vld.idx.msk [tilespmem:v51+s22+$0x0], $0xffff  }
0x4ed: {  	v4 =	vld.idx.msk [tilespmem:v52+s22+$0x0], $0xffff  }
0x4ee: {  	v5 =	vld.idx.msk [tilespmem:v53+s22+$0x0], $0xffff  }
0x4ef: {  	v6 =	vld.idx.msk [tilespmem:v6+s22+$0x0], $0xffff;
	v54 =	vmax.f32 v1, $-3.000000010e+38  }
0x4f0: {  	v7 =	vld.idx.msk [tilespmem:v7+s22+$0x0], $0xffff;
	v0 =	vmax.f32 v54, v2  }
0x4f1: {  	v8 =	vld.idx.msk [tilespmem:v8+s22+$0x0], $0xffff;
	v0 =	vmax.f32 v0, v3  }
0x4f2: {  	v9 =	vld.idx.msk [tilespmem:v9+s22+$0x0], $0xffff;
	v0 =	vmax.f32 v0, v4  }
0x4f3: {  	v10 =	vld.idx.msk [tilespmem:v10+s22+$0x0], $0xffff;
	v0 =	vmax.f32 v0, v5  }
0x4f4: {  	v11 =	vld.idx.msk [tilespmem:v11+s22+$0x0], $0xffff;
	v0 =	vmax.f32 v0, v6  }
0x4f5: {  	v12 =	vld.idx.msk [tilespmem:v12+s22+$0x0], $0xffff;
	v0 =	vmax.f32 v0, v7  }
0x4f6: {  	v13 =	vld.idx.msk [tilespmem:v13+s22+$0x0], $0xffff;
	v0 =	vmax.f32 v0, v8  }
0x4f7: {  	v14 =	vld.idx.msk [tilespmem:v14+s22+$0x0], $0xffff;
	v0 =	vmax.f32 v0, v9  }
0x4f8: {  	v15 =	vld.idx.msk [tilespmem:v15+s22+$0x0], $0xffff;
	v0 =	vmax.f32 v0, v10  }
0x4f9: {  	v16 =	vld.idx.msk [tilespmem:v16+s22+$0x0], $0xffff;
	v0 =	vmax.f32 v0, v11  }
0x4fa: {  	v0 =	vmax.f32 v0, v12  }
0x4fb: {  	v0 =	vmax.f32 v0, v13  }
0x4fc: {  	v0 =	vmax.f32 v0, v14  }
0x4fd: {  	v0 =	vmax.f32 v0, v15  }
0x4fe: {  	v0 =	vmax.f32 v0, v16  }
0x4ff: {  	v1 =	vsub.f32 v1, v0  }
0x500: {  	v2 =	vsub.f32 v2, v0  }
0x501: {  	v1 =	vmul.f32 $1.442695020e+00, v1  }
0x502: {  	v55 =	vmul.f32 $1.442695020e+00, v2  }
0x503: {  	(erf) = vpow2.f32 v1  }
0x504: {  	v60 =	vld [tilespmem:$0x1FEB0];
	v56 =	vsub.f32 v3, v0;
	(erf) = vpow2.f32 v55  }
0x505: {  	v17 =	vld [tilespmem:$0x1FA80];
	v58 =	vsub.f32 v4, v0  }
0x506: {  	v21 =	vld [tilespmem:$0x1FAD0];
	v57 =	vmul.f32 $1.442695020e+00, v56  }
0x507: {  	v59 =	vmul.f32 $1.442695020e+00, v58  }
0x508: {  	v62 =	vld [tilespmem:$0x1FA30];
	v61 =	vsub.f32 v5, v0;
	(erf) = vpow2.f32 v57  }
0x509: {  	v63 =	vsub.f32 v6, v0;
	(erf) = vpow2.f32 v59  }
0x50a: {  	v3 =	vmul.f32 $1.442695020e+00, v61  }
0x50b: {  	v28 =	vld [tilespmem:$0x1FB20];
	v19 =	vmul.f32 $1.442695020e+00, v63  }
0x50c: {  	v2 =	vld.idx.msk [tilespmem:v60+s22+$0x0], $0xffff;
	v18 =	vpop (erf);
	(erf) = vpow2.f32 v3  }
0x50d: {  	v5 =	vld.idx.msk [tilespmem:v17+s22+$0x0], $0xffff;
	v20 =	vsub.f32 v7, v0;
	v22 =	vpop (erf);
	(erf) = vpow2.f32 v19  }
0x50e: {  	v6 =	vld.idx.msk [tilespmem:v21+s22+$0x0], $0xffff;
	v24 =	vsub.f32 v8, v0;
	v27 =	vsub.f32 v9, v0  }
0x50f: {  	v33 =	vld [tilespmem:$0x1FB70];
	v32 =	vsub.f32 v10, v0;
	v23 =	vmul.f32 $1.442695020e+00, v20  }
0x510: {  	v26 =	vmul.f32 $1.442695020e+00, v24;
	v31 =	vmul.f32 $1.442695020e+00, v27;
	v1 =	vld.idx.msk [tilespmem:v62+s22+$0x0], $0xffff  }
0x511: {  	v34 =	vmul.f32 $1.442695020e+00, v32;
	v2 =	vmul.f32 v18, v2;
	v25 =	vpop (erf)  }
0x512: {  	v35 =	vld [tilespmem:$0x1FBC0];
	v37 =	vsub.f32 v11, v0;
	(erf) = vpow2.f32 v23;
	v29 =	vmul.f32 v25, v5;
	v30 =	vpop (erf)  }
0x513: {  	v53 =	vld [tilespmem:$0x1FD60];
	(erf) = vpow2.f32 v26;
	v5 =	vmul.f32 v30, v6  }
0x514: {  	v38 =	vld [tilespmem:$0x1FC10];
	(erf) = vpow2.f32 v31;
	v6 =	vmul.f32 $1.442695020e+00, v37  }
0x515: {  	v42 =	vld [tilespmem:$0x1FC70];
	v1 =	vmul.f32 v22, v1;
	v2 =	vadd.f32 $0.0e+00, v2;
	v36 =	vpop (erf);
	(erf) = vpow2.f32 v34  }
0x516: {  	v8 =	vld.idx.msk [tilespmem:v28+s22+$0x0], $0xffff;
	v39 =	vpop (erf);
	(erf) = vpow2.f32 v6  }
0x517: {  	v46 =	vld [tilespmem:$0x1FCE0];
	v1 =	vadd.f32 v2, v1  }
0x518: {  	v7 =	vld.idx.msk [tilespmem:v33+s22+$0x0], $0xffff  }
0x519: {  	v58 =	vld [tilespmem:$0x1FDC0];
	v1 =	vadd.f32 v1, v29  }
0x51a: {  	v3 =	vld.idx.msk [tilespmem:v35+s22+$0x0], $0xffff  }
0x51b: {  	v40 =	vsub.f32 v12, v0;
	v1 =	vadd.f32 v1, v5;
	v4 =	vmul.f32 v36, v8;
	v8 =	vld.idx.msk [tilespmem:v53+s22+$0x0], $0xffff;
	v43 =	vpop (erf)  }
0x51c: {  	v45 =	vsub.f32 v13, v0;
	v2 =	vld.idx.msk [tilespmem:v38+s22+$0x0], $0xffff;
	v47 =	vpop (erf)  }
0x51d: {  	v44 =	vmul.f32 $1.442695020e+00, v40;
	v60 =	vld [tilespmem:$0x1FE20];
	v41 =	vmul.f32 v39, v7;
	v1 =	vadd.f32 v1, v4;
	v50 =	vpop (erf)  }
0x51e: {  	v49 =	vsub.f32 v14, v0;
	v48 =	vmul.f32 $1.442695020e+00, v45;
	v5 =	vld.idx.msk [tilespmem:v42+s22+$0x0], $0xffff;
	v55 =	vpop (erf)  }
0x51f: {  	(erf) = vpow2.f32 v44;
	v3 =	vmul.f32 v43, v3;
	v4 =	vld.idx.msk [tilespmem:v46+s22+$0x0], $0xffff;
	v1 =	vadd.f32 v1, v41;
	v61 =	vpop (erf)  }
0x520: {  	v52 =	vsub.f32 v15, v0;
	v51 =	vmul.f32 $1.442695020e+00, v49;
	v62 =	vmul.f32 v61, v8;
	v8 =	vld [tilespmem:$0x1FF10]  }
0x521: {  	(erf) = vpow2.f32 v48;
	v2 =	vmul.f32 v47, v2;
	v1 =	vadd.f32 v1, v3  }
0x522: {  	v10 =	vld [tilespmem:$0x1FF90];
	v56 =	vmul.f32 $1.442695020e+00, v52;
	v57 =	vsub.f32 v16, v0  }
0x523: {  	v13 =	vld [tilespmem:$0x1FFE0];
	v54 =	vmul.f32 v50, v5;
	v1 =	vadd.f32 v1, v2;
	(erf) = vpow2.f32 v51  }
0x524: {  	v59 =	vmul.f32 $1.442695020e+00, v57;
	v7 =	vld.idx.msk [tilespmem:v58+s22+$0x0], $0xffff  }
0x525: {  	v21 =	vld [tilespmem:$0x1FE80];
	v3 =	vmul.f32 v55, v4;
	(erf) = vpow2.f32 v56;
	v1 =	vadd.f32 v1, v54  }
0x526: {  	v4 =	vld.idx.msk [tilespmem:v60+s22+$0x0], $0xffff  }
0x527: {  	v28 =	vld [tilespmem:$0x1FA50];
	(erf) = vpow2.f32 v59;
	v1 =	vadd.f32 v1, v3  }
0x528: {  	v63 =	vpop (erf);
	v5 =	vld.idx.msk [tilespmem:v8+s22+$0x0], $0xffff  }
0x529: {  	v33 =	vld [tilespmem:$0x1FAE0];
	v2 =	vmul.f32 v63, v7;
	v1 =	vadd.f32 v1, v62  }
0x52a: {  	v6 =	vld.idx.msk [tilespmem:v10+s22+$0x0], $0xffff;
	v9 =	vpop (erf)  }
0x52b: {  	v24 =	vld [tilespmem:$0x1FA00];
	v11 =	vmul.f32 v9, v4;
	v1 =	vadd.f32 v1, v2  }
0x52c: {  	v4 =	vld.idx.msk [tilespmem:v13+s22+$0x0], $0xffff;
	v12 =	vpop (erf)  }
0x52d: {  	v32 =	vld [tilespmem:$0x1FAB0];
	v1 =	vadd.f32 v1, v11;
	v14 =	vmul.f32 v12, v5  }
0x52e: {  	v40 =	vld [tilespmem:$0x1FC90];
	v15 =	vpop (erf)  }
0x52f: {  	v45 =	vld [tilespmem:$0x1FDA0];
	v16 =	vmul.f32 v15, v6;
	v1 =	vadd.f32 v1, v14  }
0x530: {  	v49 =	vld [tilespmem:$0x1FE00];
	v17 =	vpop (erf)  }
0x531: {  	v52 =	vld [tilespmem:$0x1FF60];
	v18 =	vmul.f32 v17, v4;
	v1 =	vadd.f32 v1, v16  }
0x532: {  	v57 =	vld [tilespmem:$0x1FF20]  }
0x533: {  	v22 =	vld [tilespmem:$0x1FE90];
	v1 =	vadd.f32 v1, v18  }
0x534: {  	v23 =	vld [tilespmem:$0x1FEC0]  }
0x535: {  	v25 =	vld [tilespmem:$0x1FA10];
	v2 =	vshra.s32 v1, $0x17  }
0x536: {  	v26 =	vld [tilespmem:$0x1FA40];
	v2 =	vadd.s32 $0xFFFFFF81, v2  }
0x537: {  	v30 =	vld [tilespmem:$0x1FA90];
	v2 =	vcvt.s32.f32 v2  }
0x538: {  	v31 =	vld [tilespmem:$0x1FAA0]  }
0x539: {  	v37 =	vld [tilespmem:$0x1FBD0];
	v2 =	vmul.f32 $6.931471820e-01, v2  }
0x53a: {  	v38 =	vld [tilespmem:$0x1FBF0]  }
0x53b: {  	v29 =	vld [tilespmem:$0x1FA60];
	v2 =	vadd.f32 $3.750000000e-01, v2  }
0x53c: {  	v34 =	vld [tilespmem:$0x1FAF0]  }
0x53d: {  	v42 =	vld [tilespmem:$0x1FD00];
	v19 =	vsub.f32 $0.0e+00, v2  }
0x53e: {  	v10 =	vld.idx.msk [tilespmem:v28+s22+$0x0], $0xffff  }
0x53f: {  	v36 =	vld [tilespmem:$0x1FB80];
	v3 =	vmul.f32 $1.442695020e+00, v19  }
0x540: {  	v28 =	vld [tilespmem:$0x1FD40]  }
0x541: {  	v53 =	vld [tilespmem:$0x1FEF0];
	(erf) = vpow2.f32 v3  }
0x542: {  	v39 =	vld [tilespmem:$0x1FC40]  }
0x543: {  	v44 =	vld [tilespmem:$0x1FD70]  }
0x544: {  	v43 =	vld [tilespmem:$0x1FD30]  }
0x545: {  	v48 =	vld [tilespmem:$0x1FDF0]  }
0x546: {  	v47 =	vld [tilespmem:$0x1FDD0]  }
0x547: {  	v41 =	vld [tilespmem:$0x1FCC0]  }
0x548: {  	v50 =	vld [tilespmem:$0x1FEE0]  }
0x549: {  	v28 =	vld.idx.msk [tilespmem:v28+s22+$0x0], $0xffff  }
0x54a: {  	v51 =	vld [tilespmem:$0x1FE30];
	v3 =	vpop (erf)  }
0x54b: {  	v55 =	vld [tilespmem:$0x1FF70];
	v3 =	vmul.f32 v3, v1  }
0x54c: {  	v56 =	vld [tilespmem:$0x1FFA0]  }
0x54d: {  	v54 =	vld [tilespmem:$0x1FFD0];
	v2 =	vadd.f32 v3, v2  }
0x54e: {  	v59 =	vld [tilespmem:$0x1FFC0]  }
0x54f: {  	v7 =	vld.idx.msk [tilespmem:v25+s22+$0x0], $0xffff;
	v2 =	vadd.f32 $-1.000000000e+00, v2  }
0x550: {  	v25 =	vld [tilespmem:$0x1FC50]  }
0x551: {  	v61 =	vld [tilespmem:$0x1FFF0];
	v20 =	vsub.f32 $0.0e+00, v2  }
0x552: {  	v13 =	vld.idx.msk [tilespmem:v32+s22+$0x0], $0xffff  }
0x553: {  	v8 =	vld.idx.msk [tilespmem:v26+s23+$0x0], $0xffff;
	v3 =	vmul.f32 $1.442695020e+00, v20  }
0x554: {  	v11 =	vld.idx.msk [tilespmem:v29+s22+$0x0], $0xffff  }
0x555: {  	v6 =	vld.idx.msk [tilespmem:v24+s22+$0x0], $0xffff;
	(erf) = vpow2.f32 v3  }
0x556: {  	v15 =	vld.idx.msk [tilespmem:v34+s22+$0x0], $0xffff  }
0x557: {  	v24 =	vld [tilespmem:$0x1FC20]  }
0x558: {  	v25 =	vld.idx.msk [tilespmem:v25+s22+$0x0], $0xffff  }
0x559: {  	v4 =	vld.idx.msk [tilespmem:v22+s22+$0x0], $0xffff  }
0x55a: {  	v17 =	vld [tilespmem:$0x1FB00]  }
0x55b: {  	v22 =	vld [tilespmem:$0x1FBA0]  }
0x55c: {  	v5 =	vld.idx.msk [tilespmem:v23+s23+$0x0], $0xffff  }
0x55d: {  	v12 =	vld.idx.msk [tilespmem:v30+s23+$0x0], $0xffff  }
0x55e: {  	v23 =	vld [tilespmem:$0x1FBE0];
	v27 =	vpop (erf)  }
0x55f: {  	v30 =	vld [tilespmem:$0x1FD90];
	v9 =	vmul.f32 v27, v1  }
0x560: {  	v14 =	vld.idx.msk [tilespmem:v33+s23+$0x0], $0xffff  }
0x561: {  	v24 =	vld.idx.msk [tilespmem:v24+s23+$0x0], $0xffff;
	v2 =	vadd.f32 v9, v2  }
0x562: {  	v17 =	vld.idx.msk [tilespmem:v17+s22+$0x0], $0xffff  }
0x563: {  	v18 =	vld [tilespmem:$0x1FB30];
	v2 =	vadd.f32 $-1.000000000e+00, v2  }
0x564: {  	v19 =	vld [tilespmem:$0x1FB40]  }
0x565: {  	v3 =	vld.idx.msk [tilespmem:v21+s22+$0x0], $0xffff;
	v35 =	vsub.f32 $0.0e+00, v2  }
0x566: {  	v20 =	vld [tilespmem:$0x1FB50]  }
0x567: {  	v22 =	vld.idx.msk [tilespmem:v22+s22+$0x0], $0xffff;
	v16 =	vmul.f32 $1.442695020e+00, v35  }
0x568: {  	v21 =	vld [tilespmem:$0x1FB90]  }
0x569: {  	v23 =	vld.idx.msk [tilespmem:v23+s22+$0x0], $0xffff;
	(erf) = vpow2.f32 v16  }
0x56a: {  	v30 =	vld.idx.msk [tilespmem:v30+s22+$0x0], $0xffff;
	vm0 =	vgt.f32 v3, $-3.000000010e+38  }
0x56b: {  	v3 =	vnsel vm0, $0xFF61B1E6, v3;
	v9 =	vld.idx.msk [tilespmem:v31+s22+$0x0], $0xffff  }
0x56c: {  	v18 =	vld.idx.msk [tilespmem:v18+s23+$0x0], $0xffff;
	vm1 =	vgt.f32 v6, v3  }
0x56d: {  	v19 =	vld.idx.msk [tilespmem:v19+s22+$0x0], $0xffff;
	v3 =	vsel vm1, v6, v3  }
0x56e: {  	v20 =	vld.idx.msk [tilespmem:v20+s22+$0x0], $0xffff;
	vm2 =	vgt.f32 v10, v3  }
0x56f: {  	v3 =	vsel vm2, v10, v3;
	v27 =	vld [tilespmem:$0x1FCB0]  }
0x570: {  	v21 =	vld.idx.msk [tilespmem:v21+s22+$0x0], $0xffff;
	vm3 =	vgt.f32 v9, v3  }
0x571: {  	v4 =	vnsel vm0, $0xFF61B1E6, v4;
	v6 =	vld.idx.msk [tilespmem:v37+s23+$0x0], $0xffff;
	v3 =	vsel vm3, v9, v3  }
0x572: {  	v5 =	vnsel vm0, $0x0, v5;
	v4 =	vsel vm1, v7, v4;
	v7 =	vld.idx.msk [tilespmem:v45+s22+$0x0], $0xffff;
	vm4 =	vgt.f32 v15, v3;
	v26 =	vpop (erf)  }
0x573: {  	v5 =	vsel vm1, v8, v5;
	v8 =	vld.idx.msk [tilespmem:v49+s22+$0x0], $0xffff;
	v3 =	vsel vm4, v15, v3;
	v26 =	vmul.f32 v26, v1  }
0x574: {  	v10 =	vld.idx.msk [tilespmem:v38+s22+$0x0], $0xffff;
	vm5 =	vgt.f32 v19, v3  }
0x575: {  	v9 =	vld.idx.msk [tilespmem:v39+s22+$0x0], $0xffff;
	v3 =	vsel vm5, v19, v3;
	v2 =	vadd.f32 v26, v2  }
0x576: {  	v4 =	vsel vm2, v11, v4;
	v11 =	vld.idx.msk [tilespmem:v47+s23+$0x0], $0xffff;
	vm6 =	vgt.f32 v21, v3  }
0x577: {  	v27 =	vld.idx.msk [tilespmem:v27+s22+$0x0], $0xffff;
	v3 =	vsel vm6, v21, v3;
	v2 =	vadd.f32 $-1.000000000e+00, v2  }
0x578: {  	v5 =	vsel vm2, v12, v5;
	v12 =	vld.idx.msk [tilespmem:v50+s22+$0x0], $0xffff;
	vm7 =	vgt.f32 v23, v3  }
0x579: {  	v21 =	vld.idx.msk [tilespmem:v43+s22+$0x0], $0xffff;
	v3 =	vsel vm7, v23, v3;
	v29 =	vsub.f32 $0.0e+00, v2  }
0x57a: {  	v4 =	vsel vm3, v13, v4;
	v13 =	vld.idx.msk [tilespmem:v51+s23+$0x0], $0xffff;
	vm8 =	vgt.f32 v9, v3  }
0x57b: {  	v5 =	vsel vm3, v14, v5;
	v14 =	vld.idx.msk [tilespmem:v52+s22+$0x0], $0xffff;
	v3 =	vsel vm8, v9, v3;
	v46 =	vmul.f32 $1.442695020e+00, v29  }
0x57c: {  	v16 =	vld.idx.msk [tilespmem:v36+s23+$0x0], $0xffff;
	vm9 =	vgt.f32 v27, v3  }
0x57d: {  	v9 =	vld.idx.msk [tilespmem:v48+s22+$0x0], $0xffff;
	v3 =	vsel vm9, v27, v3;
	(erf) = vpow2.f32 v46  }
0x57e: {  	v4 =	vsel vm4, v17, v4;
	v19 =	vld.idx.msk [tilespmem:v41+s22+$0x0], $0xffff;
	vm10 =	vgt.f32 v21, v3  }
0x57f: {  	v15 =	vld.idx.msk [tilespmem:v40+s23+$0x0], $0xffff;
	v4 =	vsel vm5, v20, v4;
	v3 =	vsel vm10, v21, v3  }
0x580: {  	v4 =	vsel vm6, v22, v4;
	v23 =	vld.idx.msk [tilespmem:v44+s23+$0x0], $0xffff;
	vm11 =	vgt.f32 v30, v3  }
0x581: {  	v5 =	vsel vm4, v18, v5;
	v4 =	vsel vm7, v10, v4;
	v10 =	vld.idx.msk [tilespmem:v53+s22+$0x0], $0xffff;
	v3 =	vsel vm11, v30, v3  }
0x582: {  	v5 =	vsel vm5, v16, v5;
	v4 =	vsel vm8, v25, v4;
	v26 =	vld.idx.msk [tilespmem:v42+s23+$0x0], $0xffff;
	vm12 =	vgt.f32 v9, v3  }
0x583: {  	v5 =	vsel vm6, v6, v5;
	v6 =	vld.idx.msk [tilespmem:v54+s22+$0x0], $0xffff;
	v4 =	vsel vm9, v19, v4;
	v3 =	vsel vm12, v9, v3  }
0x584: {  	v4 =	vsel vm10, v28, v4;
	v9 =	vld.idx.msk [tilespmem:v55+s22+$0x0], $0xffff;
	vm13 =	vgt.f32 v12, v3  }
0x585: {  	v5 =	vsel vm7, v24, v5;
	v4 =	vsel vm11, v7, v4;
	v3 =	vsel vm13, v12, v3;
	v12 =	vld.idx.msk [tilespmem:v56+s22+$0x0], $0xffff  }
0x586: {  	v5 =	vsel vm8, v15, v5;
	v7 =	vld.idx.msk [tilespmem:v57+s23+$0x0], $0xffff;
	v4 =	vsel vm12, v8, v4;
	vm14 =	vgt.f32 v14, v3;
	v58 =	vpop (erf)  }
0x587: {  	v8 =	vld.idx.msk [tilespmem:v59+s23+$0x0], $0xffff;
	v5 =	vsel vm9, v26, v5;
	v3 =	vsel vm14, v14, v3;
	v1 =	vmul.f32 v58, v1  }
0x588: {  	v60 =	vsel vm10, v23, v5;
	v4 =	vsel vm13, v10, v4;
	v5 =	vld.idx.msk [tilespmem:v61+s23+$0x0], $0xffff;
	vm15 =	vgt.f32 v6, v3  }
0x589: {  	v3 =	vsel vm11, v11, v60;
	v4 =	vsel vm14, v9, v4;
	v1 =	vadd.f32 v1, v2  }
0x58a: {  	v62 =	vsel vm12, v13, v3;
	v63 =	vsel vm15, v12, v4  }
0x58b: {  	v0 =	vsub.f32 v63, v0;
	v2 =	vsel vm13, v7, v62;
	v1 =	vadd.f32 $-1.000000000e+00, v1  }
0x58c: {  	v2 =	vsel vm14, v8, v2  }
0x58d: {  	v2 =	vsel vm15, v5, v2;
	v0 =	vsub.f32 v0, v1  }
0x58e: {  	[tilespmem:$0x1B180] =	vst v2  }
0x58f: {  	[tilespmem:$0x1B200] =	vst v0  }
0x590: {  	[hbm4b:s9+s4] =	stream.linear.scatter [tilespmem:s24], [sflag:$0x3], $0x10, $0x38;
	[tilespmem:$0x1B3C0] =	vst v63  }
0x591: {  	_ =	swait.ge [sflag:s20], $0x10  }
0x592: {  	[sflag:s20] =	ssyncset.done $0x0  }
.Ltmp3:
0x593: {  	[sflag:s20] =	ssyncadd.s32 $0xFFFFFFF0;
	(pc) =	sbr.rel .LBB2_3-.Ltmp3, $4  }
0x594: {  	[hbm4b:s10+s4] =	stream.linear.scatter [tilespmem:s25], [sflag:$0x3], $0x10, $0x38;
	[tilespmem:$0x1B3C0] =	vst v63  }
0x595: {  	_ =	swait.ge [sflag:s20], $0x10  }
0x596: {  	[sflag:s20] =	ssyncset.done $0x0  }
0x597: {  	[sflag:s20] =	ssyncadd.s32 $0xFFFFFFF0  }
.LBB2_4:
0x598: {  	_ =	sfence.sel $0x180000  }
0x599: {  	[bflag:$0x0] =	sbarrier.arrive $0xFFFF  }
0x59a: {  	p0 =	sne.s32 s0, $0x0;
	_ =	strace $0x90000047  }
0x59b: {  	s0 =	sadd.s32 @!p0 $0x100000, s2;
	[bflag:$0x2] =	sbarrier.arrive $0xFFFF  }
0x59c: {  	[sflag:s0] =	ssyncadd.tile.s32 @!p0 $0x1;
	_ =	shalt  }
.Lfunc_end2:
_tile_overlayer_lowered:
.L_overlay_start_2:
0x59d: {  	(tag) =	ssettag $0x2  }
0x59e: {  	s0 =	rddreg [dreg:$0x0];
	s2 =	stileid.u32  }
0x59f: {  	s1 =	rddreg [dreg:$0x1];
	p0 =	sne.s32 s2, $0x0  }
0x5a0: {  	s3 =	rddreg [dreg:$0x2];
	[bflag:$0x3] =	sbarrier.arrive $0xFFFF;
	s2 =	simm.s32 @!p0 $0x1C03  }
0x5a1: {  	[timem:s3], [sflag:s2] =	dma.local @!p0 [hbm:s0], s1  }
0x5a2: {  	s0 =	simm.s32 @!p0 $0x3  }
0x5a3: {  	_ =	swait.ge @!p0 [sflag:s0], s1  }
0x5a4: {  	s1 =	ssub.s32 @!p0 $0x0, s1;
	[sflag:s0] =	ssyncset.done @!p0 $0x0  }
0x5a5: {  	[sflag:s0] =	ssyncadd.s32 @!p0 s1  }
0x5a6: {  	[bflag:$0x3] =	sbarrier.arrive $0xFFFF  }
0x5a7: {  	_ =	shalt  }

</sc_bundles>
